<compile_context>
chip_gen: v7x
topology: tpu7x:2x2x1
jax: 0.10.2.dev20260603
libtpu: 0.0.44.dev20260713+nightly
codegen_flags: <defaults>
</compile_context>

<pallas_src>
import functools

import jax
import jax.numpy as jnp
from jax import lax
from jax.experimental import pallas as pl
from jax.experimental.pallas import tpu as pltpu
from jax.experimental.pallas import tpu_sc as plsc

N = 10000
E = 320000
D = 128
G = 64

_NC = 2
_NS = 16
_NW = _NC * _NS
_EPW = E // _NW
_CHUNK = 80
_NCHUNK = _EPW // _CHUNK
_NPAD = 10240
_RPT = _NPAD // _NS
_DEPTH = 3



def _sc_agg_body(r_hbm, s_hbm, d_hbm, out_hbm,
                 s0, s1, s2, d0, d1, d2, r0, r1, r2, agg_sh,
                 is0, is1, is2, gs0, gs1, gs2,
                 ss0, ss1, ss2):
    cid = lax.axis_index("c")
    sid = lax.axis_index("s")
    wid = sid * _NC + cid

    sbuf = [s0, s1, s2]
    dbuf = [d0, d1, d2]
    rows = [r0, r1, r2]
    isem = [is0, is1, is2]
    gsem = [gs0, gs1, gs2]
    ssem = [ss0, ss1, ss2]

    zero16 = jnp.zeros((16,), jnp.float32)

    def zrow(i, carry):
        for j in range(D // 16):
            r0[i, pl.ds(j * 16, 16)] = zero16
        return carry

    lax.fori_loop(0, _CHUNK, zrow, 0)

    row0 = sid * _RPT
    for t in range(_RPT // _CHUNK):
        pltpu.sync_copy(r0, agg_sh.at[pl.ds(row0 + t * _CHUNK, _CHUNK)])
    plsc.subcore_barrier()

    def idx_load(g, b):
        pltpu.async_copy(s_hbm.at[wid, g], sbuf[b], isem[b])
        pltpu.async_copy(d_hbm.at[wid, g], dbuf[b], isem[b])

    def idx_wait(g, b):
        pltpu.make_async_copy(s_hbm.at[wid, g], sbuf[b], isem[b]).wait()
        pltpu.make_async_copy(d_hbm.at[wid, g], dbuf[b], isem[b]).wait()

    def gather_start(b):
        pltpu.async_copy(r_hbm.at[sbuf[b].at[0]], rows[b], gsem[b])

    def gather_wait(b):
        pltpu.make_async_copy(r_hbm.at[sbuf[b].at[0]], rows[b], gsem[b]).wait()

    def scatter_start(b):
        pltpu.async_copy(rows[b], agg_sh.at[dbuf[b].at[0]], ssem[b], add=True)

    def scatter_wait(b):
        pltpu.make_async_copy(rows[b], agg_sh.at[dbuf[b].at[0]], ssem[b]).wait()

    def phase(g, p, bn, first, tail):
        if not first:
            scatter_wait(bn)
        if tail < 1:
            idx_load(g + 2, bn)
        if tail < 3:
            gather_wait(p)
            scatter_start(p)
        if tail < 1:
            idx_wait(g + 2, bn)
            gather_start(bn)

    idx_load(0, 0)
    idx_load(1, 1)
    idx_wait(0, 0)
    gather_start(0)
    idx_wait(1, 1)
    gather_start(1)

    phase(0, 0, 2, True, 0)
    phase(1, 1, 0, False, 0)

    def body(k, carry):
        g = 3 * k + 2
        phase(g, 2, 1, False, 0)
        phase(g + 1, 0, 2, False, 0)
        phase(g + 2, 1, 0, False, 0)
        return carry

    lax.fori_loop(0, (_NCHUNK - 5) // 3, body, 0)

    phase(_NCHUNK - 3, (_NCHUNK - 3) % 3, (_NCHUNK - 1) % 3, False, 0)
    phase(_NCHUNK - 2, (_NCHUNK - 2) % 3, _NCHUNK % 3, False, 1)
    phase(_NCHUNK - 1, (_NCHUNK - 1) % 3, (_NCHUNK + 1) % 3, False, 2)
    phase(_NCHUNK, _NCHUNK % 3, (_NCHUNK + 2) % 3, False, 3)

    plsc.subcore_barrier()
    pltpu.sync_copy(agg_sh.at[pl.ds(row0, _RPT)],
                    out_hbm.at[cid, pl.ds(row0, _RPT)])


_sc_agg = functools.partial(
    pl.kernel,
    mesh=plsc.VectorSubcoreMesh(core_axis_name="c", subcore_axis_name="s"),
    out_type=jax.ShapeDtypeStruct((_NC, _NPAD, D), jnp.float32),
    scratch_types=(
        [pltpu.VMEM((1, _CHUNK), jnp.int32) for _ in range(2 * _DEPTH)]
        + [pltpu.VMEM((_CHUNK, D), jnp.float32) for _ in range(_DEPTH)]
        + [pltpu.VMEM_SHARED((_NPAD, D), jnp.float32)]
        + [pltpu.SemaphoreType.DMA for _ in range(3 * _DEPTH)]
    ),
)(_sc_agg_body)



def _in_body(x_ref, w_ref, b_ref, h_ref, r_ref):
    h = jnp.dot(x_ref[...], w_ref[...],
                preferred_element_type=jnp.float32) + b_ref[...]
    h_ref[...] = h
    r_ref[...] = jnp.maximum(h, 0.0)


_in_call = pl.pallas_call(
    _in_body,
    out_shape=[jax.ShapeDtypeStruct((N, D), jnp.float32),
               jax.ShapeDtypeStruct((N, D), jnp.float32)],
)


_MLP_BLK = 2000


def _mlp_body(s_ref, h_ref, a_ref, w1_ref, b1_ref, g_ref, be_ref,
              w2_ref, b2_ref, ho_ref, ro_ref):
    h = h_ref[...]
    z = s_ref[0] * h + a_ref[0] + a_ref[1]
    t = jnp.dot(z, w1_ref[...], preferred_element_type=jnp.float32) + b1_ref[...]
    mu = jnp.mean(t, axis=-1, keepdims=True)
    c = t - mu
    var = jnp.mean(c * c, axis=-1, keepdims=True)
    t = c * lax.rsqrt(var + 1e-5) * g_ref[...] + be_ref[...]
    t = jnp.maximum(t, 0.0)
    u = jnp.dot(t, w2_ref[...], preferred_element_type=jnp.float32) + b2_ref[...]
    hn = h + u
    ho_ref[...] = hn
    ro_ref[...] = jnp.maximum(hn, 0.0)


_mlp_call = pl.pallas_call(
    _mlp_body,
    grid=(N // _MLP_BLK,),
    in_specs=[
        pl.BlockSpec(memory_space=pltpu.SMEM),
        pl.BlockSpec((_MLP_BLK, D), lambda i: (i, 0)),
        pl.BlockSpec((_NC, _MLP_BLK, D), lambda i: (0, i, 0)),
        pl.BlockSpec((D, 2 * D), lambda i: (0, 0)),
        pl.BlockSpec((1, 2 * D), lambda i: (0, 0)),
        pl.BlockSpec((1, 2 * D), lambda i: (0, 0)),
        pl.BlockSpec((1, 2 * D), lambda i: (0, 0)),
        pl.BlockSpec((2 * D, D), lambda i: (0, 0)),
        pl.BlockSpec((1, D), lambda i: (0, 0)),
    ],
    out_specs=[
        pl.BlockSpec((_MLP_BLK, D), lambda i: (i, 0)),
        pl.BlockSpec((_MLP_BLK, D), lambda i: (i, 0)),
    ],
    out_shape=[jax.ShapeDtypeStruct((N, D), jnp.float32),
               jax.ShapeDtypeStruct((N, D), jnp.float32)],
)


def _mlp3_body(s_ref, h_ref, a_ref, w1_ref, b1_ref, g_ref, be_ref,
               w2_ref, b2_ref, b2d_ref, wo1_ref, bo1_ref, wo2_ref, bo2_ref,
               o_ref, acc_ref):
    i = pl.program_id(0)
    h = h_ref[...]
    z = s_ref[0] * h + a_ref[0] + a_ref[1]
    t = jnp.dot(z, w1_ref[...], preferred_element_type=jnp.float32) + b1_ref[...]
    mu = jnp.mean(t, axis=-1, keepdims=True)
    c = t - mu
    var = jnp.mean(c * c, axis=-1, keepdims=True)
    t = c * lax.rsqrt(var + 1e-5) * g_ref[...] + be_ref[...]
    t = jnp.maximum(t, 0.0)
    u = jnp.dot(t, w2_ref[...], preferred_element_type=jnp.float32) + b2_ref[...]
    hn = h + u
    seg = b2d_ref[0]
    gid = lax.broadcasted_iota(jnp.int32, (G, _MLP_BLK), 0)
    onehot = jnp.where(gid == seg, 1.0, 0.0)
    pooled = jnp.dot(onehot, hn, preferred_element_type=jnp.float32)

    @pl.when(i == 0)
    def _():
        acc_ref[...] = pooled

    @pl.when(i > 0)
    def _():
        acc_ref[...] = acc_ref[...] + pooled

    @pl.when(i == N // _MLP_BLK - 1)
    def _():
        t2 = jnp.dot(acc_ref[...], wo1_ref[...],
                     preferred_element_type=jnp.float32) + bo1_ref[...]
        t2 = jnp.maximum(t2, 0.0)
        o_ref[...] = jnp.dot(t2, wo2_ref[...],
                             preferred_element_type=jnp.float32) + bo2_ref[...]


_mlp3_call = pl.pallas_call(
    _mlp3_body,
    grid=(N // _MLP_BLK,),
    in_specs=[
        pl.BlockSpec(memory_space=pltpu.SMEM),
        pl.BlockSpec((_MLP_BLK, D), lambda i: (i, 0)),
        pl.BlockSpec((_NC, _MLP_BLK, D), lambda i: (0, i, 0)),
        pl.BlockSpec((D, 2 * D), lambda i: (0, 0)),
        pl.BlockSpec((1, 2 * D), lambda i: (0, 0)),
        pl.BlockSpec((1, 2 * D), lambda i: (0, 0)),
        pl.BlockSpec((1, 2 * D), lambda i: (0, 0)),
        pl.BlockSpec((2 * D, D), lambda i: (0, 0)),
        pl.BlockSpec((1, D), lambda i: (0, 0)),
        pl.BlockSpec((1, 1, _MLP_BLK), lambda i: (i, 0, 0)),
        pl.BlockSpec((D, 2 * D), lambda i: (0, 0)),
        pl.BlockSpec((1, 2 * D), lambda i: (0, 0)),
        pl.BlockSpec((2 * D, D), lambda i: (0, 0)),
        pl.BlockSpec((1, D), lambda i: (0, 0)),
    ],
    out_specs=pl.BlockSpec((G, D), lambda i: (0, 0)),
    out_shape=jax.ShapeDtypeStruct((G, D), jnp.float32),
    scratch_shapes=[pltpu.VMEM((G, D), jnp.float32)],
)


def kernel(x, edge_index, batch, W_in, b_in, eps, W1, b1, gamma, beta,
           W2, b2, Wo1, bo1, Wo2, bo2):
    src = edge_index[0].astype(jnp.int32).reshape(_NW, _NCHUNK, 1, _CHUNK)
    dst = edge_index[1].astype(jnp.int32).reshape(_NW, _NCHUNK, 1, _CHUNK)
    batch2d = batch.astype(jnp.int32).reshape(N // _MLP_BLK, 1, _MLP_BLK)

    h, r = _in_call(x, W_in, b_in.reshape(1, D))
    for i in range(2):
        agg = _sc_agg(r, src, dst)
        scale = (1.0 + eps[i]).reshape(1)
        h, r = _mlp_call(scale, h, agg, W1[i], b1[i].reshape(1, 2 * D),
                         gamma[i].reshape(1, 2 * D), beta[i].reshape(1, 2 * D),
                         W2[i], b2[i].reshape(1, D))
    agg = _sc_agg(r, src, dst)
    scale = (1.0 + eps[2]).reshape(1)
    out = _mlp3_call(scale, h, agg, W1[2], b1[2].reshape(1, 2 * D),
                     gamma[2].reshape(1, 2 * D), beta[2].reshape(1, 2 * D),
                     W2[2], b2[2].reshape(1, D), batch2d,
                     Wo1, bo1.reshape(1, 2 * D), Wo2, bo2.reshape(1, D))
    return out.reshape(-1)

# --- scband reference (transcript-rebuilt; emitter-appended) ---
"""Pipeline reference for scband-ginmodel-31086973288700 (READ-ONLY COPY).

The authoritative reference and input builder live on the scoring server;
editing this copy changes nothing except your own understanding.
"""

import jax, jax.numpy as jnp
import numpy as np

N = 10000
E = 320000
D = 128
L = 3
G = 64


def _layernorm(h, g, b):
    mu = jnp.mean(h, axis=-1, keepdims=True)
    var = jnp.var(h, axis=-1, keepdims=True)
    return (h - mu) / jnp.sqrt(var + 1e-5) * g + b


def setup_inputs(seed: int = 0) -> dict:
    key = jax.random.key(seed)
    ks = jax.random.split(key, 16)
    x = jax.random.normal(ks[0], (N, D), dtype=jnp.float32)
    edge_index = jax.random.randint(ks[1], (2, E), 0, N)
    batch = jnp.sort(jax.random.randint(ks[2], (N,), 0, G))
    s = 0.05
    W_in = jax.random.normal(ks[3], (D, D), dtype=jnp.float32) * s
    b_in = jnp.zeros((D,), dtype=jnp.float32)
    eps = jnp.zeros((L,), dtype=jnp.float32)
    W1 = jax.random.normal(ks[4], (L, D, 2 * D), dtype=jnp.float32) * s
    b1 = jnp.zeros((L, 2 * D), dtype=jnp.float32)
    gamma = jnp.ones((L, 2 * D), dtype=jnp.float32)
    beta = jnp.zeros((L, 2 * D), dtype=jnp.float32)
    W2 = jax.random.normal(ks[5], (L, 2 * D, D), dtype=jnp.float32) * s
    b2 = jnp.zeros((L, D), dtype=jnp.float32)
    Wo1 = jax.random.normal(ks[6], (D, 2 * D), dtype=jnp.float32) * s
    bo1 = jnp.zeros((2 * D,), dtype=jnp.float32)
    Wo2 = jax.random.normal(ks[7], (2 * D, D), dtype=jnp.float32) * s
    bo2 = jnp.zeros((D,), dtype=jnp.float32)
    return {"x": x, "edge_index": edge_index, "batch": batch,
            "W_in": W_in, "b_in": b_in, "eps": eps,
            "W1": W1, "b1": b1, "gamma": gamma, "beta": beta,
            "W2": W2, "b2": b2, "Wo1": Wo1, "bo1": bo1,
            "Wo2": Wo2, "bo2": bo2}


def reference(x, edge_index, batch, W_in, b_in, eps, W1, b1, gamma, beta, W2, b2, Wo1, bo1, Wo2, bo2):
    src = edge_index[0]
    dst = edge_index[1]
    h = x @ W_in + b_in
    for i in range(L):
        # MyGINConv: message = relu(x_j), aggr='add' -> scatter-add to dst
        msg = jax.nn.relu(h)[src]
        agg = jax.ops.segment_sum(msg, dst, num_segments=N)
        z = (1.0 + eps[i]) * h + agg
        # mlp: linear -> layernorm -> relu -> linear
        z = z @ W1[i] + b1[i]
        z = _layernorm(z, gamma[i], beta[i])
        z = jax.nn.relu(z)
        z = z @ W2[i] + b2[i]
        # residual (dropout p=0.0 -> identity in eval)
        h = h + z
    # global_add_pool over graph ids
    pooled = jax.ops.segment_sum(h, batch, num_segments=G)
    out = jax.nn.relu(pooled @ Wo1 + bo1) @ Wo2 + bo2
    return out.reshape(-1)

if __name__ == "__main__":
    import jax
    _d = setup_inputs()
    print(jax.jit(kernel)(*tuple(_d.values())))

</pallas_src>

<mosaic_0001>
#map = affine_map<(d0, d1) -> (0, 0)>
#map1 = affine_map<(d0, d1) -> (0, 0, 0, 0)>
#map2 = affine_map<(d0, d1) -> (0, 0, 0)>
module attributes {stable_mosaic.version = 14 : i64} {
  func.func @_sc_agg_body(%arg0: i32, %arg1: i32, %arg2: memref<10000x128xf32, #tpu.memory_space<hbm>>, %arg3: memref<32x125x1x80xi32, #tpu.memory_space<hbm>>, %arg4: memref<32x125x1x80xi32, #tpu.memory_space<hbm>>, %arg5: memref<2x10240x128xf32, #tpu.memory_space<hbm>>, %arg6: memref<1x80xi32, #tpu.memory_space<vmem>>, %arg7: memref<1x80xi32, #tpu.memory_space<vmem>>, %arg8: memref<1x80xi32, #tpu.memory_space<vmem>>, %arg9: memref<1x80xi32, #tpu.memory_space<vmem>>, %arg10: memref<1x80xi32, #tpu.memory_space<vmem>>, %arg11: memref<1x80xi32, #tpu.memory_space<vmem>>, %arg12: memref<80x128xf32, #tpu.memory_space<vmem>>, %arg13: memref<80x128xf32, #tpu.memory_space<vmem>>, %arg14: memref<80x128xf32, #tpu.memory_space<vmem>>, %arg15: memref<10240x128xf32, #tpu.memory_space<vmem_shared>>, %arg16: memref<!tpu.dma_semaphore, #tpu.memory_space<semaphore_mem>>, %arg17: memref<!tpu.dma_semaphore, #tpu.memory_space<semaphore_mem>>, %arg18: memref<!tpu.dma_semaphore, #tpu.memory_space<semaphore_mem>>, %arg19: memref<!tpu.dma_semaphore, #tpu.memory_space<semaphore_mem>>, %arg20: memref<!tpu.dma_semaphore, #tpu.memory_space<semaphore_mem>>, %arg21: memref<!tpu.dma_semaphore, #tpu.memory_space<semaphore_mem>>, %arg22: memref<!tpu.dma_semaphore, #tpu.memory_space<semaphore_mem>>, %arg23: memref<!tpu.dma_semaphore, #tpu.memory_space<semaphore_mem>>, %arg24: memref<!tpu.dma_semaphore, #tpu.memory_space<semaphore_mem>>) attributes {dimension_semantics = [#tpu.dimension_semantics<core_parallel>, #tpu.dimension_semantics<subcore_parallel>], iteration_bounds = array<i64: 2, 16>, scalar_prefetch = 0 : i64, scratch_operands = 19 : i64, tpu.core_type = #tpu.core_type<sc_vector_subcore>, window_params = [{transform_indices = #map}, {transform_indices = #map1}, {transform_indices = #map1}, {transform_indices = #map2}]} {
    %mul3A = arith.constant 2 : i32
    %mul3A_0 = arith.muli %arg1, %mul3A : i32
    %add3A = arith.addi %mul3A_0, %arg0 : i32
    %broadcast_in_dim3A = arith.constant 0.000000e+00 : f32
    %broadcast_in_dim3A_1 = vector.broadcast %broadcast_in_dim3A : f32 to vector<16xf32>
    %scan3A = arith.constant 0 : i32
    %scan3A_2 = arith.constant 0 : i32
    %scan3A_3 = arith.constant 80 : i32
    %scan3A_4 = arith.addi %scan3A_2, %scan3A_3 : i32
    %scan3A_5 = arith.constant 1 : i32
    scf.for %scan3A_350 = %scan3A_2 to %scan3A_4 step %scan3A_5  : i32 {
      %swap3A = arith.index_cast %scan3A_350 : i32 to index
      %swap3A_351 = arith.constant 0 : index
      %swap3A_352 = tpu.vector_load %arg12[%swap3A, %swap3A_351] {strides = array<i32>} : memref<80x128xf32, #tpu.memory_space<vmem>>, vector<1x16xf32>,
      %swap3A_353 = vector.shape_cast %swap3A_352 : vector<1x16xf32> to vector<16xf32>
      %swap3A_354 = vector.shape_cast %broadcast_in_dim3A_1 : vector<16xf32> to vector<1x16xf32>
      tpu.vector_store %arg12[%swap3A, %swap3A_351], %swap3A_354 {strides = array<i32>} : memref<80x128xf32, #tpu.memory_space<vmem>>, vector<1x16xf32>,
      %swap3A_355 = arith.index_cast %scan3A_350 : i32 to index
      %swap3A_356 = arith.constant 16 : index
      %swap3A_357 = tpu.vector_load %arg12[%swap3A_355, %swap3A_356] {strides = array<i32>} : memref<80x128xf32, #tpu.memory_space<vmem>>, vector<1x16xf32>,
      %swap3A_358 = vector.shape_cast %swap3A_357 : vector<1x16xf32> to vector<16xf32>
      %swap3A_359 = vector.shape_cast %broadcast_in_dim3A_1 : vector<16xf32> to vector<1x16xf32>
      tpu.vector_store %arg12[%swap3A_355, %swap3A_356], %swap3A_359 {strides = array<i32>} : memref<80x128xf32, #tpu.memory_space<vmem>>, vector<1x16xf32>,
      %swap3A_360 = arith.index_cast %scan3A_350 : i32 to index
      %swap3A_361 = arith.constant 32 : index
      %swap3A_362 = tpu.vector_load %arg12[%swap3A_360, %swap3A_361] {strides = array<i32>} : memref<80x128xf32, #tpu.memory_space<vmem>>, vector<1x16xf32>,
      %swap3A_363 = vector.shape_cast %swap3A_362 : vector<1x16xf32> to vector<16xf32>
      %swap3A_364 = vector.shape_cast %broadcast_in_dim3A_1 : vector<16xf32> to vector<1x16xf32>
      tpu.vector_store %arg12[%swap3A_360, %swap3A_361], %swap3A_364 {strides = array<i32>} : memref<80x128xf32, #tpu.memory_space<vmem>>, vector<1x16xf32>,
      %swap3A_365 = arith.index_cast %scan3A_350 : i32 to index
      %swap3A_366 = arith.constant 48 : index
      %swap3A_367 = tpu.vector_load %arg12[%swap3A_365, %swap3A_366] {strides = array<i32>} : memref<80x128xf32, #tpu.memory_space<vmem>>, vector<1x16xf32>,
      %swap3A_368 = vector.shape_cast %swap3A_367 : vector<1x16xf32> to vector<16xf32>
      %swap3A_369 = vector.shape_cast %broadcast_in_dim3A_1 : vector<16xf32> to vector<1x16xf32>
      tpu.vector_store %arg12[%swap3A_365, %swap3A_366], %swap3A_369 {strides = array<i32>} : memref<80x128xf32, #tpu.memory_space<vmem>>, vector<1x16xf32>,
      %swap3A_370 = arith.index_cast %scan3A_350 : i32 to index
      %swap3A_371 = arith.constant 64 : index
      %swap3A_372 = tpu.vector_load %arg12[%swap3A_370, %swap3A_371] {strides = array<i32>} : memref<80x128xf32, #tpu.memory_space<vmem>>, vector<1x16xf32>,
      %swap3A_373 = vector.shape_cast %swap3A_372 : vector<1x16xf32> to vector<16xf32>
      %swap3A_374 = vector.shape_cast %broadcast_in_dim3A_1 : vector<16xf32> to vector<1x16xf32>
      tpu.vector_store %arg12[%swap3A_370, %swap3A_371], %swap3A_374 {strides = array<i32>} : memref<80x128xf32, #tpu.memory_space<vmem>>, vector<1x16xf32>,
      %swap3A_375 = arith.index_cast %scan3A_350 : i32 to index
      %swap3A_376 = arith.constant 80 : index
      %swap3A_377 = tpu.vector_load %arg12[%swap3A_375, %swap3A_376] {strides = array<i32>} : memref<80x128xf32, #tpu.memory_space<vmem>>, vector<1x16xf32>,
      %swap3A_378 = vector.shape_cast %swap3A_377 : vector<1x16xf32> to vector<16xf32>
      %swap3A_379 = vector.shape_cast %broadcast_in_dim3A_1 : vector<16xf32> to vector<1x16xf32>
      tpu.vector_store %arg12[%swap3A_375, %swap3A_376], %swap3A_379 {strides = array<i32>} : memref<80x128xf32, #tpu.memory_space<vmem>>, vector<1x16xf32>,
      %swap3A_380 = arith.index_cast %scan3A_350 : i32 to index
      %swap3A_381 = arith.constant 96 : index
      %swap3A_382 = tpu.vector_load %arg12[%swap3A_380, %swap3A_381] {strides = array<i32>} : memref<80x128xf32, #tpu.memory_space<vmem>>, vector<1x16xf32>,
      %swap3A_383 = vector.shape_cast %swap3A_382 : vector<1x16xf32> to vector<16xf32>
      %swap3A_384 = vector.shape_cast %broadcast_in_dim3A_1 : vector<16xf32> to vector<1x16xf32>
      tpu.vector_store %arg12[%swap3A_380, %swap3A_381], %swap3A_384 {strides = array<i32>} : memref<80x128xf32, #tpu.memory_space<vmem>>, vector<1x16xf32>,
      %swap3A_385 = arith.index_cast %scan3A_350 : i32 to index
      %swap3A_386 = arith.constant 112 : index
      %swap3A_387 = tpu.vector_load %arg12[%swap3A_385, %swap3A_386] {strides = array<i32>} : memref<80x128xf32, #tpu.memory_space<vmem>>, vector<1x16xf32>,
      %swap3A_388 = vector.shape_cast %swap3A_387 : vector<1x16xf32> to vector<16xf32>
      %swap3A_389 = vector.shape_cast %broadcast_in_dim3A_1 : vector<16xf32> to vector<1x16xf32>
      tpu.vector_store %arg12[%swap3A_385, %swap3A_386], %swap3A_389 {strides = array<i32>} : memref<80x128xf32, #tpu.memory_space<vmem>>, vector<1x16xf32>,
    }
    %scan3A_6 = arith.constant 80 : i32
    %mul3A_7 = arith.constant 640 : i32
    %mul3A_8 = arith.muli %arg1, %mul3A_7 : i32
    %add3A_9 = arith.constant 0 : i32
    %add3A_10 = arith.addi %mul3A_8, %add3A_9 : i32
    "tpu.region"() ({
      %run_scoped3A = tpu.sem_alloc : memref<!tpu.dma_semaphore, #tpu.memory_space<semaphore_mem>>
      %dma_start3A_350 = arith.constant 0 : i32
      %dma_start3A_351 = tpu.memref_slice %arg15[%add3A_10, %dma_start3A_350] : memref<10240x128xf32, #tpu.memory_space<vmem_shared>> -> memref<80x128xf32, #tpu.memory_space<vmem_shared>>
      %dma_start3A_352 = arith.constant 0 : i32
      %dma_start3A_353 = tpu.memref_slice %arg15[%add3A_10, %dma_start3A_352] : memref<10240x128xf32, #tpu.memory_space<vmem_shared>> -> memref<80x128xf32, #tpu.memory_space<vmem_shared>>
      tpu.enqueue_dma source(%arg12 : memref<80x128xf32, #tpu.memory_space<vmem>>) target(%dma_start3A_353 : memref<80x128xf32, #tpu.memory_space<vmem_shared>>) target_semaphore(%run_scoped3A : memref<!tpu.dma_semaphore, #tpu.memory_space<semaphore_mem>>)
      %dma_wait3A_354 = arith.constant 0 : i32
      %dma_wait3A_355 = tpu.memref_slice %arg15[%add3A_10, %dma_wait3A_354] : memref<10240x128xf32, #tpu.memory_space<vmem_shared>> -> memref<80x128xf32, #tpu.memory_space<vmem_shared>>
      %dma_wait3A_356 = arith.constant 0 : i32
      %dma_wait3A_357 = tpu.memref_slice %arg15[%add3A_10, %dma_wait3A_356] : memref<10240x128xf32, #tpu.memory_space<vmem_shared>> -> memref<80x128xf32, #tpu.memory_space<vmem_shared>>
      tpu.wait_dma2 semaphore(%run_scoped3A : memref<!tpu.dma_semaphore, #tpu.memory_space<semaphore_mem>>) src(%arg12 : memref<80x128xf32, #tpu.memory_space<vmem>>) dst(%dma_wait3A_357 : memref<80x128xf32, #tpu.memory_space<vmem_shared>>)
      tpu.yield
    }) : () -> ()
    %add3A_11 = arith.constant 80 : i32
    %add3A_12 = arith.addi %mul3A_8, %add3A_11 : i32
    "tpu.region"() ({
      %run_scoped3A = tpu.sem_alloc : memref<!tpu.dma_semaphore, #tpu.memory_space<semaphore_mem>>
      %dma_start3A_350 = arith.constant 0 : i32
      %dma_start3A_351 = tpu.memref_slice %arg15[%add3A_12, %dma_start3A_350] : memref<10240x128xf32, #tpu.memory_space<vmem_shared>> -> memref<80x128xf32, #tpu.memory_space<vmem_shared>>
      %dma_start3A_352 = arith.constant 0 : i32
      %dma_start3A_353 = tpu.memref_slice %arg15[%add3A_12, %dma_start3A_352] : memref<10240x128xf32, #tpu.memory_space<vmem_shared>> -> memref<80x128xf32, #tpu.memory_space<vmem_shared>>
      tpu.enqueue_dma source(%arg12 : memref<80x128xf32, #tpu.memory_space<vmem>>) target(%dma_start3A_353 : memref<80x128xf32, #tpu.memory_space<vmem_shared>>) target_semaphore(%run_scoped3A : memref<!tpu.dma_semaphore, #tpu.memory_space<semaphore_mem>>)
      %dma_wait3A_354 = arith.constant 0 : i32
      %dma_wait3A_355 = tpu.memref_slice %arg15[%add3A_12, %dma_wait3A_354] : memref<10240x128xf32, #tpu.memory_space<vmem_shared>> -> memref<80x128xf32, #tpu.memory_space<vmem_shared>>
      %dma_wait3A_356 = arith.constant 0 : i32
      %dma_wait3A_357 = tpu.memref_slice %arg15[%add3A_12, %dma_wait3A_356] : memref<10240x128xf32, #tpu.memory_space<vmem_shared>> -> memref<80x128xf32, #tpu.memory_space<vmem_shared>>
      tpu.wait_dma2 semaphore(%run_scoped3A : memref<!tpu.dma_semaphore, #tpu.memory_space<semaphore_mem>>) src(%arg12 : memref<80x128xf32, #tpu.memory_space<vmem>>) dst(%dma_wait3A_357 : memref<80x128xf32, #tpu.memory_space<vmem_shared>>)
      tpu.yield
    }) : () -> ()
    %add3A_13 = arith.constant 160 : i32
    %add3A_14 = arith.addi %mul3A_8, %add3A_13 : i32
    "tpu.region"() ({
      %run_scoped3A = tpu.sem_alloc : memref<!tpu.dma_semaphore, #tpu.memory_space<semaphore_mem>>
      %dma_start3A_350 = arith.constant 0 : i32
      %dma_start3A_351 = tpu.memref_slice %arg15[%add3A_14, %dma_start3A_350] : memref<10240x128xf32, #tpu.memory_space<vmem_shared>> -> memref<80x128xf32, #tpu.memory_space<vmem_shared>>
      %dma_start3A_352 = arith.constant 0 : i32
      %dma_start3A_353 = tpu.memref_slice %arg15[%add3A_14, %dma_start3A_352] : memref<10240x128xf32, #tpu.memory_space<vmem_shared>> -> memref<80x128xf32, #tpu.memory_space<vmem_shared>>
      tpu.enqueue_dma source(%arg12 : memref<80x128xf32, #tpu.memory_space<vmem>>) target(%dma_start3A_353 : memref<80x128xf32, #tpu.memory_space<vmem_shared>>) target_semaphore(%run_scoped3A : memref<!tpu.dma_semaphore, #tpu.memory_space<semaphore_mem>>)
      %dma_wait3A_354 = arith.constant 0 : i32
      %dma_wait3A_355 = tpu.memref_slice %arg15[%add3A_14, %dma_wait3A_354] : memref<10240x128xf32, #tpu.memory_space<vmem_shared>> -> memref<80x128xf32, #tpu.memory_space<vmem_shared>>
      %dma_wait3A_356 = arith.constant 0 : i32
      %dma_wait3A_357 = tpu.memref_slice %arg15[%add3A_14, %dma_wait3A_356] : memref<10240x128xf32, #tpu.memory_space<vmem_shared>> -> memref<80x128xf32, #tpu.memory_space<vmem_shared>>
      tpu.wait_dma2 semaphore(%run_scoped3A : memref<!tpu.dma_semaphore, #tpu.memory_space<semaphore_mem>>) src(%arg12 : memref<80x128xf32, #tpu.memory_space<vmem>>) dst(%dma_wait3A_357 : memref<80x128xf32, #tpu.memory_space<vmem_shared>>)
      tpu.yield
    }) : () -> ()
    %add3A_15 = arith.constant 240 : i32
    %add3A_16 = arith.addi %mul3A_8, %add3A_15 : i32
    "tpu.region"() ({
      %run_scoped3A = tpu.sem_alloc : memref<!tpu.dma_semaphore, #tpu.memory_space<semaphore_mem>>
      %dma_start3A_350 = arith.constant 0 : i32
      %dma_start3A_351 = tpu.memref_slice %arg15[%add3A_16, %dma_start3A_350] : memref<10240x128xf32, #tpu.memory_space<vmem_shared>> -> memref<80x128xf32, #tpu.memory_space<vmem_shared>>
      %dma_start3A_352 = arith.constant 0 : i32
      %dma_start3A_353 = tpu.memref_slice %arg15[%add3A_16, %dma_start3A_352] : memref<10240x128xf32, #tpu.memory_space<vmem_shared>> -> memref<80x128xf32, #tpu.memory_space<vmem_shared>>
      tpu.enqueue_dma source(%arg12 : memref<80x128xf32, #tpu.memory_space<vmem>>) target(%dma_start3A_353 : memref<80x128xf32, #tpu.memory_space<vmem_shared>>) target_semaphore(%run_scoped3A : memref<!tpu.dma_semaphore, #tpu.memory_space<semaphore_mem>>)
      %dma_wait3A_354 = arith.constant 0 : i32
      %dma_wait3A_355 = tpu.memref_slice %arg15[%add3A_16, %dma_wait3A_354] : memref<10240x128xf32, #tpu.memory_space<vmem_shared>> -> memref<80x128xf32, #tpu.memory_space<vmem_shared>>
      %dma_wait3A_356 = arith.constant 0 : i32
      %dma_wait3A_357 = tpu.memref_slice %arg15[%add3A_16, %dma_wait3A_356] : memref<10240x128xf32, #tpu.memory_space<vmem_shared>> -> memref<80x128xf32, #tpu.memory_space<vmem_shared>>
      tpu.wait_dma2 semaphore(%run_scoped3A : memref<!tpu.dma_semaphore, #tpu.memory_space<semaphore_mem>>) src(%arg12 : memref<80x128xf32, #tpu.memory_space<vmem>>) dst(%dma_wait3A_357 : memref<80x128xf32, #tpu.memory_space<vmem_shared>>)
      tpu.yield
    }) : () -> ()
    %add3A_17 = arith.constant 320 : i32
    %add3A_18 = arith.addi %mul3A_8, %add3A_17 : i32
    "tpu.region"() ({
      %run_scoped3A = tpu.sem_alloc : memref<!tpu.dma_semaphore, #tpu.memory_space<semaphore_mem>>
      %dma_start3A_350 = arith.constant 0 : i32
      %dma_start3A_351 = tpu.memref_slice %arg15[%add3A_18, %dma_start3A_350] : memref<10240x128xf32, #tpu.memory_space<vmem_shared>> -> memref<80x128xf32, #tpu.memory_space<vmem_shared>>
      %dma_start3A_352 = arith.constant 0 : i32
      %dma_start3A_353 = tpu.memref_slice %arg15[%add3A_18, %dma_start3A_352] : memref<10240x128xf32, #tpu.memory_space<vmem_shared>> -> memref<80x128xf32, #tpu.memory_space<vmem_shared>>
      tpu.enqueue_dma source(%arg12 : memref<80x128xf32, #tpu.memory_space<vmem>>) target(%dma_start3A_353 : memref<80x128xf32, #tpu.memory_space<vmem_shared>>) target_semaphore(%run_scoped3A : memref<!tpu.dma_semaphore, #tpu.memory_space<semaphore_mem>>)
      %dma_wait3A_354 = arith.constant 0 : i32
      %dma_wait3A_355 = tpu.memref_slice %arg15[%add3A_18, %dma_wait3A_354] : memref<10240x128xf32, #tpu.memory_space<vmem_shared>> -> memref<80x128xf32, #tpu.memory_space<vmem_shared>>
      %dma_wait3A_356 = arith.constant 0 : i32
      %dma_wait3A_357 = tpu.memref_slice %arg15[%add3A_18, %dma_wait3A_356] : memref<10240x128xf32, #tpu.memory_space<vmem_shared>> -> memref<80x128xf32, #tpu.memory_space<vmem_shared>>
      tpu.wait_dma2 semaphore(%run_scoped3A : memref<!tpu.dma_semaphore, #tpu.memory_space<semaphore_mem>>) src(%arg12 : memref<80x128xf32, #tpu.memory_space<vmem>>) dst(%dma_wait3A_357 : memref<80x128xf32, #tpu.memory_space<vmem_shared>>)
      tpu.yield
    }) : () -> ()
    %add3A_19 = arith.constant 400 : i32
    %add3A_20 = arith.addi %mul3A_8, %add3A_19 : i32
    "tpu.region"() ({
      %run_scoped3A = tpu.sem_alloc : memref<!tpu.dma_semaphore, #tpu.memory_space<semaphore_mem>>
      %dma_start3A_350 = arith.constant 0 : i32
      %dma_start3A_351 = tpu.memref_slice %arg15[%add3A_20, %dma_start3A_350] : memref<10240x128xf32, #tpu.memory_space<vmem_shared>> -> memref<80x128xf32, #tpu.memory_space<vmem_shared>>
      %dma_start3A_352 = arith.constant 0 : i32
      %dma_start3A_353 = tpu.memref_slice %arg15[%add3A_20, %dma_start3A_352] : memref<10240x128xf32, #tpu.memory_space<vmem_shared>> -> memref<80x128xf32, #tpu.memory_space<vmem_shared>>
      tpu.enqueue_dma source(%arg12 : memref<80x128xf32, #tpu.memory_space<vmem>>) target(%dma_start3A_353 : memref<80x128xf32, #tpu.memory_space<vmem_shared>>) target_semaphore(%run_scoped3A : memref<!tpu.dma_semaphore, #tpu.memory_space<semaphore_mem>>)
      %dma_wait3A_354 = arith.constant 0 : i32
      %dma_wait3A_355 = tpu.memref_slice %arg15[%add3A_20, %dma_wait3A_354] : memref<10240x128xf32, #tpu.memory_space<vmem_shared>> -> memref<80x128xf32, #tpu.memory_space<vmem_shared>>
      %dma_wait3A_356 = arith.constant 0 : i32
      %dma_wait3A_357 = tpu.memref_slice %arg15[%add3A_20, %dma_wait3A_356] : memref<10240x128xf32, #tpu.memory_space<vmem_shared>> -> memref<80x128xf32, #tpu.memory_space<vmem_shared>>
      tpu.wait_dma2 semaphore(%run_scoped3A : memref<!tpu.dma_semaphore, #tpu.memory_space<semaphore_mem>>) src(%arg12 : memref<80x128xf32, #tpu.memory_space<vmem>>) dst(%dma_wait3A_357 : memref<80x128xf32, #tpu.memory_space<vmem_shared>>)
      tpu.yield
    }) : () -> ()
    %add3A_21 = arith.constant 480 : i32
    %add3A_22 = arith.addi %mul3A_8, %add3A_21 : i32
    "tpu.region"() ({
      %run_scoped3A = tpu.sem_alloc : memref<!tpu.dma_semaphore, #tpu.memory_space<semaphore_mem>>
      %dma_start3A_350 = arith.constant 0 : i32
      %dma_start3A_351 = tpu.memref_slice %arg15[%add3A_22, %dma_start3A_350] : memref<10240x128xf32, #tpu.memory_space<vmem_shared>> -> memref<80x128xf32, #tpu.memory_space<vmem_shared>>
      %dma_start3A_352 = arith.constant 0 : i32
      %dma_start3A_353 = tpu.memref_slice %arg15[%add3A_22, %dma_start3A_352] : memref<10240x128xf32, #tpu.memory_space<vmem_shared>> -> memref<80x128xf32, #tpu.memory_space<vmem_shared>>
      tpu.enqueue_dma source(%arg12 : memref<80x128xf32, #tpu.memory_space<vmem>>) target(%dma_start3A_353 : memref<80x128xf32, #tpu.memory_space<vmem_shared>>) target_semaphore(%run_scoped3A : memref<!tpu.dma_semaphore, #tpu.memory_space<semaphore_mem>>)
      %dma_wait3A_354 = arith.constant 0 : i32
      %dma_wait3A_355 = tpu.memref_slice %arg15[%add3A_22, %dma_wait3A_354] : memref<10240x128xf32, #tpu.memory_space<vmem_shared>> -> memref<80x128xf32, #tpu.memory_space<vmem_shared>>
      %dma_wait3A_356 = arith.constant 0 : i32
      %dma_wait3A_357 = tpu.memref_slice %arg15[%add3A_22, %dma_wait3A_356] : memref<10240x128xf32, #tpu.memory_space<vmem_shared>> -> memref<80x128xf32, #tpu.memory_space<vmem_shared>>
      tpu.wait_dma2 semaphore(%run_scoped3A : memref<!tpu.dma_semaphore, #tpu.memory_space<semaphore_mem>>) src(%arg12 : memref<80x128xf32, #tpu.memory_space<vmem>>) dst(%dma_wait3A_357 : memref<80x128xf32, #tpu.memory_space<vmem_shared>>)
      tpu.yield
    }) : () -> ()
    %add3A_23 = arith.constant 560 : i32
    %add3A_24 = arith.addi %mul3A_8, %add3A_23 : i32
    "tpu.region"() ({
      %run_scoped3A = tpu.sem_alloc : memref<!tpu.dma_semaphore, #tpu.memory_space<semaphore_mem>>
      %dma_start3A_350 = arith.constant 0 : i32
      %dma_start3A_351 = tpu.memref_slice %arg15[%add3A_24, %dma_start3A_350] : memref<10240x128xf32, #tpu.memory_space<vmem_shared>> -> memref<80x128xf32, #tpu.memory_space<vmem_shared>>
      %dma_start3A_352 = arith.constant 0 : i32
      %dma_start3A_353 = tpu.memref_slice %arg15[%add3A_24, %dma_start3A_352] : memref<10240x128xf32, #tpu.memory_space<vmem_shared>> -> memref<80x128xf32, #tpu.memory_space<vmem_shared>>
      tpu.enqueue_dma source(%arg12 : memref<80x128xf32, #tpu.memory_space<vmem>>) target(%dma_start3A_353 : memref<80x128xf32, #tpu.memory_space<vmem_shared>>) target_semaphore(%run_scoped3A : memref<!tpu.dma_semaphore, #tpu.memory_space<semaphore_mem>>)
      %dma_wait3A_354 = arith.constant 0 : i32
      %dma_wait3A_355 = tpu.memref_slice %arg15[%add3A_24, %dma_wait3A_354] : memref<10240x128xf32, #tpu.memory_space<vmem_shared>> -> memref<80x128xf32, #tpu.memory_space<vmem_shared>>
      %dma_wait3A_356 = arith.constant 0 : i32
      %dma_wait3A_357 = tpu.memref_slice %arg15[%add3A_24, %dma_wait3A_356] : memref<10240x128xf32, #tpu.memory_space<vmem_shared>> -> memref<80x128xf32, #tpu.memory_space<vmem_shared>>
      tpu.wait_dma2 semaphore(%run_scoped3A : memref<!tpu.dma_semaphore, #tpu.memory_space<semaphore_mem>>) src(%arg12 : memref<80x128xf32, #tpu.memory_space<vmem>>) dst(%dma_wait3A_357 : memref<80x128xf32, #tpu.memory_space<vmem_shared>>)
      tpu.yield
    }) : () -> ()
    %barrier3A = arith.constant 0 : index
    tpu.barrier barrier_id(%barrier3A)
    %dma_start3A = arith.constant 0 : i32
    %dma_start3A_25 = arith.constant 0 : i32
    %dma_start3A_26 = arith.constant 0 : i32
    %dma_start3A_27 = tpu.memref_slice %arg3[%add3A, %dma_start3A, %dma_start3A_25, %dma_start3A_26] : memref<32x125x1x80xi32, #tpu.memory_space<hbm>> -> memref<1x1x1x80xi32, #tpu.memory_space<hbm>>
    %dma_start3A_28 = tpu.memref_squeeze %dma_start3A_27 : memref<1x1x1x80xi32, #tpu.memory_space<hbm>> -> memref<1x80xi32, #tpu.memory_space<hbm>>
    %dma_start3A_29 = arith.constant 0 : i32
    %dma_start3A_30 = arith.constant 0 : i32
    %dma_start3A_31 = tpu.memref_slice %arg3[%add3A, %dma_start3A, %dma_start3A_29, %dma_start3A_30] : memref<32x125x1x80xi32, #tpu.memory_space<hbm>> -> memref<1x1x1x80xi32, #tpu.memory_space<hbm>>
    %dma_start3A_32 = tpu.memref_squeeze %dma_start3A_31 : memref<1x1x1x80xi32, #tpu.memory_space<hbm>> -> memref<1x80xi32, #tpu.memory_space<hbm>>
    tpu.enqueue_dma source(%dma_start3A_32 : memref<1x80xi32, #tpu.memory_space<hbm>>) target(%arg6 : memref<1x80xi32, #tpu.memory_space<vmem>>) target_semaphore(%arg16 : memref<!tpu.dma_semaphore, #tpu.memory_space<semaphore_mem>>)
    %dma_start3A_33 = arith.constant 0 : i32
    %dma_start3A_34 = arith.constant 0 : i32
    %dma_start3A_35 = arith.constant 0 : i32
    %dma_start3A_36 = tpu.memref_slice %arg4[%add3A, %dma_start3A_33, %dma_start3A_34, %dma_start3A_35] : memref<32x125x1x80xi32, #tpu.memory_space<hbm>> -> memref<1x1x1x80xi32, #tpu.memory_space<hbm>>
    %dma_start3A_37 = tpu.memref_squeeze %dma_start3A_36 : memref<1x1x1x80xi32, #tpu.memory_space<hbm>> -> memref<1x80xi32, #tpu.memory_space<hbm>>
    %dma_start3A_38 = arith.constant 0 : i32
    %dma_start3A_39 = arith.constant 0 : i32
    %dma_start3A_40 = tpu.memref_slice %arg4[%add3A, %dma_start3A_33, %dma_start3A_38, %dma_start3A_39] : memref<32x125x1x80xi32, #tpu.memory_space<hbm>> -> memref<1x1x1x80xi32, #tpu.memory_space<hbm>>
    %dma_start3A_41 = tpu.memref_squeeze %dma_start3A_40 : memref<1x1x1x80xi32, #tpu.memory_space<hbm>> -> memref<1x80xi32, #tpu.memory_space<hbm>>
    tpu.enqueue_dma source(%dma_start3A_41 : memref<1x80xi32, #tpu.memory_space<hbm>>) target(%arg9 : memref<1x80xi32, #tpu.memory_space<vmem>>) target_semaphore(%arg16 : memref<!tpu.dma_semaphore, #tpu.memory_space<semaphore_mem>>)
    %dma_start3A_42 = arith.constant 1 : i32
    %dma_start3A_43 = arith.constant 0 : i32
    %dma_start3A_44 = arith.constant 0 : i32
    %dma_start3A_45 = tpu.memref_slice %arg3[%add3A, %dma_start3A_42, %dma_start3A_43, %dma_start3A_44] : memref<32x125x1x80xi32, #tpu.memory_space<hbm>> -> memref<1x1x1x80xi32, #tpu.memory_space<hbm>>
    %dma_start3A_46 = tpu.memref_squeeze %dma_start3A_45 : memref<1x1x1x80xi32, #tpu.memory_space<hbm>> -> memref<1x80xi32, #tpu.memory_space<hbm>>
    %dma_start3A_47 = arith.constant 0 : i32
    %dma_start3A_48 = arith.constant 0 : i32
    %dma_start3A_49 = tpu.memref_slice %arg3[%add3A, %dma_start3A_42, %dma_start3A_47, %dma_start3A_48] : memref<32x125x1x80xi32, #tpu.memory_space<hbm>> -> memref<1x1x1x80xi32, #tpu.memory_space<hbm>>
    %dma_start3A_50 = tpu.memref_squeeze %dma_start3A_49 : memref<1x1x1x80xi32, #tpu.memory_space<hbm>> -> memref<1x80xi32, #tpu.memory_space<hbm>>
    tpu.enqueue_dma source(%dma_start3A_50 : memref<1x80xi32, #tpu.memory_space<hbm>>) target(%arg7 : memref<1x80xi32, #tpu.memory_space<vmem>>) target_semaphore(%arg17 : memref<!tpu.dma_semaphore, #tpu.memory_space<semaphore_mem>>)
    %dma_start3A_51 = arith.constant 1 : i32
    %dma_start3A_52 = arith.constant 0 : i32
    %dma_start3A_53 = arith.constant 0 : i32
    %dma_start3A_54 = tpu.memref_slice %arg4[%add3A, %dma_start3A_51, %dma_start3A_52, %dma_start3A_53] : memref<32x125x1x80xi32, #tpu.memory_space<hbm>> -> memref<1x1x1x80xi32, #tpu.memory_space<hbm>>
    %dma_start3A_55 = tpu.memref_squeeze %dma_start3A_54 : memref<1x1x1x80xi32, #tpu.memory_space<hbm>> -> memref<1x80xi32, #tpu.memory_space<hbm>>
    %dma_start3A_56 = arith.constant 0 : i32
    %dma_start3A_57 = arith.constant 0 : i32
    %dma_start3A_58 = tpu.memref_slice %arg4[%add3A, %dma_start3A_51, %dma_start3A_56, %dma_start3A_57] : memref<32x125x1x80xi32, #tpu.memory_space<hbm>> -> memref<1x1x1x80xi32, #tpu.memory_space<hbm>>
    %dma_start3A_59 = tpu.memref_squeeze %dma_start3A_58 : memref<1x1x1x80xi32, #tpu.memory_space<hbm>> -> memref<1x80xi32, #tpu.memory_space<hbm>>
    tpu.enqueue_dma source(%dma_start3A_59 : memref<1x80xi32, #tpu.memory_space<hbm>>) target(%arg10 : memref<1x80xi32, #tpu.memory_space<vmem>>) target_semaphore(%arg17 : memref<!tpu.dma_semaphore, #tpu.memory_space<semaphore_mem>>)
    %dma_wait3A = arith.constant 0 : i32
    %dma_wait3A_60 = arith.constant 0 : i32
    %dma_wait3A_61 = arith.constant 0 : i32
    %dma_wait3A_62 = tpu.memref_slice %arg3[%add3A, %dma_wait3A, %dma_wait3A_60, %dma_wait3A_61] : memref<32x125x1x80xi32, #tpu.memory_space<hbm>> -> memref<1x1x1x80xi32, #tpu.memory_space<hbm>>
    %dma_wait3A_63 = tpu.memref_squeeze %dma_wait3A_62 : memref<1x1x1x80xi32, #tpu.memory_space<hbm>> -> memref<1x80xi32, #tpu.memory_space<hbm>>
    %dma_wait3A_64 = arith.constant 0 : i32
    %dma_wait3A_65 = arith.constant 0 : i32
    %dma_wait3A_66 = tpu.memref_slice %arg3[%add3A, %dma_wait3A, %dma_wait3A_64, %dma_wait3A_65] : memref<32x125x1x80xi32, #tpu.memory_space<hbm>> -> memref<1x1x1x80xi32, #tpu.memory_space<hbm>>
    %dma_wait3A_67 = tpu.memref_squeeze %dma_wait3A_66 : memref<1x1x1x80xi32, #tpu.memory_space<hbm>> -> memref<1x80xi32, #tpu.memory_space<hbm>>
    tpu.wait_dma2 semaphore(%arg16 : memref<!tpu.dma_semaphore, #tpu.memory_space<semaphore_mem>>) src(%dma_wait3A_67 : memref<1x80xi32, #tpu.memory_space<hbm>>) dst(%arg6 : memref<1x80xi32, #tpu.memory_space<vmem>>)
    %dma_wait3A_68 = arith.constant 0 : i32
    %dma_wait3A_69 = arith.constant 0 : i32
    %dma_wait3A_70 = arith.constant 0 : i32
    %dma_wait3A_71 = tpu.memref_slice %arg4[%add3A, %dma_wait3A_68, %dma_wait3A_69, %dma_wait3A_70] : memref<32x125x1x80xi32, #tpu.memory_space<hbm>> -> memref<1x1x1x80xi32, #tpu.memory_space<hbm>>
    %dma_wait3A_72 = tpu.memref_squeeze %dma_wait3A_71 : memref<1x1x1x80xi32, #tpu.memory_space<hbm>> -> memref<1x80xi32, #tpu.memory_space<hbm>>
    %dma_wait3A_73 = arith.constant 0 : i32
    %dma_wait3A_74 = arith.constant 0 : i32
    %dma_wait3A_75 = tpu.memref_slice %arg4[%add3A, %dma_wait3A_68, %dma_wait3A_73, %dma_wait3A_74] : memref<32x125x1x80xi32, #tpu.memory_space<hbm>> -> memref<1x1x1x80xi32, #tpu.memory_space<hbm>>
    %dma_wait3A_76 = tpu.memref_squeeze %dma_wait3A_75 : memref<1x1x1x80xi32, #tpu.memory_space<hbm>> -> memref<1x80xi32, #tpu.memory_space<hbm>>
    tpu.wait_dma2 semaphore(%arg16 : memref<!tpu.dma_semaphore, #tpu.memory_space<semaphore_mem>>) src(%dma_wait3A_76 : memref<1x80xi32, #tpu.memory_space<hbm>>) dst(%arg9 : memref<1x80xi32, #tpu.memory_space<vmem>>)
    %dma_start3A_77 = arith.constant 0 : i32
    %dma_start3A_78 = arith.constant 0 : i32
    %dma_start3A_79 = tpu.memref_slice %arg6[%dma_start3A_77, %dma_start3A_78] : memref<1x80xi32, #tpu.memory_space<vmem>> -> memref<1x80xi32, #tpu.memory_space<vmem>>
    %dma_start3A_80 = tpu.memref_squeeze %dma_start3A_79 : memref<1x80xi32, #tpu.memory_space<vmem>> -> memref<80xi32, #tpu.memory_space<vmem>>
    %dma_start3A_81 = arith.constant 0 : i32
    %dma_start3A_82 = arith.constant 0 : i32
    %dma_start3A_83 = tpu.memref_slice %arg2[%dma_start3A_81, %dma_start3A_82] : memref<10000x128xf32, #tpu.memory_space<hbm>> -> memref<10000x128xf32, #tpu.memory_space<hbm>>
    tpu.enqueue_indirect_dma source(%dma_start3A_83 : memref<10000x128xf32, #tpu.memory_space<hbm>>) target(%arg12 : memref<80x128xf32, #tpu.memory_space<vmem>>) offsets(%dma_start3A_80 : memref<80xi32, #tpu.memory_space<vmem>>) semaphore(%arg19 : memref<!tpu.dma_semaphore, #tpu.memory_space<semaphore_mem>>)
    %dma_wait3A_84 = arith.constant 1 : i32
    %dma_wait3A_85 = arith.constant 0 : i32
    %dma_wait3A_86 = arith.constant 0 : i32
    %dma_wait3A_87 = tpu.memref_slice %arg3[%add3A, %dma_wait3A_84, %dma_wait3A_85, %dma_wait3A_86] : memref<32x125x1x80xi32, #tpu.memory_space<hbm>> -> memref<1x1x1x80xi32, #tpu.memory_space<hbm>>
    %dma_wait3A_88 = tpu.memref_squeeze %dma_wait3A_87 : memref<1x1x1x80xi32, #tpu.memory_space<hbm>> -> memref<1x80xi32, #tpu.memory_space<hbm>>
    %dma_wait3A_89 = arith.constant 0 : i32
    %dma_wait3A_90 = arith.constant 0 : i32
    %dma_wait3A_91 = tpu.memref_slice %arg3[%add3A, %dma_wait3A_84, %dma_wait3A_89, %dma_wait3A_90] : memref<32x125x1x80xi32, #tpu.memory_space<hbm>> -> memref<1x1x1x80xi32, #tpu.memory_space<hbm>>
    %dma_wait3A_92 = tpu.memref_squeeze %dma_wait3A_91 : memref<1x1x1x80xi32, #tpu.memory_space<hbm>> -> memref<1x80xi32, #tpu.memory_space<hbm>>
    tpu.wait_dma2 semaphore(%arg17 : memref<!tpu.dma_semaphore, #tpu.memory_space<semaphore_mem>>) src(%dma_wait3A_92 : memref<1x80xi32, #tpu.memory_space<hbm>>) dst(%arg7 : memref<1x80xi32, #tpu.memory_space<vmem>>)
    %dma_wait3A_93 = arith.constant 1 : i32
    %dma_wait3A_94 = arith.constant 0 : i32
    %dma_wait3A_95 = arith.constant 0 : i32
    %dma_wait3A_96 = tpu.memref_slice %arg4[%add3A, %dma_wait3A_93, %dma_wait3A_94, %dma_wait3A_95] : memref<32x125x1x80xi32, #tpu.memory_space<hbm>> -> memref<1x1x1x80xi32, #tpu.memory_space<hbm>>
    %dma_wait3A_97 = tpu.memref_squeeze %dma_wait3A_96 : memref<1x1x1x80xi32, #tpu.memory_space<hbm>> -> memref<1x80xi32, #tpu.memory_space<hbm>>
    %dma_wait3A_98 = arith.constant 0 : i32
    %dma_wait3A_99 = arith.constant 0 : i32
    %dma_wait3A_100 = tpu.memref_slice %arg4[%add3A, %dma_wait3A_93, %dma_wait3A_98, %dma_wait3A_99] : memref<32x125x1x80xi32, #tpu.memory_space<hbm>> -> memref<1x1x1x80xi32, #tpu.memory_space<hbm>>
    %dma_wait3A_101 = tpu.memref_squeeze %dma_wait3A_100 : memref<1x1x1x80xi32, #tpu.memory_space<hbm>> -> memref<1x80xi32, #tpu.memory_space<hbm>>
    tpu.wait_dma2 semaphore(%arg17 : memref<!tpu.dma_semaphore, #tpu.memory_space<semaphore_mem>>) src(%dma_wait3A_101 : memref<1x80xi32, #tpu.memory_space<hbm>>) dst(%arg10 : memref<1x80xi32, #tpu.memory_space<vmem>>)
    %dma_start3A_102 = arith.constant 0 : i32
    %dma_start3A_103 = arith.constant 0 : i32
    %dma_start3A_104 = tpu.memref_slice %arg7[%dma_start3A_102, %dma_start3A_103] : memref<1x80xi32, #tpu.memory_space<vmem>> -> memref<1x80xi32, #tpu.memory_space<vmem>>
    %dma_start3A_105 = tpu.memref_squeeze %dma_start3A_104 : memref<1x80xi32, #tpu.memory_space<vmem>> -> memref<80xi32, #tpu.memory_space<vmem>>
    %dma_start3A_106 = arith.constant 0 : i32
    %dma_start3A_107 = arith.constant 0 : i32
    %dma_start3A_108 = tpu.memref_slice %arg2[%dma_start3A_106, %dma_start3A_107] : memref<10000x128xf32, #tpu.memory_space<hbm>> -> memref<10000x128xf32, #tpu.memory_space<hbm>>
    tpu.enqueue_indirect_dma source(%dma_start3A_108 : memref<10000x128xf32, #tpu.memory_space<hbm>>) target(%arg13 : memref<80x128xf32, #tpu.memory_space<vmem>>) offsets(%dma_start3A_105 : memref<80xi32, #tpu.memory_space<vmem>>) semaphore(%arg20 : memref<!tpu.dma_semaphore, #tpu.memory_space<semaphore_mem>>)
    %dma_start3A_109 = arith.constant 2 : i32
    %dma_start3A_110 = arith.constant 0 : i32
    %dma_start3A_111 = arith.constant 0 : i32
    %dma_start3A_112 = tpu.memref_slice %arg3[%add3A, %dma_start3A_109, %dma_start3A_110, %dma_start3A_111] : memref<32x125x1x80xi32, #tpu.memory_space<hbm>> -> memref<1x1x1x80xi32, #tpu.memory_space<hbm>>
    %dma_start3A_113 = tpu.memref_squeeze %dma_start3A_112 : memref<1x1x1x80xi32, #tpu.memory_space<hbm>> -> memref<1x80xi32, #tpu.memory_space<hbm>>
    %dma_start3A_114 = arith.constant 0 : i32
    %dma_start3A_115 = arith.constant 0 : i32
    %dma_start3A_116 = tpu.memref_slice %arg3[%add3A, %dma_start3A_109, %dma_start3A_114, %dma_start3A_115] : memref<32x125x1x80xi32, #tpu.memory_space<hbm>> -> memref<1x1x1x80xi32, #tpu.memory_space<hbm>>
    %dma_start3A_117 = tpu.memref_squeeze %dma_start3A_116 : memref<1x1x1x80xi32, #tpu.memory_space<hbm>> -> memref<1x80xi32, #tpu.memory_space<hbm>>
    tpu.enqueue_dma source(%dma_start3A_117 : memref<1x80xi32, #tpu.memory_space<hbm>>) target(%arg8 : memref<1x80xi32, #tpu.memory_space<vmem>>) target_semaphore(%arg18 : memref<!tpu.dma_semaphore, #tpu.memory_space<semaphore_mem>>)
    %dma_start3A_118 = arith.constant 2 : i32
    %dma_start3A_119 = arith.constant 0 : i32
    %dma_start3A_120 = arith.constant 0 : i32
    %dma_start3A_121 = tpu.memref_slice %arg4[%add3A, %dma_start3A_118, %dma_start3A_119, %dma_start3A_120] : memref<32x125x1x80xi32, #tpu.memory_space<hbm>> -> memref<1x1x1x80xi32, #tpu.memory_space<hbm>>
    %dma_start3A_122 = tpu.memref_squeeze %dma_start3A_121 : memref<1x1x1x80xi32, #tpu.memory_space<hbm>> -> memref<1x80xi32, #tpu.memory_space<hbm>>
    %dma_start3A_123 = arith.constant 0 : i32
    %dma_start3A_124 = arith.constant 0 : i32
    %dma_start3A_125 = tpu.memref_slice %arg4[%add3A, %dma_start3A_118, %dma_start3A_123, %dma_start3A_124] : memref<32x125x1x80xi32, #tpu.memory_space<hbm>> -> memref<1x1x1x80xi32, #tpu.memory_space<hbm>>
    %dma_start3A_126 = tpu.memref_squeeze %dma_start3A_125 : memref<1x1x1x80xi32, #tpu.memory_space<hbm>> -> memref<1x80xi32, #tpu.memory_space<hbm>>
    tpu.enqueue_dma source(%dma_start3A_126 : memref<1x80xi32, #tpu.memory_space<hbm>>) target(%arg11 : memref<1x80xi32, #tpu.memory_space<vmem>>) target_semaphore(%arg18 : memref<!tpu.dma_semaphore, #tpu.memory_space<semaphore_mem>>)
    %dma_wait3A_127 = arith.constant 0 : i32
    %dma_wait3A_128 = arith.constant 0 : i32
    %dma_wait3A_129 = tpu.memref_slice %arg6[%dma_wait3A_127, %dma_wait3A_128] : memref<1x80xi32, #tpu.memory_space<vmem>> -> memref<1x80xi32, #tpu.memory_space<vmem>>
    %dma_wait3A_130 = tpu.memref_squeeze %dma_wait3A_129 : memref<1x80xi32, #tpu.memory_space<vmem>> -> memref<80xi32, #tpu.memory_space<vmem>>
    %dma_wait3A_131 = arith.constant 0 : i32
    %dma_wait3A_132 = arith.constant 0 : i32
    %dma_wait3A_133 = tpu.memref_slice %arg2[%dma_wait3A_131, %dma_wait3A_132] : memref<10000x128xf32, #tpu.memory_space<hbm>> -> memref<10000x128xf32, #tpu.memory_space<hbm>>
    tpu.wait_indirect_dma semaphore(%arg19 : memref<!tpu.dma_semaphore, #tpu.memory_space<semaphore_mem>>) src(%dma_wait3A_133 : memref<10000x128xf32, #tpu.memory_space<hbm>>) dst(%arg12 : memref<80x128xf32, #tpu.memory_space<vmem>>)
    %dma_start3A_134 = arith.constant 0 : i32
    %dma_start3A_135 = arith.constant 0 : i32
    %dma_start3A_136 = tpu.memref_slice %arg9[%dma_start3A_134, %dma_start3A_135] : memref<1x80xi32, #tpu.memory_space<vmem>> -> memref<1x80xi32, #tpu.memory_space<vmem>>
    %dma_start3A_137 = tpu.memref_squeeze %dma_start3A_136 : memref<1x80xi32, #tpu.memory_space<vmem>> -> memref<80xi32, #tpu.memory_space<vmem>>
    %dma_start3A_138 = arith.constant 0 : i32
    %dma_start3A_139 = arith.constant 0 : i32
    %dma_start3A_140 = tpu.memref_slice %arg15[%dma_start3A_138, %dma_start3A_139] : memref<10240x128xf32, #tpu.memory_space<vmem_shared>> -> memref<10240x128xf32, #tpu.memory_space<vmem_shared>>
    tpu.enqueue_indirect_dma source(%arg12 : memref<80x128xf32, #tpu.memory_space<vmem>>) target(%dma_start3A_140 : memref<10240x128xf32, #tpu.memory_space<vmem_shared>>) offsets(%dma_start3A_137 : memref<80xi32, #tpu.memory_space<vmem>>) semaphore(%arg22 : memref<!tpu.dma_semaphore, #tpu.memory_space<semaphore_mem>>) {add = true}
    %dma_wait3A_141 = arith.constant 2 : i32
    %dma_wait3A_142 = arith.constant 0 : i32
    %dma_wait3A_143 = arith.constant 0 : i32
    %dma_wait3A_144 = tpu.memref_slice %arg3[%add3A, %dma_wait3A_141, %dma_wait3A_142, %dma_wait3A_143] : memref<32x125x1x80xi32, #tpu.memory_space<hbm>> -> memref<1x1x1x80xi32, #tpu.memory_space<hbm>>
    %dma_wait3A_145 = tpu.memref_squeeze %dma_wait3A_144 : memref<1x1x1x80xi32, #tpu.memory_space<hbm>> -> memref<1x80xi32, #tpu.memory_space<hbm>>
    %dma_wait3A_146 = arith.constant 0 : i32
    %dma_wait3A_147 = arith.constant 0 : i32
    %dma_wait3A_148 = tpu.memref_slice %arg3[%add3A, %dma_wait3A_141, %dma_wait3A_146, %dma_wait3A_147] : memref<32x125x1x80xi32, #tpu.memory_space<hbm>> -> memref<1x1x1x80xi32, #tpu.memory_space<hbm>>
    %dma_wait3A_149 = tpu.memref_squeeze %dma_wait3A_148 : memref<1x1x1x80xi32, #tpu.memory_space<hbm>> -> memref<1x80xi32, #tpu.memory_space<hbm>>
    tpu.wait_dma2 semaphore(%arg18 : memref<!tpu.dma_semaphore, #tpu.memory_space<semaphore_mem>>) src(%dma_wait3A_149 : memref<1x80xi32, #tpu.memory_space<hbm>>) dst(%arg8 : memref<1x80xi32, #tpu.memory_space<vmem>>)
    %dma_wait3A_150 = arith.constant 2 : i32
    %dma_wait3A_151 = arith.constant 0 : i32
    %dma_wait3A_152 = arith.constant 0 : i32
    %dma_wait3A_153 = tpu.memref_slice %arg4[%add3A, %dma_wait3A_150, %dma_wait3A_151, %dma_wait3A_152] : memref<32x125x1x80xi32, #tpu.memory_space<hbm>> -> memref<1x1x1x80xi32, #tpu.memory_space<hbm>>
    %dma_wait3A_154 = tpu.memref_squeeze %dma_wait3A_153 : memref<1x1x1x80xi32, #tpu.memory_space<hbm>> -> memref<1x80xi32, #tpu.memory_space<hbm>>
    %dma_wait3A_155 = arith.constant 0 : i32
    %dma_wait3A_156 = arith.constant 0 : i32
    %dma_wait3A_157 = tpu.memref_slice %arg4[%add3A, %dma_wait3A_150, %dma_wait3A_155, %dma_wait3A_156] : memref<32x125x1x80xi32, #tpu.memory_space<hbm>> -> memref<1x1x1x80xi32, #tpu.memory_space<hbm>>
    %dma_wait3A_158 = tpu.memref_squeeze %dma_wait3A_157 : memref<1x1x1x80xi32, #tpu.memory_space<hbm>> -> memref<1x80xi32, #tpu.memory_space<hbm>>
    tpu.wait_dma2 semaphore(%arg18 : memref<!tpu.dma_semaphore, #tpu.memory_space<semaphore_mem>>) src(%dma_wait3A_158 : memref<1x80xi32, #tpu.memory_space<hbm>>) dst(%arg11 : memref<1x80xi32, #tpu.memory_space<vmem>>)
    %dma_start3A_159 = arith.constant 0 : i32
    %dma_start3A_160 = arith.constant 0 : i32
    %dma_start3A_161 = tpu.memref_slice %arg8[%dma_start3A_159, %dma_start3A_160] : memref<1x80xi32, #tpu.memory_space<vmem>> -> memref<1x80xi32, #tpu.memory_space<vmem>>
    %dma_start3A_162 = tpu.memref_squeeze %dma_start3A_161 : memref<1x80xi32, #tpu.memory_space<vmem>> -> memref<80xi32, #tpu.memory_space<vmem>>
    %dma_start3A_163 = arith.constant 0 : i32
    %dma_start3A_164 = arith.constant 0 : i32
    %dma_start3A_165 = tpu.memref_slice %arg2[%dma_start3A_163, %dma_start3A_164] : memref<10000x128xf32, #tpu.memory_space<hbm>> -> memref<10000x128xf32, #tpu.memory_space<hbm>>
    tpu.enqueue_indirect_dma source(%dma_start3A_165 : memref<10000x128xf32, #tpu.memory_space<hbm>>) target(%arg14 : memref<80x128xf32, #tpu.memory_space<vmem>>) offsets(%dma_start3A_162 : memref<80xi32, #tpu.memory_space<vmem>>) semaphore(%arg21 : memref<!tpu.dma_semaphore, #tpu.memory_space<semaphore_mem>>)
    %dma_wait3A_166 = arith.constant 0 : i32
    %dma_wait3A_167 = arith.constant 0 : i32
    %dma_wait3A_168 = tpu.memref_slice %arg9[%dma_wait3A_166, %dma_wait3A_167] : memref<1x80xi32, #tpu.memory_space<vmem>> -> memref<1x80xi32, #tpu.memory_space<vmem>>
    %dma_wait3A_169 = tpu.memref_squeeze %dma_wait3A_168 : memref<1x80xi32, #tpu.memory_space<vmem>> -> memref<80xi32, #tpu.memory_space<vmem>>
    %dma_wait3A_170 = arith.constant 0 : i32
    %dma_wait3A_171 = arith.constant 0 : i32
    %dma_wait3A_172 = tpu.memref_slice %arg15[%dma_wait3A_170, %dma_wait3A_171] : memref<10240x128xf32, #tpu.memory_space<vmem_shared>> -> memref<10240x128xf32, #tpu.memory_space<vmem_shared>>
    tpu.wait_indirect_dma semaphore(%arg22 : memref<!tpu.dma_semaphore, #tpu.memory_space<semaphore_mem>>) src(%arg12 : memref<80x128xf32, #tpu.memory_space<vmem>>) dst(%dma_wait3A_172 : memref<10240x128xf32, #tpu.memory_space<vmem_shared>>)
    %dma_start3A_173 = arith.constant 3 : i32
    %dma_start3A_174 = arith.constant 0 : i32
    %dma_start3A_175 = arith.constant 0 : i32
    %dma_start3A_176 = tpu.memref_slice %arg3[%add3A, %dma_start3A_173, %dma_start3A_174, %dma_start3A_175] : memref<32x125x1x80xi32, #tpu.memory_space<hbm>> -> memref<1x1x1x80xi32, #tpu.memory_space<hbm>>
    %dma_start3A_177 = tpu.memref_squeeze %dma_start3A_176 : memref<1x1x1x80xi32, #tpu.memory_space<hbm>> -> memref<1x80xi32, #tpu.memory_space<hbm>>
    %dma_start3A_178 = arith.constant 0 : i32
    %dma_start3A_179 = arith.constant 0 : i32
    %dma_start3A_180 = tpu.memref_slice %arg3[%add3A, %dma_start3A_173, %dma_start3A_178, %dma_start3A_179] : memref<32x125x1x80xi32, #tpu.memory_space<hbm>> -> memref<1x1x1x80xi32, #tpu.memory_space<hbm>>
    %dma_start3A_181 = tpu.memref_squeeze %dma_start3A_180 : memref<1x1x1x80xi32, #tpu.memory_space<hbm>> -> memref<1x80xi32, #tpu.memory_space<hbm>>
    tpu.enqueue_dma source(%dma_start3A_181 : memref<1x80xi32, #tpu.memory_space<hbm>>) target(%arg6 : memref<1x80xi32, #tpu.memory_space<vmem>>) target_semaphore(%arg16 : memref<!tpu.dma_semaphore, #tpu.memory_space<semaphore_mem>>)
    %dma_start3A_182 = arith.constant 3 : i32
    %dma_start3A_183 = arith.constant 0 : i32
    %dma_start3A_184 = arith.constant 0 : i32
    %dma_start3A_185 = tpu.memref_slice %arg4[%add3A, %dma_start3A_182, %dma_start3A_183, %dma_start3A_184] : memref<32x125x1x80xi32, #tpu.memory_space<hbm>> -> memref<1x1x1x80xi32, #tpu.memory_space<hbm>>
    %dma_start3A_186 = tpu.memref_squeeze %dma_start3A_185 : memref<1x1x1x80xi32, #tpu.memory_space<hbm>> -> memref<1x80xi32, #tpu.memory_space<hbm>>
    %dma_start3A_187 = arith.constant 0 : i32
    %dma_start3A_188 = arith.constant 0 : i32
    %dma_start3A_189 = tpu.memref_slice %arg4[%add3A, %dma_start3A_182, %dma_start3A_187, %dma_start3A_188] : memref<32x125x1x80xi32, #tpu.memory_space<hbm>> -> memref<1x1x1x80xi32, #tpu.memory_space<hbm>>
    %dma_start3A_190 = tpu.memref_squeeze %dma_start3A_189 : memref<1x1x1x80xi32, #tpu.memory_space<hbm>> -> memref<1x80xi32, #tpu.memory_space<hbm>>
    tpu.enqueue_dma source(%dma_start3A_190 : memref<1x80xi32, #tpu.memory_space<hbm>>) target(%arg9 : memref<1x80xi32, #tpu.memory_space<vmem>>) target_semaphore(%arg16 : memref<!tpu.dma_semaphore, #tpu.memory_space<semaphore_mem>>)
    %dma_wait3A_191 = arith.constant 0 : i32
    %dma_wait3A_192 = arith.constant 0 : i32
    %dma_wait3A_193 = tpu.memref_slice %arg7[%dma_wait3A_191, %dma_wait3A_192] : memref<1x80xi32, #tpu.memory_space<vmem>> -> memref<1x80xi32, #tpu.memory_space<vmem>>
    %dma_wait3A_194 = tpu.memref_squeeze %dma_wait3A_193 : memref<1x80xi32, #tpu.memory_space<vmem>> -> memref<80xi32, #tpu.memory_space<vmem>>
    %dma_wait3A_195 = arith.constant 0 : i32
    %dma_wait3A_196 = arith.constant 0 : i32
    %dma_wait3A_197 = tpu.memref_slice %arg2[%dma_wait3A_195, %dma_wait3A_196] : memref<10000x128xf32, #tpu.memory_space<hbm>> -> memref<10000x128xf32, #tpu.memory_space<hbm>>
    tpu.wait_indirect_dma semaphore(%arg20 : memref<!tpu.dma_semaphore, #tpu.memory_space<semaphore_mem>>) src(%dma_wait3A_197 : memref<10000x128xf32, #tpu.memory_space<hbm>>) dst(%arg13 : memref<80x128xf32, #tpu.memory_space<vmem>>)
    %dma_start3A_198 = arith.constant 0 : i32
    %dma_start3A_199 = arith.constant 0 : i32
    %dma_start3A_200 = tpu.memref_slice %arg10[%dma_start3A_198, %dma_start3A_199] : memref<1x80xi32, #tpu.memory_space<vmem>> -> memref<1x80xi32, #tpu.memory_space<vmem>>
    %dma_start3A_201 = tpu.memref_squeeze %dma_start3A_200 : memref<1x80xi32, #tpu.memory_space<vmem>> -> memref<80xi32, #tpu.memory_space<vmem>>
    %dma_start3A_202 = arith.constant 0 : i32
    %dma_start3A_203 = arith.constant 0 : i32
    %dma_start3A_204 = tpu.memref_slice %arg15[%dma_start3A_202, %dma_start3A_203] : memref<10240x128xf32, #tpu.memory_space<vmem_shared>> -> memref<10240x128xf32, #tpu.memory_space<vmem_shared>>
    tpu.enqueue_indirect_dma source(%arg13 : memref<80x128xf32, #tpu.memory_space<vmem>>) target(%dma_start3A_204 : memref<10240x128xf32, #tpu.memory_space<vmem_shared>>) offsets(%dma_start3A_201 : memref<80xi32, #tpu.memory_space<vmem>>) semaphore(%arg23 : memref<!tpu.dma_semaphore, #tpu.memory_space<semaphore_mem>>) {add = true}
    %dma_wait3A_205 = arith.constant 3 : i32
    %dma_wait3A_206 = arith.constant 0 : i32
    %dma_wait3A_207 = arith.constant 0 : i32
    %dma_wait3A_208 = tpu.memref_slice %arg3[%add3A, %dma_wait3A_205, %dma_wait3A_206, %dma_wait3A_207] : memref<32x125x1x80xi32, #tpu.memory_space<hbm>> -> memref<1x1x1x80xi32, #tpu.memory_space<hbm>>
    %dma_wait3A_209 = tpu.memref_squeeze %dma_wait3A_208 : memref<1x1x1x80xi32, #tpu.memory_space<hbm>> -> memref<1x80xi32, #tpu.memory_space<hbm>>
    %dma_wait3A_210 = arith.constant 0 : i32
    %dma_wait3A_211 = arith.constant 0 : i32
    %dma_wait3A_212 = tpu.memref_slice %arg3[%add3A, %dma_wait3A_205, %dma_wait3A_210, %dma_wait3A_211] : memref<32x125x1x80xi32, #tpu.memory_space<hbm>> -> memref<1x1x1x80xi32, #tpu.memory_space<hbm>>
    %dma_wait3A_213 = tpu.memref_squeeze %dma_wait3A_212 : memref<1x1x1x80xi32, #tpu.memory_space<hbm>> -> memref<1x80xi32, #tpu.memory_space<hbm>>
    tpu.wait_dma2 semaphore(%arg16 : memref<!tpu.dma_semaphore, #tpu.memory_space<semaphore_mem>>) src(%dma_wait3A_213 : memref<1x80xi32, #tpu.memory_space<hbm>>) dst(%arg6 : memref<1x80xi32, #tpu.memory_space<vmem>>)
    %dma_wait3A_214 = arith.constant 3 : i32
    %dma_wait3A_215 = arith.constant 0 : i32
    %dma_wait3A_216 = arith.constant 0 : i32
    %dma_wait3A_217 = tpu.memref_slice %arg4[%add3A, %dma_wait3A_214, %dma_wait3A_215, %dma_wait3A_216] : memref<32x125x1x80xi32, #tpu.memory_space<hbm>> -> memref<1x1x1x80xi32, #tpu.memory_space<hbm>>
    %dma_wait3A_218 = tpu.memref_squeeze %dma_wait3A_217 : memref<1x1x1x80xi32, #tpu.memory_space<hbm>> -> memref<1x80xi32, #tpu.memory_space<hbm>>
    %dma_wait3A_219 = arith.constant 0 : i32
    %dma_wait3A_220 = arith.constant 0 : i32
    %dma_wait3A_221 = tpu.memref_slice %arg4[%add3A, %dma_wait3A_214, %dma_wait3A_219, %dma_wait3A_220] : memref<32x125x1x80xi32, #tpu.memory_space<hbm>> -> memref<1x1x1x80xi32, #tpu.memory_space<hbm>>
    %dma_wait3A_222 = tpu.memref_squeeze %dma_wait3A_221 : memref<1x1x1x80xi32, #tpu.memory_space<hbm>> -> memref<1x80xi32, #tpu.memory_space<hbm>>
    tpu.wait_dma2 semaphore(%arg16 : memref<!tpu.dma_semaphore, #tpu.memory_space<semaphore_mem>>) src(%dma_wait3A_222 : memref<1x80xi32, #tpu.memory_space<hbm>>) dst(%arg9 : memref<1x80xi32, #tpu.memory_space<vmem>>)
    %dma_start3A_223 = arith.constant 0 : i32
    %dma_start3A_224 = arith.constant 0 : i32
    %dma_start3A_225 = tpu.memref_slice %arg6[%dma_start3A_223, %dma_start3A_224] : memref<1x80xi32, #tpu.memory_space<vmem>> -> memref<1x80xi32, #tpu.memory_space<vmem>>
    %dma_start3A_226 = tpu.memref_squeeze %dma_start3A_225 : memref<1x80xi32, #tpu.memory_space<vmem>> -> memref<80xi32, #tpu.memory_space<vmem>>
    %dma_start3A_227 = arith.constant 0 : i32
    %dma_start3A_228 = arith.constant 0 : i32
    %dma_start3A_229 = tpu.memref_slice %arg2[%dma_start3A_227, %dma_start3A_228] : memref<10000x128xf32, #tpu.memory_space<hbm>> -> memref<10000x128xf32, #tpu.memory_space<hbm>>
    tpu.enqueue_indirect_dma source(%dma_start3A_229 : memref<10000x128xf32, #tpu.memory_space<hbm>>) target(%arg12 : memref<80x128xf32, #tpu.memory_space<vmem>>) offsets(%dma_start3A_226 : memref<80xi32, #tpu.memory_space<vmem>>) semaphore(%arg19 : memref<!tpu.dma_semaphore, #tpu.memory_space<semaphore_mem>>)
    %scan3A_230 = arith.constant 0 : i32
    %scan3A_231 = arith.constant 0 : i32
    %scan3A_232 = arith.constant 40 : i32
    %scan3A_233 = arith.addi %scan3A_231, %scan3A_232 : i32
    %scan3A_234 = arith.constant 1 : i32
    scf.for %scan3A_350 = %scan3A_231 to %scan3A_233 step %scan3A_234  : i32 {
      %mul3A_351 = arith.constant 3 : i32
      %mul3A_352 = arith.muli %mul3A_351, %scan3A_350 : i32
      %add3A_353 = arith.constant 2 : i32
      %add3A_354 = arith.addi %mul3A_352, %add3A_353 : i32
      %dma_wait3A_355 = arith.constant 0 : i32
      %dma_wait3A_356 = arith.constant 0 : i32
      %dma_wait3A_357 = tpu.memref_slice %arg10[%dma_wait3A_355, %dma_wait3A_356] : memref<1x80xi32, #tpu.memory_space<vmem>> -> memref<1x80xi32, #tpu.memory_space<vmem>>
      %dma_wait3A_358 = tpu.memref_squeeze %dma_wait3A_357 : memref<1x80xi32, #tpu.memory_space<vmem>> -> memref<80xi32, #tpu.memory_space<vmem>>
      %dma_wait3A_359 = arith.constant 0 : i32
      %dma_wait3A_360 = arith.constant 0 : i32
      %dma_wait3A_361 = tpu.memref_slice %arg15[%dma_wait3A_359, %dma_wait3A_360] : memref<10240x128xf32, #tpu.memory_space<vmem_shared>> -> memref<10240x128xf32, #tpu.memory_space<vmem_shared>>
      tpu.wait_indirect_dma semaphore(%arg23 : memref<!tpu.dma_semaphore, #tpu.memory_space<semaphore_mem>>) src(%arg13 : memref<80x128xf32, #tpu.memory_space<vmem>>) dst(%dma_wait3A_361 : memref<10240x128xf32, #tpu.memory_space<vmem_shared>>)
      %add3A_362 = arith.constant 2 : i32
      %add3A_363 = arith.addi %add3A_354, %add3A_362 : i32
      %dma_start3A_364 = arith.constant 0 : i32
      %dma_start3A_365 = arith.constant 0 : i32
      %dma_start3A_366 = tpu.memref_slice %arg3[%add3A, %add3A_363, %dma_start3A_364, %dma_start3A_365] : memref<32x125x1x80xi32, #tpu.memory_space<hbm>> -> memref<1x1x1x80xi32, #tpu.memory_space<hbm>>
      %dma_start3A_367 = tpu.memref_squeeze %dma_start3A_366 : memref<1x1x1x80xi32, #tpu.memory_space<hbm>> -> memref<1x80xi32, #tpu.memory_space<hbm>>
      %dma_start3A_368 = arith.constant 0 : i32
      %dma_start3A_369 = arith.constant 0 : i32
      %dma_start3A_370 = tpu.memref_slice %arg3[%add3A, %add3A_363, %dma_start3A_368, %dma_start3A_369] : memref<32x125x1x80xi32, #tpu.memory_space<hbm>> -> memref<1x1x1x80xi32, #tpu.memory_space<hbm>>
      %dma_start3A_371 = tpu.memref_squeeze %dma_start3A_370 : memref<1x1x1x80xi32, #tpu.memory_space<hbm>> -> memref<1x80xi32, #tpu.memory_space<hbm>>
      tpu.enqueue_dma source(%dma_start3A_371 : memref<1x80xi32, #tpu.memory_space<hbm>>) target(%arg7 : memref<1x80xi32, #tpu.memory_space<vmem>>) target_semaphore(%arg17 : memref<!tpu.dma_semaphore, #tpu.memory_space<semaphore_mem>>)
      %dma_start3A_372 = arith.constant 0 : i32
      %dma_start3A_373 = arith.constant 0 : i32
      %dma_start3A_374 = tpu.memref_slice %arg4[%add3A, %add3A_363, %dma_start3A_372, %dma_start3A_373] : memref<32x125x1x80xi32, #tpu.memory_space<hbm>> -> memref<1x1x1x80xi32, #tpu.memory_space<hbm>>
      %dma_start3A_375 = tpu.memref_squeeze %dma_start3A_374 : memref<1x1x1x80xi32, #tpu.memory_space<hbm>> -> memref<1x80xi32, #tpu.memory_space<hbm>>
      %dma_start3A_376 = arith.constant 0 : i32
      %dma_start3A_377 = arith.constant 0 : i32
      %dma_start3A_378 = tpu.memref_slice %arg4[%add3A, %add3A_363, %dma_start3A_376, %dma_start3A_377] : memref<32x125x1x80xi32, #tpu.memory_space<hbm>> -> memref<1x1x1x80xi32, #tpu.memory_space<hbm>>
      %dma_start3A_379 = tpu.memref_squeeze %dma_start3A_378 : memref<1x1x1x80xi32, #tpu.memory_space<hbm>> -> memref<1x80xi32, #tpu.memory_space<hbm>>
      tpu.enqueue_dma source(%dma_start3A_379 : memref<1x80xi32, #tpu.memory_space<hbm>>) target(%arg10 : memref<1x80xi32, #tpu.memory_space<vmem>>) target_semaphore(%arg17 : memref<!tpu.dma_semaphore, #tpu.memory_space<semaphore_mem>>)
      %dma_wait3A_380 = arith.constant 0 : i32
      %dma_wait3A_381 = arith.constant 0 : i32
      %dma_wait3A_382 = tpu.memref_slice %arg8[%dma_wait3A_380, %dma_wait3A_381] : memref<1x80xi32, #tpu.memory_space<vmem>> -> memref<1x80xi32, #tpu.memory_space<vmem>>
      %dma_wait3A_383 = tpu.memref_squeeze %dma_wait3A_382 : memref<1x80xi32, #tpu.memory_space<vmem>> -> memref<80xi32, #tpu.memory_space<vmem>>
      %dma_wait3A_384 = arith.constant 0 : i32
      %dma_wait3A_385 = arith.constant 0 : i32
      %dma_wait3A_386 = tpu.memref_slice %arg2[%dma_wait3A_384, %dma_wait3A_385] : memref<10000x128xf32, #tpu.memory_space<hbm>> -> memref<10000x128xf32, #tpu.memory_space<hbm>>
      tpu.wait_indirect_dma semaphore(%arg21 : memref<!tpu.dma_semaphore, #tpu.memory_space<semaphore_mem>>) src(%dma_wait3A_386 : memref<10000x128xf32, #tpu.memory_space<hbm>>) dst(%arg14 : memref<80x128xf32, #tpu.memory_space<vmem>>)
      %dma_start3A_387 = arith.constant 0 : i32
      %dma_start3A_388 = arith.constant 0 : i32
      %dma_start3A_389 = tpu.memref_slice %arg11[%dma_start3A_387, %dma_start3A_388] : memref<1x80xi32, #tpu.memory_space<vmem>> -> memref<1x80xi32, #tpu.memory_space<vmem>>
      %dma_start3A_390 = tpu.memref_squeeze %dma_start3A_389 : memref<1x80xi32, #tpu.memory_space<vmem>> -> memref<80xi32, #tpu.memory_space<vmem>>
      %dma_start3A_391 = arith.constant 0 : i32
      %dma_start3A_392 = arith.constant 0 : i32
      %dma_start3A_393 = tpu.memref_slice %arg15[%dma_start3A_391, %dma_start3A_392] : memref<10240x128xf32, #tpu.memory_space<vmem_shared>> -> memref<10240x128xf32, #tpu.memory_space<vmem_shared>>
      tpu.enqueue_indirect_dma source(%arg14 : memref<80x128xf32, #tpu.memory_space<vmem>>) target(%dma_start3A_393 : memref<10240x128xf32, #tpu.memory_space<vmem_shared>>) offsets(%dma_start3A_390 : memref<80xi32, #tpu.memory_space<vmem>>) semaphore(%arg24 : memref<!tpu.dma_semaphore, #tpu.memory_space<semaphore_mem>>) {add = true}
      %add3A_394 = arith.constant 2 : i32
      %add3A_395 = arith.addi %add3A_354, %add3A_394 : i32
      %dma_wait3A_396 = arith.constant 0 : i32
      %dma_wait3A_397 = arith.constant 0 : i32
      %dma_wait3A_398 = tpu.memref_slice %arg3[%add3A, %add3A_395, %dma_wait3A_396, %dma_wait3A_397] : memref<32x125x1x80xi32, #tpu.memory_space<hbm>> -> memref<1x1x1x80xi32, #tpu.memory_space<hbm>>
      %dma_wait3A_399 = tpu.memref_squeeze %dma_wait3A_398 : memref<1x1x1x80xi32, #tpu.memory_space<hbm>> -> memref<1x80xi32, #tpu.memory_space<hbm>>
      %dma_wait3A_400 = arith.constant 0 : i32
      %dma_wait3A_401 = arith.constant 0 : i32
      %dma_wait3A_402 = tpu.memref_slice %arg3[%add3A, %add3A_395, %dma_wait3A_400, %dma_wait3A_401] : memref<32x125x1x80xi32, #tpu.memory_space<hbm>> -> memref<1x1x1x80xi32, #tpu.memory_space<hbm>>
      %dma_wait3A_403 = tpu.memref_squeeze %dma_wait3A_402 : memref<1x1x1x80xi32, #tpu.memory_space<hbm>> -> memref<1x80xi32, #tpu.memory_space<hbm>>
      tpu.wait_dma2 semaphore(%arg17 : memref<!tpu.dma_semaphore, #tpu.memory_space<semaphore_mem>>) src(%dma_wait3A_403 : memref<1x80xi32, #tpu.memory_space<hbm>>) dst(%arg7 : memref<1x80xi32, #tpu.memory_space<vmem>>)
      %dma_wait3A_404 = arith.constant 0 : i32
      %dma_wait3A_405 = arith.constant 0 : i32
      %dma_wait3A_406 = tpu.memref_slice %arg4[%add3A, %add3A_395, %dma_wait3A_404, %dma_wait3A_405] : memref<32x125x1x80xi32, #tpu.memory_space<hbm>> -> memref<1x1x1x80xi32, #tpu.memory_space<hbm>>
      %dma_wait3A_407 = tpu.memref_squeeze %dma_wait3A_406 : memref<1x1x1x80xi32, #tpu.memory_space<hbm>> -> memref<1x80xi32, #tpu.memory_space<hbm>>
      %dma_wait3A_408 = arith.constant 0 : i32
      %dma_wait3A_409 = arith.constant 0 : i32
      %dma_wait3A_410 = tpu.memref_slice %arg4[%add3A, %add3A_395, %dma_wait3A_408, %dma_wait3A_409] : memref<32x125x1x80xi32, #tpu.memory_space<hbm>> -> memref<1x1x1x80xi32, #tpu.memory_space<hbm>>
      %dma_wait3A_411 = tpu.memref_squeeze %dma_wait3A_410 : memref<1x1x1x80xi32, #tpu.memory_space<hbm>> -> memref<1x80xi32, #tpu.memory_space<hbm>>
      tpu.wait_dma2 semaphore(%arg17 : memref<!tpu.dma_semaphore, #tpu.memory_space<semaphore_mem>>) src(%dma_wait3A_411 : memref<1x80xi32, #tpu.memory_space<hbm>>) dst(%arg10 : memref<1x80xi32, #tpu.memory_space<vmem>>)
      %dma_start3A_412 = arith.constant 0 : i32
      %dma_start3A_413 = arith.constant 0 : i32
      %dma_start3A_414 = tpu.memref_slice %arg7[%dma_start3A_412, %dma_start3A_413] : memref<1x80xi32, #tpu.memory_space<vmem>> -> memref<1x80xi32, #tpu.memory_space<vmem>>
      %dma_start3A_415 = tpu.memref_squeeze %dma_start3A_414 : memref<1x80xi32, #tpu.memory_space<vmem>> -> memref<80xi32, #tpu.memory_space<vmem>>
      %dma_start3A_416 = arith.constant 0 : i32
      %dma_start3A_417 = arith.constant 0 : i32
      %dma_start3A_418 = tpu.memref_slice %arg2[%dma_start3A_416, %dma_start3A_417] : memref<10000x128xf32, #tpu.memory_space<hbm>> -> memref<10000x128xf32, #tpu.memory_space<hbm>>
      tpu.enqueue_indirect_dma source(%dma_start3A_418 : memref<10000x128xf32, #tpu.memory_space<hbm>>) target(%arg13 : memref<80x128xf32, #tpu.memory_space<vmem>>) offsets(%dma_start3A_415 : memref<80xi32, #tpu.memory_space<vmem>>) semaphore(%arg20 : memref<!tpu.dma_semaphore, #tpu.memory_space<semaphore_mem>>)
      %add3A_419 = arith.constant 1 : i32
      %add3A_420 = arith.addi %add3A_354, %add3A_419 : i32
      %dma_wait3A_421 = arith.constant 0 : i32
      %dma_wait3A_422 = arith.constant 0 : i32
      %dma_wait3A_423 = tpu.memref_slice %arg11[%dma_wait3A_421, %dma_wait3A_422] : memref<1x80xi32, #tpu.memory_space<vmem>> -> memref<1x80xi32, #tpu.memory_space<vmem>>
      %dma_wait3A_424 = tpu.memref_squeeze %dma_wait3A_423 : memref<1x80xi32, #tpu.memory_space<vmem>> -> memref<80xi32, #tpu.memory_space<vmem>>
      %dma_wait3A_425 = arith.constant 0 : i32
      %dma_wait3A_426 = arith.constant 0 : i32
      %dma_wait3A_427 = tpu.memref_slice %arg15[%dma_wait3A_425, %dma_wait3A_426] : memref<10240x128xf32, #tpu.memory_space<vmem_shared>> -> memref<10240x128xf32, #tpu.memory_space<vmem_shared>>
      tpu.wait_indirect_dma semaphore(%arg24 : memref<!tpu.dma_semaphore, #tpu.memory_space<semaphore_mem>>) src(%arg14 : memref<80x128xf32, #tpu.memory_space<vmem>>) dst(%dma_wait3A_427 : memref<10240x128xf32, #tpu.memory_space<vmem_shared>>)
      %add3A_428 = arith.constant 2 : i32
      %add3A_429 = arith.addi %add3A_420, %add3A_428 : i32
      %dma_start3A_430 = arith.constant 0 : i32
      %dma_start3A_431 = arith.constant 0 : i32
      %dma_start3A_432 = tpu.memref_slice %arg3[%add3A, %add3A_429, %dma_start3A_430, %dma_start3A_431] : memref<32x125x1x80xi32, #tpu.memory_space<hbm>> -> memref<1x1x1x80xi32, #tpu.memory_space<hbm>>
      %dma_start3A_433 = tpu.memref_squeeze %dma_start3A_432 : memref<1x1x1x80xi32, #tpu.memory_space<hbm>> -> memref<1x80xi32, #tpu.memory_space<hbm>>
      %dma_start3A_434 = arith.constant 0 : i32
      %dma_start3A_435 = arith.constant 0 : i32
      %dma_start3A_436 = tpu.memref_slice %arg3[%add3A, %add3A_429, %dma_start3A_434, %dma_start3A_435] : memref<32x125x1x80xi32, #tpu.memory_space<hbm>> -> memref<1x1x1x80xi32, #tpu.memory_space<hbm>>
      %dma_start3A_437 = tpu.memref_squeeze %dma_start3A_436 : memref<1x1x1x80xi32, #tpu.memory_space<hbm>> -> memref<1x80xi32, #tpu.memory_space<hbm>>
      tpu.enqueue_dma source(%dma_start3A_437 : memref<1x80xi32, #tpu.memory_space<hbm>>) target(%arg8 : memref<1x80xi32, #tpu.memory_space<vmem>>) target_semaphore(%arg18 : memref<!tpu.dma_semaphore, #tpu.memory_space<semaphore_mem>>)
      %dma_start3A_438 = arith.constant 0 : i32
      %dma_start3A_439 = arith.constant 0 : i32
      %dma_start3A_440 = tpu.memref_slice %arg4[%add3A, %add3A_429, %dma_start3A_438, %dma_start3A_439] : memref<32x125x1x80xi32, #tpu.memory_space<hbm>> -> memref<1x1x1x80xi32, #tpu.memory_space<hbm>>
      %dma_start3A_441 = tpu.memref_squeeze %dma_start3A_440 : memref<1x1x1x80xi32, #tpu.memory_space<hbm>> -> memref<1x80xi32, #tpu.memory_space<hbm>>
      %dma_start3A_442 = arith.constant 0 : i32
      %dma_start3A_443 = arith.constant 0 : i32
      %dma_start3A_444 = tpu.memref_slice %arg4[%add3A, %add3A_429, %dma_start3A_442, %dma_start3A_443] : memref<32x125x1x80xi32, #tpu.memory_space<hbm>> -> memref<1x1x1x80xi32, #tpu.memory_space<hbm>>
      %dma_start3A_445 = tpu.memref_squeeze %dma_start3A_444 : memref<1x1x1x80xi32, #tpu.memory_space<hbm>> -> memref<1x80xi32, #tpu.memory_space<hbm>>
      tpu.enqueue_dma source(%dma_start3A_445 : memref<1x80xi32, #tpu.memory_space<hbm>>) target(%arg11 : memref<1x80xi32, #tpu.memory_space<vmem>>) target_semaphore(%arg18 : memref<!tpu.dma_semaphore, #tpu.memory_space<semaphore_mem>>)
      %dma_wait3A_446 = arith.constant 0 : i32
      %dma_wait3A_447 = arith.constant 0 : i32
      %dma_wait3A_448 = tpu.memref_slice %arg6[%dma_wait3A_446, %dma_wait3A_447] : memref<1x80xi32, #tpu.memory_space<vmem>> -> memref<1x80xi32, #tpu.memory_space<vmem>>
      %dma_wait3A_449 = tpu.memref_squeeze %dma_wait3A_448 : memref<1x80xi32, #tpu.memory_space<vmem>> -> memref<80xi32, #tpu.memory_space<vmem>>
      %dma_wait3A_450 = arith.constant 0 : i32
      %dma_wait3A_451 = arith.constant 0 : i32
      %dma_wait3A_452 = tpu.memref_slice %arg2[%dma_wait3A_450, %dma_wait3A_451] : memref<10000x128xf32, #tpu.memory_space<hbm>> -> memref<10000x128xf32, #tpu.memory_space<hbm>>
      tpu.wait_indirect_dma semaphore(%arg19 : memref<!tpu.dma_semaphore, #tpu.memory_space<semaphore_mem>>) src(%dma_wait3A_452 : memref<10000x128xf32, #tpu.memory_space<hbm>>) dst(%arg12 : memref<80x128xf32, #tpu.memory_space<vmem>>)
      %dma_start3A_453 = arith.constant 0 : i32
      %dma_start3A_454 = arith.constant 0 : i32
      %dma_start3A_455 = tpu.memref_slice %arg9[%dma_start3A_453, %dma_start3A_454] : memref<1x80xi32, #tpu.memory_space<vmem>> -> memref<1x80xi32, #tpu.memory_space<vmem>>
      %dma_start3A_456 = tpu.memref_squeeze %dma_start3A_455 : memref<1x80xi32, #tpu.memory_space<vmem>> -> memref<80xi32, #tpu.memory_space<vmem>>
      %dma_start3A_457 = arith.constant 0 : i32
      %dma_start3A_458 = arith.constant 0 : i32
      %dma_start3A_459 = tpu.memref_slice %arg15[%dma_start3A_457, %dma_start3A_458] : memref<10240x128xf32, #tpu.memory_space<vmem_shared>> -> memref<10240x128xf32, #tpu.memory_space<vmem_shared>>
      tpu.enqueue_indirect_dma source(%arg12 : memref<80x128xf32, #tpu.memory_space<vmem>>) target(%dma_start3A_459 : memref<10240x128xf32, #tpu.memory_space<vmem_shared>>) offsets(%dma_start3A_456 : memref<80xi32, #tpu.memory_space<vmem>>) semaphore(%arg22 : memref<!tpu.dma_semaphore, #tpu.memory_space<semaphore_mem>>) {add = true}
      %add3A_460 = arith.constant 2 : i32
      %add3A_461 = arith.addi %add3A_420, %add3A_460 : i32
      %dma_wait3A_462 = arith.constant 0 : i32
      %dma_wait3A_463 = arith.constant 0 : i32
      %dma_wait3A_464 = tpu.memref_slice %arg3[%add3A, %add3A_461, %dma_wait3A_462, %dma_wait3A_463] : memref<32x125x1x80xi32, #tpu.memory_space<hbm>> -> memref<1x1x1x80xi32, #tpu.memory_space<hbm>>
      %dma_wait3A_465 = tpu.memref_squeeze %dma_wait3A_464 : memref<1x1x1x80xi32, #tpu.memory_space<hbm>> -> memref<1x80xi32, #tpu.memory_space<hbm>>
      %dma_wait3A_466 = arith.constant 0 : i32
      %dma_wait3A_467 = arith.constant 0 : i32
      %dma_wait3A_468 = tpu.memref_slice %arg3[%add3A, %add3A_461, %dma_wait3A_466, %dma_wait3A_467] : memref<32x125x1x80xi32, #tpu.memory_space<hbm>> -> memref<1x1x1x80xi32, #tpu.memory_space<hbm>>
      %dma_wait3A_469 = tpu.memref_squeeze %dma_wait3A_468 : memref<1x1x1x80xi32, #tpu.memory_space<hbm>> -> memref<1x80xi32, #tpu.memory_space<hbm>>
      tpu.wait_dma2 semaphore(%arg18 : memref<!tpu.dma_semaphore, #tpu.memory_space<semaphore_mem>>) src(%dma_wait3A_469 : memref<1x80xi32, #tpu.memory_space<hbm>>) dst(%arg8 : memref<1x80xi32, #tpu.memory_space<vmem>>)
      %dma_wait3A_470 = arith.constant 0 : i32
      %dma_wait3A_471 = arith.constant 0 : i32
      %dma_wait3A_472 = tpu.memref_slice %arg4[%add3A, %add3A_461, %dma_wait3A_470, %dma_wait3A_471] : memref<32x125x1x80xi32, #tpu.memory_space<hbm>> -> memref<1x1x1x80xi32, #tpu.memory_space<hbm>>
      %dma_wait3A_473 = tpu.memref_squeeze %dma_wait3A_472 : memref<1x1x1x80xi32, #tpu.memory_space<hbm>> -> memref<1x80xi32, #tpu.memory_space<hbm>>
      %dma_wait3A_474 = arith.constant 0 : i32
      %dma_wait3A_475 = arith.constant 0 : i32
      %dma_wait3A_476 = tpu.memref_slice %arg4[%add3A, %add3A_461, %dma_wait3A_474, %dma_wait3A_475] : memref<32x125x1x80xi32, #tpu.memory_space<hbm>> -> memref<1x1x1x80xi32, #tpu.memory_space<hbm>>
      %dma_wait3A_477 = tpu.memref_squeeze %dma_wait3A_476 : memref<1x1x1x80xi32, #tpu.memory_space<hbm>> -> memref<1x80xi32, #tpu.memory_space<hbm>>
      tpu.wait_dma2 semaphore(%arg18 : memref<!tpu.dma_semaphore, #tpu.memory_space<semaphore_mem>>) src(%dma_wait3A_477 : memref<1x80xi32, #tpu.memory_space<hbm>>) dst(%arg11 : memref<1x80xi32, #tpu.memory_space<vmem>>)
      %dma_start3A_478 = arith.constant 0 : i32
      %dma_start3A_479 = arith.constant 0 : i32
      %dma_start3A_480 = tpu.memref_slice %arg8[%dma_start3A_478, %dma_start3A_479] : memref<1x80xi32, #tpu.memory_space<vmem>> -> memref<1x80xi32, #tpu.memory_space<vmem>>
      %dma_start3A_481 = tpu.memref_squeeze %dma_start3A_480 : memref<1x80xi32, #tpu.memory_space<vmem>> -> memref<80xi32, #tpu.memory_space<vmem>>
      %dma_start3A_482 = arith.constant 0 : i32
      %dma_start3A_483 = arith.constant 0 : i32
      %dma_start3A_484 = tpu.memref_slice %arg2[%dma_start3A_482, %dma_start3A_483] : memref<10000x128xf32, #tpu.memory_space<hbm>> -> memref<10000x128xf32, #tpu.memory_space<hbm>>
      tpu.enqueue_indirect_dma source(%dma_start3A_484 : memref<10000x128xf32, #tpu.memory_space<hbm>>) target(%arg14 : memref<80x128xf32, #tpu.memory_space<vmem>>) offsets(%dma_start3A_481 : memref<80xi32, #tpu.memory_space<vmem>>) semaphore(%arg21 : memref<!tpu.dma_semaphore, #tpu.memory_space<semaphore_mem>>)
      %add3A_485 = arith.constant 2 : i32
      %add3A_486 = arith.addi %add3A_354, %add3A_485 : i32
      %dma_wait3A_487 = arith.constant 0 : i32
      %dma_wait3A_488 = arith.constant 0 : i32
      %dma_wait3A_489 = tpu.memref_slice %arg9[%dma_wait3A_487, %dma_wait3A_488] : memref<1x80xi32, #tpu.memory_space<vmem>> -> memref<1x80xi32, #tpu.memory_space<vmem>>
      %dma_wait3A_490 = tpu.memref_squeeze %dma_wait3A_489 : memref<1x80xi32, #tpu.memory_space<vmem>> -> memref<80xi32, #tpu.memory_space<vmem>>
      %dma_wait3A_491 = arith.constant 0 : i32
      %dma_wait3A_492 = arith.constant 0 : i32
      %dma_wait3A_493 = tpu.memref_slice %arg15[%dma_wait3A_491, %dma_wait3A_492] : memref<10240x128xf32, #tpu.memory_space<vmem_shared>> -> memref<10240x128xf32, #tpu.memory_space<vmem_shared>>
      tpu.wait_indirect_dma semaphore(%arg22 : memref<!tpu.dma_semaphore, #tpu.memory_space<semaphore_mem>>) src(%arg12 : memref<80x128xf32, #tpu.memory_space<vmem>>) dst(%dma_wait3A_493 : memref<10240x128xf32, #tpu.memory_space<vmem_shared>>)
      %add3A_494 = arith.constant 2 : i32
      %add3A_495 = arith.addi %add3A_486, %add3A_494 : i32
      %dma_start3A_496 = arith.constant 0 : i32
      %dma_start3A_497 = arith.constant 0 : i32
      %dma_start3A_498 = tpu.memref_slice %arg3[%add3A, %add3A_495, %dma_start3A_496, %dma_start3A_497] : memref<32x125x1x80xi32, #tpu.memory_space<hbm>> -> memref<1x1x1x80xi32, #tpu.memory_space<hbm>>
      %dma_start3A_499 = tpu.memref_squeeze %dma_start3A_498 : memref<1x1x1x80xi32, #tpu.memory_space<hbm>> -> memref<1x80xi32, #tpu.memory_space<hbm>>
      %dma_start3A_500 = arith.constant 0 : i32
      %dma_start3A_501 = arith.constant 0 : i32
      %dma_start3A_502 = tpu.memref_slice %arg3[%add3A, %add3A_495, %dma_start3A_500, %dma_start3A_501] : memref<32x125x1x80xi32, #tpu.memory_space<hbm>> -> memref<1x1x1x80xi32, #tpu.memory_space<hbm>>
      %dma_start3A_503 = tpu.memref_squeeze %dma_start3A_502 : memref<1x1x1x80xi32, #tpu.memory_space<hbm>> -> memref<1x80xi32, #tpu.memory_space<hbm>>
      tpu.enqueue_dma source(%dma_start3A_503 : memref<1x80xi32, #tpu.memory_space<hbm>>) target(%arg6 : memref<1x80xi32, #tpu.memory_space<vmem>>) target_semaphore(%arg16 : memref<!tpu.dma_semaphore, #tpu.memory_space<semaphore_mem>>)
      %dma_start3A_504 = arith.constant 0 : i32
      %dma_start3A_505 = arith.constant 0 : i32
      %dma_start3A_506 = tpu.memref_slice %arg4[%add3A, %add3A_495, %dma_start3A_504, %dma_start3A_505] : memref<32x125x1x80xi32, #tpu.memory_space<hbm>> -> memref<1x1x1x80xi32, #tpu.memory_space<hbm>>
      %dma_start3A_507 = tpu.memref_squeeze %dma_start3A_506 : memref<1x1x1x80xi32, #tpu.memory_space<hbm>> -> memref<1x80xi32, #tpu.memory_space<hbm>>
      %dma_start3A_508 = arith.constant 0 : i32
      %dma_start3A_509 = arith.constant 0 : i32
      %dma_start3A_510 = tpu.memref_slice %arg4[%add3A, %add3A_495, %dma_start3A_508, %dma_start3A_509] : memref<32x125x1x80xi32, #tpu.memory_space<hbm>> -> memref<1x1x1x80xi32, #tpu.memory_space<hbm>>
      %dma_start3A_511 = tpu.memref_squeeze %dma_start3A_510 : memref<1x1x1x80xi32, #tpu.memory_space<hbm>> -> memref<1x80xi32, #tpu.memory_space<hbm>>
      tpu.enqueue_dma source(%dma_start3A_511 : memref<1x80xi32, #tpu.memory_space<hbm>>) target(%arg9 : memref<1x80xi32, #tpu.memory_space<vmem>>) target_semaphore(%arg16 : memref<!tpu.dma_semaphore, #tpu.memory_space<semaphore_mem>>)
      %dma_wait3A_512 = arith.constant 0 : i32
      %dma_wait3A_513 = arith.constant 0 : i32
      %dma_wait3A_514 = tpu.memref_slice %arg7[%dma_wait3A_512, %dma_wait3A_513] : memref<1x80xi32, #tpu.memory_space<vmem>> -> memref<1x80xi32, #tpu.memory_space<vmem>>
      %dma_wait3A_515 = tpu.memref_squeeze %dma_wait3A_514 : memref<1x80xi32, #tpu.memory_space<vmem>> -> memref<80xi32, #tpu.memory_space<vmem>>
      %dma_wait3A_516 = arith.constant 0 : i32
      %dma_wait3A_517 = arith.constant 0 : i32
      %dma_wait3A_518 = tpu.memref_slice %arg2[%dma_wait3A_516, %dma_wait3A_517] : memref<10000x128xf32, #tpu.memory_space<hbm>> -> memref<10000x128xf32, #tpu.memory_space<hbm>>
      tpu.wait_indirect_dma semaphore(%arg20 : memref<!tpu.dma_semaphore, #tpu.memory_space<semaphore_mem>>) src(%dma_wait3A_518 : memref<10000x128xf32, #tpu.memory_space<hbm>>) dst(%arg13 : memref<80x128xf32, #tpu.memory_space<vmem>>)
      %dma_start3A_519 = arith.constant 0 : i32
      %dma_start3A_520 = arith.constant 0 : i32
      %dma_start3A_521 = tpu.memref_slice %arg10[%dma_start3A_519, %dma_start3A_520] : memref<1x80xi32, #tpu.memory_space<vmem>> -> memref<1x80xi32, #tpu.memory_space<vmem>>
      %dma_start3A_522 = tpu.memref_squeeze %dma_start3A_521 : memref<1x80xi32, #tpu.memory_space<vmem>> -> memref<80xi32, #tpu.memory_space<vmem>>
      %dma_start3A_523 = arith.constant 0 : i32
      %dma_start3A_524 = arith.constant 0 : i32
      %dma_start3A_525 = tpu.memref_slice %arg15[%dma_start3A_523, %dma_start3A_524] : memref<10240x128xf32, #tpu.memory_space<vmem_shared>> -> memref<10240x128xf32, #tpu.memory_space<vmem_shared>>
      tpu.enqueue_indirect_dma source(%arg13 : memref<80x128xf32, #tpu.memory_space<vmem>>) target(%dma_start3A_525 : memref<10240x128xf32, #tpu.memory_space<vmem_shared>>) offsets(%dma_start3A_522 : memref<80xi32, #tpu.memory_space<vmem>>) semaphore(%arg23 : memref<!tpu.dma_semaphore, #tpu.memory_space<semaphore_mem>>) {add = true}
      %add3A_526 = arith.constant 2 : i32
      %add3A_527 = arith.addi %add3A_486, %add3A_526 : i32
      %dma_wait3A_528 = arith.constant 0 : i32
      %dma_wait3A_529 = arith.constant 0 : i32
      %dma_wait3A_530 = tpu.memref_slice %arg3[%add3A, %add3A_527, %dma_wait3A_528, %dma_wait3A_529] : memref<32x125x1x80xi32, #tpu.memory_space<hbm>> -> memref<1x1x1x80xi32, #tpu.memory_space<hbm>>
      %dma_wait3A_531 = tpu.memref_squeeze %dma_wait3A_530 : memref<1x1x1x80xi32, #tpu.memory_space<hbm>> -> memref<1x80xi32, #tpu.memory_space<hbm>>
      %dma_wait3A_532 = arith.constant 0 : i32
      %dma_wait3A_533 = arith.constant 0 : i32
      %dma_wait3A_534 = tpu.memref_slice %arg3[%add3A, %add3A_527, %dma_wait3A_532, %dma_wait3A_533] : memref<32x125x1x80xi32, #tpu.memory_space<hbm>> -> memref<1x1x1x80xi32, #tpu.memory_space<hbm>>
      %dma_wait3A_535 = tpu.memref_squeeze %dma_wait3A_534 : memref<1x1x1x80xi32, #tpu.memory_space<hbm>> -> memref<1x80xi32, #tpu.memory_space<hbm>>
      tpu.wait_dma2 semaphore(%arg16 : memref<!tpu.dma_semaphore, #tpu.memory_space<semaphore_mem>>) src(%dma_wait3A_535 : memref<1x80xi32, #tpu.memory_space<hbm>>) dst(%arg6 : memref<1x80xi32, #tpu.memory_space<vmem>>)
      %dma_wait3A_536 = arith.constant 0 : i32
      %dma_wait3A_537 = arith.constant 0 : i32
      %dma_wait3A_538 = tpu.memref_slice %arg4[%add3A, %add3A_527, %dma_wait3A_536, %dma_wait3A_537] : memref<32x125x1x80xi32, #tpu.memory_space<hbm>> -> memref<1x1x1x80xi32, #tpu.memory_space<hbm>>
      %dma_wait3A_539 = tpu.memref_squeeze %dma_wait3A_538 : memref<1x1x1x80xi32, #tpu.memory_space<hbm>> -> memref<1x80xi32, #tpu.memory_space<hbm>>
      %dma_wait3A_540 = arith.constant 0 : i32
      %dma_wait3A_541 = arith.constant 0 : i32
      %dma_wait3A_542 = tpu.memref_slice %arg4[%add3A, %add3A_527, %dma_wait3A_540, %dma_wait3A_541] : memref<32x125x1x80xi32, #tpu.memory_space<hbm>> -> memref<1x1x1x80xi32, #tpu.memory_space<hbm>>
      %dma_wait3A_543 = tpu.memref_squeeze %dma_wait3A_542 : memref<1x1x1x80xi32, #tpu.memory_space<hbm>> -> memref<1x80xi32, #tpu.memory_space<hbm>>
      tpu.wait_dma2 semaphore(%arg16 : memref<!tpu.dma_semaphore, #tpu.memory_space<semaphore_mem>>) src(%dma_wait3A_543 : memref<1x80xi32, #tpu.memory_space<hbm>>) dst(%arg9 : memref<1x80xi32, #tpu.memory_space<vmem>>)
      %dma_start3A_544 = arith.constant 0 : i32
      %dma_start3A_545 = arith.constant 0 : i32
      %dma_start3A_546 = tpu.memref_slice %arg6[%dma_start3A_544, %dma_start3A_545] : memref<1x80xi32, #tpu.memory_space<vmem>> -> memref<1x80xi32, #tpu.memory_space<vmem>>
      %dma_start3A_547 = tpu.memref_squeeze %dma_start3A_546 : memref<1x80xi32, #tpu.memory_space<vmem>> -> memref<80xi32, #tpu.memory_space<vmem>>
      %dma_start3A_548 = arith.constant 0 : i32
      %dma_start3A_549 = arith.constant 0 : i32
      %dma_start3A_550 = tpu.memref_slice %arg2[%dma_start3A_548, %dma_start3A_549] : memref<10000x128xf32, #tpu.memory_space<hbm>> -> memref<10000x128xf32, #tpu.memory_space<hbm>>
      tpu.enqueue_indirect_dma source(%dma_start3A_550 : memref<10000x128xf32, #tpu.memory_space<hbm>>) target(%arg12 : memref<80x128xf32, #tpu.memory_space<vmem>>) offsets(%dma_start3A_547 : memref<80xi32, #tpu.memory_space<vmem>>) semaphore(%arg19 : memref<!tpu.dma_semaphore, #tpu.memory_space<semaphore_mem>>)
    }
    %scan3A_235 = arith.constant 40 : i32
    %dma_wait3A_236 = arith.constant 0 : i32
    %dma_wait3A_237 = arith.constant 0 : i32
    %dma_wait3A_238 = tpu.memref_slice %arg10[%dma_wait3A_236, %dma_wait3A_237] : memref<1x80xi32, #tpu.memory_space<vmem>> -> memref<1x80xi32, #tpu.memory_space<vmem>>
    %dma_wait3A_239 = tpu.memref_squeeze %dma_wait3A_238 : memref<1x80xi32, #tpu.memory_space<vmem>> -> memref<80xi32, #tpu.memory_space<vmem>>
    %dma_wait3A_240 = arith.constant 0 : i32
    %dma_wait3A_241 = arith.constant 0 : i32
    %dma_wait3A_242 = tpu.memref_slice %arg15[%dma_wait3A_240, %dma_wait3A_241] : memref<10240x128xf32, #tpu.memory_space<vmem_shared>> -> memref<10240x128xf32, #tpu.memory_space<vmem_shared>>
    tpu.wait_indirect_dma semaphore(%arg23 : memref<!tpu.dma_semaphore, #tpu.memory_space<semaphore_mem>>) src(%arg13 : memref<80x128xf32, #tpu.memory_space<vmem>>) dst(%dma_wait3A_242 : memref<10240x128xf32, #tpu.memory_space<vmem_shared>>)
    %dma_start3A_243 = arith.constant 124 : i32
    %dma_start3A_244 = arith.constant 0 : i32
    %dma_start3A_245 = arith.constant 0 : i32
    %dma_start3A_246 = tpu.memref_slice %arg3[%add3A, %dma_start3A_243, %dma_start3A_244, %dma_start3A_245] : memref<32x125x1x80xi32, #tpu.memory_space<hbm>> -> memref<1x1x1x80xi32, #tpu.memory_space<hbm>>
    %dma_start3A_247 = tpu.memref_squeeze %dma_start3A_246 : memref<1x1x1x80xi32, #tpu.memory_space<hbm>> -> memref<1x80xi32, #tpu.memory_space<hbm>>
    %dma_start3A_248 = arith.constant 0 : i32
    %dma_start3A_249 = arith.constant 0 : i32
    %dma_start3A_250 = tpu.memref_slice %arg3[%add3A, %dma_start3A_243, %dma_start3A_248, %dma_start3A_249] : memref<32x125x1x80xi32, #tpu.memory_space<hbm>> -> memref<1x1x1x80xi32, #tpu.memory_space<hbm>>
    %dma_start3A_251 = tpu.memref_squeeze %dma_start3A_250 : memref<1x1x1x80xi32, #tpu.memory_space<hbm>> -> memref<1x80xi32, #tpu.memory_space<hbm>>
    tpu.enqueue_dma source(%dma_start3A_251 : memref<1x80xi32, #tpu.memory_space<hbm>>) target(%arg7 : memref<1x80xi32, #tpu.memory_space<vmem>>) target_semaphore(%arg17 : memref<!tpu.dma_semaphore, #tpu.memory_space<semaphore_mem>>)
    %dma_start3A_252 = arith.constant 124 : i32
    %dma_start3A_253 = arith.constant 0 : i32
    %dma_start3A_254 = arith.constant 0 : i32
    %dma_start3A_255 = tpu.memref_slice %arg4[%add3A, %dma_start3A_252, %dma_start3A_253, %dma_start3A_254] : memref<32x125x1x80xi32, #tpu.memory_space<hbm>> -> memref<1x1x1x80xi32, #tpu.memory_space<hbm>>
    %dma_start3A_256 = tpu.memref_squeeze %dma_start3A_255 : memref<1x1x1x80xi32, #tpu.memory_space<hbm>> -> memref<1x80xi32, #tpu.memory_space<hbm>>
    %dma_start3A_257 = arith.constant 0 : i32
    %dma_start3A_258 = arith.constant 0 : i32
    %dma_start3A_259 = tpu.memref_slice %arg4[%add3A, %dma_start3A_252, %dma_start3A_257, %dma_start3A_258] : memref<32x125x1x80xi32, #tpu.memory_space<hbm>> -> memref<1x1x1x80xi32, #tpu.memory_space<hbm>>
    %dma_start3A_260 = tpu.memref_squeeze %dma_start3A_259 : memref<1x1x1x80xi32, #tpu.memory_space<hbm>> -> memref<1x80xi32, #tpu.memory_space<hbm>>
    tpu.enqueue_dma source(%dma_start3A_260 : memref<1x80xi32, #tpu.memory_space<hbm>>) target(%arg10 : memref<1x80xi32, #tpu.memory_space<vmem>>) target_semaphore(%arg17 : memref<!tpu.dma_semaphore, #tpu.memory_space<semaphore_mem>>)
    %dma_wait3A_261 = arith.constant 0 : i32
    %dma_wait3A_262 = arith.constant 0 : i32
    %dma_wait3A_263 = tpu.memref_slice %arg8[%dma_wait3A_261, %dma_wait3A_262] : memref<1x80xi32, #tpu.memory_space<vmem>> -> memref<1x80xi32, #tpu.memory_space<vmem>>
    %dma_wait3A_264 = tpu.memref_squeeze %dma_wait3A_263 : memref<1x80xi32, #tpu.memory_space<vmem>> -> memref<80xi32, #tpu.memory_space<vmem>>
    %dma_wait3A_265 = arith.constant 0 : i32
    %dma_wait3A_266 = arith.constant 0 : i32
    %dma_wait3A_267 = tpu.memref_slice %arg2[%dma_wait3A_265, %dma_wait3A_266] : memref<10000x128xf32, #tpu.memory_space<hbm>> -> memref<10000x128xf32, #tpu.memory_space<hbm>>
    tpu.wait_indirect_dma semaphore(%arg21 : memref<!tpu.dma_semaphore, #tpu.memory_space<semaphore_mem>>) src(%dma_wait3A_267 : memref<10000x128xf32, #tpu.memory_space<hbm>>) dst(%arg14 : memref<80x128xf32, #tpu.memory_space<vmem>>)
    %dma_start3A_268 = arith.constant 0 : i32
    %dma_start3A_269 = arith.constant 0 : i32
    %dma_start3A_270 = tpu.memref_slice %arg11[%dma_start3A_268, %dma_start3A_269] : memref<1x80xi32, #tpu.memory_space<vmem>> -> memref<1x80xi32, #tpu.memory_space<vmem>>
    %dma_start3A_271 = tpu.memref_squeeze %dma_start3A_270 : memref<1x80xi32, #tpu.memory_space<vmem>> -> memref<80xi32, #tpu.memory_space<vmem>>
    %dma_start3A_272 = arith.constant 0 : i32
    %dma_start3A_273 = arith.constant 0 : i32
    %dma_start3A_274 = tpu.memref_slice %arg15[%dma_start3A_272, %dma_start3A_273] : memref<10240x128xf32, #tpu.memory_space<vmem_shared>> -> memref<10240x128xf32, #tpu.memory_space<vmem_shared>>
    tpu.enqueue_indirect_dma source(%arg14 : memref<80x128xf32, #tpu.memory_space<vmem>>) target(%dma_start3A_274 : memref<10240x128xf32, #tpu.memory_space<vmem_shared>>) offsets(%dma_start3A_271 : memref<80xi32, #tpu.memory_space<vmem>>) semaphore(%arg24 : memref<!tpu.dma_semaphore, #tpu.memory_space<semaphore_mem>>) {add = true}
    %dma_wait3A_275 = arith.constant 124 : i32
    %dma_wait3A_276 = arith.constant 0 : i32
    %dma_wait3A_277 = arith.constant 0 : i32
    %dma_wait3A_278 = tpu.memref_slice %arg3[%add3A, %dma_wait3A_275, %dma_wait3A_276, %dma_wait3A_277] : memref<32x125x1x80xi32, #tpu.memory_space<hbm>> -> memref<1x1x1x80xi32, #tpu.memory_space<hbm>>
    %dma_wait3A_279 = tpu.memref_squeeze %dma_wait3A_278 : memref<1x1x1x80xi32, #tpu.memory_space<hbm>> -> memref<1x80xi32, #tpu.memory_space<hbm>>
    %dma_wait3A_280 = arith.constant 0 : i32
    %dma_wait3A_281 = arith.constant 0 : i32
    %dma_wait3A_282 = tpu.memref_slice %arg3[%add3A, %dma_wait3A_275, %dma_wait3A_280, %dma_wait3A_281] : memref<32x125x1x80xi32, #tpu.memory_space<hbm>> -> memref<1x1x1x80xi32, #tpu.memory_space<hbm>>
    %dma_wait3A_283 = tpu.memref_squeeze %dma_wait3A_282 : memref<1x1x1x80xi32, #tpu.memory_space<hbm>> -> memref<1x80xi32, #tpu.memory_space<hbm>>
    tpu.wait_dma2 semaphore(%arg17 : memref<!tpu.dma_semaphore, #tpu.memory_space<semaphore_mem>>) src(%dma_wait3A_283 : memref<1x80xi32, #tpu.memory_space<hbm>>) dst(%arg7 : memref<1x80xi32, #tpu.memory_space<vmem>>)
    %dma_wait3A_284 = arith.constant 124 : i32
    %dma_wait3A_285 = arith.constant 0 : i32
    %dma_wait3A_286 = arith.constant 0 : i32
    %dma_wait3A_287 = tpu.memref_slice %arg4[%add3A, %dma_wait3A_284, %dma_wait3A_285, %dma_wait3A_286] : memref<32x125x1x80xi32, #tpu.memory_space<hbm>> -> memref<1x1x1x80xi32, #tpu.memory_space<hbm>>
    %dma_wait3A_288 = tpu.memref_squeeze %dma_wait3A_287 : memref<1x1x1x80xi32, #tpu.memory_space<hbm>> -> memref<1x80xi32, #tpu.memory_space<hbm>>
    %dma_wait3A_289 = arith.constant 0 : i32
    %dma_wait3A_290 = arith.constant 0 : i32
    %dma_wait3A_291 = tpu.memref_slice %arg4[%add3A, %dma_wait3A_284, %dma_wait3A_289, %dma_wait3A_290] : memref<32x125x1x80xi32, #tpu.memory_space<hbm>> -> memref<1x1x1x80xi32, #tpu.memory_space<hbm>>
    %dma_wait3A_292 = tpu.memref_squeeze %dma_wait3A_291 : memref<1x1x1x80xi32, #tpu.memory_space<hbm>> -> memref<1x80xi32, #tpu.memory_space<hbm>>
    tpu.wait_dma2 semaphore(%arg17 : memref<!tpu.dma_semaphore, #tpu.memory_space<semaphore_mem>>) src(%dma_wait3A_292 : memref<1x80xi32, #tpu.memory_space<hbm>>) dst(%arg10 : memref<1x80xi32, #tpu.memory_space<vmem>>)
    %dma_start3A_293 = arith.constant 0 : i32
    %dma_start3A_294 = arith.constant 0 : i32
    %dma_start3A_295 = tpu.memref_slice %arg7[%dma_start3A_293, %dma_start3A_294] : memref<1x80xi32, #tpu.memory_space<vmem>> -> memref<1x80xi32, #tpu.memory_space<vmem>>
    %dma_start3A_296 = tpu.memref_squeeze %dma_start3A_295 : memref<1x80xi32, #tpu.memory_space<vmem>> -> memref<80xi32, #tpu.memory_space<vmem>>
    %dma_start3A_297 = arith.constant 0 : i32
    %dma_start3A_298 = arith.constant 0 : i32
    %dma_start3A_299 = tpu.memref_slice %arg2[%dma_start3A_297, %dma_start3A_298] : memref<10000x128xf32, #tpu.memory_space<hbm>> -> memref<10000x128xf32, #tpu.memory_space<hbm>>
    tpu.enqueue_indirect_dma source(%dma_start3A_299 : memref<10000x128xf32, #tpu.memory_space<hbm>>) target(%arg13 : memref<80x128xf32, #tpu.memory_space<vmem>>) offsets(%dma_start3A_296 : memref<80xi32, #tpu.memory_space<vmem>>) semaphore(%arg20 : memref<!tpu.dma_semaphore, #tpu.memory_space<semaphore_mem>>)
    %dma_wait3A_300 = arith.constant 0 : i32
    %dma_wait3A_301 = arith.constant 0 : i32
    %dma_wait3A_302 = tpu.memref_slice %arg11[%dma_wait3A_300, %dma_wait3A_301] : memref<1x80xi32, #tpu.memory_space<vmem>> -> memref<1x80xi32, #tpu.memory_space<vmem>>
    %dma_wait3A_303 = tpu.memref_squeeze %dma_wait3A_302 : memref<1x80xi32, #tpu.memory_space<vmem>> -> memref<80xi32, #tpu.memory_space<vmem>>
    %dma_wait3A_304 = arith.constant 0 : i32
    %dma_wait3A_305 = arith.constant 0 : i32
    %dma_wait3A_306 = tpu.memref_slice %arg15[%dma_wait3A_304, %dma_wait3A_305] : memref<10240x128xf32, #tpu.memory_space<vmem_shared>> -> memref<10240x128xf32, #tpu.memory_space<vmem_shared>>
    tpu.wait_indirect_dma semaphore(%arg24 : memref<!tpu.dma_semaphore, #tpu.memory_space<semaphore_mem>>) src(%arg14 : memref<80x128xf32, #tpu.memory_space<vmem>>) dst(%dma_wait3A_306 : memref<10240x128xf32, #tpu.memory_space<vmem_shared>>)
    %dma_wait3A_307 = arith.constant 0 : i32
    %dma_wait3A_308 = arith.constant 0 : i32
    %dma_wait3A_309 = tpu.memref_slice %arg6[%dma_wait3A_307, %dma_wait3A_308] : memref<1x80xi32, #tpu.memory_space<vmem>> -> memref<1x80xi32, #tpu.memory_space<vmem>>
    %dma_wait3A_310 = tpu.memref_squeeze %dma_wait3A_309 : memref<1x80xi32, #tpu.memory_space<vmem>> -> memref<80xi32, #tpu.memory_space<vmem>>
    %dma_wait3A_311 = arith.constant 0 : i32
    %dma_wait3A_312 = arith.constant 0 : i32
    %dma_wait3A_313 = tpu.memref_slice %arg2[%dma_wait3A_311, %dma_wait3A_312] : memref<10000x128xf32, #tpu.memory_space<hbm>> -> memref<10000x128xf32, #tpu.memory_space<hbm>>
    tpu.wait_indirect_dma semaphore(%arg19 : memref<!tpu.dma_semaphore, #tpu.memory_space<semaphore_mem>>) src(%dma_wait3A_313 : memref<10000x128xf32, #tpu.memory_space<hbm>>) dst(%arg12 : memref<80x128xf32, #tpu.memory_space<vmem>>)
    %dma_start3A_314 = arith.constant 0 : i32
    %dma_start3A_315 = arith.constant 0 : i32
    %dma_start3A_316 = tpu.memref_slice %arg9[%dma_start3A_314, %dma_start3A_315] : memref<1x80xi32, #tpu.memory_space<vmem>> -> memref<1x80xi32, #tpu.memory_space<vmem>>
    %dma_start3A_317 = tpu.memref_squeeze %dma_start3A_316 : memref<1x80xi32, #tpu.memory_space<vmem>> -> memref<80xi32, #tpu.memory_space<vmem>>
    %dma_start3A_318 = arith.constant 0 : i32
    %dma_start3A_319 = arith.constant 0 : i32
    %dma_start3A_320 = tpu.memref_slice %arg15[%dma_start3A_318, %dma_start3A_319] : memref<10240x128xf32, #tpu.memory_space<vmem_shared>> -> memref<10240x128xf32, #tpu.memory_space<vmem_shared>>
    tpu.enqueue_indirect_dma source(%arg12 : memref<80x128xf32, #tpu.memory_space<vmem>>) target(%dma_start3A_320 : memref<10240x128xf32, #tpu.memory_space<vmem_shared>>) offsets(%dma_start3A_317 : memref<80xi32, #tpu.memory_space<vmem>>) semaphore(%arg22 : memref<!tpu.dma_semaphore, #tpu.memory_space<semaphore_mem>>) {add = true}
    %dma_wait3A_321 = arith.constant 0 : i32
    %dma_wait3A_322 = arith.constant 0 : i32
    %dma_wait3A_323 = tpu.memref_slice %arg9[%dma_wait3A_321, %dma_wait3A_322] : memref<1x80xi32, #tpu.memory_space<vmem>> -> memref<1x80xi32, #tpu.memory_space<vmem>>
    %dma_wait3A_324 = tpu.memref_squeeze %dma_wait3A_323 : memref<1x80xi32, #tpu.memory_space<vmem>> -> memref<80xi32, #tpu.memory_space<vmem>>
    %dma_wait3A_325 = arith.constant 0 : i32
    %dma_wait3A_326 = arith.constant 0 : i32
    %dma_wait3A_327 = tpu.memref_slice %arg15[%dma_wait3A_325, %dma_wait3A_326] : memref<10240x128xf32, #tpu.memory_space<vmem_shared>> -> memref<10240x128xf32, #tpu.memory_space<vmem_shared>>
    tpu.wait_indirect_dma semaphore(%arg22 : memref<!tpu.dma_semaphore, #tpu.memory_space<semaphore_mem>>) src(%arg12 : memref<80x128xf32, #tpu.memory_space<vmem>>) dst(%dma_wait3A_327 : memref<10240x128xf32, #tpu.memory_space<vmem_shared>>)
    %dma_wait3A_328 = arith.constant 0 : i32
    %dma_wait3A_329 = arith.constant 0 : i32
    %dma_wait3A_330 = tpu.memref_slice %arg7[%dma_wait3A_328, %dma_wait3A_329] : memref<1x80xi32, #tpu.memory_space<vmem>> -> memref<1x80xi32, #tpu.memory_space<vmem>>
    %dma_wait3A_331 = tpu.memref_squeeze %dma_wait3A_330 : memref<1x80xi32, #tpu.memory_space<vmem>> -> memref<80xi32, #tpu.memory_space<vmem>>
    %dma_wait3A_332 = arith.constant 0 : i32
    %dma_wait3A_333 = arith.constant 0 : i32
    %dma_wait3A_334 = tpu.memref_slice %arg2[%dma_wait3A_332, %dma_wait3A_333] : memref<10000x128xf32, #tpu.memory_space<hbm>> -> memref<10000x128xf32, #tpu.memory_space<hbm>>
    tpu.wait_indirect_dma semaphore(%arg20 : memref<!tpu.dma_semaphore, #tpu.memory_space<semaphore_mem>>) src(%dma_wait3A_334 : memref<10000x128xf32, #tpu.memory_space<hbm>>) dst(%arg13 : memref<80x128xf32, #tpu.memory_space<vmem>>)
    %dma_start3A_335 = arith.constant 0 : i32
    %dma_start3A_336 = arith.constant 0 : i32
    %dma_start3A_337 = tpu.memref_slice %arg10[%dma_start3A_335, %dma_start3A_336] : memref<1x80xi32, #tpu.memory_space<vmem>> -> memref<1x80xi32, #tpu.memory_space<vmem>>
    %dma_start3A_338 = tpu.memref_squeeze %dma_start3A_337 : memref<1x80xi32, #tpu.memory_space<vmem>> -> memref<80xi32, #tpu.memory_space<vmem>>
    %dma_start3A_339 = arith.constant 0 : i32
    %dma_start3A_340 = arith.constant 0 : i32
    %dma_start3A_341 = tpu.memref_slice %arg15[%dma_start3A_339, %dma_start3A_340] : memref<10240x128xf32, #tpu.memory_space<vmem_shared>> -> memref<10240x128xf32, #tpu.memory_space<vmem_shared>>
    tpu.enqueue_indirect_dma source(%arg13 : memref<80x128xf32, #tpu.memory_space<vmem>>) target(%dma_start3A_341 : memref<10240x128xf32, #tpu.memory_space<vmem_shared>>) offsets(%dma_start3A_338 : memref<80xi32, #tpu.memory_space<vmem>>) semaphore(%arg23 : memref<!tpu.dma_semaphore, #tpu.memory_space<semaphore_mem>>) {add = true}
    %dma_wait3A_342 = arith.constant 0 : i32
    %dma_wait3A_343 = arith.constant 0 : i32
    %dma_wait3A_344 = tpu.memref_slice %arg10[%dma_wait3A_342, %dma_wait3A_343] : memref<1x80xi32, #tpu.memory_space<vmem>> -> memref<1x80xi32, #tpu.memory_space<vmem>>
    %dma_wait3A_345 = tpu.memref_squeeze %dma_wait3A_344 : memref<1x80xi32, #tpu.memory_space<vmem>> -> memref<80xi32, #tpu.memory_space<vmem>>
    %dma_wait3A_346 = arith.constant 0 : i32
    %dma_wait3A_347 = arith.constant 0 : i32
    %dma_wait3A_348 = tpu.memref_slice %arg15[%dma_wait3A_346, %dma_wait3A_347] : memref<10240x128xf32, #tpu.memory_space<vmem_shared>> -> memref<10240x128xf32, #tpu.memory_space<vmem_shared>>
    tpu.wait_indirect_dma semaphore(%arg23 : memref<!tpu.dma_semaphore, #tpu.memory_space<semaphore_mem>>) src(%arg13 : memref<80x128xf32, #tpu.memory_space<vmem>>) dst(%dma_wait3A_348 : memref<10240x128xf32, #tpu.memory_space<vmem_shared>>)
    %barrier3A_349 = arith.constant 0 : index
    tpu.barrier barrier_id(%barrier3A_349)
    "tpu.region"() ({
      %run_scoped3A = tpu.sem_alloc : memref<!tpu.dma_semaphore, #tpu.memory_space<semaphore_mem>>
      %dma_start3A_350 = arith.constant 0 : i32
      %dma_start3A_351 = tpu.memref_slice %arg5[%arg0, %mul3A_8, %dma_start3A_350] : memref<2x10240x128xf32, #tpu.memory_space<hbm>> -> memref<1x640x128xf32, #tpu.memory_space<hbm>>
      %dma_start3A_352 = tpu.memref_squeeze %dma_start3A_351 : memref<1x640x128xf32, #tpu.memory_space<hbm>> -> memref<640x128xf32, #tpu.memory_space<hbm>>
      %dma_start3A_353 = arith.constant 0 : i32
      %dma_start3A_354 = tpu.memref_slice %arg15[%mul3A_8, %dma_start3A_353] : memref<10240x128xf32, #tpu.memory_space<vmem_shared>> -> memref<640x128xf32, #tpu.memory_space<vmem_shared>>
      tpu.enqueue_dma source(%dma_start3A_354 : memref<640x128xf32, #tpu.memory_space<vmem_shared>>) target(%dma_start3A_352 : memref<640x128xf32, #tpu.memory_space<hbm>>) target_semaphore(%run_scoped3A : memref<!tpu.dma_semaphore, #tpu.memory_space<semaphore_mem>>)
      %dma_wait3A_355 = arith.constant 0 : i32
      %dma_wait3A_356 = tpu.memref_slice %arg5[%arg0, %mul3A_8, %dma_wait3A_355] : memref<2x10240x128xf32, #tpu.memory_space<hbm>> -> memref<1x640x128xf32, #tpu.memory_space<hbm>>
      %dma_wait3A_357 = tpu.memref_squeeze %dma_wait3A_356 : memref<1x640x128xf32, #tpu.memory_space<hbm>> -> memref<640x128xf32, #tpu.memory_space<hbm>>
      %dma_wait3A_358 = arith.constant 0 : i32
      %dma_wait3A_359 = tpu.memref_slice %arg15[%mul3A_8, %dma_wait3A_358] : memref<10240x128xf32, #tpu.memory_space<vmem_shared>> -> memref<640x128xf32, #tpu.memory_space<vmem_shared>>
      tpu.wait_dma2 semaphore(%run_scoped3A : memref<!tpu.dma_semaphore, #tpu.memory_space<semaphore_mem>>) src(%dma_wait3A_359 : memref<640x128xf32, #tpu.memory_space<vmem_shared>>) dst(%dma_wait3A_357 : memref<640x128xf32, #tpu.memory_space<hbm>>)
      tpu.yield
    }) : () -> ()
    return
  }
}

#map = affine_map<(d0, d1) -> (0, 0)>
#map1 = affine_map<(d0, d1) -> (0, 0, 0, 0)>
#map2 = affine_map<(d0, d1) -> (0, 0, 0)>
module attributes {stable_mosaic.version = 14 : i64} {
  func.func @_sc_agg_body(%arg0: i32, %arg1: i32, %arg2: memref<10000x128xf32, #tpu.memory_space<hbm>>, %arg3: memref<32x125x1x80xi32, #tpu.memory_space<hbm>>, %arg4: memref<32x125x1x80xi32, #tpu.memory_space<hbm>>, %arg5: memref<2x10240x128xf32, #tpu.memory_space<hbm>>, %arg6: memref<1x80xi32, #tpu.memory_space<vmem>>, %arg7: memref<1x80xi32, #tpu.memory_space<vmem>>, %arg8: memref<1x80xi32, #tpu.memory_space<vmem>>, %arg9: memref<1x80xi32, #tpu.memory_space<vmem>>, %arg10: memref<1x80xi32, #tpu.memory_space<vmem>>, %arg11: memref<1x80xi32, #tpu.memory_space<vmem>>, %arg12: memref<80x128xf32, #tpu.memory_space<vmem>>, %arg13: memref<80x128xf32, #tpu.memory_space<vmem>>, %arg14: memref<80x128xf32, #tpu.memory_space<vmem>>, %arg15: memref<10240x128xf32, #tpu.memory_space<vmem_shared>>, %arg16: memref<!tpu.dma_semaphore, #tpu.memory_space<semaphore_mem>>, %arg17: memref<!tpu.dma_semaphore, #tpu.memory_space<semaphore_mem>>, %arg18: memref<!tpu.dma_semaphore, #tpu.memory_space<semaphore_mem>>, %arg19: memref<!tpu.dma_semaphore, #tpu.memory_space<semaphore_mem>>, %arg20: memref<!tpu.dma_semaphore, #tpu.memory_space<semaphore_mem>>, %arg21: memref<!tpu.dma_semaphore, #tpu.memory_space<semaphore_mem>>, %arg22: memref<!tpu.dma_semaphore, #tpu.memory_space<semaphore_mem>>, %arg23: memref<!tpu.dma_semaphore, #tpu.memory_space<semaphore_mem>>, %arg24: memref<!tpu.dma_semaphore, #tpu.memory_space<semaphore_mem>>) attributes {dimension_semantics = [#tpu.dimension_semantics<core_parallel>, #tpu.dimension_semantics<subcore_parallel>], iteration_bounds = array<i64: 2, 16>, scalar_prefetch = 0 : i64, scratch_operands = 19 : i64, tpu.core_type = #tpu.core_type<sc_vector_subcore>, window_params = [{transform_indices = #map}, {transform_indices = #map1}, {transform_indices = #map1}, {transform_indices = #map2}]} {
    %mul3A = arith.constant 2 : i32
    %mul3A_0 = arith.muli %arg1, %mul3A : i32
    %add3A = arith.addi %mul3A_0, %arg0 : i32
    %broadcast_in_dim3A = arith.constant 0.000000e+00 : f32
    %broadcast_in_dim3A_1 = vector.broadcast %broadcast_in_dim3A : f32 to vector<16xf32>
    %scan3A = arith.constant 0 : i32
    %scan3A_2 = arith.constant 0 : i32
    %scan3A_3 = arith.constant 80 : i32
    %scan3A_4 = arith.addi %scan3A_2, %scan3A_3 : i32
    %scan3A_5 = arith.constant 1 : i32
    scf.for %scan3A_350 = %scan3A_2 to %scan3A_4 step %scan3A_5  : i32 {
      %swap3A = arith.index_cast %scan3A_350 : i32 to index
      %swap3A_351 = arith.constant 0 : index
      %swap3A_352 = tpu.vector_load %arg12[%swap3A, %swap3A_351] {strides = array<i32>} : memref<80x128xf32, #tpu.memory_space<vmem>>, vector<1x16xf32>,
      %swap3A_353 = vector.shape_cast %swap3A_352 : vector<1x16xf32> to vector<16xf32>
      %swap3A_354 = vector.shape_cast %broadcast_in_dim3A_1 : vector<16xf32> to vector<1x16xf32>
      tpu.vector_store %arg12[%swap3A, %swap3A_351], %swap3A_354 {strides = array<i32>} : memref<80x128xf32, #tpu.memory_space<vmem>>, vector<1x16xf32>,
      %swap3A_355 = arith.index_cast %scan3A_350 : i32 to index
      %swap3A_356 = arith.constant 16 : index
      %swap3A_357 = tpu.vector_load %arg12[%swap3A_355, %swap3A_356] {strides = array<i32>} : memref<80x128xf32, #tpu.memory_space<vmem>>, vector<1x16xf32>,
      %swap3A_358 = vector.shape_cast %swap3A_357 : vector<1x16xf32> to vector<16xf32>
      %swap3A_359 = vector.shape_cast %broadcast_in_dim3A_1 : vector<16xf32> to vector<1x16xf32>
      tpu.vector_store %arg12[%swap3A_355, %swap3A_356], %swap3A_359 {strides = array<i32>} : memref<80x128xf32, #tpu.memory_space<vmem>>, vector<1x16xf32>,
      %swap3A_360 = arith.index_cast %scan3A_350 : i32 to index
      %swap3A_361 = arith.constant 32 : index
      %swap3A_362 = tpu.vector_load %arg12[%swap3A_360, %swap3A_361] {strides = array<i32>} : memref<80x128xf32, #tpu.memory_space<vmem>>, vector<1x16xf32>,
      %swap3A_363 = vector.shape_cast %swap3A_362 : vector<1x16xf32> to vector<16xf32>
      %swap3A_364 = vector.shape_cast %broadcast_in_dim3A_1 : vector<16xf32> to vector<1x16xf32>
      tpu.vector_store %arg12[%swap3A_360, %swap3A_361], %swap3A_364 {strides = array<i32>} : memref<80x128xf32, #tpu.memory_space<vmem>>, vector<1x16xf32>,
      %swap3A_365 = arith.index_cast %scan3A_350 : i32 to index
      %swap3A_366 = arith.constant 48 : index
      %swap3A_367 = tpu.vector_load %arg12[%swap3A_365, %swap3A_366] {strides = array<i32>} : memref<80x128xf32, #tpu.memory_space<vmem>>, vector<1x16xf32>,
      %swap3A_368 = vector.shape_cast %swap3A_367 : vector<1x16xf32> to vector<16xf32>
      %swap3A_369 = vector.shape_cast %broadcast_in_dim3A_1 : vector<16xf32> to vector<1x16xf32>
      tpu.vector_store %arg12[%swap3A_365, %swap3A_366], %swap3A_369 {strides = array<i32>} : memref<80x128xf32, #tpu.memory_space<vmem>>, vector<1x16xf32>,
      %swap3A_370 = arith.index_cast %scan3A_350 : i32 to index
      %swap3A_371 = arith.constant 64 : index
      %swap3A_372 = tpu.vector_load %arg12[%swap3A_370, %swap3A_371] {strides = array<i32>} : memref<80x128xf32, #tpu.memory_space<vmem>>, vector<1x16xf32>,
      %swap3A_373 = vector.shape_cast %swap3A_372 : vector<1x16xf32> to vector<16xf32>
      %swap3A_374 = vector.shape_cast %broadcast_in_dim3A_1 : vector<16xf32> to vector<1x16xf32>
      tpu.vector_store %arg12[%swap3A_370, %swap3A_371], %swap3A_374 {strides = array<i32>} : memref<80x128xf32, #tpu.memory_space<vmem>>, vector<1x16xf32>,
      %swap3A_375 = arith.index_cast %scan3A_350 : i32 to index
      %swap3A_376 = arith.constant 80 : index
      %swap3A_377 = tpu.vector_load %arg12[%swap3A_375, %swap3A_376] {strides = array<i32>} : memref<80x128xf32, #tpu.memory_space<vmem>>, vector<1x16xf32>,
      %swap3A_378 = vector.shape_cast %swap3A_377 : vector<1x16xf32> to vector<16xf32>
      %swap3A_379 = vector.shape_cast %broadcast_in_dim3A_1 : vector<16xf32> to vector<1x16xf32>
      tpu.vector_store %arg12[%swap3A_375, %swap3A_376], %swap3A_379 {strides = array<i32>} : memref<80x128xf32, #tpu.memory_space<vmem>>, vector<1x16xf32>,
      %swap3A_380 = arith.index_cast %scan3A_350 : i32 to index
      %swap3A_381 = arith.constant 96 : index
      %swap3A_382 = tpu.vector_load %arg12[%swap3A_380, %swap3A_381] {strides = array<i32>} : memref<80x128xf32, #tpu.memory_space<vmem>>, vector<1x16xf32>,
      %swap3A_383 = vector.shape_cast %swap3A_382 : vector<1x16xf32> to vector<16xf32>
      %swap3A_384 = vector.shape_cast %broadcast_in_dim3A_1 : vector<16xf32> to vector<1x16xf32>
      tpu.vector_store %arg12[%swap3A_380, %swap3A_381], %swap3A_384 {strides = array<i32>} : memref<80x128xf32, #tpu.memory_space<vmem>>, vector<1x16xf32>,
      %swap3A_385 = arith.index_cast %scan3A_350 : i32 to index
      %swap3A_386 = arith.constant 112 : index
      %swap3A_387 = tpu.vector_load %arg12[%swap3A_385, %swap3A_386] {strides = array<i32>} : memref<80x128xf32, #tpu.memory_space<vmem>>, vector<1x16xf32>,
      %swap3A_388 = vector.shape_cast %swap3A_387 : vector<1x16xf32> to vector<16xf32>
      %swap3A_389 = vector.shape_cast %broadcast_in_dim3A_1 : vector<16xf32> to vector<1x16xf32>
      tpu.vector_store %arg12[%swap3A_385, %swap3A_386], %swap3A_389 {strides = array<i32>} : memref<80x128xf32, #tpu.memory_space<vmem>>, vector<1x16xf32>,
    }
    %scan3A_6 = arith.constant 80 : i32
    %mul3A_7 = arith.constant 640 : i32
    %mul3A_8 = arith.muli %arg1, %mul3A_7 : i32
    %add3A_9 = arith.constant 0 : i32
    %add3A_10 = arith.addi %mul3A_8, %add3A_9 : i32
    "tpu.region"() ({
      %run_scoped3A = tpu.sem_alloc : memref<!tpu.dma_semaphore, #tpu.memory_space<semaphore_mem>>
      %dma_start3A_350 = arith.constant 0 : i32
      %dma_start3A_351 = tpu.memref_slice %arg15[%add3A_10, %dma_start3A_350] : memref<10240x128xf32, #tpu.memory_space<vmem_shared>> -> memref<80x128xf32, #tpu.memory_space<vmem_shared>>
      %dma_start3A_352 = arith.constant 0 : i32
      %dma_start3A_353 = tpu.memref_slice %arg15[%add3A_10, %dma_start3A_352] : memref<10240x128xf32, #tpu.memory_space<vmem_shared>> -> memref<80x128xf32, #tpu.memory_space<vmem_shared>>
      tpu.enqueue_dma source(%arg12 : memref<80x128xf32, #tpu.memory_space<vmem>>) target(%dma_start3A_353 : memref<80x128xf32, #tpu.memory_space<vmem_shared>>) target_semaphore(%run_scoped3A : memref<!tpu.dma_semaphore, #tpu.memory_space<semaphore_mem>>)
      %dma_wait3A_354 = arith.constant 0 : i32
      %dma_wait3A_355 = tpu.memref_slice %arg15[%add3A_10, %dma_wait3A_354] : memref<10240x128xf32, #tpu.memory_space<vmem_shared>> -> memref<80x128xf32, #tpu.memory_space<vmem_shared>>
      %dma_wait3A_356 = arith.constant 0 : i32
      %dma_wait3A_357 = tpu.memref_slice %arg15[%add3A_10, %dma_wait3A_356] : memref<10240x128xf32, #tpu.memory_space<vmem_shared>> -> memref<80x128xf32, #tpu.memory_space<vmem_shared>>
      tpu.wait_dma2 semaphore(%run_scoped3A : memref<!tpu.dma_semaphore, #tpu.memory_space<semaphore_mem>>) src(%arg12 : memref<80x128xf32, #tpu.memory_space<vmem>>) dst(%dma_wait3A_357 : memref<80x128xf32, #tpu.memory_space<vmem_shared>>)
      tpu.yield
    }) : () -> ()
    %add3A_11 = arith.constant 80 : i32
    %add3A_12 = arith.addi %mul3A_8, %add3A_11 : i32
    "tpu.region"() ({
      %run_scoped3A = tpu.sem_alloc : memref<!tpu.dma_semaphore, #tpu.memory_space<semaphore_mem>>
      %dma_start3A_350 = arith.constant 0 : i32
      %dma_start3A_351 = tpu.memref_slice %arg15[%add3A_12, %dma_start3A_350] : memref<10240x128xf32, #tpu.memory_space<vmem_shared>> -> memref<80x128xf32, #tpu.memory_space<vmem_shared>>
      %dma_start3A_352 = arith.constant 0 : i32
      %dma_start3A_353 = tpu.memref_slice %arg15[%add3A_12, %dma_start3A_352] : memref<10240x128xf32, #tpu.memory_space<vmem_shared>> -> memref<80x128xf32, #tpu.memory_space<vmem_shared>>
      tpu.enqueue_dma source(%arg12 : memref<80x128xf32, #tpu.memory_space<vmem>>) target(%dma_start3A_353 : memref<80x128xf32, #tpu.memory_space<vmem_shared>>) target_semaphore(%run_scoped3A : memref<!tpu.dma_semaphore, #tpu.memory_space<semaphore_mem>>)
      %dma_wait3A_354 = arith.constant 0 : i32
      %dma_wait3A_355 = tpu.memref_slice %arg15[%add3A_12, %dma_wait3A_354] : memref<10240x128xf32, #tpu.memory_space<vmem_shared>> -> memref<80x128xf32, #tpu.memory_space<vmem_shared>>
      %dma_wait3A_356 = arith.constant 0 : i32
      %dma_wait3A_357 = tpu.memref_slice %arg15[%add3A_12, %dma_wait3A_356] : memref<10240x128xf32, #tpu.memory_space<vmem_shared>> -> memref<80x128xf32, #tpu.memory_space<vmem_shared>>
      tpu.wait_dma2 semaphore(%run_scoped3A : memref<!tpu.dma_semaphore, #tpu.memory_space<semaphore_mem>>) src(%arg12 : memref<80x128xf32, #tpu.memory_space<vmem>>) dst(%dma_wait3A_357 : memref<80x128xf32, #tpu.memory_space<vmem_shared>>)
      tpu.yield
    }) : () -> ()
    %add3A_13 = arith.constant 160 : i32
    %add3A_14 = arith.addi %mul3A_8, %add3A_13 : i32
    "tpu.region"() ({
      %run_scoped3A = tpu.sem_alloc : memref<!tpu.dma_semaphore, #tpu.memory_space<semaphore_mem>>
      %dma_start3A_350 = arith.constant 0 : i32
      %dma_start3A_351 = tpu.memref_slice %arg15[%add3A_14, %dma_start3A_350] : memref<10240x128xf32, #tpu.memory_space<vmem_shared>> -> memref<80x128xf32, #tpu.memory_space<vmem_shared>>
      %dma_start3A_352 = arith.constant 0 : i32
      %dma_start3A_353 = tpu.memref_slice %arg15[%add3A_14, %dma_start3A_352] : memref<10240x128xf32, #tpu.memory_space<vmem_shared>> -> memref<80x128xf32, #tpu.memory_space<vmem_shared>>
      tpu.enqueue_dma source(%arg12 : memref<80x128xf32, #tpu.memory_space<vmem>>) target(%dma_start3A_353 : memref<80x128xf32, #tpu.memory_space<vmem_shared>>) target_semaphore(%run_scoped3A : memref<!tpu.dma_semaphore, #tpu.memory_space<semaphore_mem>>)
      %dma_wait3A_354 = arith.constant 0 : i32
      %dma_wait3A_355 = tpu.memref_slice %arg15[%add3A_14, %dma_wait3A_354] : memref<10240x128xf32, #tpu.memory_space<vmem_shared>> -> memref<80x128xf32, #tpu.memory_space<vmem_shared>>
      %dma_wait3A_356 = arith.constant 0 : i32
      %dma_wait3A_357 = tpu.memref_slice %arg15[%add3A_14, %dma_wait3A_356] : memref<10240x128xf32, #tpu.memory_space<vmem_shared>> -> memref<80x128xf32, #tpu.memory_space<vmem_shared>>
      tpu.wait_dma2 semaphore(%run_scoped3A : memref<!tpu.dma_semaphore, #tpu.memory_space<semaphore_mem>>) src(%arg12 : memref<80x128xf32, #tpu.memory_space<vmem>>) dst(%dma_wait3A_357 : memref<80x128xf32, #tpu.memory_space<vmem_shared>>)
      tpu.yield
    }) : () -> ()
    %add3A_15 = arith.constant 240 : i32
    %add3A_16 = arith.addi %mul3A_8, %add3A_15 : i32
    "tpu.region"() ({
      %run_scoped3A = tpu.sem_alloc : memref<!tpu.dma_semaphore, #tpu.memory_space<semaphore_mem>>
      %dma_start3A_350 = arith.constant 0 : i32
      %dma_start3A_351 = tpu.memref_slice %arg15[%add3A_16, %dma_start3A_350] : memref<10240x128xf32, #tpu.memory_space<vmem_shared>> -> memref<80x128xf32, #tpu.memory_space<vmem_shared>>
      %dma_start3A_352 = arith.constant 0 : i32
      %dma_start3A_353 = tpu.memref_slice %arg15[%add3A_16, %dma_start3A_352] : memref<10240x128xf32, #tpu.memory_space<vmem_shared>> -> memref<80x128xf32, #tpu.memory_space<vmem_shared>>
      tpu.enqueue_dma source(%arg12 : memref<80x128xf32, #tpu.memory_space<vmem>>) target(%dma_start3A_353 : memref<80x128xf32, #tpu.memory_space<vmem_shared>>) target_semaphore(%run_scoped3A : memref<!tpu.dma_semaphore, #tpu.memory_space<semaphore_mem>>)
      %dma_wait3A_354 = arith.constant 0 : i32
      %dma_wait3A_355 = tpu.memref_slice %arg15[%add3A_16, %dma_wait3A_354] : memref<10240x128xf32, #tpu.memory_space<vmem_shared>> -> memref<80x128xf32, #tpu.memory_space<vmem_shared>>
      %dma_wait3A_356 = arith.constant 0 : i32
      %dma_wait3A_357 = tpu.memref_slice %arg15[%add3A_16, %dma_wait3A_356] : memref<10240x128xf32, #tpu.memory_space<vmem_shared>> -> memref<80x128xf32, #tpu.memory_space<vmem_shared>>
      tpu.wait_dma2 semaphore(%run_scoped3A : memref<!tpu.dma_semaphore, #tpu.memory_space<semaphore_mem>>) src(%arg12 : memref<80x128xf32, #tpu.memory_space<vmem>>) dst(%dma_wait3A_357 : memref<80x128xf32, #tpu.memory_space<vmem_shared>>)
      tpu.yield
    }) : () -> ()
    %add3A_17 = arith.constant 320 : i32
    %add3A_18 = arith.addi %mul3A_8, %add3A_17 : i32
    "tpu.region"() ({
      %run_scoped3A = tpu.sem_alloc : memref<!tpu.dma_semaphore, #tpu.memory_space<semaphore_mem>>
      %dma_start3A_350 = arith.constant 0 : i32
      %dma_start3A_351 = tpu.memref_slice %arg15[%add3A_18, %dma_start3A_350] : memref<10240x128xf32, #tpu.memory_space<vmem_shared>> -> memref<80x128xf32, #tpu.memory_space<vmem_shared>>
      %dma_start3A_352 = arith.constant 0 : i32
      %dma_start3A_353 = tpu.memref_slice %arg15[%add3A_18, %dma_start3A_352] : memref<10240x128xf32, #tpu.memory_space<vmem_shared>> -> memref<80x128xf32, #tpu.memory_space<vmem_shared>>
      tpu.enqueue_dma source(%arg12 : memref<80x128xf32, #tpu.memory_space<vmem>>) target(%dma_start3A_353 : memref<80x128xf32, #tpu.memory_space<vmem_shared>>) target_semaphore(%run_scoped3A : memref<!tpu.dma_semaphore, #tpu.memory_space<semaphore_mem>>)
      %dma_wait3A_354 = arith.constant 0 : i32
      %dma_wait3A_355 = tpu.memref_slice %arg15[%add3A_18, %dma_wait3A_354] : memref<10240x128xf32, #tpu.memory_space<vmem_shared>> -> memref<80x128xf32, #tpu.memory_space<vmem_shared>>
      %dma_wait3A_356 = arith.constant 0 : i32
      %dma_wait3A_357 = tpu.memref_slice %arg15[%add3A_18, %dma_wait3A_356] : memref<10240x128xf32, #tpu.memory_space<vmem_shared>> -> memref<80x128xf32, #tpu.memory_space<vmem_shared>>
      tpu.wait_dma2 semaphore(%run_scoped3A : memref<!tpu.dma_semaphore, #tpu.memory_space<semaphore_mem>>) src(%arg12 : memref<80x128xf32, #tpu.memory_space<vmem>>) dst(%dma_wait3A_357 : memref<80x128xf32, #tpu.memory_space<vmem_shared>>)
      tpu.yield
    }) : () -> ()
    %add3A_19 = arith.constant 400 : i32
    %add3A_20 = arith.addi %mul3A_8, %add3A_19 : i32
    "tpu.region"() ({
      %run_scoped3A = tpu.sem_alloc : memref<!tpu.dma_semaphore, #tpu.memory_space<semaphore_mem>>
      %dma_start3A_350 = arith.constant 0 : i32
      %dma_start3A_351 = tpu.memref_slice %arg15[%add3A_20, %dma_start3A_350] : memref<10240x128xf32, #tpu.memory_space<vmem_shared>> -> memref<80x128xf32, #tpu.memory_space<vmem_shared>>
      %dma_start3A_352 = arith.constant 0 : i32
      %dma_start3A_353 = tpu.memref_slice %arg15[%add3A_20, %dma_start3A_352] : memref<10240x128xf32, #tpu.memory_space<vmem_shared>> -> memref<80x128xf32, #tpu.memory_space<vmem_shared>>
      tpu.enqueue_dma source(%arg12 : memref<80x128xf32, #tpu.memory_space<vmem>>) target(%dma_start3A_353 : memref<80x128xf32, #tpu.memory_space<vmem_shared>>) target_semaphore(%run_scoped3A : memref<!tpu.dma_semaphore, #tpu.memory_space<semaphore_mem>>)
      %dma_wait3A_354 = arith.constant 0 : i32
      %dma_wait3A_355 = tpu.memref_slice %arg15[%add3A_20, %dma_wait3A_354] : memref<10240x128xf32, #tpu.memory_space<vmem_shared>> -> memref<80x128xf32, #tpu.memory_space<vmem_shared>>
      %dma_wait3A_356 = arith.constant 0 : i32
      %dma_wait3A_357 = tpu.memref_slice %arg15[%add3A_20, %dma_wait3A_356] : memref<10240x128xf32, #tpu.memory_space<vmem_shared>> -> memref<80x128xf32, #tpu.memory_space<vmem_shared>>
      tpu.wait_dma2 semaphore(%run_scoped3A : memref<!tpu.dma_semaphore, #tpu.memory_space<semaphore_mem>>) src(%arg12 : memref<80x128xf32, #tpu.memory_space<vmem>>) dst(%dma_wait3A_357 : memref<80x128xf32, #tpu.memory_space<vmem_shared>>)
      tpu.yield
    }) : () -> ()
    %add3A_21 = arith.constant 480 : i32
    %add3A_22 = arith.addi %mul3A_8, %add3A_21 : i32
    "tpu.region"() ({
      %run_scoped3A = tpu.sem_alloc : memref<!tpu.dma_semaphore, #tpu.memory_space<semaphore_mem>>
      %dma_start3A_350 = arith.constant 0 : i32
      %dma_start3A_351 = tpu.memref_slice %arg15[%add3A_22, %dma_start3A_350] : memref<10240x128xf32, #tpu.memory_space<vmem_shared>> -> memref<80x128xf32, #tpu.memory_space<vmem_shared>>
      %dma_start3A_352 = arith.constant 0 : i32
      %dma_start3A_353 = tpu.memref_slice %arg15[%add3A_22, %dma_start3A_352] : memref<10240x128xf32, #tpu.memory_space<vmem_shared>> -> memref<80x128xf32, #tpu.memory_space<vmem_shared>>
      tpu.enqueue_dma source(%arg12 : memref<80x128xf32, #tpu.memory_space<vmem>>) target(%dma_start3A_353 : memref<80x128xf32, #tpu.memory_space<vmem_shared>>) target_semaphore(%run_scoped3A : memref<!tpu.dma_semaphore, #tpu.memory_space<semaphore_mem>>)
      %dma_wait3A_354 = arith.constant 0 : i32
      %dma_wait3A_355 = tpu.memref_slice %arg15[%add3A_22, %dma_wait3A_354] : memref<10240x128xf32, #tpu.memory_space<vmem_shared>> -> memref<80x128xf32, #tpu.memory_space<vmem_shared>>
      %dma_wait3A_356 = arith.constant 0 : i32
      %dma_wait3A_357 = tpu.memref_slice %arg15[%add3A_22, %dma_wait3A_356] : memref<10240x128xf32, #tpu.memory_space<vmem_shared>> -> memref<80x128xf32, #tpu.memory_space<vmem_shared>>
      tpu.wait_dma2 semaphore(%run_scoped3A : memref<!tpu.dma_semaphore, #tpu.memory_space<semaphore_mem>>) src(%arg12 : memref<80x128xf32, #tpu.memory_space<vmem>>) dst(%dma_wait3A_357 : memref<80x128xf32, #tpu.memory_space<vmem_shared>>)
      tpu.yield
    }) : () -> ()
    %add3A_23 = arith.constant 560 : i32
    %add3A_24 = arith.addi %mul3A_8, %add3A_23 : i32
    "tpu.region"() ({
      %run_scoped3A = tpu.sem_alloc : memref<!tpu.dma_semaphore, #tpu.memory_space<semaphore_mem>>
      %dma_start3A_350 = arith.constant 0 : i32
      %dma_start3A_351 = tpu.memref_slice %arg15[%add3A_24, %dma_start3A_350] : memref<10240x128xf32, #tpu.memory_space<vmem_shared>> -> memref<80x128xf32, #tpu.memory_space<vmem_shared>>
      %dma_start3A_352 = arith.constant 0 : i32
      %dma_start3A_353 = tpu.memref_slice %arg15[%add3A_24, %dma_start3A_352] : memref<10240x128xf32, #tpu.memory_space<vmem_shared>> -> memref<80x128xf32, #tpu.memory_space<vmem_shared>>
      tpu.enqueue_dma source(%arg12 : memref<80x128xf32, #tpu.memory_space<vmem>>) target(%dma_start3A_353 : memref<80x128xf32, #tpu.memory_space<vmem_shared>>) target_semaphore(%run_scoped3A : memref<!tpu.dma_semaphore, #tpu.memory_space<semaphore_mem>>)
      %dma_wait3A_354 = arith.constant 0 : i32
      %dma_wait3A_355 = tpu.memref_slice %arg15[%add3A_24, %dma_wait3A_354] : memref<10240x128xf32, #tpu.memory_space<vmem_shared>> -> memref<80x128xf32, #tpu.memory_space<vmem_shared>>
      %dma_wait3A_356 = arith.constant 0 : i32
      %dma_wait3A_357 = tpu.memref_slice %arg15[%add3A_24, %dma_wait3A_356] : memref<10240x128xf32, #tpu.memory_space<vmem_shared>> -> memref<80x128xf32, #tpu.memory_space<vmem_shared>>
      tpu.wait_dma2 semaphore(%run_scoped3A : memref<!tpu.dma_semaphore, #tpu.memory_space<semaphore_mem>>) src(%arg12 : memref<80x128xf32, #tpu.memory_space<vmem>>) dst(%dma_wait3A_357 : memref<80x128xf32, #tpu.memory_space<vmem_shared>>)
      tpu.yield
    }) : () -> ()
    %barrier3A = arith.constant 0 : index
    tpu.barrier barrier_id(%barrier3A)
    %dma_start3A = arith.constant 0 : i32
    %dma_start3A_25 = arith.constant 0 : i32
    %dma_start3A_26 = arith.constant 0 : i32
    %dma_start3A_27 = tpu.memref_slice %arg3[%add3A, %dma_start3A, %dma_start3A_25, %dma_start3A_26] : memref<32x125x1x80xi32, #tpu.memory_space<hbm>> -> memref<1x1x1x80xi32, #tpu.memory_space<hbm>>
    %dma_start3A_28 = tpu.memref_squeeze %dma_start3A_27 : memref<1x1x1x80xi32, #tpu.memory_space<hbm>> -> memref<1x80xi32, #tpu.memory_space<hbm>>
    %dma_start3A_29 = arith.constant 0 : i32
    %dma_start3A_30 = arith.constant 0 : i32
    %dma_start3A_31 = tpu.memref_slice %arg3[%add3A, %dma_start3A, %dma_start3A_29, %dma_start3A_30] : memref<32x125x1x80xi32, #tpu.memory_space<hbm>> -> memref<1x1x1x80xi32, #tpu.memory_space<hbm>>
    %dma_start3A_32 = tpu.memref_squeeze %dma_start3A_31 : memref<1x1x1x80xi32, #tpu.memory_space<hbm>> -> memref<1x80xi32, #tpu.memory_space<hbm>>
    tpu.enqueue_dma source(%dma_start3A_32 : memref<1x80xi32, #tpu.memory_space<hbm>>) target(%arg6 : memref<1x80xi32, #tpu.memory_space<vmem>>) target_semaphore(%arg16 : memref<!tpu.dma_semaphore, #tpu.memory_space<semaphore_mem>>)
    %dma_start3A_33 = arith.constant 0 : i32
    %dma_start3A_34 = arith.constant 0 : i32
    %dma_start3A_35 = arith.constant 0 : i32
    %dma_start3A_36 = tpu.memref_slice %arg4[%add3A, %dma_start3A_33, %dma_start3A_34, %dma_start3A_35] : memref<32x125x1x80xi32, #tpu.memory_space<hbm>> -> memref<1x1x1x80xi32, #tpu.memory_space<hbm>>
    %dma_start3A_37 = tpu.memref_squeeze %dma_start3A_36 : memref<1x1x1x80xi32, #tpu.memory_space<hbm>> -> memref<1x80xi32, #tpu.memory_space<hbm>>
    %dma_start3A_38 = arith.constant 0 : i32
    %dma_start3A_39 = arith.constant 0 : i32
    %dma_start3A_40 = tpu.memref_slice %arg4[%add3A, %dma_start3A_33, %dma_start3A_38, %dma_start3A_39] : memref<32x125x1x80xi32, #tpu.memory_space<hbm>> -> memref<1x1x1x80xi32, #tpu.memory_space<hbm>>
    %dma_start3A_41 = tpu.memref_squeeze %dma_start3A_40 : memref<1x1x1x80xi32, #tpu.memory_space<hbm>> -> memref<1x80xi32, #tpu.memory_space<hbm>>
    tpu.enqueue_dma source(%dma_start3A_41 : memref<1x80xi32, #tpu.memory_space<hbm>>) target(%arg9 : memref<1x80xi32, #tpu.memory_space<vmem>>) target_semaphore(%arg16 : memref<!tpu.dma_semaphore, #tpu.memory_space<semaphore_mem>>)
    %dma_start3A_42 = arith.constant 1 : i32
    %dma_start3A_43 = arith.constant 0 : i32
    %dma_start3A_44 = arith.constant 0 : i32
    %dma_start3A_45 = tpu.memref_slice %arg3[%add3A, %dma_start3A_42, %dma_start3A_43, %dma_start3A_44] : memref<32x125x1x80xi32, #tpu.memory_space<hbm>> -> memref<1x1x1x80xi32, #tpu.memory_space<hbm>>
    %dma_start3A_46 = tpu.memref_squeeze %dma_start3A_45 : memref<1x1x1x80xi32, #tpu.memory_space<hbm>> -> memref<1x80xi32, #tpu.memory_space<hbm>>
    %dma_start3A_47 = arith.constant 0 : i32
    %dma_start3A_48 = arith.constant 0 : i32
    %dma_start3A_49 = tpu.memref_slice %arg3[%add3A, %dma_start3A_42, %dma_start3A_47, %dma_start3A_48] : memref<32x125x1x80xi32, #tpu.memory_space<hbm>> -> memref<1x1x1x80xi32, #tpu.memory_space<hbm>>
    %dma_start3A_50 = tpu.memref_squeeze %dma_start3A_49 : memref<1x1x1x80xi32, #tpu.memory_space<hbm>> -> memref<1x80xi32, #tpu.memory_space<hbm>>
    tpu.enqueue_dma source(%dma_start3A_50 : memref<1x80xi32, #tpu.memory_space<hbm>>) target(%arg7 : memref<1x80xi32, #tpu.memory_space<vmem>>) target_semaphore(%arg17 : memref<!tpu.dma_semaphore, #tpu.memory_space<semaphore_mem>>)
    %dma_start3A_51 = arith.constant 1 : i32
    %dma_start3A_52 = arith.constant 0 : i32
    %dma_start3A_53 = arith.constant 0 : i32
    %dma_start3A_54 = tpu.memref_slice %arg4[%add3A, %dma_start3A_51, %dma_start3A_52, %dma_start3A_53] : memref<32x125x1x80xi32, #tpu.memory_space<hbm>> -> memref<1x1x1x80xi32, #tpu.memory_space<hbm>>
    %dma_start3A_55 = tpu.memref_squeeze %dma_start3A_54 : memref<1x1x1x80xi32, #tpu.memory_space<hbm>> -> memref<1x80xi32, #tpu.memory_space<hbm>>
    %dma_start3A_56 = arith.constant 0 : i32
    %dma_start3A_57 = arith.constant 0 : i32
    %dma_start3A_58 = tpu.memref_slice %arg4[%add3A, %dma_start3A_51, %dma_start3A_56, %dma_start3A_57] : memref<32x125x1x80xi32, #tpu.memory_space<hbm>> -> memref<1x1x1x80xi32, #tpu.memory_space<hbm>>
    %dma_start3A_59 = tpu.memref_squeeze %dma_start3A_58 : memref<1x1x1x80xi32, #tpu.memory_space<hbm>> -> memref<1x80xi32, #tpu.memory_space<hbm>>
    tpu.enqueue_dma source(%dma_start3A_59 : memref<1x80xi32, #tpu.memory_space<hbm>>) target(%arg10 : memref<1x80xi32, #tpu.memory_space<vmem>>) target_semaphore(%arg17 : memref<!tpu.dma_semaphore, #tpu.memory_space<semaphore_mem>>)
    %dma_wait3A = arith.constant 0 : i32
    %dma_wait3A_60 = arith.constant 0 : i32
    %dma_wait3A_61 = arith.constant 0 : i32
    %dma_wait3A_62 = tpu.memref_slice %arg3[%add3A, %dma_wait3A, %dma_wait3A_60, %dma_wait3A_61] : memref<32x125x1x80xi32, #tpu.memory_space<hbm>> -> memref<1x1x1x80xi32, #tpu.memory_space<hbm>>
    %dma_wait3A_63 = tpu.memref_squeeze %dma_wait3A_62 : memref<1x1x1x80xi32, #tpu.memory_space<hbm>> -> memref<1x80xi32, #tpu.memory_space<hbm>>
    %dma_wait3A_64 = arith.constant 0 : i32
    %dma_wait3A_65 = arith.constant 0 : i32
    %dma_wait3A_66 = tpu.memref_slice %arg3[%add3A, %dma_wait3A, %dma_wait3A_64, %dma_wait3A_65] : memref<32x125x1x80xi32, #tpu.memory_space<hbm>> -> memref<1x1x1x80xi32, #tpu.memory_space<hbm>>
    %dma_wait3A_67 = tpu.memref_squeeze %dma_wait3A_66 : memref<1x1x1x80xi32, #tpu.memory_space<hbm>> -> memref<1x80xi32, #tpu.memory_space<hbm>>
    tpu.wait_dma2 semaphore(%arg16 : memref<!tpu.dma_semaphore, #tpu.memory_space<semaphore_mem>>) src(%dma_wait3A_67 : memref<1x80xi32, #tpu.memory_space<hbm>>) dst(%arg6 : memref<1x80xi32, #tpu.memory_space<vmem>>)
    %dma_wait3A_68 = arith.constant 0 : i32
    %dma_wait3A_69 = arith.constant 0 : i32
    %dma_wait3A_70 = arith.constant 0 : i32
    %dma_wait3A_71 = tpu.memref_slice %arg4[%add3A, %dma_wait3A_68, %dma_wait3A_69, %dma_wait3A_70] : memref<32x125x1x80xi32, #tpu.memory_space<hbm>> -> memref<1x1x1x80xi32, #tpu.memory_space<hbm>>
    %dma_wait3A_72 = tpu.memref_squeeze %dma_wait3A_71 : memref<1x1x1x80xi32, #tpu.memory_space<hbm>> -> memref<1x80xi32, #tpu.memory_space<hbm>>
    %dma_wait3A_73 = arith.constant 0 : i32
    %dma_wait3A_74 = arith.constant 0 : i32
    %dma_wait3A_75 = tpu.memref_slice %arg4[%add3A, %dma_wait3A_68, %dma_wait3A_73, %dma_wait3A_74] : memref<32x125x1x80xi32, #tpu.memory_space<hbm>> -> memref<1x1x1x80xi32, #tpu.memory_space<hbm>>
    %dma_wait3A_76 = tpu.memref_squeeze %dma_wait3A_75 : memref<1x1x1x80xi32, #tpu.memory_space<hbm>> -> memref<1x80xi32, #tpu.memory_space<hbm>>
    tpu.wait_dma2 semaphore(%arg16 : memref<!tpu.dma_semaphore, #tpu.memory_space<semaphore_mem>>) src(%dma_wait3A_76 : memref<1x80xi32, #tpu.memory_space<hbm>>) dst(%arg9 : memref<1x80xi32, #tpu.memory_space<vmem>>)
    %dma_start3A_77 = arith.constant 0 : i32
    %dma_start3A_78 = arith.constant 0 : i32
    %dma_start3A_79 = tpu.memref_slice %arg6[%dma_start3A_77, %dma_start3A_78] : memref<1x80xi32, #tpu.memory_space<vmem>> -> memref<1x80xi32, #tpu.memory_space<vmem>>
    %dma_start3A_80 = tpu.memref_squeeze %dma_start3A_79 : memref<1x80xi32, #tpu.memory_space<vmem>> -> memref<80xi32, #tpu.memory_space<vmem>>
    %dma_start3A_81 = arith.constant 0 : i32
    %dma_start3A_82 = arith.constant 0 : i32
    %dma_start3A_83 = tpu.memref_slice %arg2[%dma_start3A_81, %dma_start3A_82] : memref<10000x128xf32, #tpu.memory_space<hbm>> -> memref<10000x128xf32, #tpu.memory_space<hbm>>
    tpu.enqueue_indirect_dma source(%dma_start3A_83 : memref<10000x128xf32, #tpu.memory_space<hbm>>) target(%arg12 : memref<80x128xf32, #tpu.memory_space<vmem>>) offsets(%dma_start3A_80 : memref<80xi32, #tpu.memory_space<vmem>>) semaphore(%arg19 : memref<!tpu.dma_semaphore, #tpu.memory_space<semaphore_mem>>)
    %dma_wait3A_84 = arith.constant 1 : i32
    %dma_wait3A_85 = arith.constant 0 : i32
    %dma_wait3A_86 = arith.constant 0 : i32
    %dma_wait3A_87 = tpu.memref_slice %arg3[%add3A, %dma_wait3A_84, %dma_wait3A_85, %dma_wait3A_86] : memref<32x125x1x80xi32, #tpu.memory_space<hbm>> -> memref<1x1x1x80xi32, #tpu.memory_space<hbm>>
    %dma_wait3A_88 = tpu.memref_squeeze %dma_wait3A_87 : memref<1x1x1x80xi32, #tpu.memory_space<hbm>> -> memref<1x80xi32, #tpu.memory_space<hbm>>
    %dma_wait3A_89 = arith.constant 0 : i32
    %dma_wait3A_90 = arith.constant 0 : i32
    %dma_wait3A_91 = tpu.memref_slice %arg3[%add3A, %dma_wait3A_84, %dma_wait3A_89, %dma_wait3A_90] : memref<32x125x1x80xi32, #tpu.memory_space<hbm>> -> memref<1x1x1x80xi32, #tpu.memory_space<hbm>>
    %dma_wait3A_92 = tpu.memref_squeeze %dma_wait3A_91 : memref<1x1x1x80xi32, #tpu.memory_space<hbm>> -> memref<1x80xi32, #tpu.memory_space<hbm>>
    tpu.wait_dma2 semaphore(%arg17 : memref<!tpu.dma_semaphore, #tpu.memory_space<semaphore_mem>>) src(%dma_wait3A_92 : memref<1x80xi32, #tpu.memory_space<hbm>>) dst(%arg7 : memref<1x80xi32, #tpu.memory_space<vmem>>)
    %dma_wait3A_93 = arith.constant 1 : i32
    %dma_wait3A_94 = arith.constant 0 : i32
    %dma_wait3A_95 = arith.constant 0 : i32
    %dma_wait3A_96 = tpu.memref_slice %arg4[%add3A, %dma_wait3A_93, %dma_wait3A_94, %dma_wait3A_95] : memref<32x125x1x80xi32, #tpu.memory_space<hbm>> -> memref<1x1x1x80xi32, #tpu.memory_space<hbm>>
    %dma_wait3A_97 = tpu.memref_squeeze %dma_wait3A_96 : memref<1x1x1x80xi32, #tpu.memory_space<hbm>> -> memref<1x80xi32, #tpu.memory_space<hbm>>
    %dma_wait3A_98 = arith.constant 0 : i32
    %dma_wait3A_99 = arith.constant 0 : i32
    %dma_wait3A_100 = tpu.memref_slice %arg4[%add3A, %dma_wait3A_93, %dma_wait3A_98, %dma_wait3A_99] : memref<32x125x1x80xi32, #tpu.memory_space<hbm>> -> memref<1x1x1x80xi32, #tpu.memory_space<hbm>>
    %dma_wait3A_101 = tpu.memref_squeeze %dma_wait3A_100 : memref<1x1x1x80xi32, #tpu.memory_space<hbm>> -> memref<1x80xi32, #tpu.memory_space<hbm>>
    tpu.wait_dma2 semaphore(%arg17 : memref<!tpu.dma_semaphore, #tpu.memory_space<semaphore_mem>>) src(%dma_wait3A_101 : memref<1x80xi32, #tpu.memory_space<hbm>>) dst(%arg10 : memref<1x80xi32, #tpu.memory_space<vmem>>)
    %dma_start3A_102 = arith.constant 0 : i32
    %dma_start3A_103 = arith.constant 0 : i32
    %dma_start3A_104 = tpu.memref_slice %arg7[%dma_start3A_102, %dma_start3A_103] : memref<1x80xi32, #tpu.memory_space<vmem>> -> memref<1x80xi32, #tpu.memory_space<vmem>>
    %dma_start3A_105 = tpu.memref_squeeze %dma_start3A_104 : memref<1x80xi32, #tpu.memory_space<vmem>> -> memref<80xi32, #tpu.memory_space<vmem>>
    %dma_start3A_106 = arith.constant 0 : i32
    %dma_start3A_107 = arith.constant 0 : i32
    %dma_start3A_108 = tpu.memref_slice %arg2[%dma_start3A_106, %dma_start3A_107] : memref<10000x128xf32, #tpu.memory_space<hbm>> -> memref<10000x128xf32, #tpu.memory_space<hbm>>
    tpu.enqueue_indirect_dma source(%dma_start3A_108 : memref<10000x128xf32, #tpu.memory_space<hbm>>) target(%arg13 : memref<80x128xf32, #tpu.memory_space<vmem>>) offsets(%dma_start3A_105 : memref<80xi32, #tpu.memory_space<vmem>>) semaphore(%arg20 : memref<!tpu.dma_semaphore, #tpu.memory_space<semaphore_mem>>)
    %dma_start3A_109 = arith.constant 2 : i32
    %dma_start3A_110 = arith.constant 0 : i32
    %dma_start3A_111 = arith.constant 0 : i32
    %dma_start3A_112 = tpu.memref_slice %arg3[%add3A, %dma_start3A_109, %dma_start3A_110, %dma_start3A_111] : memref<32x125x1x80xi32, #tpu.memory_space<hbm>> -> memref<1x1x1x80xi32, #tpu.memory_space<hbm>>
    %dma_start3A_113 = tpu.memref_squeeze %dma_start3A_112 : memref<1x1x1x80xi32, #tpu.memory_space<hbm>> -> memref<1x80xi32, #tpu.memory_space<hbm>>
    %dma_start3A_114 = arith.constant 0 : i32
    %dma_start3A_115 = arith.constant 0 : i32
    %dma_start3A_116 = tpu.memref_slice %arg3[%add3A, %dma_start3A_109, %dma_start3A_114, %dma_start3A_115] : memref<32x125x1x80xi32, #tpu.memory_space<hbm>> -> memref<1x1x1x80xi32, #tpu.memory_space<hbm>>
    %dma_start3A_117 = tpu.memref_squeeze %dma_start3A_116 : memref<1x1x1x80xi32, #tpu.memory_space<hbm>> -> memref<1x80xi32, #tpu.memory_space<hbm>>
    tpu.enqueue_dma source(%dma_start3A_117 : memref<1x80xi32, #tpu.memory_space<hbm>>) target(%arg8 : memref<1x80xi32, #tpu.memory_space<vmem>>) target_semaphore(%arg18 : memref<!tpu.dma_semaphore, #tpu.memory_space<semaphore_mem>>)
    %dma_start3A_118 = arith.constant 2 : i32
    %dma_start3A_119 = arith.constant 0 : i32
    %dma_start3A_120 = arith.constant 0 : i32
    %dma_start3A_121 = tpu.memref_slice %arg4[%add3A, %dma_start3A_118, %dma_start3A_119, %dma_start3A_120] : memref<32x125x1x80xi32, #tpu.memory_space<hbm>> -> memref<1x1x1x80xi32, #tpu.memory_space<hbm>>
    %dma_start3A_122 = tpu.memref_squeeze %dma_start3A_121 : memref<1x1x1x80xi32, #tpu.memory_space<hbm>> -> memref<1x80xi32, #tpu.memory_space<hbm>>
    %dma_start3A_123 = arith.constant 0 : i32
    %dma_start3A_124 = arith.constant 0 : i32
    %dma_start3A_125 = tpu.memref_slice %arg4[%add3A, %dma_start3A_118, %dma_start3A_123, %dma_start3A_124] : memref<32x125x1x80xi32, #tpu.memory_space<hbm>> -> memref<1x1x1x80xi32, #tpu.memory_space<hbm>>
    %dma_start3A_126 = tpu.memref_squeeze %dma_start3A_125 : memref<1x1x1x80xi32, #tpu.memory_space<hbm>> -> memref<1x80xi32, #tpu.memory_space<hbm>>
    tpu.enqueue_dma source(%dma_start3A_126 : memref<1x80xi32, #tpu.memory_space<hbm>>) target(%arg11 : memref<1x80xi32, #tpu.memory_space<vmem>>) target_semaphore(%arg18 : memref<!tpu.dma_semaphore, #tpu.memory_space<semaphore_mem>>)
    %dma_wait3A_127 = arith.constant 0 : i32
    %dma_wait3A_128 = arith.constant 0 : i32
    %dma_wait3A_129 = tpu.memref_slice %arg6[%dma_wait3A_127, %dma_wait3A_128] : memref<1x80xi32, #tpu.memory_space<vmem>> -> memref<1x80xi32, #tpu.memory_space<vmem>>
    %dma_wait3A_130 = tpu.memref_squeeze %dma_wait3A_129 : memref<1x80xi32, #tpu.memory_space<vmem>> -> memref<80xi32, #tpu.memory_space<vmem>>
    %dma_wait3A_131 = arith.constant 0 : i32
    %dma_wait3A_132 = arith.constant 0 : i32
    %dma_wait3A_133 = tpu.memref_slice %arg2[%dma_wait3A_131, %dma_wait3A_132] : memref<10000x128xf32, #tpu.memory_space<hbm>> -> memref<10000x128xf32, #tpu.memory_space<hbm>>
    tpu.wait_indirect_dma semaphore(%arg19 : memref<!tpu.dma_semaphore, #tpu.memory_space<semaphore_mem>>) src(%dma_wait3A_133 : memref<10000x128xf32, #tpu.memory_space<hbm>>) dst(%arg12 : memref<80x128xf32, #tpu.memory_space<vmem>>)
    %dma_start3A_134 = arith.constant 0 : i32
    %dma_start3A_135 = arith.constant 0 : i32
    %dma_start3A_136 = tpu.memref_slice %arg9[%dma_start3A_134, %dma_start3A_135] : memref<1x80xi32, #tpu.memory_space<vmem>> -> memref<1x80xi32, #tpu.memory_space<vmem>>
    %dma_start3A_137 = tpu.memref_squeeze %dma_start3A_136 : memref<1x80xi32, #tpu.memory_space<vmem>> -> memref<80xi32, #tpu.memory_space<vmem>>
    %dma_start3A_138 = arith.constant 0 : i32
    %dma_start3A_139 = arith.constant 0 : i32
    %dma_start3A_140 = tpu.memref_slice %arg15[%dma_start3A_138, %dma_start3A_139] : memref<10240x128xf32, #tpu.memory_space<vmem_shared>> -> memref<10240x128xf32, #tpu.memory_space<vmem_shared>>
    tpu.enqueue_indirect_dma source(%arg12 : memref<80x128xf32, #tpu.memory_space<vmem>>) target(%dma_start3A_140 : memref<10240x128xf32, #tpu.memory_space<vmem_shared>>) offsets(%dma_start3A_137 : memref<80xi32, #tpu.memory_space<vmem>>) semaphore(%arg22 : memref<!tpu.dma_semaphore, #tpu.memory_space<semaphore_mem>>) {add = true}
    %dma_wait3A_141 = arith.constant 2 : i32
    %dma_wait3A_142 = arith.constant 0 : i32
    %dma_wait3A_143 = arith.constant 0 : i32
    %dma_wait3A_144 = tpu.memref_slice %arg3[%add3A, %dma_wait3A_141, %dma_wait3A_142, %dma_wait3A_143] : memref<32x125x1x80xi32, #tpu.memory_space<hbm>> -> memref<1x1x1x80xi32, #tpu.memory_space<hbm>>
    %dma_wait3A_145 = tpu.memref_squeeze %dma_wait3A_144 : memref<1x1x1x80xi32, #tpu.memory_space<hbm>> -> memref<1x80xi32, #tpu.memory_space<hbm>>
    %dma_wait3A_146 = arith.constant 0 : i32
    %dma_wait3A_147 = arith.constant 0 : i32
    %dma_wait3A_148 = tpu.memref_slice %arg3[%add3A, %dma_wait3A_141, %dma_wait3A_146, %dma_wait3A_147] : memref<32x125x1x80xi32, #tpu.memory_space<hbm>> -> memref<1x1x1x80xi32, #tpu.memory_space<hbm>>
    %dma_wait3A_149 = tpu.memref_squeeze %dma_wait3A_148 : memref<1x1x1x80xi32, #tpu.memory_space<hbm>> -> memref<1x80xi32, #tpu.memory_space<hbm>>
    tpu.wait_dma2 semaphore(%arg18 : memref<!tpu.dma_semaphore, #tpu.memory_space<semaphore_mem>>) src(%dma_wait3A_149 : memref<1x80xi32, #tpu.memory_space<hbm>>) dst(%arg8 : memref<1x80xi32, #tpu.memory_space<vmem>>)
    %dma_wait3A_150 = arith.constant 2 : i32
    %dma_wait3A_151 = arith.constant 0 : i32
    %dma_wait3A_152 = arith.constant 0 : i32
    %dma_wait3A_153 = tpu.memref_slice %arg4[%add3A, %dma_wait3A_150, %dma_wait3A_151, %dma_wait3A_152] : memref<32x125x1x80xi32, #tpu.memory_space<hbm>> -> memref<1x1x1x80xi32, #tpu.memory_space<hbm>>
    %dma_wait3A_154 = tpu.memref_squeeze %dma_wait3A_153 : memref<1x1x1x80xi32, #tpu.memory_space<hbm>> -> memref<1x80xi32, #tpu.memory_space<hbm>>
    %dma_wait3A_155 = arith.constant 0 : i32
    %dma_wait3A_156 = arith.constant 0 : i32
    %dma_wait3A_157 = tpu.memref_slice %arg4[%add3A, %dma_wait3A_150, %dma_wait3A_155, %dma_wait3A_156] : memref<32x125x1x80xi32, #tpu.memory_space<hbm>> -> memref<1x1x1x80xi32, #tpu.memory_space<hbm>>
    %dma_wait3A_158 = tpu.memref_squeeze %dma_wait3A_157 : memref<1x1x1x80xi32, #tpu.memory_space<hbm>> -> memref<1x80xi32, #tpu.memory_space<hbm>>
    tpu.wait_dma2 semaphore(%arg18 : memref<!tpu.dma_semaphore, #tpu.memory_space<semaphore_mem>>) src(%dma_wait3A_158 : memref<1x80xi32, #tpu.memory_space<hbm>>) dst(%arg11 : memref<1x80xi32, #tpu.memory_space<vmem>>)
    %dma_start3A_159 = arith.constant 0 : i32
    %dma_start3A_160 = arith.constant 0 : i32
    %dma_start3A_161 = tpu.memref_slice %arg8[%dma_start3A_159, %dma_start3A_160] : memref<1x80xi32, #tpu.memory_space<vmem>> -> memref<1x80xi32, #tpu.memory_space<vmem>>
    %dma_start3A_162 = tpu.memref_squeeze %dma_start3A_161 : memref<1x80xi32, #tpu.memory_space<vmem>> -> memref<80xi32, #tpu.memory_space<vmem>>
    %dma_start3A_163 = arith.constant 0 : i32
    %dma_start3A_164 = arith.constant 0 : i32
    %dma_start3A_165 = tpu.memref_slice %arg2[%dma_start3A_163, %dma_start3A_164] : memref<10000x128xf32, #tpu.memory_space<hbm>> -> memref<10000x128xf32, #tpu.memory_space<hbm>>
    tpu.enqueue_indirect_dma source(%dma_start3A_165 : memref<10000x128xf32, #tpu.memory_space<hbm>>) target(%arg14 : memref<80x128xf32, #tpu.memory_space<vmem>>) offsets(%dma_start3A_162 : memref<80xi32, #tpu.memory_space<vmem>>) semaphore(%arg21 : memref<!tpu.dma_semaphore, #tpu.memory_space<semaphore_mem>>)
    %dma_wait3A_166 = arith.constant 0 : i32
    %dma_wait3A_167 = arith.constant 0 : i32
    %dma_wait3A_168 = tpu.memref_slice %arg9[%dma_wait3A_166, %dma_wait3A_167] : memref<1x80xi32, #tpu.memory_space<vmem>> -> memref<1x80xi32, #tpu.memory_space<vmem>>
    %dma_wait3A_169 = tpu.memref_squeeze %dma_wait3A_168 : memref<1x80xi32, #tpu.memory_space<vmem>> -> memref<80xi32, #tpu.memory_space<vmem>>
    %dma_wait3A_170 = arith.constant 0 : i32
    %dma_wait3A_171 = arith.constant 0 : i32
    %dma_wait3A_172 = tpu.memref_slice %arg15[%dma_wait3A_170, %dma_wait3A_171] : memref<10240x128xf32, #tpu.memory_space<vmem_shared>> -> memref<10240x128xf32, #tpu.memory_space<vmem_shared>>
    tpu.wait_indirect_dma semaphore(%arg22 : memref<!tpu.dma_semaphore, #tpu.memory_space<semaphore_mem>>) src(%arg12 : memref<80x128xf32, #tpu.memory_space<vmem>>) dst(%dma_wait3A_172 : memref<10240x128xf32, #tpu.memory_space<vmem_shared>>)
    %dma_start3A_173 = arith.constant 3 : i32
    %dma_start3A_174 = arith.constant 0 : i32
    %dma_start3A_175 = arith.constant 0 : i32
    %dma_start3A_176 = tpu.memref_slice %arg3[%add3A, %dma_start3A_173, %dma_start3A_174, %dma_start3A_175] : memref<32x125x1x80xi32, #tpu.memory_space<hbm>> -> memref<1x1x1x80xi32, #tpu.memory_space<hbm>>
    %dma_start3A_177 = tpu.memref_squeeze %dma_start3A_176 : memref<1x1x1x80xi32, #tpu.memory_space<hbm>> -> memref<1x80xi32, #tpu.memory_space<hbm>>
    %dma_start3A_178 = arith.constant 0 : i32
    %dma_start3A_179 = arith.constant 0 : i32
    %dma_start3A_180 = tpu.memref_slice %arg3[%add3A, %dma_start3A_173, %dma_start3A_178, %dma_start3A_179] : memref<32x125x1x80xi32, #tpu.memory_space<hbm>> -> memref<1x1x1x80xi32, #tpu.memory_space<hbm>>
    %dma_start3A_181 = tpu.memref_squeeze %dma_start3A_180 : memref<1x1x1x80xi32, #tpu.memory_space<hbm>> -> memref<1x80xi32, #tpu.memory_space<hbm>>
    tpu.enqueue_dma source(%dma_start3A_181 : memref<1x80xi32, #tpu.memory_space<hbm>>) target(%arg6 : memref<1x80xi32, #tpu.memory_space<vmem>>) target_semaphore(%arg16 : memref<!tpu.dma_semaphore, #tpu.memory_space<semaphore_mem>>)
    %dma_start3A_182 = arith.constant 3 : i32
    %dma_start3A_183 = arith.constant 0 : i32
    %dma_start3A_184 = arith.constant 0 : i32
    %dma_start3A_185 = tpu.memref_slice %arg4[%add3A, %dma_start3A_182, %dma_start3A_183, %dma_start3A_184] : memref<32x125x1x80xi32, #tpu.memory_space<hbm>> -> memref<1x1x1x80xi32, #tpu.memory_space<hbm>>
    %dma_start3A_186 = tpu.memref_squeeze %dma_start3A_185 : memref<1x1x1x80xi32, #tpu.memory_space<hbm>> -> memref<1x80xi32, #tpu.memory_space<hbm>>
    %dma_start3A_187 = arith.constant 0 : i32
    %dma_start3A_188 = arith.constant 0 : i32
    %dma_start3A_189 = tpu.memref_slice %arg4[%add3A, %dma_start3A_182, %dma_start3A_187, %dma_start3A_188] : memref<32x125x1x80xi32, #tpu.memory_space<hbm>> -> memref<1x1x1x80xi32, #tpu.memory_space<hbm>>
    %dma_start3A_190 = tpu.memref_squeeze %dma_start3A_189 : memref<1x1x1x80xi32, #tpu.memory_space<hbm>> -> memref<1x80xi32, #tpu.memory_space<hbm>>
    tpu.enqueue_dma source(%dma_start3A_190 : memref<1x80xi32, #tpu.memory_space<hbm>>) target(%arg9 : memref<1x80xi32, #tpu.memory_space<vmem>>) target_semaphore(%arg16 : memref<!tpu.dma_semaphore, #tpu.memory_space<semaphore_mem>>)
    %dma_wait3A_191 = arith.constant 0 : i32
    %dma_wait3A_192 = arith.constant 0 : i32
    %dma_wait3A_193 = tpu.memref_slice %arg7[%dma_wait3A_191, %dma_wait3A_192] : memref<1x80xi32, #tpu.memory_space<vmem>> -> memref<1x80xi32, #tpu.memory_space<vmem>>
    %dma_wait3A_194 = tpu.memref_squeeze %dma_wait3A_193 : memref<1x80xi32, #tpu.memory_space<vmem>> -> memref<80xi32, #tpu.memory_space<vmem>>
    %dma_wait3A_195 = arith.constant 0 : i32
    %dma_wait3A_196 = arith.constant 0 : i32
    %dma_wait3A_197 = tpu.memref_slice %arg2[%dma_wait3A_195, %dma_wait3A_196] : memref<10000x128xf32, #tpu.memory_space<hbm>> -> memref<10000x128xf32, #tpu.memory_space<hbm>>
    tpu.wait_indirect_dma semaphore(%arg20 : memref<!tpu.dma_semaphore, #tpu.memory_space<semaphore_mem>>) src(%dma_wait3A_197 : memref<10000x128xf32, #tpu.memory_space<hbm>>) dst(%arg13 : memref<80x128xf32, #tpu.memory_space<vmem>>)
    %dma_start3A_198 = arith.constant 0 : i32
    %dma_start3A_199 = arith.constant 0 : i32
    %dma_start3A_200 = tpu.memref_slice %arg10[%dma_start3A_198, %dma_start3A_199] : memref<1x80xi32, #tpu.memory_space<vmem>> -> memref<1x80xi32, #tpu.memory_space<vmem>>
    %dma_start3A_201 = tpu.memref_squeeze %dma_start3A_200 : memref<1x80xi32, #tpu.memory_space<vmem>> -> memref<80xi32, #tpu.memory_space<vmem>>
    %dma_start3A_202 = arith.constant 0 : i32
    %dma_start3A_203 = arith.constant 0 : i32
    %dma_start3A_204 = tpu.memref_slice %arg15[%dma_start3A_202, %dma_start3A_203] : memref<10240x128xf32, #tpu.memory_space<vmem_shared>> -> memref<10240x128xf32, #tpu.memory_space<vmem_shared>>
    tpu.enqueue_indirect_dma source(%arg13 : memref<80x128xf32, #tpu.memory_space<vmem>>) target(%dma_start3A_204 : memref<10240x128xf32, #tpu.memory_space<vmem_shared>>) offsets(%dma_start3A_201 : memref<80xi32, #tpu.memory_space<vmem>>) semaphore(%arg23 : memref<!tpu.dma_semaphore, #tpu.memory_space<semaphore_mem>>) {add = true}
    %dma_wait3A_205 = arith.constant 3 : i32
    %dma_wait3A_206 = arith.constant 0 : i32
    %dma_wait3A_207 = arith.constant 0 : i32
    %dma_wait3A_208 = tpu.memref_slice %arg3[%add3A, %dma_wait3A_205, %dma_wait3A_206, %dma_wait3A_207] : memref<32x125x1x80xi32, #tpu.memory_space<hbm>> -> memref<1x1x1x80xi32, #tpu.memory_space<hbm>>
    %dma_wait3A_209 = tpu.memref_squeeze %dma_wait3A_208 : memref<1x1x1x80xi32, #tpu.memory_space<hbm>> -> memref<1x80xi32, #tpu.memory_space<hbm>>
    %dma_wait3A_210 = arith.constant 0 : i32
    %dma_wait3A_211 = arith.constant 0 : i32
    %dma_wait3A_212 = tpu.memref_slice %arg3[%add3A, %dma_wait3A_205, %dma_wait3A_210, %dma_wait3A_211] : memref<32x125x1x80xi32, #tpu.memory_space<hbm>> -> memref<1x1x1x80xi32, #tpu.memory_space<hbm>>
    %dma_wait3A_213 = tpu.memref_squeeze %dma_wait3A_212 : memref<1x1x1x80xi32, #tpu.memory_space<hbm>> -> memref<1x80xi32, #tpu.memory_space<hbm>>
    tpu.wait_dma2 semaphore(%arg16 : memref<!tpu.dma_semaphore, #tpu.memory_space<semaphore_mem>>) src(%dma_wait3A_213 : memref<1x80xi32, #tpu.memory_space<hbm>>) dst(%arg6 : memref<1x80xi32, #tpu.memory_space<vmem>>)
    %dma_wait3A_214 = arith.constant 3 : i32
    %dma_wait3A_215 = arith.constant 0 : i32
    %dma_wait3A_216 = arith.constant 0 : i32
    %dma_wait3A_217 = tpu.memref_slice %arg4[%add3A, %dma_wait3A_214, %dma_wait3A_215, %dma_wait3A_216] : memref<32x125x1x80xi32, #tpu.memory_space<hbm>> -> memref<1x1x1x80xi32, #tpu.memory_space<hbm>>
    %dma_wait3A_218 = tpu.memref_squeeze %dma_wait3A_217 : memref<1x1x1x80xi32, #tpu.memory_space<hbm>> -> memref<1x80xi32, #tpu.memory_space<hbm>>
    %dma_wait3A_219 = arith.constant 0 : i32
    %dma_wait3A_220 = arith.constant 0 : i32
    %dma_wait3A_221 = tpu.memref_slice %arg4[%add3A, %dma_wait3A_214, %dma_wait3A_219, %dma_wait3A_220] : memref<32x125x1x80xi32, #tpu.memory_space<hbm>> -> memref<1x1x1x80xi32, #tpu.memory_space<hbm>>
    %dma_wait3A_222 = tpu.memref_squeeze %dma_wait3A_221 : memref<1x1x1x80xi32, #tpu.memory_space<hbm>> -> memref<1x80xi32, #tpu.memory_space<hbm>>
    tpu.wait_dma2 semaphore(%arg16 : memref<!tpu.dma_semaphore, #tpu.memory_space<semaphore_mem>>) src(%dma_wait3A_222 : memref<1x80xi32, #tpu.memory_space<hbm>>) dst(%arg9 : memref<1x80xi32, #tpu.memory_space<vmem>>)
    %dma_start3A_223 = arith.constant 0 : i32
    %dma_start3A_224 = arith.constant 0 : i32
    %dma_start3A_225 = tpu.memref_slice %arg6[%dma_start3A_223, %dma_start3A_224] : memref<1x80xi32, #tpu.memory_space<vmem>> -> memref<1x80xi32, #tpu.memory_space<vmem>>
    %dma_start3A_226 = tpu.memref_squeeze %dma_start3A_225 : memref<1x80xi32, #tpu.memory_space<vmem>> -> memref<80xi32, #tpu.memory_space<vmem>>
    %dma_start3A_227 = arith.constant 0 : i32
    %dma_start3A_228 = arith.constant 0 : i32
    %dma_start3A_229 = tpu.memref_slice %arg2[%dma_start3A_227, %dma_start3A_228] : memref<10000x128xf32, #tpu.memory_space<hbm>> -> memref<10000x128xf32, #tpu.memory_space<hbm>>
    tpu.enqueue_indirect_dma source(%dma_start3A_229 : memref<10000x128xf32, #tpu.memory_space<hbm>>) target(%arg12 : memref<80x128xf32, #tpu.memory_space<vmem>>) offsets(%dma_start3A_226 : memref<80xi32, #tpu.memory_space<vmem>>) semaphore(%arg19 : memref<!tpu.dma_semaphore, #tpu.memory_space<semaphore_mem>>)
    %scan3A_230 = arith.constant 0 : i32
    %scan3A_231 = arith.constant 0 : i32
    %scan3A_232 = arith.constant 40 : i32
    %scan3A_233 = arith.addi %scan3A_231, %scan3A_232 : i32
    %scan3A_234 = arith.constant 1 : i32
    scf.for %scan3A_350 = %scan3A_231 to %scan3A_233 step %scan3A_234  : i32 {
      %mul3A_351 = arith.constant 3 : i32
      %mul3A_352 = arith.muli %mul3A_351, %scan3A_350 : i32
      %add3A_353 = arith.constant 2 : i32
      %add3A_354 = arith.addi %mul3A_352, %add3A_353 : i32
      %dma_wait3A_355 = arith.constant 0 : i32
      %dma_wait3A_356 = arith.constant 0 : i32
      %dma_wait3A_357 = tpu.memref_slice %arg10[%dma_wait3A_355, %dma_wait3A_356] : memref<1x80xi32, #tpu.memory_space<vmem>> -> memref<1x80xi32, #tpu.memory_space<vmem>>
      %dma_wait3A_358 = tpu.memref_squeeze %dma_wait3A_357 : memref<1x80xi32, #tpu.memory_space<vmem>> -> memref<80xi32, #tpu.memory_space<vmem>>
      %dma_wait3A_359 = arith.constant 0 : i32
      %dma_wait3A_360 = arith.constant 0 : i32
      %dma_wait3A_361 = tpu.memref_slice %arg15[%dma_wait3A_359, %dma_wait3A_360] : memref<10240x128xf32, #tpu.memory_space<vmem_shared>> -> memref<10240x128xf32, #tpu.memory_space<vmem_shared>>
      tpu.wait_indirect_dma semaphore(%arg23 : memref<!tpu.dma_semaphore, #tpu.memory_space<semaphore_mem>>) src(%arg13 : memref<80x128xf32, #tpu.memory_space<vmem>>) dst(%dma_wait3A_361 : memref<10240x128xf32, #tpu.memory_space<vmem_shared>>)
      %add3A_362 = arith.constant 2 : i32
      %add3A_363 = arith.addi %add3A_354, %add3A_362 : i32
      %dma_start3A_364 = arith.constant 0 : i32
      %dma_start3A_365 = arith.constant 0 : i32
      %dma_start3A_366 = tpu.memref_slice %arg3[%add3A, %add3A_363, %dma_start3A_364, %dma_start3A_365] : memref<32x125x1x80xi32, #tpu.memory_space<hbm>> -> memref<1x1x1x80xi32, #tpu.memory_space<hbm>>
      %dma_start3A_367 = tpu.memref_squeeze %dma_start3A_366 : memref<1x1x1x80xi32, #tpu.memory_space<hbm>> -> memref<1x80xi32, #tpu.memory_space<hbm>>
      %dma_start3A_368 = arith.constant 0 : i32
      %dma_start3A_369 = arith.constant 0 : i32
      %dma_start3A_370 = tpu.memref_slice %arg3[%add3A, %add3A_363, %dma_start3A_368, %dma_start3A_369] : memref<32x125x1x80xi32, #tpu.memory_space<hbm>> -> memref<1x1x1x80xi32, #tpu.memory_space<hbm>>
      %dma_start3A_371 = tpu.memref_squeeze %dma_start3A_370 : memref<1x1x1x80xi32, #tpu.memory_space<hbm>> -> memref<1x80xi32, #tpu.memory_space<hbm>>
      tpu.enqueue_dma source(%dma_start3A_371 : memref<1x80xi32, #tpu.memory_space<hbm>>) target(%arg7 : memref<1x80xi32, #tpu.memory_space<vmem>>) target_semaphore(%arg17 : memref<!tpu.dma_semaphore, #tpu.memory_space<semaphore_mem>>)
      %dma_start3A_372 = arith.constant 0 : i32
      %dma_start3A_373 = arith.constant 0 : i32
      %dma_start3A_374 = tpu.memref_slice %arg4[%add3A, %add3A_363, %dma_start3A_372, %dma_start3A_373] : memref<32x125x1x80xi32, #tpu.memory_space<hbm>> -> memref<1x1x1x80xi32, #tpu.memory_space<hbm>>
      %dma_start3A_375 = tpu.memref_squeeze %dma_start3A_374 : memref<1x1x1x80xi32, #tpu.memory_space<hbm>> -> memref<1x80xi32, #tpu.memory_space<hbm>>
      %dma_start3A_376 = arith.constant 0 : i32
      %dma_start3A_377 = arith.constant 0 : i32
      %dma_start3A_378 = tpu.memref_slice %arg4[%add3A, %add3A_363, %dma_start3A_376, %dma_start3A_377] : memref<32x125x1x80xi32, #tpu.memory_space<hbm>> -> memref<1x1x1x80xi32, #tpu.memory_space<hbm>>
      %dma_start3A_379 = tpu.memref_squeeze %dma_start3A_378 : memref<1x1x1x80xi32, #tpu.memory_space<hbm>> -> memref<1x80xi32, #tpu.memory_space<hbm>>
      tpu.enqueue_dma source(%dma_start3A_379 : memref<1x80xi32, #tpu.memory_space<hbm>>) target(%arg10 : memref<1x80xi32, #tpu.memory_space<vmem>>) target_semaphore(%arg17 : memref<!tpu.dma_semaphore, #tpu.memory_space<semaphore_mem>>)
      %dma_wait3A_380 = arith.constant 0 : i32
      %dma_wait3A_381 = arith.constant 0 : i32
      %dma_wait3A_382 = tpu.memref_slice %arg8[%dma_wait3A_380, %dma_wait3A_381] : memref<1x80xi32, #tpu.memory_space<vmem>> -> memref<1x80xi32, #tpu.memory_space<vmem>>
      %dma_wait3A_383 = tpu.memref_squeeze %dma_wait3A_382 : memref<1x80xi32, #tpu.memory_space<vmem>> -> memref<80xi32, #tpu.memory_space<vmem>>
      %dma_wait3A_384 = arith.constant 0 : i32
      %dma_wait3A_385 = arith.constant 0 : i32
      %dma_wait3A_386 = tpu.memref_slice %arg2[%dma_wait3A_384, %dma_wait3A_385] : memref<10000x128xf32, #tpu.memory_space<hbm>> -> memref<10000x128xf32, #tpu.memory_space<hbm>>
      tpu.wait_indirect_dma semaphore(%arg21 : memref<!tpu.dma_semaphore, #tpu.memory_space<semaphore_mem>>) src(%dma_wait3A_386 : memref<10000x128xf32, #tpu.memory_space<hbm>>) dst(%arg14 : memref<80x128xf32, #tpu.memory_space<vmem>>)
      %dma_start3A_387 = arith.constant 0 : i32
      %dma_start3A_388 = arith.constant 0 : i32
      %dma_start3A_389 = tpu.memref_slice %arg11[%dma_start3A_387, %dma_start3A_388] : memref<1x80xi32, #tpu.memory_space<vmem>> -> memref<1x80xi32, #tpu.memory_space<vmem>>
      %dma_start3A_390 = tpu.memref_squeeze %dma_start3A_389 : memref<1x80xi32, #tpu.memory_space<vmem>> -> memref<80xi32, #tpu.memory_space<vmem>>
      %dma_start3A_391 = arith.constant 0 : i32
      %dma_start3A_392 = arith.constant 0 : i32
      %dma_start3A_393 = tpu.memref_slice %arg15[%dma_start3A_391, %dma_start3A_392] : memref<10240x128xf32, #tpu.memory_space<vmem_shared>> -> memref<10240x128xf32, #tpu.memory_space<vmem_shared>>
      tpu.enqueue_indirect_dma source(%arg14 : memref<80x128xf32, #tpu.memory_space<vmem>>) target(%dma_start3A_393 : memref<10240x128xf32, #tpu.memory_space<vmem_shared>>) offsets(%dma_start3A_390 : memref<80xi32, #tpu.memory_space<vmem>>) semaphore(%arg24 : memref<!tpu.dma_semaphore, #tpu.memory_space<semaphore_mem>>) {add = true}
      %add3A_394 = arith.constant 2 : i32
      %add3A_395 = arith.addi %add3A_354, %add3A_394 : i32
      %dma_wait3A_396 = arith.constant 0 : i32
      %dma_wait3A_397 = arith.constant 0 : i32
      %dma_wait3A_398 = tpu.memref_slice %arg3[%add3A, %add3A_395, %dma_wait3A_396, %dma_wait3A_397] : memref<32x125x1x80xi32, #tpu.memory_space<hbm>> -> memref<1x1x1x80xi32, #tpu.memory_space<hbm>>
      %dma_wait3A_399 = tpu.memref_squeeze %dma_wait3A_398 : memref<1x1x1x80xi32, #tpu.memory_space<hbm>> -> memref<1x80xi32, #tpu.memory_space<hbm>>
      %dma_wait3A_400 = arith.constant 0 : i32
      %dma_wait3A_401 = arith.constant 0 : i32
      %dma_wait3A_402 = tpu.memref_slice %arg3[%add3A, %add3A_395, %dma_wait3A_400, %dma_wait3A_401] : memref<32x125x1x80xi32, #tpu.memory_space<hbm>> -> memref<1x1x1x80xi32, #tpu.memory_space<hbm>>
      %dma_wait3A_403 = tpu.memref_squeeze %dma_wait3A_402 : memref<1x1x1x80xi32, #tpu.memory_space<hbm>> -> memref<1x80xi32, #tpu.memory_space<hbm>>
      tpu.wait_dma2 semaphore(%arg17 : memref<!tpu.dma_semaphore, #tpu.memory_space<semaphore_mem>>) src(%dma_wait3A_403 : memref<1x80xi32, #tpu.memory_space<hbm>>) dst(%arg7 : memref<1x80xi32, #tpu.memory_space<vmem>>)
      %dma_wait3A_404 = arith.constant 0 : i32
      %dma_wait3A_405 = arith.constant 0 : i32
      %dma_wait3A_406 = tpu.memref_slice %arg4[%add3A, %add3A_395, %dma_wait3A_404, %dma_wait3A_405] : memref<32x125x1x80xi32, #tpu.memory_space<hbm>> -> memref<1x1x1x80xi32, #tpu.memory_space<hbm>>
      %dma_wait3A_407 = tpu.memref_squeeze %dma_wait3A_406 : memref<1x1x1x80xi32, #tpu.memory_space<hbm>> -> memref<1x80xi32, #tpu.memory_space<hbm>>
      %dma_wait3A_408 = arith.constant 0 : i32
      %dma_wait3A_409 = arith.constant 0 : i32
      %dma_wait3A_410 = tpu.memref_slice %arg4[%add3A, %add3A_395, %dma_wait3A_408, %dma_wait3A_409] : memref<32x125x1x80xi32, #tpu.memory_space<hbm>> -> memref<1x1x1x80xi32, #tpu.memory_space<hbm>>
      %dma_wait3A_411 = tpu.memref_squeeze %dma_wait3A_410 : memref<1x1x1x80xi32, #tpu.memory_space<hbm>> -> memref<1x80xi32, #tpu.memory_space<hbm>>
      tpu.wait_dma2 semaphore(%arg17 : memref<!tpu.dma_semaphore, #tpu.memory_space<semaphore_mem>>) src(%dma_wait3A_411 : memref<1x80xi32, #tpu.memory_space<hbm>>) dst(%arg10 : memref<1x80xi32, #tpu.memory_space<vmem>>)
      %dma_start3A_412 = arith.constant 0 : i32
      %dma_start3A_413 = arith.constant 0 : i32
      %dma_start3A_414 = tpu.memref_slice %arg7[%dma_start3A_412, %dma_start3A_413] : memref<1x80xi32, #tpu.memory_space<vmem>> -> memref<1x80xi32, #tpu.memory_space<vmem>>
      %dma_start3A_415 = tpu.memref_squeeze %dma_start3A_414 : memref<1x80xi32, #tpu.memory_space<vmem>> -> memref<80xi32, #tpu.memory_space<vmem>>
      %dma_start3A_416 = arith.constant 0 : i32
      %dma_start3A_417 = arith.constant 0 : i32
      %dma_start3A_418 = tpu.memref_slice %arg2[%dma_start3A_416, %dma_start3A_417] : memref<10000x128xf32, #tpu.memory_space<hbm>> -> memref<10000x128xf32, #tpu.memory_space<hbm>>
      tpu.enqueue_indirect_dma source(%dma_start3A_418 : memref<10000x128xf32, #tpu.memory_space<hbm>>) target(%arg13 : memref<80x128xf32, #tpu.memory_space<vmem>>) offsets(%dma_start3A_415 : memref<80xi32, #tpu.memory_space<vmem>>) semaphore(%arg20 : memref<!tpu.dma_semaphore, #tpu.memory_space<semaphore_mem>>)
      %add3A_419 = arith.constant 1 : i32
      %add3A_420 = arith.addi %add3A_354, %add3A_419 : i32
      %dma_wait3A_421 = arith.constant 0 : i32
      %dma_wait3A_422 = arith.constant 0 : i32
      %dma_wait3A_423 = tpu.memref_slice %arg11[%dma_wait3A_421, %dma_wait3A_422] : memref<1x80xi32, #tpu.memory_space<vmem>> -> memref<1x80xi32, #tpu.memory_space<vmem>>
      %dma_wait3A_424 = tpu.memref_squeeze %dma_wait3A_423 : memref<1x80xi32, #tpu.memory_space<vmem>> -> memref<80xi32, #tpu.memory_space<vmem>>
      %dma_wait3A_425 = arith.constant 0 : i32
      %dma_wait3A_426 = arith.constant 0 : i32
      %dma_wait3A_427 = tpu.memref_slice %arg15[%dma_wait3A_425, %dma_wait3A_426] : memref<10240x128xf32, #tpu.memory_space<vmem_shared>> -> memref<10240x128xf32, #tpu.memory_space<vmem_shared>>
      tpu.wait_indirect_dma semaphore(%arg24 : memref<!tpu.dma_semaphore, #tpu.memory_space<semaphore_mem>>) src(%arg14 : memref<80x128xf32, #tpu.memory_space<vmem>>) dst(%dma_wait3A_427 : memref<10240x128xf32, #tpu.memory_space<vmem_shared>>)
      %add3A_428 = arith.constant 2 : i32
      %add3A_429 = arith.addi %add3A_420, %add3A_428 : i32
      %dma_start3A_430 = arith.constant 0 : i32
      %dma_start3A_431 = arith.constant 0 : i32
      %dma_start3A_432 = tpu.memref_slice %arg3[%add3A, %add3A_429, %dma_start3A_430, %dma_start3A_431] : memref<32x125x1x80xi32, #tpu.memory_space<hbm>> -> memref<1x1x1x80xi32, #tpu.memory_space<hbm>>
      %dma_start3A_433 = tpu.memref_squeeze %dma_start3A_432 : memref<1x1x1x80xi32, #tpu.memory_space<hbm>> -> memref<1x80xi32, #tpu.memory_space<hbm>>
      %dma_start3A_434 = arith.constant 0 : i32
      %dma_start3A_435 = arith.constant 0 : i32
      %dma_start3A_436 = tpu.memref_slice %arg3[%add3A, %add3A_429, %dma_start3A_434, %dma_start3A_435] : memref<32x125x1x80xi32, #tpu.memory_space<hbm>> -> memref<1x1x1x80xi32, #tpu.memory_space<hbm>>
      %dma_start3A_437 = tpu.memref_squeeze %dma_start3A_436 : memref<1x1x1x80xi32, #tpu.memory_space<hbm>> -> memref<1x80xi32, #tpu.memory_space<hbm>>
      tpu.enqueue_dma source(%dma_start3A_437 : memref<1x80xi32, #tpu.memory_space<hbm>>) target(%arg8 : memref<1x80xi32, #tpu.memory_space<vmem>>) target_semaphore(%arg18 : memref<!tpu.dma_semaphore, #tpu.memory_space<semaphore_mem>>)
      %dma_start3A_438 = arith.constant 0 : i32
      %dma_start3A_439 = arith.constant 0 : i32
      %dma_start3A_440 = tpu.memref_slice %arg4[%add3A, %add3A_429, %dma_start3A_438, %dma_start3A_439] : memref<32x125x1x80xi32, #tpu.memory_space<hbm>> -> memref<1x1x1x80xi32, #tpu.memory_space<hbm>>
      %dma_start3A_441 = tpu.memref_squeeze %dma_start3A_440 : memref<1x1x1x80xi32, #tpu.memory_space<hbm>> -> memref<1x80xi32, #tpu.memory_space<hbm>>
      %dma_start3A_442 = arith.constant 0 : i32
      %dma_start3A_443 = arith.constant 0 : i32
      %dma_start3A_444 = tpu.memref_slice %arg4[%add3A, %add3A_429, %dma_start3A_442, %dma_start3A_443] : memref<32x125x1x80xi32, #tpu.memory_space<hbm>> -> memref<1x1x1x80xi32, #tpu.memory_space<hbm>>
      %dma_start3A_445 = tpu.memref_squeeze %dma_start3A_444 : memref<1x1x1x80xi32, #tpu.memory_space<hbm>> -> memref<1x80xi32, #tpu.memory_space<hbm>>
      tpu.enqueue_dma source(%dma_start3A_445 : memref<1x80xi32, #tpu.memory_space<hbm>>) target(%arg11 : memref<1x80xi32, #tpu.memory_space<vmem>>) target_semaphore(%arg18 : memref<!tpu.dma_semaphore, #tpu.memory_space<semaphore_mem>>)
      %dma_wait3A_446 = arith.constant 0 : i32
      %dma_wait3A_447 = arith.constant 0 : i32
      %dma_wait3A_448 = tpu.memref_slice %arg6[%dma_wait3A_446, %dma_wait3A_447] : memref<1x80xi32, #tpu.memory_space<vmem>> -> memref<1x80xi32, #tpu.memory_space<vmem>>
      %dma_wait3A_449 = tpu.memref_squeeze %dma_wait3A_448 : memref<1x80xi32, #tpu.memory_space<vmem>> -> memref<80xi32, #tpu.memory_space<vmem>>
      %dma_wait3A_450 = arith.constant 0 : i32
      %dma_wait3A_451 = arith.constant 0 : i32
      %dma_wait3A_452 = tpu.memref_slice %arg2[%dma_wait3A_450, %dma_wait3A_451] : memref<10000x128xf32, #tpu.memory_space<hbm>> -> memref<10000x128xf32, #tpu.memory_space<hbm>>
      tpu.wait_indirect_dma semaphore(%arg19 : memref<!tpu.dma_semaphore, #tpu.memory_space<semaphore_mem>>) src(%dma_wait3A_452 : memref<10000x128xf32, #tpu.memory_space<hbm>>) dst(%arg12 : memref<80x128xf32, #tpu.memory_space<vmem>>)
      %dma_start3A_453 = arith.constant 0 : i32
      %dma_start3A_454 = arith.constant 0 : i32
      %dma_start3A_455 = tpu.memref_slice %arg9[%dma_start3A_453, %dma_start3A_454] : memref<1x80xi32, #tpu.memory_space<vmem>> -> memref<1x80xi32, #tpu.memory_space<vmem>>
      %dma_start3A_456 = tpu.memref_squeeze %dma_start3A_455 : memref<1x80xi32, #tpu.memory_space<vmem>> -> memref<80xi32, #tpu.memory_space<vmem>>
      %dma_start3A_457 = arith.constant 0 : i32
      %dma_start3A_458 = arith.constant 0 : i32
      %dma_start3A_459 = tpu.memref_slice %arg15[%dma_start3A_457, %dma_start3A_458] : memref<10240x128xf32, #tpu.memory_space<vmem_shared>> -> memref<10240x128xf32, #tpu.memory_space<vmem_shared>>
      tpu.enqueue_indirect_dma source(%arg12 : memref<80x128xf32, #tpu.memory_space<vmem>>) target(%dma_start3A_459 : memref<10240x128xf32, #tpu.memory_space<vmem_shared>>) offsets(%dma_start3A_456 : memref<80xi32, #tpu.memory_space<vmem>>) semaphore(%arg22 : memref<!tpu.dma_semaphore, #tpu.memory_space<semaphore_mem>>) {add = true}
      %add3A_460 = arith.constant 2 : i32
      %add3A_461 = arith.addi %add3A_420, %add3A_460 : i32
      %dma_wait3A_462 = arith.constant 0 : i32
      %dma_wait3A_463 = arith.constant 0 : i32
      %dma_wait3A_464 = tpu.memref_slice %arg3[%add3A, %add3A_461, %dma_wait3A_462, %dma_wait3A_463] : memref<32x125x1x80xi32, #tpu.memory_space<hbm>> -> memref<1x1x1x80xi32, #tpu.memory_space<hbm>>
      %dma_wait3A_465 = tpu.memref_squeeze %dma_wait3A_464 : memref<1x1x1x80xi32, #tpu.memory_space<hbm>> -> memref<1x80xi32, #tpu.memory_space<hbm>>
      %dma_wait3A_466 = arith.constant 0 : i32
      %dma_wait3A_467 = arith.constant 0 : i32
      %dma_wait3A_468 = tpu.memref_slice %arg3[%add3A, %add3A_461, %dma_wait3A_466, %dma_wait3A_467] : memref<32x125x1x80xi32, #tpu.memory_space<hbm>> -> memref<1x1x1x80xi32, #tpu.memory_space<hbm>>
      %dma_wait3A_469 = tpu.memref_squeeze %dma_wait3A_468 : memref<1x1x1x80xi32, #tpu.memory_space<hbm>> -> memref<1x80xi32, #tpu.memory_space<hbm>>
      tpu.wait_dma2 semaphore(%arg18 : memref<!tpu.dma_semaphore, #tpu.memory_space<semaphore_mem>>) src(%dma_wait3A_469 : memref<1x80xi32, #tpu.memory_space<hbm>>) dst(%arg8 : memref<1x80xi32, #tpu.memory_space<vmem>>)
      %dma_wait3A_470 = arith.constant 0 : i32
      %dma_wait3A_471 = arith.constant 0 : i32
      %dma_wait3A_472 = tpu.memref_slice %arg4[%add3A, %add3A_461, %dma_wait3A_470, %dma_wait3A_471] : memref<32x125x1x80xi32, #tpu.memory_space<hbm>> -> memref<1x1x1x80xi32, #tpu.memory_space<hbm>>
      %dma_wait3A_473 = tpu.memref_squeeze %dma_wait3A_472 : memref<1x1x1x80xi32, #tpu.memory_space<hbm>> -> memref<1x80xi32, #tpu.memory_space<hbm>>
      %dma_wait3A_474 = arith.constant 0 : i32
      %dma_wait3A_475 = arith.constant 0 : i32
      %dma_wait3A_476 = tpu.memref_slice %arg4[%add3A, %add3A_461, %dma_wait3A_474, %dma_wait3A_475] : memref<32x125x1x80xi32, #tpu.memory_space<hbm>> -> memref<1x1x1x80xi32, #tpu.memory_space<hbm>>
      %dma_wait3A_477 = tpu.memref_squeeze %dma_wait3A_476 : memref<1x1x1x80xi32, #tpu.memory_space<hbm>> -> memref<1x80xi32, #tpu.memory_space<hbm>>
      tpu.wait_dma2 semaphore(%arg18 : memref<!tpu.dma_semaphore, #tpu.memory_space<semaphore_mem>>) src(%dma_wait3A_477 : memref<1x80xi32, #tpu.memory_space<hbm>>) dst(%arg11 : memref<1x80xi32, #tpu.memory_space<vmem>>)
      %dma_start3A_478 = arith.constant 0 : i32
      %dma_start3A_479 = arith.constant 0 : i32
      %dma_start3A_480 = tpu.memref_slice %arg8[%dma_start3A_478, %dma_start3A_479] : memref<1x80xi32, #tpu.memory_space<vmem>> -> memref<1x80xi32, #tpu.memory_space<vmem>>
      %dma_start3A_481 = tpu.memref_squeeze %dma_start3A_480 : memref<1x80xi32, #tpu.memory_space<vmem>> -> memref<80xi32, #tpu.memory_space<vmem>>
      %dma_start3A_482 = arith.constant 0 : i32
      %dma_start3A_483 = arith.constant 0 : i32
      %dma_start3A_484 = tpu.memref_slice %arg2[%dma_start3A_482, %dma_start3A_483] : memref<10000x128xf32, #tpu.memory_space<hbm>> -> memref<10000x128xf32, #tpu.memory_space<hbm>>
      tpu.enqueue_indirect_dma source(%dma_start3A_484 : memref<10000x128xf32, #tpu.memory_space<hbm>>) target(%arg14 : memref<80x128xf32, #tpu.memory_space<vmem>>) offsets(%dma_start3A_481 : memref<80xi32, #tpu.memory_space<vmem>>) semaphore(%arg21 : memref<!tpu.dma_semaphore, #tpu.memory_space<semaphore_mem>>)
      %add3A_485 = arith.constant 2 : i32
      %add3A_486 = arith.addi %add3A_354, %add3A_485 : i32
      %dma_wait3A_487 = arith.constant 0 : i32
      %dma_wait3A_488 = arith.constant 0 : i32
      %dma_wait3A_489 = tpu.memref_slice %arg9[%dma_wait3A_487, %dma_wait3A_488] : memref<1x80xi32, #tpu.memory_space<vmem>> -> memref<1x80xi32, #tpu.memory_space<vmem>>
      %dma_wait3A_490 = tpu.memref_squeeze %dma_wait3A_489 : memref<1x80xi32, #tpu.memory_space<vmem>> -> memref<80xi32, #tpu.memory_space<vmem>>
      %dma_wait3A_491 = arith.constant 0 : i32
      %dma_wait3A_492 = arith.constant 0 : i32
      %dma_wait3A_493 = tpu.memref_slice %arg15[%dma_wait3A_491, %dma_wait3A_492] : memref<10240x128xf32, #tpu.memory_space<vmem_shared>> -> memref<10240x128xf32, #tpu.memory_space<vmem_shared>>
      tpu.wait_indirect_dma semaphore(%arg22 : memref<!tpu.dma_semaphore, #tpu.memory_space<semaphore_mem>>) src(%arg12 : memref<80x128xf32, #tpu.memory_space<vmem>>) dst(%dma_wait3A_493 : memref<10240x128xf32, #tpu.memory_space<vmem_shared>>)
      %add3A_494 = arith.constant 2 : i32
      %add3A_495 = arith.addi %add3A_486, %add3A_494 : i32
      %dma_start3A_496 = arith.constant 0 : i32
      %dma_start3A_497 = arith.constant 0 : i32
      %dma_start3A_498 = tpu.memref_slice %arg3[%add3A, %add3A_495, %dma_start3A_496, %dma_start3A_497] : memref<32x125x1x80xi32, #tpu.memory_space<hbm>> -> memref<1x1x1x80xi32, #tpu.memory_space<hbm>>
      %dma_start3A_499 = tpu.memref_squeeze %dma_start3A_498 : memref<1x1x1x80xi32, #tpu.memory_space<hbm>> -> memref<1x80xi32, #tpu.memory_space<hbm>>
      %dma_start3A_500 = arith.constant 0 : i32
      %dma_start3A_501 = arith.constant 0 : i32
      %dma_start3A_502 = tpu.memref_slice %arg3[%add3A, %add3A_495, %dma_start3A_500, %dma_start3A_501] : memref<32x125x1x80xi32, #tpu.memory_space<hbm>> -> memref<1x1x1x80xi32, #tpu.memory_space<hbm>>
      %dma_start3A_503 = tpu.memref_squeeze %dma_start3A_502 : memref<1x1x1x80xi32, #tpu.memory_space<hbm>> -> memref<1x80xi32, #tpu.memory_space<hbm>>
      tpu.enqueue_dma source(%dma_start3A_503 : memref<1x80xi32, #tpu.memory_space<hbm>>) target(%arg6 : memref<1x80xi32, #tpu.memory_space<vmem>>) target_semaphore(%arg16 : memref<!tpu.dma_semaphore, #tpu.memory_space<semaphore_mem>>)
      %dma_start3A_504 = arith.constant 0 : i32
      %dma_start3A_505 = arith.constant 0 : i32
      %dma_start3A_506 = tpu.memref_slice %arg4[%add3A, %add3A_495, %dma_start3A_504, %dma_start3A_505] : memref<32x125x1x80xi32, #tpu.memory_space<hbm>> -> memref<1x1x1x80xi32, #tpu.memory_space<hbm>>
      %dma_start3A_507 = tpu.memref_squeeze %dma_start3A_506 : memref<1x1x1x80xi32, #tpu.memory_space<hbm>> -> memref<1x80xi32, #tpu.memory_space<hbm>>
      %dma_start3A_508 = arith.constant 0 : i32
      %dma_start3A_509 = arith.constant 0 : i32
      %dma_start3A_510 = tpu.memref_slice %arg4[%add3A, %add3A_495, %dma_start3A_508, %dma_start3A_509] : memref<32x125x1x80xi32, #tpu.memory_space<hbm>> -> memref<1x1x1x80xi32, #tpu.memory_space<hbm>>
      %dma_start3A_511 = tpu.memref_squeeze %dma_start3A_510 : memref<1x1x1x80xi32, #tpu.memory_space<hbm>> -> memref<1x80xi32, #tpu.memory_space<hbm>>
      tpu.enqueue_dma source(%dma_start3A_511 : memref<1x80xi32, #tpu.memory_space<hbm>>) target(%arg9 : memref<1x80xi32, #tpu.memory_space<vmem>>) target_semaphore(%arg16 : memref<!tpu.dma_semaphore, #tpu.memory_space<semaphore_mem>>)
      %dma_wait3A_512 = arith.constant 0 : i32
      %dma_wait3A_513 = arith.constant 0 : i32
      %dma_wait3A_514 = tpu.memref_slice %arg7[%dma_wait3A_512, %dma_wait3A_513] : memref<1x80xi32, #tpu.memory_space<vmem>> -> memref<1x80xi32, #tpu.memory_space<vmem>>
      %dma_wait3A_515 = tpu.memref_squeeze %dma_wait3A_514 : memref<1x80xi32, #tpu.memory_space<vmem>> -> memref<80xi32, #tpu.memory_space<vmem>>
      %dma_wait3A_516 = arith.constant 0 : i32
      %dma_wait3A_517 = arith.constant 0 : i32
      %dma_wait3A_518 = tpu.memref_slice %arg2[%dma_wait3A_516, %dma_wait3A_517] : memref<10000x128xf32, #tpu.memory_space<hbm>> -> memref<10000x128xf32, #tpu.memory_space<hbm>>
      tpu.wait_indirect_dma semaphore(%arg20 : memref<!tpu.dma_semaphore, #tpu.memory_space<semaphore_mem>>) src(%dma_wait3A_518 : memref<10000x128xf32, #tpu.memory_space<hbm>>) dst(%arg13 : memref<80x128xf32, #tpu.memory_space<vmem>>)
      %dma_start3A_519 = arith.constant 0 : i32
      %dma_start3A_520 = arith.constant 0 : i32
      %dma_start3A_521 = tpu.memref_slice %arg10[%dma_start3A_519, %dma_start3A_520] : memref<1x80xi32, #tpu.memory_space<vmem>> -> memref<1x80xi32, #tpu.memory_space<vmem>>
      %dma_start3A_522 = tpu.memref_squeeze %dma_start3A_521 : memref<1x80xi32, #tpu.memory_space<vmem>> -> memref<80xi32, #tpu.memory_space<vmem>>
      %dma_start3A_523 = arith.constant 0 : i32
      %dma_start3A_524 = arith.constant 0 : i32
      %dma_start3A_525 = tpu.memref_slice %arg15[%dma_start3A_523, %dma_start3A_524] : memref<10240x128xf32, #tpu.memory_space<vmem_shared>> -> memref<10240x128xf32, #tpu.memory_space<vmem_shared>>
      tpu.enqueue_indirect_dma source(%arg13 : memref<80x128xf32, #tpu.memory_space<vmem>>) target(%dma_start3A_525 : memref<10240x128xf32, #tpu.memory_space<vmem_shared>>) offsets(%dma_start3A_522 : memref<80xi32, #tpu.memory_space<vmem>>) semaphore(%arg23 : memref<!tpu.dma_semaphore, #tpu.memory_space<semaphore_mem>>) {add = true}
      %add3A_526 = arith.constant 2 : i32
      %add3A_527 = arith.addi %add3A_486, %add3A_526 : i32
      %dma_wait3A_528 = arith.constant 0 : i32
      %dma_wait3A_529 = arith.constant 0 : i32
      %dma_wait3A_530 = tpu.memref_slice %arg3[%add3A, %add3A_527, %dma_wait3A_528, %dma_wait3A_529] : memref<32x125x1x80xi32, #tpu.memory_space<hbm>> -> memref<1x1x1x80xi32, #tpu.memory_space<hbm>>
      %dma_wait3A_531 = tpu.memref_squeeze %dma_wait3A_530 : memref<1x1x1x80xi32, #tpu.memory_space<hbm>> -> memref<1x80xi32, #tpu.memory_space<hbm>>
      %dma_wait3A_532 = arith.constant 0 : i32
      %dma_wait3A_533 = arith.constant 0 : i32
      %dma_wait3A_534 = tpu.memref_slice %arg3[%add3A, %add3A_527, %dma_wait3A_532, %dma_wait3A_533] : memref<32x125x1x80xi32, #tpu.memory_space<hbm>> -> memref<1x1x1x80xi32, #tpu.memory_space<hbm>>
      %dma_wait3A_535 = tpu.memref_squeeze %dma_wait3A_534 : memref<1x1x1x80xi32, #tpu.memory_space<hbm>> -> memref<1x80xi32, #tpu.memory_space<hbm>>
      tpu.wait_dma2 semaphore(%arg16 : memref<!tpu.dma_semaphore, #tpu.memory_space<semaphore_mem>>) src(%dma_wait3A_535 : memref<1x80xi32, #tpu.memory_space<hbm>>) dst(%arg6 : memref<1x80xi32, #tpu.memory_space<vmem>>)
      %dma_wait3A_536 = arith.constant 0 : i32
      %dma_wait3A_537 = arith.constant 0 : i32
      %dma_wait3A_538 = tpu.memref_slice %arg4[%add3A, %add3A_527, %dma_wait3A_536, %dma_wait3A_537] : memref<32x125x1x80xi32, #tpu.memory_space<hbm>> -> memref<1x1x1x80xi32, #tpu.memory_space<hbm>>
      %dma_wait3A_539 = tpu.memref_squeeze %dma_wait3A_538 : memref<1x1x1x80xi32, #tpu.memory_space<hbm>> -> memref<1x80xi32, #tpu.memory_space<hbm>>
      %dma_wait3A_540 = arith.constant 0 : i32
      %dma_wait3A_541 = arith.constant 0 : i32
      %dma_wait3A_542 = tpu.memref_slice %arg4[%add3A, %add3A_527, %dma_wait3A_540, %dma_wait3A_541] : memref<32x125x1x80xi32, #tpu.memory_space<hbm>> -> memref<1x1x1x80xi32, #tpu.memory_space<hbm>>
      %dma_wait3A_543 = tpu.memref_squeeze %dma_wait3A_542 : memref<1x1x1x80xi32, #tpu.memory_space<hbm>> -> memref<1x80xi32, #tpu.memory_space<hbm>>
      tpu.wait_dma2 semaphore(%arg16 : memref<!tpu.dma_semaphore, #tpu.memory_space<semaphore_mem>>) src(%dma_wait3A_543 : memref<1x80xi32, #tpu.memory_space<hbm>>) dst(%arg9 : memref<1x80xi32, #tpu.memory_space<vmem>>)
      %dma_start3A_544 = arith.constant 0 : i32
      %dma_start3A_545 = arith.constant 0 : i32
      %dma_start3A_546 = tpu.memref_slice %arg6[%dma_start3A_544, %dma_start3A_545] : memref<1x80xi32, #tpu.memory_space<vmem>> -> memref<1x80xi32, #tpu.memory_space<vmem>>
      %dma_start3A_547 = tpu.memref_squeeze %dma_start3A_546 : memref<1x80xi32, #tpu.memory_space<vmem>> -> memref<80xi32, #tpu.memory_space<vmem>>
      %dma_start3A_548 = arith.constant 0 : i32
      %dma_start3A_549 = arith.constant 0 : i32
      %dma_start3A_550 = tpu.memref_slice %arg2[%dma_start3A_548, %dma_start3A_549] : memref<10000x128xf32, #tpu.memory_space<hbm>> -> memref<10000x128xf32, #tpu.memory_space<hbm>>
      tpu.enqueue_indirect_dma source(%dma_start3A_550 : memref<10000x128xf32, #tpu.memory_space<hbm>>) target(%arg12 : memref<80x128xf32, #tpu.memory_space<vmem>>) offsets(%dma_start3A_547 : memref<80xi32, #tpu.memory_space<vmem>>) semaphore(%arg19 : memref<!tpu.dma_semaphore, #tpu.memory_space<semaphore_mem>>)
    }
    %scan3A_235 = arith.constant 40 : i32
    %dma_wait3A_236 = arith.constant 0 : i32
    %dma_wait3A_237 = arith.constant 0 : i32
    %dma_wait3A_238 = tpu.memref_slice %arg10[%dma_wait3A_236, %dma_wait3A_237] : memref<1x80xi32, #tpu.memory_space<vmem>> -> memref<1x80xi32, #tpu.memory_space<vmem>>
    %dma_wait3A_239 = tpu.memref_squeeze %dma_wait3A_238 : memref<1x80xi32, #tpu.memory_space<vmem>> -> memref<80xi32, #tpu.memory_space<vmem>>
    %dma_wait3A_240 = arith.constant 0 : i32
    %dma_wait3A_241 = arith.constant 0 : i32
    %dma_wait3A_242 = tpu.memref_slice %arg15[%dma_wait3A_240, %dma_wait3A_241] : memref<10240x128xf32, #tpu.memory_space<vmem_shared>> -> memref<10240x128xf32, #tpu.memory_space<vmem_shared>>
    tpu.wait_indirect_dma semaphore(%arg23 : memref<!tpu.dma_semaphore, #tpu.memory_space<semaphore_mem>>) src(%arg13 : memref<80x128xf32, #tpu.memory_space<vmem>>) dst(%dma_wait3A_242 : memref<10240x128xf32, #tpu.memory_space<vmem_shared>>)
    %dma_start3A_243 = arith.constant 124 : i32
    %dma_start3A_244 = arith.constant 0 : i32
    %dma_start3A_245 = arith.constant 0 : i32
    %dma_start3A_246 = tpu.memref_slice %arg3[%add3A, %dma_start3A_243, %dma_start3A_244, %dma_start3A_245] : memref<32x125x1x80xi32, #tpu.memory_space<hbm>> -> memref<1x1x1x80xi32, #tpu.memory_space<hbm>>
    %dma_start3A_247 = tpu.memref_squeeze %dma_start3A_246 : memref<1x1x1x80xi32, #tpu.memory_space<hbm>> -> memref<1x80xi32, #tpu.memory_space<hbm>>
    %dma_start3A_248 = arith.constant 0 : i32
    %dma_start3A_249 = arith.constant 0 : i32
    %dma_start3A_250 = tpu.memref_slice %arg3[%add3A, %dma_start3A_243, %dma_start3A_248, %dma_start3A_249] : memref<32x125x1x80xi32, #tpu.memory_space<hbm>> -> memref<1x1x1x80xi32, #tpu.memory_space<hbm>>
    %dma_start3A_251 = tpu.memref_squeeze %dma_start3A_250 : memref<1x1x1x80xi32, #tpu.memory_space<hbm>> -> memref<1x80xi32, #tpu.memory_space<hbm>>
    tpu.enqueue_dma source(%dma_start3A_251 : memref<1x80xi32, #tpu.memory_space<hbm>>) target(%arg7 : memref<1x80xi32, #tpu.memory_space<vmem>>) target_semaphore(%arg17 : memref<!tpu.dma_semaphore, #tpu.memory_space<semaphore_mem>>)
    %dma_start3A_252 = arith.constant 124 : i32
    %dma_start3A_253 = arith.constant 0 : i32
    %dma_start3A_254 = arith.constant 0 : i32
    %dma_start3A_255 = tpu.memref_slice %arg4[%add3A, %dma_start3A_252, %dma_start3A_253, %dma_start3A_254] : memref<32x125x1x80xi32, #tpu.memory_space<hbm>> -> memref<1x1x1x80xi32, #tpu.memory_space<hbm>>
    %dma_start3A_256 = tpu.memref_squeeze %dma_start3A_255 : memref<1x1x1x80xi32, #tpu.memory_space<hbm>> -> memref<1x80xi32, #tpu.memory_space<hbm>>
    %dma_start3A_257 = arith.constant 0 : i32
    %dma_start3A_258 = arith.constant 0 : i32
    %dma_start3A_259 = tpu.memref_slice %arg4[%add3A, %dma_start3A_252, %dma_start3A_257, %dma_start3A_258] : memref<32x125x1x80xi32, #tpu.memory_space<hbm>> -> memref<1x1x1x80xi32, #tpu.memory_space<hbm>>
    %dma_start3A_260 = tpu.memref_squeeze %dma_start3A_259 : memref<1x1x1x80xi32, #tpu.memory_space<hbm>> -> memref<1x80xi32, #tpu.memory_space<hbm>>
    tpu.enqueue_dma source(%dma_start3A_260 : memref<1x80xi32, #tpu.memory_space<hbm>>) target(%arg10 : memref<1x80xi32, #tpu.memory_space<vmem>>) target_semaphore(%arg17 : memref<!tpu.dma_semaphore, #tpu.memory_space<semaphore_mem>>)
    %dma_wait3A_261 = arith.constant 0 : i32
    %dma_wait3A_262 = arith.constant 0 : i32
    %dma_wait3A_263 = tpu.memref_slice %arg8[%dma_wait3A_261, %dma_wait3A_262] : memref<1x80xi32, #tpu.memory_space<vmem>> -> memref<1x80xi32, #tpu.memory_space<vmem>>
    %dma_wait3A_264 = tpu.memref_squeeze %dma_wait3A_263 : memref<1x80xi32, #tpu.memory_space<vmem>> -> memref<80xi32, #tpu.memory_space<vmem>>
    %dma_wait3A_265 = arith.constant 0 : i32
    %dma_wait3A_266 = arith.constant 0 : i32
    %dma_wait3A_267 = tpu.memref_slice %arg2[%dma_wait3A_265, %dma_wait3A_266] : memref<10000x128xf32, #tpu.memory_space<hbm>> -> memref<10000x128xf32, #tpu.memory_space<hbm>>
    tpu.wait_indirect_dma semaphore(%arg21 : memref<!tpu.dma_semaphore, #tpu.memory_space<semaphore_mem>>) src(%dma_wait3A_267 : memref<10000x128xf32, #tpu.memory_space<hbm>>) dst(%arg14 : memref<80x128xf32, #tpu.memory_space<vmem>>)
    %dma_start3A_268 = arith.constant 0 : i32
    %dma_start3A_269 = arith.constant 0 : i32
    %dma_start3A_270 = tpu.memref_slice %arg11[%dma_start3A_268, %dma_start3A_269] : memref<1x80xi32, #tpu.memory_space<vmem>> -> memref<1x80xi32, #tpu.memory_space<vmem>>
    %dma_start3A_271 = tpu.memref_squeeze %dma_start3A_270 : memref<1x80xi32, #tpu.memory_space<vmem>> -> memref<80xi32, #tpu.memory_space<vmem>>
    %dma_start3A_272 = arith.constant 0 : i32
    %dma_start3A_273 = arith.constant 0 : i32
    %dma_start3A_274 = tpu.memref_slice %arg15[%dma_start3A_272, %dma_start3A_273] : memref<10240x128xf32, #tpu.memory_space<vmem_shared>> -> memref<10240x128xf32, #tpu.memory_space<vmem_shared>>
    tpu.enqueue_indirect_dma source(%arg14 : memref<80x128xf32, #tpu.memory_space<vmem>>) target(%dma_start3A_274 : memref<10240x128xf32, #tpu.memory_space<vmem_shared>>) offsets(%dma_start3A_271 : memref<80xi32, #tpu.memory_space<vmem>>) semaphore(%arg24 : memref<!tpu.dma_semaphore, #tpu.memory_space<semaphore_mem>>) {add = true}
    %dma_wait3A_275 = arith.constant 124 : i32
    %dma_wait3A_276 = arith.constant 0 : i32
    %dma_wait3A_277 = arith.constant 0 : i32
    %dma_wait3A_278 = tpu.memref_slice %arg3[%add3A, %dma_wait3A_275, %dma_wait3A_276, %dma_wait3A_277] : memref<32x125x1x80xi32, #tpu.memory_space<hbm>> -> memref<1x1x1x80xi32, #tpu.memory_space<hbm>>
    %dma_wait3A_279 = tpu.memref_squeeze %dma_wait3A_278 : memref<1x1x1x80xi32, #tpu.memory_space<hbm>> -> memref<1x80xi32, #tpu.memory_space<hbm>>
    %dma_wait3A_280 = arith.constant 0 : i32
    %dma_wait3A_281 = arith.constant 0 : i32
    %dma_wait3A_282 = tpu.memref_slice %arg3[%add3A, %dma_wait3A_275, %dma_wait3A_280, %dma_wait3A_281] : memref<32x125x1x80xi32, #tpu.memory_space<hbm>> -> memref<1x1x1x80xi32, #tpu.memory_space<hbm>>
    %dma_wait3A_283 = tpu.memref_squeeze %dma_wait3A_282 : memref<1x1x1x80xi32, #tpu.memory_space<hbm>> -> memref<1x80xi32, #tpu.memory_space<hbm>>
    tpu.wait_dma2 semaphore(%arg17 : memref<!tpu.dma_semaphore, #tpu.memory_space<semaphore_mem>>) src(%dma_wait3A_283 : memref<1x80xi32, #tpu.memory_space<hbm>>) dst(%arg7 : memref<1x80xi32, #tpu.memory_space<vmem>>)
    %dma_wait3A_284 = arith.constant 124 : i32
    %dma_wait3A_285 = arith.constant 0 : i32
    %dma_wait3A_286 = arith.constant 0 : i32
    %dma_wait3A_287 = tpu.memref_slice %arg4[%add3A, %dma_wait3A_284, %dma_wait3A_285, %dma_wait3A_286] : memref<32x125x1x80xi32, #tpu.memory_space<hbm>> -> memref<1x1x1x80xi32, #tpu.memory_space<hbm>>
    %dma_wait3A_288 = tpu.memref_squeeze %dma_wait3A_287 : memref<1x1x1x80xi32, #tpu.memory_space<hbm>> -> memref<1x80xi32, #tpu.memory_space<hbm>>
    %dma_wait3A_289 = arith.constant 0 : i32
    %dma_wait3A_290 = arith.constant 0 : i32
    %dma_wait3A_291 = tpu.memref_slice %arg4[%add3A, %dma_wait3A_284, %dma_wait3A_289, %dma_wait3A_290] : memref<32x125x1x80xi32, #tpu.memory_space<hbm>> -> memref<1x1x1x80xi32, #tpu.memory_space<hbm>>
    %dma_wait3A_292 = tpu.memref_squeeze %dma_wait3A_291 : memref<1x1x1x80xi32, #tpu.memory_space<hbm>> -> memref<1x80xi32, #tpu.memory_space<hbm>>
    tpu.wait_dma2 semaphore(%arg17 : memref<!tpu.dma_semaphore, #tpu.memory_space<semaphore_mem>>) src(%dma_wait3A_292 : memref<1x80xi32, #tpu.memory_space<hbm>>) dst(%arg10 : memref<1x80xi32, #tpu.memory_space<vmem>>)
    %dma_start3A_293 = arith.constant 0 : i32
    %dma_start3A_294 = arith.constant 0 : i32
    %dma_start3A_295 = tpu.memref_slice %arg7[%dma_start3A_293, %dma_start3A_294] : memref<1x80xi32, #tpu.memory_space<vmem>> -> memref<1x80xi32, #tpu.memory_space<vmem>>
    %dma_start3A_296 = tpu.memref_squeeze %dma_start3A_295 : memref<1x80xi32, #tpu.memory_space<vmem>> -> memref<80xi32, #tpu.memory_space<vmem>>
    %dma_start3A_297 = arith.constant 0 : i32
    %dma_start3A_298 = arith.constant 0 : i32
    %dma_start3A_299 = tpu.memref_slice %arg2[%dma_start3A_297, %dma_start3A_298] : memref<10000x128xf32, #tpu.memory_space<hbm>> -> memref<10000x128xf32, #tpu.memory_space<hbm>>
    tpu.enqueue_indirect_dma source(%dma_start3A_299 : memref<10000x128xf32, #tpu.memory_space<hbm>>) target(%arg13 : memref<80x128xf32, #tpu.memory_space<vmem>>) offsets(%dma_start3A_296 : memref<80xi32, #tpu.memory_space<vmem>>) semaphore(%arg20 : memref<!tpu.dma_semaphore, #tpu.memory_space<semaphore_mem>>)
    %dma_wait3A_300 = arith.constant 0 : i32
    %dma_wait3A_301 = arith.constant 0 : i32
    %dma_wait3A_302 = tpu.memref_slice %arg11[%dma_wait3A_300, %dma_wait3A_301] : memref<1x80xi32, #tpu.memory_space<vmem>> -> memref<1x80xi32, #tpu.memory_space<vmem>>
    %dma_wait3A_303 = tpu.memref_squeeze %dma_wait3A_302 : memref<1x80xi32, #tpu.memory_space<vmem>> -> memref<80xi32, #tpu.memory_space<vmem>>
    %dma_wait3A_304 = arith.constant 0 : i32
    %dma_wait3A_305 = arith.constant 0 : i32
    %dma_wait3A_306 = tpu.memref_slice %arg15[%dma_wait3A_304, %dma_wait3A_305] : memref<10240x128xf32, #tpu.memory_space<vmem_shared>> -> memref<10240x128xf32, #tpu.memory_space<vmem_shared>>
    tpu.wait_indirect_dma semaphore(%arg24 : memref<!tpu.dma_semaphore, #tpu.memory_space<semaphore_mem>>) src(%arg14 : memref<80x128xf32, #tpu.memory_space<vmem>>) dst(%dma_wait3A_306 : memref<10240x128xf32, #tpu.memory_space<vmem_shared>>)
    %dma_wait3A_307 = arith.constant 0 : i32
    %dma_wait3A_308 = arith.constant 0 : i32
    %dma_wait3A_309 = tpu.memref_slice %arg6[%dma_wait3A_307, %dma_wait3A_308] : memref<1x80xi32, #tpu.memory_space<vmem>> -> memref<1x80xi32, #tpu.memory_space<vmem>>
    %dma_wait3A_310 = tpu.memref_squeeze %dma_wait3A_309 : memref<1x80xi32, #tpu.memory_space<vmem>> -> memref<80xi32, #tpu.memory_space<vmem>>
    %dma_wait3A_311 = arith.constant 0 : i32
    %dma_wait3A_312 = arith.constant 0 : i32
    %dma_wait3A_313 = tpu.memref_slice %arg2[%dma_wait3A_311, %dma_wait3A_312] : memref<10000x128xf32, #tpu.memory_space<hbm>> -> memref<10000x128xf32, #tpu.memory_space<hbm>>
    tpu.wait_indirect_dma semaphore(%arg19 : memref<!tpu.dma_semaphore, #tpu.memory_space<semaphore_mem>>) src(%dma_wait3A_313 : memref<10000x128xf32, #tpu.memory_space<hbm>>) dst(%arg12 : memref<80x128xf32, #tpu.memory_space<vmem>>)
    %dma_start3A_314 = arith.constant 0 : i32
    %dma_start3A_315 = arith.constant 0 : i32
    %dma_start3A_316 = tpu.memref_slice %arg9[%dma_start3A_314, %dma_start3A_315] : memref<1x80xi32, #tpu.memory_space<vmem>> -> memref<1x80xi32, #tpu.memory_space<vmem>>
    %dma_start3A_317 = tpu.memref_squeeze %dma_start3A_316 : memref<1x80xi32, #tpu.memory_space<vmem>> -> memref<80xi32, #tpu.memory_space<vmem>>
    %dma_start3A_318 = arith.constant 0 : i32
    %dma_start3A_319 = arith.constant 0 : i32
    %dma_start3A_320 = tpu.memref_slice %arg15[%dma_start3A_318, %dma_start3A_319] : memref<10240x128xf32, #tpu.memory_space<vmem_shared>> -> memref<10240x128xf32, #tpu.memory_space<vmem_shared>>
    tpu.enqueue_indirect_dma source(%arg12 : memref<80x128xf32, #tpu.memory_space<vmem>>) target(%dma_start3A_320 : memref<10240x128xf32, #tpu.memory_space<vmem_shared>>) offsets(%dma_start3A_317 : memref<80xi32, #tpu.memory_space<vmem>>) semaphore(%arg22 : memref<!tpu.dma_semaphore, #tpu.memory_space<semaphore_mem>>) {add = true}
    %dma_wait3A_321 = arith.constant 0 : i32
    %dma_wait3A_322 = arith.constant 0 : i32
    %dma_wait3A_323 = tpu.memref_slice %arg9[%dma_wait3A_321, %dma_wait3A_322] : memref<1x80xi32, #tpu.memory_space<vmem>> -> memref<1x80xi32, #tpu.memory_space<vmem>>
    %dma_wait3A_324 = tpu.memref_squeeze %dma_wait3A_323 : memref<1x80xi32, #tpu.memory_space<vmem>> -> memref<80xi32, #tpu.memory_space<vmem>>
    %dma_wait3A_325 = arith.constant 0 : i32
    %dma_wait3A_326 = arith.constant 0 : i32
    %dma_wait3A_327 = tpu.memref_slice %arg15[%dma_wait3A_325, %dma_wait3A_326] : memref<10240x128xf32, #tpu.memory_space<vmem_shared>> -> memref<10240x128xf32, #tpu.memory_space<vmem_shared>>
    tpu.wait_indirect_dma semaphore(%arg22 : memref<!tpu.dma_semaphore, #tpu.memory_space<semaphore_mem>>) src(%arg12 : memref<80x128xf32, #tpu.memory_space<vmem>>) dst(%dma_wait3A_327 : memref<10240x128xf32, #tpu.memory_space<vmem_shared>>)
    %dma_wait3A_328 = arith.constant 0 : i32
    %dma_wait3A_329 = arith.constant 0 : i32
    %dma_wait3A_330 = tpu.memref_slice %arg7[%dma_wait3A_328, %dma_wait3A_329] : memref<1x80xi32, #tpu.memory_space<vmem>> -> memref<1x80xi32, #tpu.memory_space<vmem>>
    %dma_wait3A_331 = tpu.memref_squeeze %dma_wait3A_330 : memref<1x80xi32, #tpu.memory_space<vmem>> -> memref<80xi32, #tpu.memory_space<vmem>>
    %dma_wait3A_332 = arith.constant 0 : i32
    %dma_wait3A_333 = arith.constant 0 : i32
    %dma_wait3A_334 = tpu.memref_slice %arg2[%dma_wait3A_332, %dma_wait3A_333] : memref<10000x128xf32, #tpu.memory_space<hbm>> -> memref<10000x128xf32, #tpu.memory_space<hbm>>
    tpu.wait_indirect_dma semaphore(%arg20 : memref<!tpu.dma_semaphore, #tpu.memory_space<semaphore_mem>>) src(%dma_wait3A_334 : memref<10000x128xf32, #tpu.memory_space<hbm>>) dst(%arg13 : memref<80x128xf32, #tpu.memory_space<vmem>>)
    %dma_start3A_335 = arith.constant 0 : i32
    %dma_start3A_336 = arith.constant 0 : i32
    %dma_start3A_337 = tpu.memref_slice %arg10[%dma_start3A_335, %dma_start3A_336] : memref<1x80xi32, #tpu.memory_space<vmem>> -> memref<1x80xi32, #tpu.memory_space<vmem>>
    %dma_start3A_338 = tpu.memref_squeeze %dma_start3A_337 : memref<1x80xi32, #tpu.memory_space<vmem>> -> memref<80xi32, #tpu.memory_space<vmem>>
    %dma_start3A_339 = arith.constant 0 : i32
    %dma_start3A_340 = arith.constant 0 : i32
    %dma_start3A_341 = tpu.memref_slice %arg15[%dma_start3A_339, %dma_start3A_340] : memref<10240x128xf32, #tpu.memory_space<vmem_shared>> -> memref<10240x128xf32, #tpu.memory_space<vmem_shared>>
    tpu.enqueue_indirect_dma source(%arg13 : memref<80x128xf32, #tpu.memory_space<vmem>>) target(%dma_start3A_341 : memref<10240x128xf32, #tpu.memory_space<vmem_shared>>) offsets(%dma_start3A_338 : memref<80xi32, #tpu.memory_space<vmem>>) semaphore(%arg23 : memref<!tpu.dma_semaphore, #tpu.memory_space<semaphore_mem>>) {add = true}
    %dma_wait3A_342 = arith.constant 0 : i32
    %dma_wait3A_343 = arith.constant 0 : i32
    %dma_wait3A_344 = tpu.memref_slice %arg10[%dma_wait3A_342, %dma_wait3A_343] : memref<1x80xi32, #tpu.memory_space<vmem>> -> memref<1x80xi32, #tpu.memory_space<vmem>>
    %dma_wait3A_345 = tpu.memref_squeeze %dma_wait3A_344 : memref<1x80xi32, #tpu.memory_space<vmem>> -> memref<80xi32, #tpu.memory_space<vmem>>
    %dma_wait3A_346 = arith.constant 0 : i32
    %dma_wait3A_347 = arith.constant 0 : i32
    %dma_wait3A_348 = tpu.memref_slice %arg15[%dma_wait3A_346, %dma_wait3A_347] : memref<10240x128xf32, #tpu.memory_space<vmem_shared>> -> memref<10240x128xf32, #tpu.memory_space<vmem_shared>>
    tpu.wait_indirect_dma semaphore(%arg23 : memref<!tpu.dma_semaphore, #tpu.memory_space<semaphore_mem>>) src(%arg13 : memref<80x128xf32, #tpu.memory_space<vmem>>) dst(%dma_wait3A_348 : memref<10240x128xf32, #tpu.memory_space<vmem_shared>>)
    %barrier3A_349 = arith.constant 0 : index
    tpu.barrier barrier_id(%barrier3A_349)
    "tpu.region"() ({
      %run_scoped3A = tpu.sem_alloc : memref<!tpu.dma_semaphore, #tpu.memory_space<semaphore_mem>>
      %dma_start3A_350 = arith.constant 0 : i32
      %dma_start3A_351 = tpu.memref_slice %arg5[%arg0, %mul3A_8, %dma_start3A_350] : memref<2x10240x128xf32, #tpu.memory_space<hbm>> -> memref<1x640x128xf32, #tpu.memory_space<hbm>>
      %dma_start3A_352 = tpu.memref_squeeze %dma_start3A_351 : memref<1x640x128xf32, #tpu.memory_space<hbm>> -> memref<640x128xf32, #tpu.memory_space<hbm>>
      %dma_start3A_353 = arith.constant 0 : i32
      %dma_start3A_354 = tpu.memref_slice %arg15[%mul3A_8, %dma_start3A_353] : memref<10240x128xf32, #tpu.memory_space<vmem_shared>> -> memref<640x128xf32, #tpu.memory_space<vmem_shared>>
      tpu.enqueue_dma source(%dma_start3A_354 : memref<640x128xf32, #tpu.memory_space<vmem_shared>>) target(%dma_start3A_352 : memref<640x128xf32, #tpu.memory_space<hbm>>) target_semaphore(%run_scoped3A : memref<!tpu.dma_semaphore, #tpu.memory_space<semaphore_mem>>)
      %dma_wait3A_355 = arith.constant 0 : i32
      %dma_wait3A_356 = tpu.memref_slice %arg5[%arg0, %mul3A_8, %dma_wait3A_355] : memref<2x10240x128xf32, #tpu.memory_space<hbm>> -> memref<1x640x128xf32, #tpu.memory_space<hbm>>
      %dma_wait3A_357 = tpu.memref_squeeze %dma_wait3A_356 : memref<1x640x128xf32, #tpu.memory_space<hbm>> -> memref<640x128xf32, #tpu.memory_space<hbm>>
      %dma_wait3A_358 = arith.constant 0 : i32
      %dma_wait3A_359 = tpu.memref_slice %arg15[%mul3A_8, %dma_wait3A_358] : memref<10240x128xf32, #tpu.memory_space<vmem_shared>> -> memref<640x128xf32, #tpu.memory_space<vmem_shared>>
      tpu.wait_dma2 semaphore(%run_scoped3A : memref<!tpu.dma_semaphore, #tpu.memory_space<semaphore_mem>>) src(%dma_wait3A_359 : memref<640x128xf32, #tpu.memory_space<vmem_shared>>) dst(%dma_wait3A_357 : memref<640x128xf32, #tpu.memory_space<hbm>>)
      tpu.yield
    }) : () -> ()
    return
  }
}

#map = affine_map<(d0, d1) -> (0, 0)>
#map1 = affine_map<(d0, d1) -> (0, 0, 0, 0)>
#map2 = affine_map<(d0, d1) -> (0, 0, 0)>
module attributes {stable_mosaic.version = 14 : i64} {
  func.func @_sc_agg_body(%arg0: i32, %arg1: i32, %arg2: memref<10000x128xf32, #tpu.memory_space<hbm>>, %arg3: memref<32x125x1x80xi32, #tpu.memory_space<hbm>>, %arg4: memref<32x125x1x80xi32, #tpu.memory_space<hbm>>, %arg5: memref<2x10240x128xf32, #tpu.memory_space<hbm>>, %arg6: memref<1x80xi32, #tpu.memory_space<vmem>>, %arg7: memref<1x80xi32, #tpu.memory_space<vmem>>, %arg8: memref<1x80xi32, #tpu.memory_space<vmem>>, %arg9: memref<1x80xi32, #tpu.memory_space<vmem>>, %arg10: memref<1x80xi32, #tpu.memory_space<vmem>>, %arg11: memref<1x80xi32, #tpu.memory_space<vmem>>, %arg12: memref<80x128xf32, #tpu.memory_space<vmem>>, %arg13: memref<80x128xf32, #tpu.memory_space<vmem>>, %arg14: memref<80x128xf32, #tpu.memory_space<vmem>>, %arg15: memref<10240x128xf32, #tpu.memory_space<vmem_shared>>, %arg16: memref<!tpu.dma_semaphore, #tpu.memory_space<semaphore_mem>>, %arg17: memref<!tpu.dma_semaphore, #tpu.memory_space<semaphore_mem>>, %arg18: memref<!tpu.dma_semaphore, #tpu.memory_space<semaphore_mem>>, %arg19: memref<!tpu.dma_semaphore, #tpu.memory_space<semaphore_mem>>, %arg20: memref<!tpu.dma_semaphore, #tpu.memory_space<semaphore_mem>>, %arg21: memref<!tpu.dma_semaphore, #tpu.memory_space<semaphore_mem>>, %arg22: memref<!tpu.dma_semaphore, #tpu.memory_space<semaphore_mem>>, %arg23: memref<!tpu.dma_semaphore, #tpu.memory_space<semaphore_mem>>, %arg24: memref<!tpu.dma_semaphore, #tpu.memory_space<semaphore_mem>>) attributes {dimension_semantics = [#tpu.dimension_semantics<core_parallel>, #tpu.dimension_semantics<subcore_parallel>], iteration_bounds = array<i64: 2, 16>, scalar_prefetch = 0 : i64, scratch_operands = 19 : i64, tpu.core_type = #tpu.core_type<sc_vector_subcore>, window_params = [{transform_indices = #map}, {transform_indices = #map1}, {transform_indices = #map1}, {transform_indices = #map2}]} {
    %mul3A = arith.constant 2 : i32
    %mul3A_0 = arith.muli %arg1, %mul3A : i32
    %add3A = arith.addi %mul3A_0, %arg0 : i32
    %broadcast_in_dim3A = arith.constant 0.000000e+00 : f32
    %broadcast_in_dim3A_1 = vector.broadcast %broadcast_in_dim3A : f32 to vector<16xf32>
    %scan3A = arith.constant 0 : i32
    %scan3A_2 = arith.constant 0 : i32
    %scan3A_3 = arith.constant 80 : i32
    %scan3A_4 = arith.addi %scan3A_2, %scan3A_3 : i32
    %scan3A_5 = arith.constant 1 : i32
    scf.for %scan3A_350 = %scan3A_2 to %scan3A_4 step %scan3A_5  : i32 {
      %swap3A = arith.index_cast %scan3A_350 : i32 to index
      %swap3A_351 = arith.constant 0 : index
      %swap3A_352 = tpu.vector_load %arg12[%swap3A, %swap3A_351] {strides = array<i32>} : memref<80x128xf32, #tpu.memory_space<vmem>>, vector<1x16xf32>,
      %swap3A_353 = vector.shape_cast %swap3A_352 : vector<1x16xf32> to vector<16xf32>
      %swap3A_354 = vector.shape_cast %broadcast_in_dim3A_1 : vector<16xf32> to vector<1x16xf32>
      tpu.vector_store %arg12[%swap3A, %swap3A_351], %swap3A_354 {strides = array<i32>} : memref<80x128xf32, #tpu.memory_space<vmem>>, vector<1x16xf32>,
      %swap3A_355 = arith.index_cast %scan3A_350 : i32 to index
      %swap3A_356 = arith.constant 16 : index
      %swap3A_357 = tpu.vector_load %arg12[%swap3A_355, %swap3A_356] {strides = array<i32>} : memref<80x128xf32, #tpu.memory_space<vmem>>, vector<1x16xf32>,
      %swap3A_358 = vector.shape_cast %swap3A_357 : vector<1x16xf32> to vector<16xf32>
      %swap3A_359 = vector.shape_cast %broadcast_in_dim3A_1 : vector<16xf32> to vector<1x16xf32>
      tpu.vector_store %arg12[%swap3A_355, %swap3A_356], %swap3A_359 {strides = array<i32>} : memref<80x128xf32, #tpu.memory_space<vmem>>, vector<1x16xf32>,
      %swap3A_360 = arith.index_cast %scan3A_350 : i32 to index
      %swap3A_361 = arith.constant 32 : index
      %swap3A_362 = tpu.vector_load %arg12[%swap3A_360, %swap3A_361] {strides = array<i32>} : memref<80x128xf32, #tpu.memory_space<vmem>>, vector<1x16xf32>,
      %swap3A_363 = vector.shape_cast %swap3A_362 : vector<1x16xf32> to vector<16xf32>
      %swap3A_364 = vector.shape_cast %broadcast_in_dim3A_1 : vector<16xf32> to vector<1x16xf32>
      tpu.vector_store %arg12[%swap3A_360, %swap3A_361], %swap3A_364 {strides = array<i32>} : memref<80x128xf32, #tpu.memory_space<vmem>>, vector<1x16xf32>,
      %swap3A_365 = arith.index_cast %scan3A_350 : i32 to index
      %swap3A_366 = arith.constant 48 : index
      %swap3A_367 = tpu.vector_load %arg12[%swap3A_365, %swap3A_366] {strides = array<i32>} : memref<80x128xf32, #tpu.memory_space<vmem>>, vector<1x16xf32>,
      %swap3A_368 = vector.shape_cast %swap3A_367 : vector<1x16xf32> to vector<16xf32>
      %swap3A_369 = vector.shape_cast %broadcast_in_dim3A_1 : vector<16xf32> to vector<1x16xf32>
      tpu.vector_store %arg12[%swap3A_365, %swap3A_366], %swap3A_369 {strides = array<i32>} : memref<80x128xf32, #tpu.memory_space<vmem>>, vector<1x16xf32>,
      %swap3A_370 = arith.index_cast %scan3A_350 : i32 to index
      %swap3A_371 = arith.constant 64 : index
      %swap3A_372 = tpu.vector_load %arg12[%swap3A_370, %swap3A_371] {strides = array<i32>} : memref<80x128xf32, #tpu.memory_space<vmem>>, vector<1x16xf32>,
      %swap3A_373 = vector.shape_cast %swap3A_372 : vector<1x16xf32> to vector<16xf32>
      %swap3A_374 = vector.shape_cast %broadcast_in_dim3A_1 : vector<16xf32> to vector<1x16xf32>
      tpu.vector_store %arg12[%swap3A_370, %swap3A_371], %swap3A_374 {strides = array<i32>} : memref<80x128xf32, #tpu.memory_space<vmem>>, vector<1x16xf32>,
      %swap3A_375 = arith.index_cast %scan3A_350 : i32 to index
      %swap3A_376 = arith.constant 80 : index
      %swap3A_377 = tpu.vector_load %arg12[%swap3A_375, %swap3A_376] {strides = array<i32>} : memref<80x128xf32, #tpu.memory_space<vmem>>, vector<1x16xf32>,
      %swap3A_378 = vector.shape_cast %swap3A_377 : vector<1x16xf32> to vector<16xf32>
      %swap3A_379 = vector.shape_cast %broadcast_in_dim3A_1 : vector<16xf32> to vector<1x16xf32>
      tpu.vector_store %arg12[%swap3A_375, %swap3A_376], %swap3A_379 {strides = array<i32>} : memref<80x128xf32, #tpu.memory_space<vmem>>, vector<1x16xf32>,
      %swap3A_380 = arith.index_cast %scan3A_350 : i32 to index
      %swap3A_381 = arith.constant 96 : index
      %swap3A_382 = tpu.vector_load %arg12[%swap3A_380, %swap3A_381] {strides = array<i32>} : memref<80x128xf32, #tpu.memory_space<vmem>>, vector<1x16xf32>,
      %swap3A_383 = vector.shape_cast %swap3A_382 : vector<1x16xf32> to vector<16xf32>
      %swap3A_384 = vector.shape_cast %broadcast_in_dim3A_1 : vector<16xf32> to vector<1x16xf32>
      tpu.vector_store %arg12[%swap3A_380, %swap3A_381], %swap3A_384 {strides = array<i32>} : memref<80x128xf32, #tpu.memory_space<vmem>>, vector<1x16xf32>,
      %swap3A_385 = arith.index_cast %scan3A_350 : i32 to index
      %swap3A_386 = arith.constant 112 : index
      %swap3A_387 = tpu.vector_load %arg12[%swap3A_385, %swap3A_386] {strides = array<i32>} : memref<80x128xf32, #tpu.memory_space<vmem>>, vector<1x16xf32>,
      %swap3A_388 = vector.shape_cast %swap3A_387 : vector<1x16xf32> to vector<16xf32>
      %swap3A_389 = vector.shape_cast %broadcast_in_dim3A_1 : vector<16xf32> to vector<1x16xf32>
      tpu.vector_store %arg12[%swap3A_385, %swap3A_386], %swap3A_389 {strides = array<i32>} : memref<80x128xf32, #tpu.memory_space<vmem>>, vector<1x16xf32>,
    }
    %scan3A_6 = arith.constant 80 : i32
    %mul3A_7 = arith.constant 640 : i32
    %mul3A_8 = arith.muli %arg1, %mul3A_7 : i32
    %add3A_9 = arith.constant 0 : i32
    %add3A_10 = arith.addi %mul3A_8, %add3A_9 : i32
    "tpu.region"() ({
      %run_scoped3A = tpu.sem_alloc : memref<!tpu.dma_semaphore, #tpu.memory_space<semaphore_mem>>
      %dma_start3A_350 = arith.constant 0 : i32
      %dma_start3A_351 = tpu.memref_slice %arg15[%add3A_10, %dma_start3A_350] : memref<10240x128xf32, #tpu.memory_space<vmem_shared>> -> memref<80x128xf32, #tpu.memory_space<vmem_shared>>
      %dma_start3A_352 = arith.constant 0 : i32
      %dma_start3A_353 = tpu.memref_slice %arg15[%add3A_10, %dma_start3A_352] : memref<10240x128xf32, #tpu.memory_space<vmem_shared>> -> memref<80x128xf32, #tpu.memory_space<vmem_shared>>
      tpu.enqueue_dma source(%arg12 : memref<80x128xf32, #tpu.memory_space<vmem>>) target(%dma_start3A_353 : memref<80x128xf32, #tpu.memory_space<vmem_shared>>) target_semaphore(%run_scoped3A : memref<!tpu.dma_semaphore, #tpu.memory_space<semaphore_mem>>)
      %dma_wait3A_354 = arith.constant 0 : i32
      %dma_wait3A_355 = tpu.memref_slice %arg15[%add3A_10, %dma_wait3A_354] : memref<10240x128xf32, #tpu.memory_space<vmem_shared>> -> memref<80x128xf32, #tpu.memory_space<vmem_shared>>
      %dma_wait3A_356 = arith.constant 0 : i32
      %dma_wait3A_357 = tpu.memref_slice %arg15[%add3A_10, %dma_wait3A_356] : memref<10240x128xf32, #tpu.memory_space<vmem_shared>> -> memref<80x128xf32, #tpu.memory_space<vmem_shared>>
      tpu.wait_dma2 semaphore(%run_scoped3A : memref<!tpu.dma_semaphore, #tpu.memory_space<semaphore_mem>>) src(%arg12 : memref<80x128xf32, #tpu.memory_space<vmem>>) dst(%dma_wait3A_357 : memref<80x128xf32, #tpu.memory_space<vmem_shared>>)
      tpu.yield
    }) : () -> ()
    %add3A_11 = arith.constant 80 : i32
    %add3A_12 = arith.addi %mul3A_8, %add3A_11 : i32
    "tpu.region"() ({
      %run_scoped3A = tpu.sem_alloc : memref<!tpu.dma_semaphore, #tpu.memory_space<semaphore_mem>>
      %dma_start3A_350 = arith.constant 0 : i32
      %dma_start3A_351 = tpu.memref_slice %arg15[%add3A_12, %dma_start3A_350] : memref<10240x128xf32, #tpu.memory_space<vmem_shared>> -> memref<80x128xf32, #tpu.memory_space<vmem_shared>>
      %dma_start3A_352 = arith.constant 0 : i32
      %dma_start3A_353 = tpu.memref_slice %arg15[%add3A_12, %dma_start3A_352] : memref<10240x128xf32, #tpu.memory_space<vmem_shared>> -> memref<80x128xf32, #tpu.memory_space<vmem_shared>>
      tpu.enqueue_dma source(%arg12 : memref<80x128xf32, #tpu.memory_space<vmem>>) target(%dma_start3A_353 : memref<80x128xf32, #tpu.memory_space<vmem_shared>>) target_semaphore(%run_scoped3A : memref<!tpu.dma_semaphore, #tpu.memory_space<semaphore_mem>>)
      %dma_wait3A_354 = arith.constant 0 : i32
      %dma_wait3A_355 = tpu.memref_slice %arg15[%add3A_12, %dma_wait3A_354] : memref<10240x128xf32, #tpu.memory_space<vmem_shared>> -> memref<80x128xf32, #tpu.memory_space<vmem_shared>>
      %dma_wait3A_356 = arith.constant 0 : i32
      %dma_wait3A_357 = tpu.memref_slice %arg15[%add3A_12, %dma_wait3A_356] : memref<10240x128xf32, #tpu.memory_space<vmem_shared>> -> memref<80x128xf32, #tpu.memory_space<vmem_shared>>
      tpu.wait_dma2 semaphore(%run_scoped3A : memref<!tpu.dma_semaphore, #tpu.memory_space<semaphore_mem>>) src(%arg12 : memref<80x128xf32, #tpu.memory_space<vmem>>) dst(%dma_wait3A_357 : memref<80x128xf32, #tpu.memory_space<vmem_shared>>)
      tpu.yield
    }) : () -> ()
    %add3A_13 = arith.constant 160 : i32
    %add3A_14 = arith.addi %mul3A_8, %add3A_13 : i32
    "tpu.region"() ({
      %run_scoped3A = tpu.sem_alloc : memref<!tpu.dma_semaphore, #tpu.memory_space<semaphore_mem>>
      %dma_start3A_350 = arith.constant 0 : i32
      %dma_start3A_351 = tpu.memref_slice %arg15[%add3A_14, %dma_start3A_350] : memref<10240x128xf32, #tpu.memory_space<vmem_shared>> -> memref<80x128xf32, #tpu.memory_space<vmem_shared>>
      %dma_start3A_352 = arith.constant 0 : i32
      %dma_start3A_353 = tpu.memref_slice %arg15[%add3A_14, %dma_start3A_352] : memref<10240x128xf32, #tpu.memory_space<vmem_shared>> -> memref<80x128xf32, #tpu.memory_space<vmem_shared>>
      tpu.enqueue_dma source(%arg12 : memref<80x128xf32, #tpu.memory_space<vmem>>) target(%dma_start3A_353 : memref<80x128xf32, #tpu.memory_space<vmem_shared>>) target_semaphore(%run_scoped3A : memref<!tpu.dma_semaphore, #tpu.memory_space<semaphore_mem>>)
      %dma_wait3A_354 = arith.constant 0 : i32
      %dma_wait3A_355 = tpu.memref_slice %arg15[%add3A_14, %dma_wait3A_354] : memref<10240x128xf32, #tpu.memory_space<vmem_shared>> -> memref<80x128xf32, #tpu.memory_space<vmem_shared>>
      %dma_wait3A_356 = arith.constant 0 : i32
      %dma_wait3A_357 = tpu.memref_slice %arg15[%add3A_14, %dma_wait3A_356] : memref<10240x128xf32, #tpu.memory_space<vmem_shared>> -> memref<80x128xf32, #tpu.memory_space<vmem_shared>>
      tpu.wait_dma2 semaphore(%run_scoped3A : memref<!tpu.dma_semaphore, #tpu.memory_space<semaphore_mem>>) src(%arg12 : memref<80x128xf32, #tpu.memory_space<vmem>>) dst(%dma_wait3A_357 : memref<80x128xf32, #tpu.memory_space<vmem_shared>>)
      tpu.yield
    }) : () -> ()
    %add3A_15 = arith.constant 240 : i32
    %add3A_16 = arith.addi %mul3A_8, %add3A_15 : i32
    "tpu.region"() ({
      %run_scoped3A = tpu.sem_alloc : memref<!tpu.dma_semaphore, #tpu.memory_space<semaphore_mem>>
      %dma_start3A_350 = arith.constant 0 : i32
      %dma_start3A_351 = tpu.memref_slice %arg15[%add3A_16, %dma_start3A_350] : memref<10240x128xf32, #tpu.memory_space<vmem_shared>> -> memref<80x128xf32, #tpu.memory_space<vmem_shared>>
      %dma_start3A_352 = arith.constant 0 : i32
      %dma_start3A_353 = tpu.memref_slice %arg15[%add3A_16, %dma_start3A_352] : memref<10240x128xf32, #tpu.memory_space<vmem_shared>> -> memref<80x128xf32, #tpu.memory_space<vmem_shared>>
      tpu.enqueue_dma source(%arg12 : memref<80x128xf32, #tpu.memory_space<vmem>>) target(%dma_start3A_353 : memref<80x128xf32, #tpu.memory_space<vmem_shared>>) target_semaphore(%run_scoped3A : memref<!tpu.dma_semaphore, #tpu.memory_space<semaphore_mem>>)
      %dma_wait3A_354 = arith.constant 0 : i32
      %dma_wait3A_355 = tpu.memref_slice %arg15[%add3A_16, %dma_wait3A_354] : memref<10240x128xf32, #tpu.memory_space<vmem_shared>> -> memref<80x128xf32, #tpu.memory_space<vmem_shared>>
      %dma_wait3A_356 = arith.constant 0 : i32
      %dma_wait3A_357 = tpu.memref_slice %arg15[%add3A_16, %dma_wait3A_356] : memref<10240x128xf32, #tpu.memory_space<vmem_shared>> -> memref<80x128xf32, #tpu.memory_space<vmem_shared>>
      tpu.wait_dma2 semaphore(%run_scoped3A : memref<!tpu.dma_semaphore, #tpu.memory_space<semaphore_mem>>) src(%arg12 : memref<80x128xf32, #tpu.memory_space<vmem>>) dst(%dma_wait3A_357 : memref<80x128xf32, #tpu.memory_space<vmem_shared>>)
      tpu.yield
    }) : () -> ()
    %add3A_17 = arith.constant 320 : i32
    %add3A_18 = arith.addi %mul3A_8, %add3A_17 : i32
    "tpu.region"() ({
      %run_scoped3A = tpu.sem_alloc : memref<!tpu.dma_semaphore, #tpu.memory_space<semaphore_mem>>
      %dma_start3A_350 = arith.constant 0 : i32
      %dma_start3A_351 = tpu.memref_slice %arg15[%add3A_18, %dma_start3A_350] : memref<10240x128xf32, #tpu.memory_space<vmem_shared>> -> memref<80x128xf32, #tpu.memory_space<vmem_shared>>
      %dma_start3A_352 = arith.constant 0 : i32
      %dma_start3A_353 = tpu.memref_slice %arg15[%add3A_18, %dma_start3A_352] : memref<10240x128xf32, #tpu.memory_space<vmem_shared>> -> memref<80x128xf32, #tpu.memory_space<vmem_shared>>
      tpu.enqueue_dma source(%arg12 : memref<80x128xf32, #tpu.memory_space<vmem>>) target(%dma_start3A_353 : memref<80x128xf32, #tpu.memory_space<vmem_shared>>) target_semaphore(%run_scoped3A : memref<!tpu.dma_semaphore, #tpu.memory_space<semaphore_mem>>)
      %dma_wait3A_354 = arith.constant 0 : i32
      %dma_wait3A_355 = tpu.memref_slice %arg15[%add3A_18, %dma_wait3A_354] : memref<10240x128xf32, #tpu.memory_space<vmem_shared>> -> memref<80x128xf32, #tpu.memory_space<vmem_shared>>
      %dma_wait3A_356 = arith.constant 0 : i32
      %dma_wait3A_357 = tpu.memref_slice %arg15[%add3A_18, %dma_wait3A_356] : memref<10240x128xf32, #tpu.memory_space<vmem_shared>> -> memref<80x128xf32, #tpu.memory_space<vmem_shared>>
      tpu.wait_dma2 semaphore(%run_scoped3A : memref<!tpu.dma_semaphore, #tpu.memory_space<semaphore_mem>>) src(%arg12 : memref<80x128xf32, #tpu.memory_space<vmem>>) dst(%dma_wait3A_357 : memref<80x128xf32, #tpu.memory_space<vmem_shared>>)
      tpu.yield
    }) : () -> ()
    %add3A_19 = arith.constant 400 : i32
    %add3A_20 = arith.addi %mul3A_8, %add3A_19 : i32
    "tpu.region"() ({
      %run_scoped3A = tpu.sem_alloc : memref<!tpu.dma_semaphore, #tpu.memory_space<semaphore_mem>>
      %dma_start3A_350 = arith.constant 0 : i32
      %dma_start3A_351 = tpu.memref_slice %arg15[%add3A_20, %dma_start3A_350] : memref<10240x128xf32, #tpu.memory_space<vmem_shared>> -> memref<80x128xf32, #tpu.memory_space<vmem_shared>>
      %dma_start3A_352 = arith.constant 0 : i32
      %dma_start3A_353 = tpu.memref_slice %arg15[%add3A_20, %dma_start3A_352] : memref<10240x128xf32, #tpu.memory_space<vmem_shared>> -> memref<80x128xf32, #tpu.memory_space<vmem_shared>>
      tpu.enqueue_dma source(%arg12 : memref<80x128xf32, #tpu.memory_space<vmem>>) target(%dma_start3A_353 : memref<80x128xf32, #tpu.memory_space<vmem_shared>>) target_semaphore(%run_scoped3A : memref<!tpu.dma_semaphore, #tpu.memory_space<semaphore_mem>>)
      %dma_wait3A_354 = arith.constant 0 : i32
      %dma_wait3A_355 = tpu.memref_slice %arg15[%add3A_20, %dma_wait3A_354] : memref<10240x128xf32, #tpu.memory_space<vmem_shared>> -> memref<80x128xf32, #tpu.memory_space<vmem_shared>>
      %dma_wait3A_356 = arith.constant 0 : i32
      %dma_wait3A_357 = tpu.memref_slice %arg15[%add3A_20, %dma_wait3A_356] : memref<10240x128xf32, #tpu.memory_space<vmem_shared>> -> memref<80x128xf32, #tpu.memory_space<vmem_shared>>
      tpu.wait_dma2 semaphore(%run_scoped3A : memref<!tpu.dma_semaphore, #tpu.memory_space<semaphore_mem>>) src(%arg12 : memref<80x128xf32, #tpu.memory_space<vmem>>) dst(%dma_wait3A_357 : memref<80x128xf32, #tpu.memory_space<vmem_shared>>)
      tpu.yield
    }) : () -> ()
    %add3A_21 = arith.constant 480 : i32
    %add3A_22 = arith.addi %mul3A_8, %add3A_21 : i32
    "tpu.region"() ({
      %run_scoped3A = tpu.sem_alloc : memref<!tpu.dma_semaphore, #tpu.memory_space<semaphore_mem>>
      %dma_start3A_350 = arith.constant 0 : i32
      %dma_start3A_351 = tpu.memref_slice %arg15[%add3A_22, %dma_start3A_350] : memref<10240x128xf32, #tpu.memory_space<vmem_shared>> -> memref<80x128xf32, #tpu.memory_space<vmem_shared>>
      %dma_start3A_352 = arith.constant 0 : i32
      %dma_start3A_353 = tpu.memref_slice %arg15[%add3A_22, %dma_start3A_352] : memref<10240x128xf32, #tpu.memory_space<vmem_shared>> -> memref<80x128xf32, #tpu.memory_space<vmem_shared>>
      tpu.enqueue_dma source(%arg12 : memref<80x128xf32, #tpu.memory_space<vmem>>) target(%dma_start3A_353 : memref<80x128xf32, #tpu.memory_space<vmem_shared>>) target_semaphore(%run_scoped3A : memref<!tpu.dma_semaphore, #tpu.memory_space<semaphore_mem>>)
      %dma_wait3A_354 = arith.constant 0 : i32
      %dma_wait3A_355 = tpu.memref_slice %arg15[%add3A_22, %dma_wait3A_354] : memref<10240x128xf32, #tpu.memory_space<vmem_shared>> -> memref<80x128xf32, #tpu.memory_space<vmem_shared>>
      %dma_wait3A_356 = arith.constant 0 : i32
      %dma_wait3A_357 = tpu.memref_slice %arg15[%add3A_22, %dma_wait3A_356] : memref<10240x128xf32, #tpu.memory_space<vmem_shared>> -> memref<80x128xf32, #tpu.memory_space<vmem_shared>>
      tpu.wait_dma2 semaphore(%run_scoped3A : memref<!tpu.dma_semaphore, #tpu.memory_space<semaphore_mem>>) src(%arg12 : memref<80x128xf32, #tpu.memory_space<vmem>>) dst(%dma_wait3A_357 : memref<80x128xf32, #tpu.memory_space<vmem_shared>>)
      tpu.yield
    }) : () -> ()
    %add3A_23 = arith.constant 560 : i32
    %add3A_24 = arith.addi %mul3A_8, %add3A_23 : i32
    "tpu.region"() ({
      %run_scoped3A = tpu.sem_alloc : memref<!tpu.dma_semaphore, #tpu.memory_space<semaphore_mem>>
      %dma_start3A_350 = arith.constant 0 : i32
      %dma_start3A_351 = tpu.memref_slice %arg15[%add3A_24, %dma_start3A_350] : memref<10240x128xf32, #tpu.memory_space<vmem_shared>> -> memref<80x128xf32, #tpu.memory_space<vmem_shared>>
      %dma_start3A_352 = arith.constant 0 : i32
      %dma_start3A_353 = tpu.memref_slice %arg15[%add3A_24, %dma_start3A_352] : memref<10240x128xf32, #tpu.memory_space<vmem_shared>> -> memref<80x128xf32, #tpu.memory_space<vmem_shared>>
      tpu.enqueue_dma source(%arg12 : memref<80x128xf32, #tpu.memory_space<vmem>>) target(%dma_start3A_353 : memref<80x128xf32, #tpu.memory_space<vmem_shared>>) target_semaphore(%run_scoped3A : memref<!tpu.dma_semaphore, #tpu.memory_space<semaphore_mem>>)
      %dma_wait3A_354 = arith.constant 0 : i32
      %dma_wait3A_355 = tpu.memref_slice %arg15[%add3A_24, %dma_wait3A_354] : memref<10240x128xf32, #tpu.memory_space<vmem_shared>> -> memref<80x128xf32, #tpu.memory_space<vmem_shared>>
      %dma_wait3A_356 = arith.constant 0 : i32
      %dma_wait3A_357 = tpu.memref_slice %arg15[%add3A_24, %dma_wait3A_356] : memref<10240x128xf32, #tpu.memory_space<vmem_shared>> -> memref<80x128xf32, #tpu.memory_space<vmem_shared>>
      tpu.wait_dma2 semaphore(%run_scoped3A : memref<!tpu.dma_semaphore, #tpu.memory_space<semaphore_mem>>) src(%arg12 : memref<80x128xf32, #tpu.memory_space<vmem>>) dst(%dma_wait3A_357 : memref<80x128xf32, #tpu.memory_space<vmem_shared>>)
      tpu.yield
    }) : () -> ()
    %barrier3A = arith.constant 0 : index
    tpu.barrier barrier_id(%barrier3A)
    %dma_start3A = arith.constant 0 : i32
    %dma_start3A_25 = arith.constant 0 : i32
    %dma_start3A_26 = arith.constant 0 : i32
    %dma_start3A_27 = tpu.memref_slice %arg3[%add3A, %dma_start3A, %dma_start3A_25, %dma_start3A_26] : memref<32x125x1x80xi32, #tpu.memory_space<hbm>> -> memref<1x1x1x80xi32, #tpu.memory_space<hbm>>
    %dma_start3A_28 = tpu.memref_squeeze %dma_start3A_27 : memref<1x1x1x80xi32, #tpu.memory_space<hbm>> -> memref<1x80xi32, #tpu.memory_space<hbm>>
    %dma_start3A_29 = arith.constant 0 : i32
    %dma_start3A_30 = arith.constant 0 : i32
    %dma_start3A_31 = tpu.memref_slice %arg3[%add3A, %dma_start3A, %dma_start3A_29, %dma_start3A_30] : memref<32x125x1x80xi32, #tpu.memory_space<hbm>> -> memref<1x1x1x80xi32, #tpu.memory_space<hbm>>
    %dma_start3A_32 = tpu.memref_squeeze %dma_start3A_31 : memref<1x1x1x80xi32, #tpu.memory_space<hbm>> -> memref<1x80xi32, #tpu.memory_space<hbm>>
    tpu.enqueue_dma source(%dma_start3A_32 : memref<1x80xi32, #tpu.memory_space<hbm>>) target(%arg6 : memref<1x80xi32, #tpu.memory_space<vmem>>) target_semaphore(%arg16 : memref<!tpu.dma_semaphore, #tpu.memory_space<semaphore_mem>>)
    %dma_start3A_33 = arith.constant 0 : i32
    %dma_start3A_34 = arith.constant 0 : i32
    %dma_start3A_35 = arith.constant 0 : i32
    %dma_start3A_36 = tpu.memref_slice %arg4[%add3A, %dma_start3A_33, %dma_start3A_34, %dma_start3A_35] : memref<32x125x1x80xi32, #tpu.memory_space<hbm>> -> memref<1x1x1x80xi32, #tpu.memory_space<hbm>>
    %dma_start3A_37 = tpu.memref_squeeze %dma_start3A_36 : memref<1x1x1x80xi32, #tpu.memory_space<hbm>> -> memref<1x80xi32, #tpu.memory_space<hbm>>
    %dma_start3A_38 = arith.constant 0 : i32
    %dma_start3A_39 = arith.constant 0 : i32
    %dma_start3A_40 = tpu.memref_slice %arg4[%add3A, %dma_start3A_33, %dma_start3A_38, %dma_start3A_39] : memref<32x125x1x80xi32, #tpu.memory_space<hbm>> -> memref<1x1x1x80xi32, #tpu.memory_space<hbm>>
    %dma_start3A_41 = tpu.memref_squeeze %dma_start3A_40 : memref<1x1x1x80xi32, #tpu.memory_space<hbm>> -> memref<1x80xi32, #tpu.memory_space<hbm>>
    tpu.enqueue_dma source(%dma_start3A_41 : memref<1x80xi32, #tpu.memory_space<hbm>>) target(%arg9 : memref<1x80xi32, #tpu.memory_space<vmem>>) target_semaphore(%arg16 : memref<!tpu.dma_semaphore, #tpu.memory_space<semaphore_mem>>)
    %dma_start3A_42 = arith.constant 1 : i32
    %dma_start3A_43 = arith.constant 0 : i32
    %dma_start3A_44 = arith.constant 0 : i32
    %dma_start3A_45 = tpu.memref_slice %arg3[%add3A, %dma_start3A_42, %dma_start3A_43, %dma_start3A_44] : memref<32x125x1x80xi32, #tpu.memory_space<hbm>> -> memref<1x1x1x80xi32, #tpu.memory_space<hbm>>
    %dma_start3A_46 = tpu.memref_squeeze %dma_start3A_45 : memref<1x1x1x80xi32, #tpu.memory_space<hbm>> -> memref<1x80xi32, #tpu.memory_space<hbm>>
    %dma_start3A_47 = arith.constant 0 : i32
    %dma_start3A_48 = arith.constant 0 : i32
    %dma_start3A_49 = tpu.memref_slice %arg3[%add3A, %dma_start3A_42, %dma_start3A_47, %dma_start3A_48] : memref<32x125x1x80xi32, #tpu.memory_space<hbm>> -> memref<1x1x1x80xi32, #tpu.memory_space<hbm>>
    %dma_start3A_50 = tpu.memref_squeeze %dma_start3A_49 : memref<1x1x1x80xi32, #tpu.memory_space<hbm>> -> memref<1x80xi32, #tpu.memory_space<hbm>>
    tpu.enqueue_dma source(%dma_start3A_50 : memref<1x80xi32, #tpu.memory_space<hbm>>) target(%arg7 : memref<1x80xi32, #tpu.memory_space<vmem>>) target_semaphore(%arg17 : memref<!tpu.dma_semaphore, #tpu.memory_space<semaphore_mem>>)
    %dma_start3A_51 = arith.constant 1 : i32
    %dma_start3A_52 = arith.constant 0 : i32
    %dma_start3A_53 = arith.constant 0 : i32
    %dma_start3A_54 = tpu.memref_slice %arg4[%add3A, %dma_start3A_51, %dma_start3A_52, %dma_start3A_53] : memref<32x125x1x80xi32, #tpu.memory_space<hbm>> -> memref<1x1x1x80xi32, #tpu.memory_space<hbm>>
    %dma_start3A_55 = tpu.memref_squeeze %dma_start3A_54 : memref<1x1x1x80xi32, #tpu.memory_space<hbm>> -> memref<1x80xi32, #tpu.memory_space<hbm>>
    %dma_start3A_56 = arith.constant 0 : i32
    %dma_start3A_57 = arith.constant 0 : i32
    %dma_start3A_58 = tpu.memref_slice %arg4[%add3A, %dma_start3A_51, %dma_start3A_56, %dma_start3A_57] : memref<32x125x1x80xi32, #tpu.memory_space<hbm>> -> memref<1x1x1x80xi32, #tpu.memory_space<hbm>>
    %dma_start3A_59 = tpu.memref_squeeze %dma_start3A_58 : memref<1x1x1x80xi32, #tpu.memory_space<hbm>> -> memref<1x80xi32, #tpu.memory_space<hbm>>
    tpu.enqueue_dma source(%dma_start3A_59 : memref<1x80xi32, #tpu.memory_space<hbm>>) target(%arg10 : memref<1x80xi32, #tpu.memory_space<vmem>>) target_semaphore(%arg17 : memref<!tpu.dma_semaphore, #tpu.memory_space<semaphore_mem>>)
    %dma_wait3A = arith.constant 0 : i32
    %dma_wait3A_60 = arith.constant 0 : i32
    %dma_wait3A_61 = arith.constant 0 : i32
    %dma_wait3A_62 = tpu.memref_slice %arg3[%add3A, %dma_wait3A, %dma_wait3A_60, %dma_wait3A_61] : memref<32x125x1x80xi32, #tpu.memory_space<hbm>> -> memref<1x1x1x80xi32, #tpu.memory_space<hbm>>
    %dma_wait3A_63 = tpu.memref_squeeze %dma_wait3A_62 : memref<1x1x1x80xi32, #tpu.memory_space<hbm>> -> memref<1x80xi32, #tpu.memory_space<hbm>>
    %dma_wait3A_64 = arith.constant 0 : i32
    %dma_wait3A_65 = arith.constant 0 : i32
    %dma_wait3A_66 = tpu.memref_slice %arg3[%add3A, %dma_wait3A, %dma_wait3A_64, %dma_wait3A_65] : memref<32x125x1x80xi32, #tpu.memory_space<hbm>> -> memref<1x1x1x80xi32, #tpu.memory_space<hbm>>
    %dma_wait3A_67 = tpu.memref_squeeze %dma_wait3A_66 : memref<1x1x1x80xi32, #tpu.memory_space<hbm>> -> memref<1x80xi32, #tpu.memory_space<hbm>>
    tpu.wait_dma2 semaphore(%arg16 : memref<!tpu.dma_semaphore, #tpu.memory_space<semaphore_mem>>) src(%dma_wait3A_67 : memref<1x80xi32, #tpu.memory_space<hbm>>) dst(%arg6 : memref<1x80xi32, #tpu.memory_space<vmem>>)
    %dma_wait3A_68 = arith.constant 0 : i32
    %dma_wait3A_69 = arith.constant 0 : i32
    %dma_wait3A_70 = arith.constant 0 : i32
    %dma_wait3A_71 = tpu.memref_slice %arg4[%add3A, %dma_wait3A_68, %dma_wait3A_69, %dma_wait3A_70] : memref<32x125x1x80xi32, #tpu.memory_space<hbm>> -> memref<1x1x1x80xi32, #tpu.memory_space<hbm>>
    %dma_wait3A_72 = tpu.memref_squeeze %dma_wait3A_71 : memref<1x1x1x80xi32, #tpu.memory_space<hbm>> -> memref<1x80xi32, #tpu.memory_space<hbm>>
    %dma_wait3A_73 = arith.constant 0 : i32
    %dma_wait3A_74 = arith.constant 0 : i32
    %dma_wait3A_75 = tpu.memref_slice %arg4[%add3A, %dma_wait3A_68, %dma_wait3A_73, %dma_wait3A_74] : memref<32x125x1x80xi32, #tpu.memory_space<hbm>> -> memref<1x1x1x80xi32, #tpu.memory_space<hbm>>
    %dma_wait3A_76 = tpu.memref_squeeze %dma_wait3A_75 : memref<1x1x1x80xi32, #tpu.memory_space<hbm>> -> memref<1x80xi32, #tpu.memory_space<hbm>>
    tpu.wait_dma2 semaphore(%arg16 : memref<!tpu.dma_semaphore, #tpu.memory_space<semaphore_mem>>) src(%dma_wait3A_76 : memref<1x80xi32, #tpu.memory_space<hbm>>) dst(%arg9 : memref<1x80xi32, #tpu.memory_space<vmem>>)
    %dma_start3A_77 = arith.constant 0 : i32
    %dma_start3A_78 = arith.constant 0 : i32
    %dma_start3A_79 = tpu.memref_slice %arg6[%dma_start3A_77, %dma_start3A_78] : memref<1x80xi32, #tpu.memory_space<vmem>> -> memref<1x80xi32, #tpu.memory_space<vmem>>
    %dma_start3A_80 = tpu.memref_squeeze %dma_start3A_79 : memref<1x80xi32, #tpu.memory_space<vmem>> -> memref<80xi32, #tpu.memory_space<vmem>>
    %dma_start3A_81 = arith.constant 0 : i32
    %dma_start3A_82 = arith.constant 0 : i32
    %dma_start3A_83 = tpu.memref_slice %arg2[%dma_start3A_81, %dma_start3A_82] : memref<10000x128xf32, #tpu.memory_space<hbm>> -> memref<10000x128xf32, #tpu.memory_space<hbm>>
    tpu.enqueue_indirect_dma source(%dma_start3A_83 : memref<10000x128xf32, #tpu.memory_space<hbm>>) target(%arg12 : memref<80x128xf32, #tpu.memory_space<vmem>>) offsets(%dma_start3A_80 : memref<80xi32, #tpu.memory_space<vmem>>) semaphore(%arg19 : memref<!tpu.dma_semaphore, #tpu.memory_space<semaphore_mem>>)
    %dma_wait3A_84 = arith.constant 1 : i32
    %dma_wait3A_85 = arith.constant 0 : i32
    %dma_wait3A_86 = arith.constant 0 : i32
    %dma_wait3A_87 = tpu.memref_slice %arg3[%add3A, %dma_wait3A_84, %dma_wait3A_85, %dma_wait3A_86] : memref<32x125x1x80xi32, #tpu.memory_space<hbm>> -> memref<1x1x1x80xi32, #tpu.memory_space<hbm>>
    %dma_wait3A_88 = tpu.memref_squeeze %dma_wait3A_87 : memref<1x1x1x80xi32, #tpu.memory_space<hbm>> -> memref<1x80xi32, #tpu.memory_space<hbm>>
    %dma_wait3A_89 = arith.constant 0 : i32
    %dma_wait3A_90 = arith.constant 0 : i32
    %dma_wait3A_91 = tpu.memref_slice %arg3[%add3A, %dma_wait3A_84, %dma_wait3A_89, %dma_wait3A_90] : memref<32x125x1x80xi32, #tpu.memory_space<hbm>> -> memref<1x1x1x80xi32, #tpu.memory_space<hbm>>
    %dma_wait3A_92 = tpu.memref_squeeze %dma_wait3A_91 : memref<1x1x1x80xi32, #tpu.memory_space<hbm>> -> memref<1x80xi32, #tpu.memory_space<hbm>>
    tpu.wait_dma2 semaphore(%arg17 : memref<!tpu.dma_semaphore, #tpu.memory_space<semaphore_mem>>) src(%dma_wait3A_92 : memref<1x80xi32, #tpu.memory_space<hbm>>) dst(%arg7 : memref<1x80xi32, #tpu.memory_space<vmem>>)
    %dma_wait3A_93 = arith.constant 1 : i32
    %dma_wait3A_94 = arith.constant 0 : i32
    %dma_wait3A_95 = arith.constant 0 : i32
    %dma_wait3A_96 = tpu.memref_slice %arg4[%add3A, %dma_wait3A_93, %dma_wait3A_94, %dma_wait3A_95] : memref<32x125x1x80xi32, #tpu.memory_space<hbm>> -> memref<1x1x1x80xi32, #tpu.memory_space<hbm>>
    %dma_wait3A_97 = tpu.memref_squeeze %dma_wait3A_96 : memref<1x1x1x80xi32, #tpu.memory_space<hbm>> -> memref<1x80xi32, #tpu.memory_space<hbm>>
    %dma_wait3A_98 = arith.constant 0 : i32
    %dma_wait3A_99 = arith.constant 0 : i32
    %dma_wait3A_100 = tpu.memref_slice %arg4[%add3A, %dma_wait3A_93, %dma_wait3A_98, %dma_wait3A_99] : memref<32x125x1x80xi32, #tpu.memory_space<hbm>> -> memref<1x1x1x80xi32, #tpu.memory_space<hbm>>
    %dma_wait3A_101 = tpu.memref_squeeze %dma_wait3A_100 : memref<1x1x1x80xi32, #tpu.memory_space<hbm>> -> memref<1x80xi32, #tpu.memory_space<hbm>>
    tpu.wait_dma2 semaphore(%arg17 : memref<!tpu.dma_semaphore, #tpu.memory_space<semaphore_mem>>) src(%dma_wait3A_101 : memref<1x80xi32, #tpu.memory_space<hbm>>) dst(%arg10 : memref<1x80xi32, #tpu.memory_space<vmem>>)
    %dma_start3A_102 = arith.constant 0 : i32
    %dma_start3A_103 = arith.constant 0 : i32
    %dma_start3A_104 = tpu.memref_slice %arg7[%dma_start3A_102, %dma_start3A_103] : memref<1x80xi32, #tpu.memory_space<vmem>> -> memref<1x80xi32, #tpu.memory_space<vmem>>
    %dma_start3A_105 = tpu.memref_squeeze %dma_start3A_104 : memref<1x80xi32, #tpu.memory_space<vmem>> -> memref<80xi32, #tpu.memory_space<vmem>>
    %dma_start3A_106 = arith.constant 0 : i32
    %dma_start3A_107 = arith.constant 0 : i32
    %dma_start3A_108 = tpu.memref_slice %arg2[%dma_start3A_106, %dma_start3A_107] : memref<10000x128xf32, #tpu.memory_space<hbm>> -> memref<10000x128xf32, #tpu.memory_space<hbm>>
    tpu.enqueue_indirect_dma source(%dma_start3A_108 : memref<10000x128xf32, #tpu.memory_space<hbm>>) target(%arg13 : memref<80x128xf32, #tpu.memory_space<vmem>>) offsets(%dma_start3A_105 : memref<80xi32, #tpu.memory_space<vmem>>) semaphore(%arg20 : memref<!tpu.dma_semaphore, #tpu.memory_space<semaphore_mem>>)
    %dma_start3A_109 = arith.constant 2 : i32
    %dma_start3A_110 = arith.constant 0 : i32
    %dma_start3A_111 = arith.constant 0 : i32
    %dma_start3A_112 = tpu.memref_slice %arg3[%add3A, %dma_start3A_109, %dma_start3A_110, %dma_start3A_111] : memref<32x125x1x80xi32, #tpu.memory_space<hbm>> -> memref<1x1x1x80xi32, #tpu.memory_space<hbm>>
    %dma_start3A_113 = tpu.memref_squeeze %dma_start3A_112 : memref<1x1x1x80xi32, #tpu.memory_space<hbm>> -> memref<1x80xi32, #tpu.memory_space<hbm>>
    %dma_start3A_114 = arith.constant 0 : i32
    %dma_start3A_115 = arith.constant 0 : i32
    %dma_start3A_116 = tpu.memref_slice %arg3[%add3A, %dma_start3A_109, %dma_start3A_114, %dma_start3A_115] : memref<32x125x1x80xi32, #tpu.memory_space<hbm>> -> memref<1x1x1x80xi32, #tpu.memory_space<hbm>>
    %dma_start3A_117 = tpu.memref_squeeze %dma_start3A_116 : memref<1x1x1x80xi32, #tpu.memory_space<hbm>> -> memref<1x80xi32, #tpu.memory_space<hbm>>
    tpu.enqueue_dma source(%dma_start3A_117 : memref<1x80xi32, #tpu.memory_space<hbm>>) target(%arg8 : memref<1x80xi32, #tpu.memory_space<vmem>>) target_semaphore(%arg18 : memref<!tpu.dma_semaphore, #tpu.memory_space<semaphore_mem>>)
    %dma_start3A_118 = arith.constant 2 : i32
    %dma_start3A_119 = arith.constant 0 : i32
    %dma_start3A_120 = arith.constant 0 : i32
    %dma_start3A_121 = tpu.memref_slice %arg4[%add3A, %dma_start3A_118, %dma_start3A_119, %dma_start3A_120] : memref<32x125x1x80xi32, #tpu.memory_space<hbm>> -> memref<1x1x1x80xi32, #tpu.memory_space<hbm>>
    %dma_start3A_122 = tpu.memref_squeeze %dma_start3A_121 : memref<1x1x1x80xi32, #tpu.memory_space<hbm>> -> memref<1x80xi32, #tpu.memory_space<hbm>>
    %dma_start3A_123 = arith.constant 0 : i32
    %dma_start3A_124 = arith.constant 0 : i32
    %dma_start3A_125 = tpu.memref_slice %arg4[%add3A, %dma_start3A_118, %dma_start3A_123, %dma_start3A_124] : memref<32x125x1x80xi32, #tpu.memory_space<hbm>> -> memref<1x1x1x80xi32, #tpu.memory_space<hbm>>
    %dma_start3A_126 = tpu.memref_squeeze %dma_start3A_125 : memref<1x1x1x80xi32, #tpu.memory_space<hbm>> -> memref<1x80xi32, #tpu.memory_space<hbm>>
    tpu.enqueue_dma source(%dma_start3A_126 : memref<1x80xi32, #tpu.memory_space<hbm>>) target(%arg11 : memref<1x80xi32, #tpu.memory_space<vmem>>) target_semaphore(%arg18 : memref<!tpu.dma_semaphore, #tpu.memory_space<semaphore_mem>>)
    %dma_wait3A_127 = arith.constant 0 : i32
    %dma_wait3A_128 = arith.constant 0 : i32
    %dma_wait3A_129 = tpu.memref_slice %arg6[%dma_wait3A_127, %dma_wait3A_128] : memref<1x80xi32, #tpu.memory_space<vmem>> -> memref<1x80xi32, #tpu.memory_space<vmem>>
    %dma_wait3A_130 = tpu.memref_squeeze %dma_wait3A_129 : memref<1x80xi32, #tpu.memory_space<vmem>> -> memref<80xi32, #tpu.memory_space<vmem>>
    %dma_wait3A_131 = arith.constant 0 : i32
    %dma_wait3A_132 = arith.constant 0 : i32
    %dma_wait3A_133 = tpu.memref_slice %arg2[%dma_wait3A_131, %dma_wait3A_132] : memref<10000x128xf32, #tpu.memory_space<hbm>> -> memref<10000x128xf32, #tpu.memory_space<hbm>>
    tpu.wait_indirect_dma semaphore(%arg19 : memref<!tpu.dma_semaphore, #tpu.memory_space<semaphore_mem>>) src(%dma_wait3A_133 : memref<10000x128xf32, #tpu.memory_space<hbm>>) dst(%arg12 : memref<80x128xf32, #tpu.memory_space<vmem>>)
    %dma_start3A_134 = arith.constant 0 : i32
    %dma_start3A_135 = arith.constant 0 : i32
    %dma_start3A_136 = tpu.memref_slice %arg9[%dma_start3A_134, %dma_start3A_135] : memref<1x80xi32, #tpu.memory_space<vmem>> -> memref<1x80xi32, #tpu.memory_space<vmem>>
    %dma_start3A_137 = tpu.memref_squeeze %dma_start3A_136 : memref<1x80xi32, #tpu.memory_space<vmem>> -> memref<80xi32, #tpu.memory_space<vmem>>
    %dma_start3A_138 = arith.constant 0 : i32
    %dma_start3A_139 = arith.constant 0 : i32
    %dma_start3A_140 = tpu.memref_slice %arg15[%dma_start3A_138, %dma_start3A_139] : memref<10240x128xf32, #tpu.memory_space<vmem_shared>> -> memref<10240x128xf32, #tpu.memory_space<vmem_shared>>
    tpu.enqueue_indirect_dma source(%arg12 : memref<80x128xf32, #tpu.memory_space<vmem>>) target(%dma_start3A_140 : memref<10240x128xf32, #tpu.memory_space<vmem_shared>>) offsets(%dma_start3A_137 : memref<80xi32, #tpu.memory_space<vmem>>) semaphore(%arg22 : memref<!tpu.dma_semaphore, #tpu.memory_space<semaphore_mem>>) {add = true}
    %dma_wait3A_141 = arith.constant 2 : i32
    %dma_wait3A_142 = arith.constant 0 : i32
    %dma_wait3A_143 = arith.constant 0 : i32
    %dma_wait3A_144 = tpu.memref_slice %arg3[%add3A, %dma_wait3A_141, %dma_wait3A_142, %dma_wait3A_143] : memref<32x125x1x80xi32, #tpu.memory_space<hbm>> -> memref<1x1x1x80xi32, #tpu.memory_space<hbm>>
    %dma_wait3A_145 = tpu.memref_squeeze %dma_wait3A_144 : memref<1x1x1x80xi32, #tpu.memory_space<hbm>> -> memref<1x80xi32, #tpu.memory_space<hbm>>
    %dma_wait3A_146 = arith.constant 0 : i32
    %dma_wait3A_147 = arith.constant 0 : i32
    %dma_wait3A_148 = tpu.memref_slice %arg3[%add3A, %dma_wait3A_141, %dma_wait3A_146, %dma_wait3A_147] : memref<32x125x1x80xi32, #tpu.memory_space<hbm>> -> memref<1x1x1x80xi32, #tpu.memory_space<hbm>>
    %dma_wait3A_149 = tpu.memref_squeeze %dma_wait3A_148 : memref<1x1x1x80xi32, #tpu.memory_space<hbm>> -> memref<1x80xi32, #tpu.memory_space<hbm>>
    tpu.wait_dma2 semaphore(%arg18 : memref<!tpu.dma_semaphore, #tpu.memory_space<semaphore_mem>>) src(%dma_wait3A_149 : memref<1x80xi32, #tpu.memory_space<hbm>>) dst(%arg8 : memref<1x80xi32, #tpu.memory_space<vmem>>)
    %dma_wait3A_150 = arith.constant 2 : i32
    %dma_wait3A_151 = arith.constant 0 : i32
    %dma_wait3A_152 = arith.constant 0 : i32
    %dma_wait3A_153 = tpu.memref_slice %arg4[%add3A, %dma_wait3A_150, %dma_wait3A_151, %dma_wait3A_152] : memref<32x125x1x80xi32, #tpu.memory_space<hbm>> -> memref<1x1x1x80xi32, #tpu.memory_space<hbm>>
    %dma_wait3A_154 = tpu.memref_squeeze %dma_wait3A_153 : memref<1x1x1x80xi32, #tpu.memory_space<hbm>> -> memref<1x80xi32, #tpu.memory_space<hbm>>
    %dma_wait3A_155 = arith.constant 0 : i32
    %dma_wait3A_156 = arith.constant 0 : i32
    %dma_wait3A_157 = tpu.memref_slice %arg4[%add3A, %dma_wait3A_150, %dma_wait3A_155, %dma_wait3A_156] : memref<32x125x1x80xi32, #tpu.memory_space<hbm>> -> memref<1x1x1x80xi32, #tpu.memory_space<hbm>>
    %dma_wait3A_158 = tpu.memref_squeeze %dma_wait3A_157 : memref<1x1x1x80xi32, #tpu.memory_space<hbm>> -> memref<1x80xi32, #tpu.memory_space<hbm>>
    tpu.wait_dma2 semaphore(%arg18 : memref<!tpu.dma_semaphore, #tpu.memory_space<semaphore_mem>>) src(%dma_wait3A_158 : memref<1x80xi32, #tpu.memory_space<hbm>>) dst(%arg11 : memref<1x80xi32, #tpu.memory_space<vmem>>)
    %dma_start3A_159 = arith.constant 0 : i32
    %dma_start3A_160 = arith.constant 0 : i32
    %dma_start3A_161 = tpu.memref_slice %arg8[%dma_start3A_159, %dma_start3A_160] : memref<1x80xi32, #tpu.memory_space<vmem>> -> memref<1x80xi32, #tpu.memory_space<vmem>>
    %dma_start3A_162 = tpu.memref_squeeze %dma_start3A_161 : memref<1x80xi32, #tpu.memory_space<vmem>> -> memref<80xi32, #tpu.memory_space<vmem>>
    %dma_start3A_163 = arith.constant 0 : i32
    %dma_start3A_164 = arith.constant 0 : i32
    %dma_start3A_165 = tpu.memref_slice %arg2[%dma_start3A_163, %dma_start3A_164] : memref<10000x128xf32, #tpu.memory_space<hbm>> -> memref<10000x128xf32, #tpu.memory_space<hbm>>
    tpu.enqueue_indirect_dma source(%dma_start3A_165 : memref<10000x128xf32, #tpu.memory_space<hbm>>) target(%arg14 : memref<80x128xf32, #tpu.memory_space<vmem>>) offsets(%dma_start3A_162 : memref<80xi32, #tpu.memory_space<vmem>>) semaphore(%arg21 : memref<!tpu.dma_semaphore, #tpu.memory_space<semaphore_mem>>)
    %dma_wait3A_166 = arith.constant 0 : i32
    %dma_wait3A_167 = arith.constant 0 : i32
    %dma_wait3A_168 = tpu.memref_slice %arg9[%dma_wait3A_166, %dma_wait3A_167] : memref<1x80xi32, #tpu.memory_space<vmem>> -> memref<1x80xi32, #tpu.memory_space<vmem>>
    %dma_wait3A_169 = tpu.memref_squeeze %dma_wait3A_168 : memref<1x80xi32, #tpu.memory_space<vmem>> -> memref<80xi32, #tpu.memory_space<vmem>>
    %dma_wait3A_170 = arith.constant 0 : i32
    %dma_wait3A_171 = arith.constant 0 : i32
    %dma_wait3A_172 = tpu.memref_slice %arg15[%dma_wait3A_170, %dma_wait3A_171] : memref<10240x128xf32, #tpu.memory_space<vmem_shared>> -> memref<10240x128xf32, #tpu.memory_space<vmem_shared>>
    tpu.wait_indirect_dma semaphore(%arg22 : memref<!tpu.dma_semaphore, #tpu.memory_space<semaphore_mem>>) src(%arg12 : memref<80x128xf32, #tpu.memory_space<vmem>>) dst(%dma_wait3A_172 : memref<10240x128xf32, #tpu.memory_space<vmem_shared>>)
    %dma_start3A_173 = arith.constant 3 : i32
    %dma_start3A_174 = arith.constant 0 : i32
    %dma_start3A_175 = arith.constant 0 : i32
    %dma_start3A_176 = tpu.memref_slice %arg3[%add3A, %dma_start3A_173, %dma_start3A_174, %dma_start3A_175] : memref<32x125x1x80xi32, #tpu.memory_space<hbm>> -> memref<1x1x1x80xi32, #tpu.memory_space<hbm>>
    %dma_start3A_177 = tpu.memref_squeeze %dma_start3A_176 : memref<1x1x1x80xi32, #tpu.memory_space<hbm>> -> memref<1x80xi32, #tpu.memory_space<hbm>>
    %dma_start3A_178 = arith.constant 0 : i32
    %dma_start3A_179 = arith.constant 0 : i32
    %dma_start3A_180 = tpu.memref_slice %arg3[%add3A, %dma_start3A_173, %dma_start3A_178, %dma_start3A_179] : memref<32x125x1x80xi32, #tpu.memory_space<hbm>> -> memref<1x1x1x80xi32, #tpu.memory_space<hbm>>
    %dma_start3A_181 = tpu.memref_squeeze %dma_start3A_180 : memref<1x1x1x80xi32, #tpu.memory_space<hbm>> -> memref<1x80xi32, #tpu.memory_space<hbm>>
    tpu.enqueue_dma source(%dma_start3A_181 : memref<1x80xi32, #tpu.memory_space<hbm>>) target(%arg6 : memref<1x80xi32, #tpu.memory_space<vmem>>) target_semaphore(%arg16 : memref<!tpu.dma_semaphore, #tpu.memory_space<semaphore_mem>>)
    %dma_start3A_182 = arith.constant 3 : i32
    %dma_start3A_183 = arith.constant 0 : i32
    %dma_start3A_184 = arith.constant 0 : i32
    %dma_start3A_185 = tpu.memref_slice %arg4[%add3A, %dma_start3A_182, %dma_start3A_183, %dma_start3A_184] : memref<32x125x1x80xi32, #tpu.memory_space<hbm>> -> memref<1x1x1x80xi32, #tpu.memory_space<hbm>>
    %dma_start3A_186 = tpu.memref_squeeze %dma_start3A_185 : memref<1x1x1x80xi32, #tpu.memory_space<hbm>> -> memref<1x80xi32, #tpu.memory_space<hbm>>
    %dma_start3A_187 = arith.constant 0 : i32
    %dma_start3A_188 = arith.constant 0 : i32
    %dma_start3A_189 = tpu.memref_slice %arg4[%add3A, %dma_start3A_182, %dma_start3A_187, %dma_start3A_188] : memref<32x125x1x80xi32, #tpu.memory_space<hbm>> -> memref<1x1x1x80xi32, #tpu.memory_space<hbm>>
    %dma_start3A_190 = tpu.memref_squeeze %dma_start3A_189 : memref<1x1x1x80xi32, #tpu.memory_space<hbm>> -> memref<1x80xi32, #tpu.memory_space<hbm>>
    tpu.enqueue_dma source(%dma_start3A_190 : memref<1x80xi32, #tpu.memory_space<hbm>>) target(%arg9 : memref<1x80xi32, #tpu.memory_space<vmem>>) target_semaphore(%arg16 : memref<!tpu.dma_semaphore, #tpu.memory_space<semaphore_mem>>)
    %dma_wait3A_191 = arith.constant 0 : i32
    %dma_wait3A_192 = arith.constant 0 : i32
    %dma_wait3A_193 = tpu.memref_slice %arg7[%dma_wait3A_191, %dma_wait3A_192] : memref<1x80xi32, #tpu.memory_space<vmem>> -> memref<1x80xi32, #tpu.memory_space<vmem>>
    %dma_wait3A_194 = tpu.memref_squeeze %dma_wait3A_193 : memref<1x80xi32, #tpu.memory_space<vmem>> -> memref<80xi32, #tpu.memory_space<vmem>>
    %dma_wait3A_195 = arith.constant 0 : i32
    %dma_wait3A_196 = arith.constant 0 : i32
    %dma_wait3A_197 = tpu.memref_slice %arg2[%dma_wait3A_195, %dma_wait3A_196] : memref<10000x128xf32, #tpu.memory_space<hbm>> -> memref<10000x128xf32, #tpu.memory_space<hbm>>
    tpu.wait_indirect_dma semaphore(%arg20 : memref<!tpu.dma_semaphore, #tpu.memory_space<semaphore_mem>>) src(%dma_wait3A_197 : memref<10000x128xf32, #tpu.memory_space<hbm>>) dst(%arg13 : memref<80x128xf32, #tpu.memory_space<vmem>>)
    %dma_start3A_198 = arith.constant 0 : i32
    %dma_start3A_199 = arith.constant 0 : i32
    %dma_start3A_200 = tpu.memref_slice %arg10[%dma_start3A_198, %dma_start3A_199] : memref<1x80xi32, #tpu.memory_space<vmem>> -> memref<1x80xi32, #tpu.memory_space<vmem>>
    %dma_start3A_201 = tpu.memref_squeeze %dma_start3A_200 : memref<1x80xi32, #tpu.memory_space<vmem>> -> memref<80xi32, #tpu.memory_space<vmem>>
    %dma_start3A_202 = arith.constant 0 : i32
    %dma_start3A_203 = arith.constant 0 : i32
    %dma_start3A_204 = tpu.memref_slice %arg15[%dma_start3A_202, %dma_start3A_203] : memref<10240x128xf32, #tpu.memory_space<vmem_shared>> -> memref<10240x128xf32, #tpu.memory_space<vmem_shared>>
    tpu.enqueue_indirect_dma source(%arg13 : memref<80x128xf32, #tpu.memory_space<vmem>>) target(%dma_start3A_204 : memref<10240x128xf32, #tpu.memory_space<vmem_shared>>) offsets(%dma_start3A_201 : memref<80xi32, #tpu.memory_space<vmem>>) semaphore(%arg23 : memref<!tpu.dma_semaphore, #tpu.memory_space<semaphore_mem>>) {add = true}
    %dma_wait3A_205 = arith.constant 3 : i32
    %dma_wait3A_206 = arith.constant 0 : i32
    %dma_wait3A_207 = arith.constant 0 : i32
    %dma_wait3A_208 = tpu.memref_slice %arg3[%add3A, %dma_wait3A_205, %dma_wait3A_206, %dma_wait3A_207] : memref<32x125x1x80xi32, #tpu.memory_space<hbm>> -> memref<1x1x1x80xi32, #tpu.memory_space<hbm>>
    %dma_wait3A_209 = tpu.memref_squeeze %dma_wait3A_208 : memref<1x1x1x80xi32, #tpu.memory_space<hbm>> -> memref<1x80xi32, #tpu.memory_space<hbm>>
    %dma_wait3A_210 = arith.constant 0 : i32
    %dma_wait3A_211 = arith.constant 0 : i32
    %dma_wait3A_212 = tpu.memref_slice %arg3[%add3A, %dma_wait3A_205, %dma_wait3A_210, %dma_wait3A_211] : memref<32x125x1x80xi32, #tpu.memory_space<hbm>> -> memref<1x1x1x80xi32, #tpu.memory_space<hbm>>
    %dma_wait3A_213 = tpu.memref_squeeze %dma_wait3A_212 : memref<1x1x1x80xi32, #tpu.memory_space<hbm>> -> memref<1x80xi32, #tpu.memory_space<hbm>>
    tpu.wait_dma2 semaphore(%arg16 : memref<!tpu.dma_semaphore, #tpu.memory_space<semaphore_mem>>) src(%dma_wait3A_213 : memref<1x80xi32, #tpu.memory_space<hbm>>) dst(%arg6 : memref<1x80xi32, #tpu.memory_space<vmem>>)
    %dma_wait3A_214 = arith.constant 3 : i32
    %dma_wait3A_215 = arith.constant 0 : i32
    %dma_wait3A_216 = arith.constant 0 : i32
    %dma_wait3A_217 = tpu.memref_slice %arg4[%add3A, %dma_wait3A_214, %dma_wait3A_215, %dma_wait3A_216] : memref<32x125x1x80xi32, #tpu.memory_space<hbm>> -> memref<1x1x1x80xi32, #tpu.memory_space<hbm>>
    %dma_wait3A_218 = tpu.memref_squeeze %dma_wait3A_217 : memref<1x1x1x80xi32, #tpu.memory_space<hbm>> -> memref<1x80xi32, #tpu.memory_space<hbm>>
    %dma_wait3A_219 = arith.constant 0 : i32
    %dma_wait3A_220 = arith.constant 0 : i32
    %dma_wait3A_221 = tpu.memref_slice %arg4[%add3A, %dma_wait3A_214, %dma_wait3A_219, %dma_wait3A_220] : memref<32x125x1x80xi32, #tpu.memory_space<hbm>> -> memref<1x1x1x80xi32, #tpu.memory_space<hbm>>
    %dma_wait3A_222 = tpu.memref_squeeze %dma_wait3A_221 : memref<1x1x1x80xi32, #tpu.memory_space<hbm>> -> memref<1x80xi32, #tpu.memory_space<hbm>>
    tpu.wait_dma2 semaphore(%arg16 : memref<!tpu.dma_semaphore, #tpu.memory_space<semaphore_mem>>) src(%dma_wait3A_222 : memref<1x80xi32, #tpu.memory_space<hbm>>) dst(%arg9 : memref<1x80xi32, #tpu.memory_space<vmem>>)
    %dma_start3A_223 = arith.constant 0 : i32
    %dma_start3A_224 = arith.constant 0 : i32
    %dma_start3A_225 = tpu.memref_slice %arg6[%dma_start3A_223, %dma_start3A_224] : memref<1x80xi32, #tpu.memory_space<vmem>> -> memref<1x80xi32, #tpu.memory_space<vmem>>
    %dma_start3A_226 = tpu.memref_squeeze %dma_start3A_225 : memref<1x80xi32, #tpu.memory_space<vmem>> -> memref<80xi32, #tpu.memory_space<vmem>>
    %dma_start3A_227 = arith.constant 0 : i32
    %dma_start3A_228 = arith.constant 0 : i32
    %dma_start3A_229 = tpu.memref_slice %arg2[%dma_start3A_227, %dma_start3A_228] : memref<10000x128xf32, #tpu.memory_space<hbm>> -> memref<10000x128xf32, #tpu.memory_space<hbm>>
    tpu.enqueue_indirect_dma source(%dma_start3A_229 : memref<10000x128xf32, #tpu.memory_space<hbm>>) target(%arg12 : memref<80x128xf32, #tpu.memory_space<vmem>>) offsets(%dma_start3A_226 : memref<80xi32, #tpu.memory_space<vmem>>) semaphore(%arg19 : memref<!tpu.dma_semaphore, #tpu.memory_space<semaphore_mem>>)
    %scan3A_230 = arith.constant 0 : i32
    %scan3A_231 = arith.constant 0 : i32
    %scan3A_232 = arith.constant 40 : i32
    %scan3A_233 = arith.addi %scan3A_231, %scan3A_232 : i32
    %scan3A_234 = arith.constant 1 : i32
    scf.for %scan3A_350 = %scan3A_231 to %scan3A_233 step %scan3A_234  : i32 {
      %mul3A_351 = arith.constant 3 : i32
      %mul3A_352 = arith.muli %mul3A_351, %scan3A_350 : i32
      %add3A_353 = arith.constant 2 : i32
      %add3A_354 = arith.addi %mul3A_352, %add3A_353 : i32
      %dma_wait3A_355 = arith.constant 0 : i32
      %dma_wait3A_356 = arith.constant 0 : i32
      %dma_wait3A_357 = tpu.memref_slice %arg10[%dma_wait3A_355, %dma_wait3A_356] : memref<1x80xi32, #tpu.memory_space<vmem>> -> memref<1x80xi32, #tpu.memory_space<vmem>>
      %dma_wait3A_358 = tpu.memref_squeeze %dma_wait3A_357 : memref<1x80xi32, #tpu.memory_space<vmem>> -> memref<80xi32, #tpu.memory_space<vmem>>
      %dma_wait3A_359 = arith.constant 0 : i32
      %dma_wait3A_360 = arith.constant 0 : i32
      %dma_wait3A_361 = tpu.memref_slice %arg15[%dma_wait3A_359, %dma_wait3A_360] : memref<10240x128xf32, #tpu.memory_space<vmem_shared>> -> memref<10240x128xf32, #tpu.memory_space<vmem_shared>>
      tpu.wait_indirect_dma semaphore(%arg23 : memref<!tpu.dma_semaphore, #tpu.memory_space<semaphore_mem>>) src(%arg13 : memref<80x128xf32, #tpu.memory_space<vmem>>) dst(%dma_wait3A_361 : memref<10240x128xf32, #tpu.memory_space<vmem_shared>>)
      %add3A_362 = arith.constant 2 : i32
      %add3A_363 = arith.addi %add3A_354, %add3A_362 : i32
      %dma_start3A_364 = arith.constant 0 : i32
      %dma_start3A_365 = arith.constant 0 : i32
      %dma_start3A_366 = tpu.memref_slice %arg3[%add3A, %add3A_363, %dma_start3A_364, %dma_start3A_365] : memref<32x125x1x80xi32, #tpu.memory_space<hbm>> -> memref<1x1x1x80xi32, #tpu.memory_space<hbm>>
      %dma_start3A_367 = tpu.memref_squeeze %dma_start3A_366 : memref<1x1x1x80xi32, #tpu.memory_space<hbm>> -> memref<1x80xi32, #tpu.memory_space<hbm>>
      %dma_start3A_368 = arith.constant 0 : i32
      %dma_start3A_369 = arith.constant 0 : i32
      %dma_start3A_370 = tpu.memref_slice %arg3[%add3A, %add3A_363, %dma_start3A_368, %dma_start3A_369] : memref<32x125x1x80xi32, #tpu.memory_space<hbm>> -> memref<1x1x1x80xi32, #tpu.memory_space<hbm>>
      %dma_start3A_371 = tpu.memref_squeeze %dma_start3A_370 : memref<1x1x1x80xi32, #tpu.memory_space<hbm>> -> memref<1x80xi32, #tpu.memory_space<hbm>>
      tpu.enqueue_dma source(%dma_start3A_371 : memref<1x80xi32, #tpu.memory_space<hbm>>) target(%arg7 : memref<1x80xi32, #tpu.memory_space<vmem>>) target_semaphore(%arg17 : memref<!tpu.dma_semaphore, #tpu.memory_space<semaphore_mem>>)
      %dma_start3A_372 = arith.constant 0 : i32
      %dma_start3A_373 = arith.constant 0 : i32
      %dma_start3A_374 = tpu.memref_slice %arg4[%add3A, %add3A_363, %dma_start3A_372, %dma_start3A_373] : memref<32x125x1x80xi32, #tpu.memory_space<hbm>> -> memref<1x1x1x80xi32, #tpu.memory_space<hbm>>
      %dma_start3A_375 = tpu.memref_squeeze %dma_start3A_374 : memref<1x1x1x80xi32, #tpu.memory_space<hbm>> -> memref<1x80xi32, #tpu.memory_space<hbm>>
      %dma_start3A_376 = arith.constant 0 : i32
      %dma_start3A_377 = arith.constant 0 : i32
      %dma_start3A_378 = tpu.memref_slice %arg4[%add3A, %add3A_363, %dma_start3A_376, %dma_start3A_377] : memref<32x125x1x80xi32, #tpu.memory_space<hbm>> -> memref<1x1x1x80xi32, #tpu.memory_space<hbm>>
      %dma_start3A_379 = tpu.memref_squeeze %dma_start3A_378 : memref<1x1x1x80xi32, #tpu.memory_space<hbm>> -> memref<1x80xi32, #tpu.memory_space<hbm>>
      tpu.enqueue_dma source(%dma_start3A_379 : memref<1x80xi32, #tpu.memory_space<hbm>>) target(%arg10 : memref<1x80xi32, #tpu.memory_space<vmem>>) target_semaphore(%arg17 : memref<!tpu.dma_semaphore, #tpu.memory_space<semaphore_mem>>)
      %dma_wait3A_380 = arith.constant 0 : i32
      %dma_wait3A_381 = arith.constant 0 : i32
      %dma_wait3A_382 = tpu.memref_slice %arg8[%dma_wait3A_380, %dma_wait3A_381] : memref<1x80xi32, #tpu.memory_space<vmem>> -> memref<1x80xi32, #tpu.memory_space<vmem>>
      %dma_wait3A_383 = tpu.memref_squeeze %dma_wait3A_382 : memref<1x80xi32, #tpu.memory_space<vmem>> -> memref<80xi32, #tpu.memory_space<vmem>>
      %dma_wait3A_384 = arith.constant 0 : i32
      %dma_wait3A_385 = arith.constant 0 : i32
      %dma_wait3A_386 = tpu.memref_slice %arg2[%dma_wait3A_384, %dma_wait3A_385] : memref<10000x128xf32, #tpu.memory_space<hbm>> -> memref<10000x128xf32, #tpu.memory_space<hbm>>
      tpu.wait_indirect_dma semaphore(%arg21 : memref<!tpu.dma_semaphore, #tpu.memory_space<semaphore_mem>>) src(%dma_wait3A_386 : memref<10000x128xf32, #tpu.memory_space<hbm>>) dst(%arg14 : memref<80x128xf32, #tpu.memory_space<vmem>>)
      %dma_start3A_387 = arith.constant 0 : i32
      %dma_start3A_388 = arith.constant 0 : i32
      %dma_start3A_389 = tpu.memref_slice %arg11[%dma_start3A_387, %dma_start3A_388] : memref<1x80xi32, #tpu.memory_space<vmem>> -> memref<1x80xi32, #tpu.memory_space<vmem>>
      %dma_start3A_390 = tpu.memref_squeeze %dma_start3A_389 : memref<1x80xi32, #tpu.memory_space<vmem>> -> memref<80xi32, #tpu.memory_space<vmem>>
      %dma_start3A_391 = arith.constant 0 : i32
      %dma_start3A_392 = arith.constant 0 : i32
      %dma_start3A_393 = tpu.memref_slice %arg15[%dma_start3A_391, %dma_start3A_392] : memref<10240x128xf32, #tpu.memory_space<vmem_shared>> -> memref<10240x128xf32, #tpu.memory_space<vmem_shared>>
      tpu.enqueue_indirect_dma source(%arg14 : memref<80x128xf32, #tpu.memory_space<vmem>>) target(%dma_start3A_393 : memref<10240x128xf32, #tpu.memory_space<vmem_shared>>) offsets(%dma_start3A_390 : memref<80xi32, #tpu.memory_space<vmem>>) semaphore(%arg24 : memref<!tpu.dma_semaphore, #tpu.memory_space<semaphore_mem>>) {add = true}
      %add3A_394 = arith.constant 2 : i32
      %add3A_395 = arith.addi %add3A_354, %add3A_394 : i32
      %dma_wait3A_396 = arith.constant 0 : i32
      %dma_wait3A_397 = arith.constant 0 : i32
      %dma_wait3A_398 = tpu.memref_slice %arg3[%add3A, %add3A_395, %dma_wait3A_396, %dma_wait3A_397] : memref<32x125x1x80xi32, #tpu.memory_space<hbm>> -> memref<1x1x1x80xi32, #tpu.memory_space<hbm>>
      %dma_wait3A_399 = tpu.memref_squeeze %dma_wait3A_398 : memref<1x1x1x80xi32, #tpu.memory_space<hbm>> -> memref<1x80xi32, #tpu.memory_space<hbm>>
      %dma_wait3A_400 = arith.constant 0 : i32
      %dma_wait3A_401 = arith.constant 0 : i32
      %dma_wait3A_402 = tpu.memref_slice %arg3[%add3A, %add3A_395, %dma_wait3A_400, %dma_wait3A_401] : memref<32x125x1x80xi32, #tpu.memory_space<hbm>> -> memref<1x1x1x80xi32, #tpu.memory_space<hbm>>
      %dma_wait3A_403 = tpu.memref_squeeze %dma_wait3A_402 : memref<1x1x1x80xi32, #tpu.memory_space<hbm>> -> memref<1x80xi32, #tpu.memory_space<hbm>>
      tpu.wait_dma2 semaphore(%arg17 : memref<!tpu.dma_semaphore, #tpu.memory_space<semaphore_mem>>) src(%dma_wait3A_403 : memref<1x80xi32, #tpu.memory_space<hbm>>) dst(%arg7 : memref<1x80xi32, #tpu.memory_space<vmem>>)
      %dma_wait3A_404 = arith.constant 0 : i32
      %dma_wait3A_405 = arith.constant 0 : i32
      %dma_wait3A_406 = tpu.memref_slice %arg4[%add3A, %add3A_395, %dma_wait3A_404, %dma_wait3A_405] : memref<32x125x1x80xi32, #tpu.memory_space<hbm>> -> memref<1x1x1x80xi32, #tpu.memory_space<hbm>>
      %dma_wait3A_407 = tpu.memref_squeeze %dma_wait3A_406 : memref<1x1x1x80xi32, #tpu.memory_space<hbm>> -> memref<1x80xi32, #tpu.memory_space<hbm>>
      %dma_wait3A_408 = arith.constant 0 : i32
      %dma_wait3A_409 = arith.constant 0 : i32
      %dma_wait3A_410 = tpu.memref_slice %arg4[%add3A, %add3A_395, %dma_wait3A_408, %dma_wait3A_409] : memref<32x125x1x80xi32, #tpu.memory_space<hbm>> -> memref<1x1x1x80xi32, #tpu.memory_space<hbm>>
      %dma_wait3A_411 = tpu.memref_squeeze %dma_wait3A_410 : memref<1x1x1x80xi32, #tpu.memory_space<hbm>> -> memref<1x80xi32, #tpu.memory_space<hbm>>
      tpu.wait_dma2 semaphore(%arg17 : memref<!tpu.dma_semaphore, #tpu.memory_space<semaphore_mem>>) src(%dma_wait3A_411 : memref<1x80xi32, #tpu.memory_space<hbm>>) dst(%arg10 : memref<1x80xi32, #tpu.memory_space<vmem>>)
      %dma_start3A_412 = arith.constant 0 : i32
      %dma_start3A_413 = arith.constant 0 : i32
      %dma_start3A_414 = tpu.memref_slice %arg7[%dma_start3A_412, %dma_start3A_413] : memref<1x80xi32, #tpu.memory_space<vmem>> -> memref<1x80xi32, #tpu.memory_space<vmem>>
      %dma_start3A_415 = tpu.memref_squeeze %dma_start3A_414 : memref<1x80xi32, #tpu.memory_space<vmem>> -> memref<80xi32, #tpu.memory_space<vmem>>
      %dma_start3A_416 = arith.constant 0 : i32
      %dma_start3A_417 = arith.constant 0 : i32
      %dma_start3A_418 = tpu.memref_slice %arg2[%dma_start3A_416, %dma_start3A_417] : memref<10000x128xf32, #tpu.memory_space<hbm>> -> memref<10000x128xf32, #tpu.memory_space<hbm>>
      tpu.enqueue_indirect_dma source(%dma_start3A_418 : memref<10000x128xf32, #tpu.memory_space<hbm>>) target(%arg13 : memref<80x128xf32, #tpu.memory_space<vmem>>) offsets(%dma_start3A_415 : memref<80xi32, #tpu.memory_space<vmem>>) semaphore(%arg20 : memref<!tpu.dma_semaphore, #tpu.memory_space<semaphore_mem>>)
      %add3A_419 = arith.constant 1 : i32
      %add3A_420 = arith.addi %add3A_354, %add3A_419 : i32
      %dma_wait3A_421 = arith.constant 0 : i32
      %dma_wait3A_422 = arith.constant 0 : i32
      %dma_wait3A_423 = tpu.memref_slice %arg11[%dma_wait3A_421, %dma_wait3A_422] : memref<1x80xi32, #tpu.memory_space<vmem>> -> memref<1x80xi32, #tpu.memory_space<vmem>>
      %dma_wait3A_424 = tpu.memref_squeeze %dma_wait3A_423 : memref<1x80xi32, #tpu.memory_space<vmem>> -> memref<80xi32, #tpu.memory_space<vmem>>
      %dma_wait3A_425 = arith.constant 0 : i32
      %dma_wait3A_426 = arith.constant 0 : i32
      %dma_wait3A_427 = tpu.memref_slice %arg15[%dma_wait3A_425, %dma_wait3A_426] : memref<10240x128xf32, #tpu.memory_space<vmem_shared>> -> memref<10240x128xf32, #tpu.memory_space<vmem_shared>>
      tpu.wait_indirect_dma semaphore(%arg24 : memref<!tpu.dma_semaphore, #tpu.memory_space<semaphore_mem>>) src(%arg14 : memref<80x128xf32, #tpu.memory_space<vmem>>) dst(%dma_wait3A_427 : memref<10240x128xf32, #tpu.memory_space<vmem_shared>>)
      %add3A_428 = arith.constant 2 : i32
      %add3A_429 = arith.addi %add3A_420, %add3A_428 : i32
      %dma_start3A_430 = arith.constant 0 : i32
      %dma_start3A_431 = arith.constant 0 : i32
      %dma_start3A_432 = tpu.memref_slice %arg3[%add3A, %add3A_429, %dma_start3A_430, %dma_start3A_431] : memref<32x125x1x80xi32, #tpu.memory_space<hbm>> -> memref<1x1x1x80xi32, #tpu.memory_space<hbm>>
      %dma_start3A_433 = tpu.memref_squeeze %dma_start3A_432 : memref<1x1x1x80xi32, #tpu.memory_space<hbm>> -> memref<1x80xi32, #tpu.memory_space<hbm>>
      %dma_start3A_434 = arith.constant 0 : i32
      %dma_start3A_435 = arith.constant 0 : i32
      %dma_start3A_436 = tpu.memref_slice %arg3[%add3A, %add3A_429, %dma_start3A_434, %dma_start3A_435] : memref<32x125x1x80xi32, #tpu.memory_space<hbm>> -> memref<1x1x1x80xi32, #tpu.memory_space<hbm>>
      %dma_start3A_437 = tpu.memref_squeeze %dma_start3A_436 : memref<1x1x1x80xi32, #tpu.memory_space<hbm>> -> memref<1x80xi32, #tpu.memory_space<hbm>>
      tpu.enqueue_dma source(%dma_start3A_437 : memref<1x80xi32, #tpu.memory_space<hbm>>) target(%arg8 : memref<1x80xi32, #tpu.memory_space<vmem>>) target_semaphore(%arg18 : memref<!tpu.dma_semaphore, #tpu.memory_space<semaphore_mem>>)
      %dma_start3A_438 = arith.constant 0 : i32
      %dma_start3A_439 = arith.constant 0 : i32
      %dma_start3A_440 = tpu.memref_slice %arg4[%add3A, %add3A_429, %dma_start3A_438, %dma_start3A_439] : memref<32x125x1x80xi32, #tpu.memory_space<hbm>> -> memref<1x1x1x80xi32, #tpu.memory_space<hbm>>
      %dma_start3A_441 = tpu.memref_squeeze %dma_start3A_440 : memref<1x1x1x80xi32, #tpu.memory_space<hbm>> -> memref<1x80xi32, #tpu.memory_space<hbm>>
      %dma_start3A_442 = arith.constant 0 : i32
      %dma_start3A_443 = arith.constant 0 : i32
      %dma_start3A_444 = tpu.memref_slice %arg4[%add3A, %add3A_429, %dma_start3A_442, %dma_start3A_443] : memref<32x125x1x80xi32, #tpu.memory_space<hbm>> -> memref<1x1x1x80xi32, #tpu.memory_space<hbm>>
      %dma_start3A_445 = tpu.memref_squeeze %dma_start3A_444 : memref<1x1x1x80xi32, #tpu.memory_space<hbm>> -> memref<1x80xi32, #tpu.memory_space<hbm>>
      tpu.enqueue_dma source(%dma_start3A_445 : memref<1x80xi32, #tpu.memory_space<hbm>>) target(%arg11 : memref<1x80xi32, #tpu.memory_space<vmem>>) target_semaphore(%arg18 : memref<!tpu.dma_semaphore, #tpu.memory_space<semaphore_mem>>)
      %dma_wait3A_446 = arith.constant 0 : i32
      %dma_wait3A_447 = arith.constant 0 : i32
      %dma_wait3A_448 = tpu.memref_slice %arg6[%dma_wait3A_446, %dma_wait3A_447] : memref<1x80xi32, #tpu.memory_space<vmem>> -> memref<1x80xi32, #tpu.memory_space<vmem>>
      %dma_wait3A_449 = tpu.memref_squeeze %dma_wait3A_448 : memref<1x80xi32, #tpu.memory_space<vmem>> -> memref<80xi32, #tpu.memory_space<vmem>>
      %dma_wait3A_450 = arith.constant 0 : i32
      %dma_wait3A_451 = arith.constant 0 : i32
      %dma_wait3A_452 = tpu.memref_slice %arg2[%dma_wait3A_450, %dma_wait3A_451] : memref<10000x128xf32, #tpu.memory_space<hbm>> -> memref<10000x128xf32, #tpu.memory_space<hbm>>
      tpu.wait_indirect_dma semaphore(%arg19 : memref<!tpu.dma_semaphore, #tpu.memory_space<semaphore_mem>>) src(%dma_wait3A_452 : memref<10000x128xf32, #tpu.memory_space<hbm>>) dst(%arg12 : memref<80x128xf32, #tpu.memory_space<vmem>>)
      %dma_start3A_453 = arith.constant 0 : i32
      %dma_start3A_454 = arith.constant 0 : i32
      %dma_start3A_455 = tpu.memref_slice %arg9[%dma_start3A_453, %dma_start3A_454] : memref<1x80xi32, #tpu.memory_space<vmem>> -> memref<1x80xi32, #tpu.memory_space<vmem>>
      %dma_start3A_456 = tpu.memref_squeeze %dma_start3A_455 : memref<1x80xi32, #tpu.memory_space<vmem>> -> memref<80xi32, #tpu.memory_space<vmem>>
      %dma_start3A_457 = arith.constant 0 : i32
      %dma_start3A_458 = arith.constant 0 : i32
      %dma_start3A_459 = tpu.memref_slice %arg15[%dma_start3A_457, %dma_start3A_458] : memref<10240x128xf32, #tpu.memory_space<vmem_shared>> -> memref<10240x128xf32, #tpu.memory_space<vmem_shared>>
      tpu.enqueue_indirect_dma source(%arg12 : memref<80x128xf32, #tpu.memory_space<vmem>>) target(%dma_start3A_459 : memref<10240x128xf32, #tpu.memory_space<vmem_shared>>) offsets(%dma_start3A_456 : memref<80xi32, #tpu.memory_space<vmem>>) semaphore(%arg22 : memref<!tpu.dma_semaphore, #tpu.memory_space<semaphore_mem>>) {add = true}
      %add3A_460 = arith.constant 2 : i32
      %add3A_461 = arith.addi %add3A_420, %add3A_460 : i32
      %dma_wait3A_462 = arith.constant 0 : i32
      %dma_wait3A_463 = arith.constant 0 : i32
      %dma_wait3A_464 = tpu.memref_slice %arg3[%add3A, %add3A_461, %dma_wait3A_462, %dma_wait3A_463] : memref<32x125x1x80xi32, #tpu.memory_space<hbm>> -> memref<1x1x1x80xi32, #tpu.memory_space<hbm>>
      %dma_wait3A_465 = tpu.memref_squeeze %dma_wait3A_464 : memref<1x1x1x80xi32, #tpu.memory_space<hbm>> -> memref<1x80xi32, #tpu.memory_space<hbm>>
      %dma_wait3A_466 = arith.constant 0 : i32
      %dma_wait3A_467 = arith.constant 0 : i32
      %dma_wait3A_468 = tpu.memref_slice %arg3[%add3A, %add3A_461, %dma_wait3A_466, %dma_wait3A_467] : memref<32x125x1x80xi32, #tpu.memory_space<hbm>> -> memref<1x1x1x80xi32, #tpu.memory_space<hbm>>
      %dma_wait3A_469 = tpu.memref_squeeze %dma_wait3A_468 : memref<1x1x1x80xi32, #tpu.memory_space<hbm>> -> memref<1x80xi32, #tpu.memory_space<hbm>>
      tpu.wait_dma2 semaphore(%arg18 : memref<!tpu.dma_semaphore, #tpu.memory_space<semaphore_mem>>) src(%dma_wait3A_469 : memref<1x80xi32, #tpu.memory_space<hbm>>) dst(%arg8 : memref<1x80xi32, #tpu.memory_space<vmem>>)
      %dma_wait3A_470 = arith.constant 0 : i32
      %dma_wait3A_471 = arith.constant 0 : i32
      %dma_wait3A_472 = tpu.memref_slice %arg4[%add3A, %add3A_461, %dma_wait3A_470, %dma_wait3A_471] : memref<32x125x1x80xi32, #tpu.memory_space<hbm>> -> memref<1x1x1x80xi32, #tpu.memory_space<hbm>>
      %dma_wait3A_473 = tpu.memref_squeeze %dma_wait3A_472 : memref<1x1x1x80xi32, #tpu.memory_space<hbm>> -> memref<1x80xi32, #tpu.memory_space<hbm>>
      %dma_wait3A_474 = arith.constant 0 : i32
      %dma_wait3A_475 = arith.constant 0 : i32
      %dma_wait3A_476 = tpu.memref_slice %arg4[%add3A, %add3A_461, %dma_wait3A_474, %dma_wait3A_475] : memref<32x125x1x80xi32, #tpu.memory_space<hbm>> -> memref<1x1x1x80xi32, #tpu.memory_space<hbm>>
      %dma_wait3A_477 = tpu.memref_squeeze %dma_wait3A_476 : memref<1x1x1x80xi32, #tpu.memory_space<hbm>> -> memref<1x80xi32, #tpu.memory_space<hbm>>
      tpu.wait_dma2 semaphore(%arg18 : memref<!tpu.dma_semaphore, #tpu.memory_space<semaphore_mem>>) src(%dma_wait3A_477 : memref<1x80xi32, #tpu.memory_space<hbm>>) dst(%arg11 : memref<1x80xi32, #tpu.memory_space<vmem>>)
      %dma_start3A_478 = arith.constant 0 : i32
      %dma_start3A_479 = arith.constant 0 : i32
      %dma_start3A_480 = tpu.memref_slice %arg8[%dma_start3A_478, %dma_start3A_479] : memref<1x80xi32, #tpu.memory_space<vmem>> -> memref<1x80xi32, #tpu.memory_space<vmem>>
      %dma_start3A_481 = tpu.memref_squeeze %dma_start3A_480 : memref<1x80xi32, #tpu.memory_space<vmem>> -> memref<80xi32, #tpu.memory_space<vmem>>
      %dma_start3A_482 = arith.constant 0 : i32
      %dma_start3A_483 = arith.constant 0 : i32
      %dma_start3A_484 = tpu.memref_slice %arg2[%dma_start3A_482, %dma_start3A_483] : memref<10000x128xf32, #tpu.memory_space<hbm>> -> memref<10000x128xf32, #tpu.memory_space<hbm>>
      tpu.enqueue_indirect_dma source(%dma_start3A_484 : memref<10000x128xf32, #tpu.memory_space<hbm>>) target(%arg14 : memref<80x128xf32, #tpu.memory_space<vmem>>) offsets(%dma_start3A_481 : memref<80xi32, #tpu.memory_space<vmem>>) semaphore(%arg21 : memref<!tpu.dma_semaphore, #tpu.memory_space<semaphore_mem>>)
      %add3A_485 = arith.constant 2 : i32
      %add3A_486 = arith.addi %add3A_354, %add3A_485 : i32
      %dma_wait3A_487 = arith.constant 0 : i32
      %dma_wait3A_488 = arith.constant 0 : i32
      %dma_wait3A_489 = tpu.memref_slice %arg9[%dma_wait3A_487, %dma_wait3A_488] : memref<1x80xi32, #tpu.memory_space<vmem>> -> memref<1x80xi32, #tpu.memory_space<vmem>>
      %dma_wait3A_490 = tpu.memref_squeeze %dma_wait3A_489 : memref<1x80xi32, #tpu.memory_space<vmem>> -> memref<80xi32, #tpu.memory_space<vmem>>
      %dma_wait3A_491 = arith.constant 0 : i32
      %dma_wait3A_492 = arith.constant 0 : i32
      %dma_wait3A_493 = tpu.memref_slice %arg15[%dma_wait3A_491, %dma_wait3A_492] : memref<10240x128xf32, #tpu.memory_space<vmem_shared>> -> memref<10240x128xf32, #tpu.memory_space<vmem_shared>>
      tpu.wait_indirect_dma semaphore(%arg22 : memref<!tpu.dma_semaphore, #tpu.memory_space<semaphore_mem>>) src(%arg12 : memref<80x128xf32, #tpu.memory_space<vmem>>) dst(%dma_wait3A_493 : memref<10240x128xf32, #tpu.memory_space<vmem_shared>>)
      %add3A_494 = arith.constant 2 : i32
      %add3A_495 = arith.addi %add3A_486, %add3A_494 : i32
      %dma_start3A_496 = arith.constant 0 : i32
      %dma_start3A_497 = arith.constant 0 : i32
      %dma_start3A_498 = tpu.memref_slice %arg3[%add3A, %add3A_495, %dma_start3A_496, %dma_start3A_497] : memref<32x125x1x80xi32, #tpu.memory_space<hbm>> -> memref<1x1x1x80xi32, #tpu.memory_space<hbm>>
      %dma_start3A_499 = tpu.memref_squeeze %dma_start3A_498 : memref<1x1x1x80xi32, #tpu.memory_space<hbm>> -> memref<1x80xi32, #tpu.memory_space<hbm>>
      %dma_start3A_500 = arith.constant 0 : i32
      %dma_start3A_501 = arith.constant 0 : i32
      %dma_start3A_502 = tpu.memref_slice %arg3[%add3A, %add3A_495, %dma_start3A_500, %dma_start3A_501] : memref<32x125x1x80xi32, #tpu.memory_space<hbm>> -> memref<1x1x1x80xi32, #tpu.memory_space<hbm>>
      %dma_start3A_503 = tpu.memref_squeeze %dma_start3A_502 : memref<1x1x1x80xi32, #tpu.memory_space<hbm>> -> memref<1x80xi32, #tpu.memory_space<hbm>>
      tpu.enqueue_dma source(%dma_start3A_503 : memref<1x80xi32, #tpu.memory_space<hbm>>) target(%arg6 : memref<1x80xi32, #tpu.memory_space<vmem>>) target_semaphore(%arg16 : memref<!tpu.dma_semaphore, #tpu.memory_space<semaphore_mem>>)
      %dma_start3A_504 = arith.constant 0 : i32
      %dma_start3A_505 = arith.constant 0 : i32
      %dma_start3A_506 = tpu.memref_slice %arg4[%add3A, %add3A_495, %dma_start3A_504, %dma_start3A_505] : memref<32x125x1x80xi32, #tpu.memory_space<hbm>> -> memref<1x1x1x80xi32, #tpu.memory_space<hbm>>
      %dma_start3A_507 = tpu.memref_squeeze %dma_start3A_506 : memref<1x1x1x80xi32, #tpu.memory_space<hbm>> -> memref<1x80xi32, #tpu.memory_space<hbm>>
      %dma_start3A_508 = arith.constant 0 : i32
      %dma_start3A_509 = arith.constant 0 : i32
      %dma_start3A_510 = tpu.memref_slice %arg4[%add3A, %add3A_495, %dma_start3A_508, %dma_start3A_509] : memref<32x125x1x80xi32, #tpu.memory_space<hbm>> -> memref<1x1x1x80xi32, #tpu.memory_space<hbm>>
      %dma_start3A_511 = tpu.memref_squeeze %dma_start3A_510 : memref<1x1x1x80xi32, #tpu.memory_space<hbm>> -> memref<1x80xi32, #tpu.memory_space<hbm>>
      tpu.enqueue_dma source(%dma_start3A_511 : memref<1x80xi32, #tpu.memory_space<hbm>>) target(%arg9 : memref<1x80xi32, #tpu.memory_space<vmem>>) target_semaphore(%arg16 : memref<!tpu.dma_semaphore, #tpu.memory_space<semaphore_mem>>)
      %dma_wait3A_512 = arith.constant 0 : i32
      %dma_wait3A_513 = arith.constant 0 : i32
      %dma_wait3A_514 = tpu.memref_slice %arg7[%dma_wait3A_512, %dma_wait3A_513] : memref<1x80xi32, #tpu.memory_space<vmem>> -> memref<1x80xi32, #tpu.memory_space<vmem>>
      %dma_wait3A_515 = tpu.memref_squeeze %dma_wait3A_514 : memref<1x80xi32, #tpu.memory_space<vmem>> -> memref<80xi32, #tpu.memory_space<vmem>>
      %dma_wait3A_516 = arith.constant 0 : i32
      %dma_wait3A_517 = arith.constant 0 : i32
      %dma_wait3A_518 = tpu.memref_slice %arg2[%dma_wait3A_516, %dma_wait3A_517] : memref<10000x128xf32, #tpu.memory_space<hbm>> -> memref<10000x128xf32, #tpu.memory_space<hbm>>
      tpu.wait_indirect_dma semaphore(%arg20 : memref<!tpu.dma_semaphore, #tpu.memory_space<semaphore_mem>>) src(%dma_wait3A_518 : memref<10000x128xf32, #tpu.memory_space<hbm>>) dst(%arg13 : memref<80x128xf32, #tpu.memory_space<vmem>>)
      %dma_start3A_519 = arith.constant 0 : i32
      %dma_start3A_520 = arith.constant 0 : i32
      %dma_start3A_521 = tpu.memref_slice %arg10[%dma_start3A_519, %dma_start3A_520] : memref<1x80xi32, #tpu.memory_space<vmem>> -> memref<1x80xi32, #tpu.memory_space<vmem>>
      %dma_start3A_522 = tpu.memref_squeeze %dma_start3A_521 : memref<1x80xi32, #tpu.memory_space<vmem>> -> memref<80xi32, #tpu.memory_space<vmem>>
      %dma_start3A_523 = arith.constant 0 : i32
      %dma_start3A_524 = arith.constant 0 : i32
      %dma_start3A_525 = tpu.memref_slice %arg15[%dma_start3A_523, %dma_start3A_524] : memref<10240x128xf32, #tpu.memory_space<vmem_shared>> -> memref<10240x128xf32, #tpu.memory_space<vmem_shared>>
      tpu.enqueue_indirect_dma source(%arg13 : memref<80x128xf32, #tpu.memory_space<vmem>>) target(%dma_start3A_525 : memref<10240x128xf32, #tpu.memory_space<vmem_shared>>) offsets(%dma_start3A_522 : memref<80xi32, #tpu.memory_space<vmem>>) semaphore(%arg23 : memref<!tpu.dma_semaphore, #tpu.memory_space<semaphore_mem>>) {add = true}
      %add3A_526 = arith.constant 2 : i32
      %add3A_527 = arith.addi %add3A_486, %add3A_526 : i32
      %dma_wait3A_528 = arith.constant 0 : i32
      %dma_wait3A_529 = arith.constant 0 : i32
      %dma_wait3A_530 = tpu.memref_slice %arg3[%add3A, %add3A_527, %dma_wait3A_528, %dma_wait3A_529] : memref<32x125x1x80xi32, #tpu.memory_space<hbm>> -> memref<1x1x1x80xi32, #tpu.memory_space<hbm>>
      %dma_wait3A_531 = tpu.memref_squeeze %dma_wait3A_530 : memref<1x1x1x80xi32, #tpu.memory_space<hbm>> -> memref<1x80xi32, #tpu.memory_space<hbm>>
      %dma_wait3A_532 = arith.constant 0 : i32
      %dma_wait3A_533 = arith.constant 0 : i32
      %dma_wait3A_534 = tpu.memref_slice %arg3[%add3A, %add3A_527, %dma_wait3A_532, %dma_wait3A_533] : memref<32x125x1x80xi32, #tpu.memory_space<hbm>> -> memref<1x1x1x80xi32, #tpu.memory_space<hbm>>
      %dma_wait3A_535 = tpu.memref_squeeze %dma_wait3A_534 : memref<1x1x1x80xi32, #tpu.memory_space<hbm>> -> memref<1x80xi32, #tpu.memory_space<hbm>>
      tpu.wait_dma2 semaphore(%arg16 : memref<!tpu.dma_semaphore, #tpu.memory_space<semaphore_mem>>) src(%dma_wait3A_535 : memref<1x80xi32, #tpu.memory_space<hbm>>) dst(%arg6 : memref<1x80xi32, #tpu.memory_space<vmem>>)
      %dma_wait3A_536 = arith.constant 0 : i32
      %dma_wait3A_537 = arith.constant 0 : i32
      %dma_wait3A_538 = tpu.memref_slice %arg4[%add3A, %add3A_527, %dma_wait3A_536, %dma_wait3A_537] : memref<32x125x1x80xi32, #tpu.memory_space<hbm>> -> memref<1x1x1x80xi32, #tpu.memory_space<hbm>>
      %dma_wait3A_539 = tpu.memref_squeeze %dma_wait3A_538 : memref<1x1x1x80xi32, #tpu.memory_space<hbm>> -> memref<1x80xi32, #tpu.memory_space<hbm>>
      %dma_wait3A_540 = arith.constant 0 : i32
      %dma_wait3A_541 = arith.constant 0 : i32
      %dma_wait3A_542 = tpu.memref_slice %arg4[%add3A, %add3A_527, %dma_wait3A_540, %dma_wait3A_541] : memref<32x125x1x80xi32, #tpu.memory_space<hbm>> -> memref<1x1x1x80xi32, #tpu.memory_space<hbm>>
      %dma_wait3A_543 = tpu.memref_squeeze %dma_wait3A_542 : memref<1x1x1x80xi32, #tpu.memory_space<hbm>> -> memref<1x80xi32, #tpu.memory_space<hbm>>
      tpu.wait_dma2 semaphore(%arg16 : memref<!tpu.dma_semaphore, #tpu.memory_space<semaphore_mem>>) src(%dma_wait3A_543 : memref<1x80xi32, #tpu.memory_space<hbm>>) dst(%arg9 : memref<1x80xi32, #tpu.memory_space<vmem>>)
      %dma_start3A_544 = arith.constant 0 : i32
      %dma_start3A_545 = arith.constant 0 : i32
      %dma_start3A_546 = tpu.memref_slice %arg6[%dma_start3A_544, %dma_start3A_545] : memref<1x80xi32, #tpu.memory_space<vmem>> -> memref<1x80xi32, #tpu.memory_space<vmem>>
      %dma_start3A_547 = tpu.memref_squeeze %dma_start3A_546 : memref<1x80xi32, #tpu.memory_space<vmem>> -> memref<80xi32, #tpu.memory_space<vmem>>
      %dma_start3A_548 = arith.constant 0 : i32
      %dma_start3A_549 = arith.constant 0 : i32
      %dma_start3A_550 = tpu.memref_slice %arg2[%dma_start3A_548, %dma_start3A_549] : memref<10000x128xf32, #tpu.memory_space<hbm>> -> memref<10000x128xf32, #tpu.memory_space<hbm>>
      tpu.enqueue_indirect_dma source(%dma_start3A_550 : memref<10000x128xf32, #tpu.memory_space<hbm>>) target(%arg12 : memref<80x128xf32, #tpu.memory_space<vmem>>) offsets(%dma_start3A_547 : memref<80xi32, #tpu.memory_space<vmem>>) semaphore(%arg19 : memref<!tpu.dma_semaphore, #tpu.memory_space<semaphore_mem>>)
    }
    %scan3A_235 = arith.constant 40 : i32
    %dma_wait3A_236 = arith.constant 0 : i32
    %dma_wait3A_237 = arith.constant 0 : i32
    %dma_wait3A_238 = tpu.memref_slice %arg10[%dma_wait3A_236, %dma_wait3A_237] : memref<1x80xi32, #tpu.memory_space<vmem>> -> memref<1x80xi32, #tpu.memory_space<vmem>>
    %dma_wait3A_239 = tpu.memref_squeeze %dma_wait3A_238 : memref<1x80xi32, #tpu.memory_space<vmem>> -> memref<80xi32, #tpu.memory_space<vmem>>
    %dma_wait3A_240 = arith.constant 0 : i32
    %dma_wait3A_241 = arith.constant 0 : i32
    %dma_wait3A_242 = tpu.memref_slice %arg15[%dma_wait3A_240, %dma_wait3A_241] : memref<10240x128xf32, #tpu.memory_space<vmem_shared>> -> memref<10240x128xf32, #tpu.memory_space<vmem_shared>>
    tpu.wait_indirect_dma semaphore(%arg23 : memref<!tpu.dma_semaphore, #tpu.memory_space<semaphore_mem>>) src(%arg13 : memref<80x128xf32, #tpu.memory_space<vmem>>) dst(%dma_wait3A_242 : memref<10240x128xf32, #tpu.memory_space<vmem_shared>>)
    %dma_start3A_243 = arith.constant 124 : i32
    %dma_start3A_244 = arith.constant 0 : i32
    %dma_start3A_245 = arith.constant 0 : i32
    %dma_start3A_246 = tpu.memref_slice %arg3[%add3A, %dma_start3A_243, %dma_start3A_244, %dma_start3A_245] : memref<32x125x1x80xi32, #tpu.memory_space<hbm>> -> memref<1x1x1x80xi32, #tpu.memory_space<hbm>>
    %dma_start3A_247 = tpu.memref_squeeze %dma_start3A_246 : memref<1x1x1x80xi32, #tpu.memory_space<hbm>> -> memref<1x80xi32, #tpu.memory_space<hbm>>
    %dma_start3A_248 = arith.constant 0 : i32
    %dma_start3A_249 = arith.constant 0 : i32
    %dma_start3A_250 = tpu.memref_slice %arg3[%add3A, %dma_start3A_243, %dma_start3A_248, %dma_start3A_249] : memref<32x125x1x80xi32, #tpu.memory_space<hbm>> -> memref<1x1x1x80xi32, #tpu.memory_space<hbm>>
    %dma_start3A_251 = tpu.memref_squeeze %dma_start3A_250 : memref<1x1x1x80xi32, #tpu.memory_space<hbm>> -> memref<1x80xi32, #tpu.memory_space<hbm>>
    tpu.enqueue_dma source(%dma_start3A_251 : memref<1x80xi32, #tpu.memory_space<hbm>>) target(%arg7 : memref<1x80xi32, #tpu.memory_space<vmem>>) target_semaphore(%arg17 : memref<!tpu.dma_semaphore, #tpu.memory_space<semaphore_mem>>)
    %dma_start3A_252 = arith.constant 124 : i32
    %dma_start3A_253 = arith.constant 0 : i32
    %dma_start3A_254 = arith.constant 0 : i32
    %dma_start3A_255 = tpu.memref_slice %arg4[%add3A, %dma_start3A_252, %dma_start3A_253, %dma_start3A_254] : memref<32x125x1x80xi32, #tpu.memory_space<hbm>> -> memref<1x1x1x80xi32, #tpu.memory_space<hbm>>
    %dma_start3A_256 = tpu.memref_squeeze %dma_start3A_255 : memref<1x1x1x80xi32, #tpu.memory_space<hbm>> -> memref<1x80xi32, #tpu.memory_space<hbm>>
    %dma_start3A_257 = arith.constant 0 : i32
    %dma_start3A_258 = arith.constant 0 : i32
    %dma_start3A_259 = tpu.memref_slice %arg4[%add3A, %dma_start3A_252, %dma_start3A_257, %dma_start3A_258] : memref<32x125x1x80xi32, #tpu.memory_space<hbm>> -> memref<1x1x1x80xi32, #tpu.memory_space<hbm>>
    %dma_start3A_260 = tpu.memref_squeeze %dma_start3A_259 : memref<1x1x1x80xi32, #tpu.memory_space<hbm>> -> memref<1x80xi32, #tpu.memory_space<hbm>>
    tpu.enqueue_dma source(%dma_start3A_260 : memref<1x80xi32, #tpu.memory_space<hbm>>) target(%arg10 : memref<1x80xi32, #tpu.memory_space<vmem>>) target_semaphore(%arg17 : memref<!tpu.dma_semaphore, #tpu.memory_space<semaphore_mem>>)
    %dma_wait3A_261 = arith.constant 0 : i32
    %dma_wait3A_262 = arith.constant 0 : i32
    %dma_wait3A_263 = tpu.memref_slice %arg8[%dma_wait3A_261, %dma_wait3A_262] : memref<1x80xi32, #tpu.memory_space<vmem>> -> memref<1x80xi32, #tpu.memory_space<vmem>>
    %dma_wait3A_264 = tpu.memref_squeeze %dma_wait3A_263 : memref<1x80xi32, #tpu.memory_space<vmem>> -> memref<80xi32, #tpu.memory_space<vmem>>
    %dma_wait3A_265 = arith.constant 0 : i32
    %dma_wait3A_266 = arith.constant 0 : i32
    %dma_wait3A_267 = tpu.memref_slice %arg2[%dma_wait3A_265, %dma_wait3A_266] : memref<10000x128xf32, #tpu.memory_space<hbm>> -> memref<10000x128xf32, #tpu.memory_space<hbm>>
    tpu.wait_indirect_dma semaphore(%arg21 : memref<!tpu.dma_semaphore, #tpu.memory_space<semaphore_mem>>) src(%dma_wait3A_267 : memref<10000x128xf32, #tpu.memory_space<hbm>>) dst(%arg14 : memref<80x128xf32, #tpu.memory_space<vmem>>)
    %dma_start3A_268 = arith.constant 0 : i32
    %dma_start3A_269 = arith.constant 0 : i32
    %dma_start3A_270 = tpu.memref_slice %arg11[%dma_start3A_268, %dma_start3A_269] : memref<1x80xi32, #tpu.memory_space<vmem>> -> memref<1x80xi32, #tpu.memory_space<vmem>>
    %dma_start3A_271 = tpu.memref_squeeze %dma_start3A_270 : memref<1x80xi32, #tpu.memory_space<vmem>> -> memref<80xi32, #tpu.memory_space<vmem>>
    %dma_start3A_272 = arith.constant 0 : i32
    %dma_start3A_273 = arith.constant 0 : i32
    %dma_start3A_274 = tpu.memref_slice %arg15[%dma_start3A_272, %dma_start3A_273] : memref<10240x128xf32, #tpu.memory_space<vmem_shared>> -> memref<10240x128xf32, #tpu.memory_space<vmem_shared>>
    tpu.enqueue_indirect_dma source(%arg14 : memref<80x128xf32, #tpu.memory_space<vmem>>) target(%dma_start3A_274 : memref<10240x128xf32, #tpu.memory_space<vmem_shared>>) offsets(%dma_start3A_271 : memref<80xi32, #tpu.memory_space<vmem>>) semaphore(%arg24 : memref<!tpu.dma_semaphore, #tpu.memory_space<semaphore_mem>>) {add = true}
    %dma_wait3A_275 = arith.constant 124 : i32
    %dma_wait3A_276 = arith.constant 0 : i32
    %dma_wait3A_277 = arith.constant 0 : i32
    %dma_wait3A_278 = tpu.memref_slice %arg3[%add3A, %dma_wait3A_275, %dma_wait3A_276, %dma_wait3A_277] : memref<32x125x1x80xi32, #tpu.memory_space<hbm>> -> memref<1x1x1x80xi32, #tpu.memory_space<hbm>>
    %dma_wait3A_279 = tpu.memref_squeeze %dma_wait3A_278 : memref<1x1x1x80xi32, #tpu.memory_space<hbm>> -> memref<1x80xi32, #tpu.memory_space<hbm>>
    %dma_wait3A_280 = arith.constant 0 : i32
    %dma_wait3A_281 = arith.constant 0 : i32
    %dma_wait3A_282 = tpu.memref_slice %arg3[%add3A, %dma_wait3A_275, %dma_wait3A_280, %dma_wait3A_281] : memref<32x125x1x80xi32, #tpu.memory_space<hbm>> -> memref<1x1x1x80xi32, #tpu.memory_space<hbm>>
    %dma_wait3A_283 = tpu.memref_squeeze %dma_wait3A_282 : memref<1x1x1x80xi32, #tpu.memory_space<hbm>> -> memref<1x80xi32, #tpu.memory_space<hbm>>
    tpu.wait_dma2 semaphore(%arg17 : memref<!tpu.dma_semaphore, #tpu.memory_space<semaphore_mem>>) src(%dma_wait3A_283 : memref<1x80xi32, #tpu.memory_space<hbm>>) dst(%arg7 : memref<1x80xi32, #tpu.memory_space<vmem>>)
    %dma_wait3A_284 = arith.constant 124 : i32
    %dma_wait3A_285 = arith.constant 0 : i32
    %dma_wait3A_286 = arith.constant 0 : i32
    %dma_wait3A_287 = tpu.memref_slice %arg4[%add3A, %dma_wait3A_284, %dma_wait3A_285, %dma_wait3A_286] : memref<32x125x1x80xi32, #tpu.memory_space<hbm>> -> memref<1x1x1x80xi32, #tpu.memory_space<hbm>>
    %dma_wait3A_288 = tpu.memref_squeeze %dma_wait3A_287 : memref<1x1x1x80xi32, #tpu.memory_space<hbm>> -> memref<1x80xi32, #tpu.memory_space<hbm>>
    %dma_wait3A_289 = arith.constant 0 : i32
    %dma_wait3A_290 = arith.constant 0 : i32
    %dma_wait3A_291 = tpu.memref_slice %arg4[%add3A, %dma_wait3A_284, %dma_wait3A_289, %dma_wait3A_290] : memref<32x125x1x80xi32, #tpu.memory_space<hbm>> -> memref<1x1x1x80xi32, #tpu.memory_space<hbm>>
    %dma_wait3A_292 = tpu.memref_squeeze %dma_wait3A_291 : memref<1x1x1x80xi32, #tpu.memory_space<hbm>> -> memref<1x80xi32, #tpu.memory_space<hbm>>
    tpu.wait_dma2 semaphore(%arg17 : memref<!tpu.dma_semaphore, #tpu.memory_space<semaphore_mem>>) src(%dma_wait3A_292 : memref<1x80xi32, #tpu.memory_space<hbm>>) dst(%arg10 : memref<1x80xi32, #tpu.memory_space<vmem>>)
    %dma_start3A_293 = arith.constant 0 : i32
    %dma_start3A_294 = arith.constant 0 : i32
    %dma_start3A_295 = tpu.memref_slice %arg7[%dma_start3A_293, %dma_start3A_294] : memref<1x80xi32, #tpu.memory_space<vmem>> -> memref<1x80xi32, #tpu.memory_space<vmem>>
    %dma_start3A_296 = tpu.memref_squeeze %dma_start3A_295 : memref<1x80xi32, #tpu.memory_space<vmem>> -> memref<80xi32, #tpu.memory_space<vmem>>
    %dma_start3A_297 = arith.constant 0 : i32
    %dma_start3A_298 = arith.constant 0 : i32
    %dma_start3A_299 = tpu.memref_slice %arg2[%dma_start3A_297, %dma_start3A_298] : memref<10000x128xf32, #tpu.memory_space<hbm>> -> memref<10000x128xf32, #tpu.memory_space<hbm>>
    tpu.enqueue_indirect_dma source(%dma_start3A_299 : memref<10000x128xf32, #tpu.memory_space<hbm>>) target(%arg13 : memref<80x128xf32, #tpu.memory_space<vmem>>) offsets(%dma_start3A_296 : memref<80xi32, #tpu.memory_space<vmem>>) semaphore(%arg20 : memref<!tpu.dma_semaphore, #tpu.memory_space<semaphore_mem>>)
    %dma_wait3A_300 = arith.constant 0 : i32
    %dma_wait3A_301 = arith.constant 0 : i32
    %dma_wait3A_302 = tpu.memref_slice %arg11[%dma_wait3A_300, %dma_wait3A_301] : memref<1x80xi32, #tpu.memory_space<vmem>> -> memref<1x80xi32, #tpu.memory_space<vmem>>
    %dma_wait3A_303 = tpu.memref_squeeze %dma_wait3A_302 : memref<1x80xi32, #tpu.memory_space<vmem>> -> memref<80xi32, #tpu.memory_space<vmem>>
    %dma_wait3A_304 = arith.constant 0 : i32
    %dma_wait3A_305 = arith.constant 0 : i32
    %dma_wait3A_306 = tpu.memref_slice %arg15[%dma_wait3A_304, %dma_wait3A_305] : memref<10240x128xf32, #tpu.memory_space<vmem_shared>> -> memref<10240x128xf32, #tpu.memory_space<vmem_shared>>
    tpu.wait_indirect_dma semaphore(%arg24 : memref<!tpu.dma_semaphore, #tpu.memory_space<semaphore_mem>>) src(%arg14 : memref<80x128xf32, #tpu.memory_space<vmem>>) dst(%dma_wait3A_306 : memref<10240x128xf32, #tpu.memory_space<vmem_shared>>)
    %dma_wait3A_307 = arith.constant 0 : i32
    %dma_wait3A_308 = arith.constant 0 : i32
    %dma_wait3A_309 = tpu.memref_slice %arg6[%dma_wait3A_307, %dma_wait3A_308] : memref<1x80xi32, #tpu.memory_space<vmem>> -> memref<1x80xi32, #tpu.memory_space<vmem>>
    %dma_wait3A_310 = tpu.memref_squeeze %dma_wait3A_309 : memref<1x80xi32, #tpu.memory_space<vmem>> -> memref<80xi32, #tpu.memory_space<vmem>>
    %dma_wait3A_311 = arith.constant 0 : i32
    %dma_wait3A_312 = arith.constant 0 : i32
    %dma_wait3A_313 = tpu.memref_slice %arg2[%dma_wait3A_311, %dma_wait3A_312] : memref<10000x128xf32, #tpu.memory_space<hbm>> -> memref<10000x128xf32, #tpu.memory_space<hbm>>
    tpu.wait_indirect_dma semaphore(%arg19 : memref<!tpu.dma_semaphore, #tpu.memory_space<semaphore_mem>>) src(%dma_wait3A_313 : memref<10000x128xf32, #tpu.memory_space<hbm>>) dst(%arg12 : memref<80x128xf32, #tpu.memory_space<vmem>>)
    %dma_start3A_314 = arith.constant 0 : i32
    %dma_start3A_315 = arith.constant 0 : i32
    %dma_start3A_316 = tpu.memref_slice %arg9[%dma_start3A_314, %dma_start3A_315] : memref<1x80xi32, #tpu.memory_space<vmem>> -> memref<1x80xi32, #tpu.memory_space<vmem>>
    %dma_start3A_317 = tpu.memref_squeeze %dma_start3A_316 : memref<1x80xi32, #tpu.memory_space<vmem>> -> memref<80xi32, #tpu.memory_space<vmem>>
    %dma_start3A_318 = arith.constant 0 : i32
    %dma_start3A_319 = arith.constant 0 : i32
    %dma_start3A_320 = tpu.memref_slice %arg15[%dma_start3A_318, %dma_start3A_319] : memref<10240x128xf32, #tpu.memory_space<vmem_shared>> -> memref<10240x128xf32, #tpu.memory_space<vmem_shared>>
    tpu.enqueue_indirect_dma source(%arg12 : memref<80x128xf32, #tpu.memory_space<vmem>>) target(%dma_start3A_320 : memref<10240x128xf32, #tpu.memory_space<vmem_shared>>) offsets(%dma_start3A_317 : memref<80xi32, #tpu.memory_space<vmem>>) semaphore(%arg22 : memref<!tpu.dma_semaphore, #tpu.memory_space<semaphore_mem>>) {add = true}
    %dma_wait3A_321 = arith.constant 0 : i32
    %dma_wait3A_322 = arith.constant 0 : i32
    %dma_wait3A_323 = tpu.memref_slice %arg9[%dma_wait3A_321, %dma_wait3A_322] : memref<1x80xi32, #tpu.memory_space<vmem>> -> memref<1x80xi32, #tpu.memory_space<vmem>>
    %dma_wait3A_324 = tpu.memref_squeeze %dma_wait3A_323 : memref<1x80xi32, #tpu.memory_space<vmem>> -> memref<80xi32, #tpu.memory_space<vmem>>
    %dma_wait3A_325 = arith.constant 0 : i32
    %dma_wait3A_326 = arith.constant 0 : i32
    %dma_wait3A_327 = tpu.memref_slice %arg15[%dma_wait3A_325, %dma_wait3A_326] : memref<10240x128xf32, #tpu.memory_space<vmem_shared>> -> memref<10240x128xf32, #tpu.memory_space<vmem_shared>>
    tpu.wait_indirect_dma semaphore(%arg22 : memref<!tpu.dma_semaphore, #tpu.memory_space<semaphore_mem>>) src(%arg12 : memref<80x128xf32, #tpu.memory_space<vmem>>) dst(%dma_wait3A_327 : memref<10240x128xf32, #tpu.memory_space<vmem_shared>>)
    %dma_wait3A_328 = arith.constant 0 : i32
    %dma_wait3A_329 = arith.constant 0 : i32
    %dma_wait3A_330 = tpu.memref_slice %arg7[%dma_wait3A_328, %dma_wait3A_329] : memref<1x80xi32, #tpu.memory_space<vmem>> -> memref<1x80xi32, #tpu.memory_space<vmem>>
    %dma_wait3A_331 = tpu.memref_squeeze %dma_wait3A_330 : memref<1x80xi32, #tpu.memory_space<vmem>> -> memref<80xi32, #tpu.memory_space<vmem>>
    %dma_wait3A_332 = arith.constant 0 : i32
    %dma_wait3A_333 = arith.constant 0 : i32
    %dma_wait3A_334 = tpu.memref_slice %arg2[%dma_wait3A_332, %dma_wait3A_333] : memref<10000x128xf32, #tpu.memory_space<hbm>> -> memref<10000x128xf32, #tpu.memory_space<hbm>>
    tpu.wait_indirect_dma semaphore(%arg20 : memref<!tpu.dma_semaphore, #tpu.memory_space<semaphore_mem>>) src(%dma_wait3A_334 : memref<10000x128xf32, #tpu.memory_space<hbm>>) dst(%arg13 : memref<80x128xf32, #tpu.memory_space<vmem>>)
    %dma_start3A_335 = arith.constant 0 : i32
    %dma_start3A_336 = arith.constant 0 : i32
    %dma_start3A_337 = tpu.memref_slice %arg10[%dma_start3A_335, %dma_start3A_336] : memref<1x80xi32, #tpu.memory_space<vmem>> -> memref<1x80xi32, #tpu.memory_space<vmem>>
    %dma_start3A_338 = tpu.memref_squeeze %dma_start3A_337 : memref<1x80xi32, #tpu.memory_space<vmem>> -> memref<80xi32, #tpu.memory_space<vmem>>
    %dma_start3A_339 = arith.constant 0 : i32
    %dma_start3A_340 = arith.constant 0 : i32
    %dma_start3A_341 = tpu.memref_slice %arg15[%dma_start3A_339, %dma_start3A_340] : memref<10240x128xf32, #tpu.memory_space<vmem_shared>> -> memref<10240x128xf32, #tpu.memory_space<vmem_shared>>
    tpu.enqueue_indirect_dma source(%arg13 : memref<80x128xf32, #tpu.memory_space<vmem>>) target(%dma_start3A_341 : memref<10240x128xf32, #tpu.memory_space<vmem_shared>>) offsets(%dma_start3A_338 : memref<80xi32, #tpu.memory_space<vmem>>) semaphore(%arg23 : memref<!tpu.dma_semaphore, #tpu.memory_space<semaphore_mem>>) {add = true}
    %dma_wait3A_342 = arith.constant 0 : i32
    %dma_wait3A_343 = arith.constant 0 : i32
    %dma_wait3A_344 = tpu.memref_slice %arg10[%dma_wait3A_342, %dma_wait3A_343] : memref<1x80xi32, #tpu.memory_space<vmem>> -> memref<1x80xi32, #tpu.memory_space<vmem>>
    %dma_wait3A_345 = tpu.memref_squeeze %dma_wait3A_344 : memref<1x80xi32, #tpu.memory_space<vmem>> -> memref<80xi32, #tpu.memory_space<vmem>>
    %dma_wait3A_346 = arith.constant 0 : i32
    %dma_wait3A_347 = arith.constant 0 : i32
    %dma_wait3A_348 = tpu.memref_slice %arg15[%dma_wait3A_346, %dma_wait3A_347] : memref<10240x128xf32, #tpu.memory_space<vmem_shared>> -> memref<10240x128xf32, #tpu.memory_space<vmem_shared>>
    tpu.wait_indirect_dma semaphore(%arg23 : memref<!tpu.dma_semaphore, #tpu.memory_space<semaphore_mem>>) src(%arg13 : memref<80x128xf32, #tpu.memory_space<vmem>>) dst(%dma_wait3A_348 : memref<10240x128xf32, #tpu.memory_space<vmem_shared>>)
    %barrier3A_349 = arith.constant 0 : index
    tpu.barrier barrier_id(%barrier3A_349)
    "tpu.region"() ({
      %run_scoped3A = tpu.sem_alloc : memref<!tpu.dma_semaphore, #tpu.memory_space<semaphore_mem>>
      %dma_start3A_350 = arith.constant 0 : i32
      %dma_start3A_351 = tpu.memref_slice %arg5[%arg0, %mul3A_8, %dma_start3A_350] : memref<2x10240x128xf32, #tpu.memory_space<hbm>> -> memref<1x640x128xf32, #tpu.memory_space<hbm>>
      %dma_start3A_352 = tpu.memref_squeeze %dma_start3A_351 : memref<1x640x128xf32, #tpu.memory_space<hbm>> -> memref<640x128xf32, #tpu.memory_space<hbm>>
      %dma_start3A_353 = arith.constant 0 : i32
      %dma_start3A_354 = tpu.memref_slice %arg15[%mul3A_8, %dma_start3A_353] : memref<10240x128xf32, #tpu.memory_space<vmem_shared>> -> memref<640x128xf32, #tpu.memory_space<vmem_shared>>
      tpu.enqueue_dma source(%dma_start3A_354 : memref<640x128xf32, #tpu.memory_space<vmem_shared>>) target(%dma_start3A_352 : memref<640x128xf32, #tpu.memory_space<hbm>>) target_semaphore(%run_scoped3A : memref<!tpu.dma_semaphore, #tpu.memory_space<semaphore_mem>>)
      %dma_wait3A_355 = arith.constant 0 : i32
      %dma_wait3A_356 = tpu.memref_slice %arg5[%arg0, %mul3A_8, %dma_wait3A_355] : memref<2x10240x128xf32, #tpu.memory_space<hbm>> -> memref<1x640x128xf32, #tpu.memory_space<hbm>>
      %dma_wait3A_357 = tpu.memref_squeeze %dma_wait3A_356 : memref<1x640x128xf32, #tpu.memory_space<hbm>> -> memref<640x128xf32, #tpu.memory_space<hbm>>
      %dma_wait3A_358 = arith.constant 0 : i32
      %dma_wait3A_359 = tpu.memref_slice %arg15[%mul3A_8, %dma_wait3A_358] : memref<10240x128xf32, #tpu.memory_space<vmem_shared>> -> memref<640x128xf32, #tpu.memory_space<vmem_shared>>
      tpu.wait_dma2 semaphore(%run_scoped3A : memref<!tpu.dma_semaphore, #tpu.memory_space<semaphore_mem>>) src(%dma_wait3A_359 : memref<640x128xf32, #tpu.memory_space<vmem_shared>>) dst(%dma_wait3A_357 : memref<640x128xf32, #tpu.memory_space<hbm>>)
      tpu.yield
    }) : () -> ()
    return
  }
}

module attributes {stable_mosaic.version = 14 : i64} {
  func.func @_in_body(%arg0: memref<10000x128xf32, #tpu.memory_space<vmem>>, %arg1: memref<128x128xf32, #tpu.memory_space<vmem>>, %arg2: memref<1x128xf32, #tpu.memory_space<vmem>>, %arg3: memref<10000x128xf32, #tpu.memory_space<vmem>>, %arg4: memref<10000x128xf32, #tpu.memory_space<vmem>>) attributes {dimension_semantics = [], scalar_prefetch = 0 : i64, scratch_operands = 0 : i64, tpu.core_type = #tpu.core_type<tc>} {
    %get3A = arith.constant 0 : index
    %get3A_0 = arith.constant 0 : index
    %get3A_1 = vector.load %arg0[%get3A, %get3A_0] : memref<10000x128xf32, #tpu.memory_space<vmem>>, vector<10000x128xf32>
    %get3A_2 = arith.constant 0 : index
    %get3A_3 = arith.constant 0 : index
    %get3A_4 = vector.load %arg1[%get3A_2, %get3A_3] : memref<128x128xf32, #tpu.memory_space<vmem>>, vector<128x128xf32>
    %dot_general3A = arith.constant dense<0.000000e+00> : vector<10000x128xf32>
    %dot_general3A_5 = tpu.matmul %get3A_1, %get3A_4, %dot_general3A {dimension_numbers = #tpu.dot_dimension_numbers<[1], [0], [0], [1], [0, 0, 1, 1], [], []>, transpose_lhs_hint = false} : vector<10000x128xf32>, vector<128x128xf32>, vector<10000x128xf32> -> vector<10000x128xf32>
    %get3A_6 = arith.constant 0 : index
    %get3A_7 = arith.constant 0 : index
    %get3A_8 = vector.load %arg2[%get3A_6, %get3A_7] : memref<1x128xf32, #tpu.memory_space<vmem>>, vector<1x128xf32>
    %add3A = vector.broadcast %get3A_8 : vector<1x128xf32> to vector<10000x128xf32>
    %add3A_9 = arith.addf %dot_general3A_5, %add3A : vector<10000x128xf32>
    %swap3A = arith.constant 0 : index
    %swap3A_10 = arith.constant 0 : index
    %swap3A_11 = vector.load %arg3[%swap3A, %swap3A_10] : memref<10000x128xf32, #tpu.memory_space<vmem>>, vector<10000x128xf32>
    tpu.vector_store %arg3[%swap3A, %swap3A_10], %add3A_9 {strides = array<i32>} : memref<10000x128xf32, #tpu.memory_space<vmem>>, vector<10000x128xf32>,
    %max3A = arith.constant 0.000000e+00 : f32
    %max3A_12 = vector.broadcast %max3A : f32 to vector<10000x128xf32>
    %max3A_13 = arith.maximumf %add3A_9, %max3A_12 : vector<10000x128xf32>
    %swap3A_14 = arith.constant 0 : index
    %swap3A_15 = arith.constant 0 : index
    %swap3A_16 = vector.load %arg4[%swap3A_14, %swap3A_15] : memref<10000x128xf32, #tpu.memory_space<vmem>>, vector<10000x128xf32>
    tpu.vector_store %arg4[%swap3A_14, %swap3A_15], %max3A_13 {strides = array<i32>} : memref<10000x128xf32, #tpu.memory_space<vmem>>, vector<10000x128xf32>,
    return
  }
}

module attributes {stable_mosaic.version = 14 : i64} {
  func.func @_mlp_body(%arg0: i32, %arg1: memref<1xf32, #tpu.memory_space<smem>>, %arg2: memref<2000x128xf32, #tpu.memory_space<vmem>>, %arg3: memref<2x2000x128xf32, #tpu.memory_space<vmem>>, %arg4: memref<128x256xf32, #tpu.memory_space<vmem>>, %arg5: memref<1x256xf32, #tpu.memory_space<vmem>>, %arg6: memref<1x256xf32, #tpu.memory_space<vmem>>, %arg7: memref<1x256xf32, #tpu.memory_space<vmem>>, %arg8: memref<256x128xf32, #tpu.memory_space<vmem>>, %arg9: memref<1x128xf32, #tpu.memory_space<vmem>>, %arg10: memref<2000x128xf32, #tpu.memory_space<vmem>>, %arg11: memref<2000x128xf32, #tpu.memory_space<vmem>>) attributes {dimension_semantics = [#tpu.dimension_semantics<arbitrary>], iteration_bounds = array<i64: 5>, scalar_prefetch = 0 : i64, scratch_operands = 0 : i64, tpu.core_type = #tpu.core_type<tc>, window_params = [{transform_indices = @transform_0, window_bounds = array<i64: 1>}, {transform_indices = @transform_1, window_bounds = array<i64: 2000, 128>}, {transform_indices = @transform_2, window_bounds = array<i64: 2, 2000, 128>}, {pipeline_mode = #tpu.pipeline_mode<synchronous>, transform_indices = @transform_3, window_bounds = array<i64: 128, 256>}, {pipeline_mode = #tpu.pipeline_mode<synchronous>, transform_indices = @transform_4, window_bounds = array<i64: 1, 256>}, {pipeline_mode = #tpu.pipeline_mode<synchronous>, transform_indices = @transform_5, window_bounds = array<i64: 1, 256>}, {pipeline_mode = #tpu.pipeline_mode<synchronous>, transform_indices = @transform_6, window_bounds = array<i64: 1, 256>}, {pipeline_mode = #tpu.pipeline_mode<synchronous>, transform_indices = @transform_7, window_bounds = array<i64: 256, 128>}, {pipeline_mode = #tpu.pipeline_mode<synchronous>, transform_indices = @transform_8, window_bounds = array<i64: 1, 128>}, {transform_indices = @transform_9, window_bounds = array<i64: 2000, 128>}, {transform_indices = @transform_10, window_bounds = array<i64: 2000, 128>}]} {
    %get3A = arith.constant 0 : index
    %get3A_0 = arith.constant 0 : index
    %get3A_1 = vector.load %arg2[%get3A, %get3A_0] : memref<2000x128xf32, #tpu.memory_space<vmem>>, vector<2000x128xf32>
    %get3A_2 = arith.constant 0 : index
    %get3A_3 = memref.load %arg1[%get3A_2] : memref<1xf32, #tpu.memory_space<smem>>
    %mul3A = vector.broadcast %get3A_3 : f32 to vector<2000x128xf32>
    %mul3A_4 = arith.mulf %mul3A, %get3A_1 : vector<2000x128xf32>
    %get3A_5 = arith.constant 0 : index
    %get3A_6 = arith.constant 0 : index
    %get3A_7 = arith.constant 0 : index
    %get3A_8 = vector.load %arg3[%get3A_5, %get3A_6, %get3A_7] : memref<2x2000x128xf32, #tpu.memory_space<vmem>>, vector<1x2000x128xf32>
    %get3A_9 = vector.shape_cast %get3A_8 : vector<1x2000x128xf32> to vector<2000x128xf32>
    %add3A = arith.addf %mul3A_4, %get3A_9 : vector<2000x128xf32>
    %get3A_10 = arith.constant 1 : index
    %get3A_11 = arith.constant 0 : index
    %get3A_12 = arith.constant 0 : index
    %get3A_13 = vector.load %arg3[%get3A_10, %get3A_11, %get3A_12] : memref<2x2000x128xf32, #tpu.memory_space<vmem>>, vector<1x2000x128xf32>
    %get3A_14 = vector.shape_cast %get3A_13 : vector<1x2000x128xf32> to vector<2000x128xf32>
    %add3A_15 = arith.addf %add3A, %get3A_14 : vector<2000x128xf32>
    %get3A_16 = arith.constant 0 : index
    %get3A_17 = arith.constant 0 : index
    %get3A_18 = vector.load %arg4[%get3A_16, %get3A_17] : memref<128x256xf32, #tpu.memory_space<vmem>>, vector<128x256xf32>
    %dot_general3A = arith.constant dense<0.000000e+00> : vector<2000x256xf32>
    %dot_general3A_19 = tpu.matmul %add3A_15, %get3A_18, %dot_general3A {dimension_numbers = #tpu.dot_dimension_numbers<[1], [0], [0], [1], [0, 0, 1, 1], [], []>, transpose_lhs_hint = false} : vector<2000x128xf32>, vector<128x256xf32>, vector<2000x256xf32> -> vector<2000x256xf32>
    %get3A_20 = arith.constant 0 : index
    %get3A_21 = arith.constant 0 : index
    %get3A_22 = vector.load %arg5[%get3A_20, %get3A_21] : memref<1x256xf32, #tpu.memory_space<vmem>>, vector<1x256xf32>
    %add3A_23 = vector.broadcast %get3A_22 : vector<1x256xf32> to vector<2000x256xf32>
    %add3A_24 = arith.addf %dot_general3A_19, %add3A_23 : vector<2000x256xf32>
    %reduce_sum3A = arith.constant dense<0.000000e+00> : vector<2000xf32>
    %reduce_sum3A_25 = vector.multi_reduction <add>, %add3A_24, %reduce_sum3A [1] : vector<2000x256xf32> to vector<2000xf32>
    %broadcast_in_dim3A = vector.shape_cast %reduce_sum3A_25 : vector<2000xf32> to vector<2000x1xf32>
    %div3A = arith.constant 2.560000e+02 : f32
    %div3A_26 = vector.broadcast %div3A : f32 to vector<2000x1xf32>
    %div3A_27 = arith.divf %broadcast_in_dim3A, %div3A_26 : vector<2000x1xf32>
    %sub3A = vector.broadcast %div3A_27 : vector<2000x1xf32> to vector<2000x256xf32>
    %sub3A_28 = arith.subf %add3A_24, %sub3A : vector<2000x256xf32>
    %mul3A_29 = arith.mulf %sub3A_28, %sub3A_28 : vector<2000x256xf32>
    %reduce_sum3A_30 = arith.constant dense<0.000000e+00> : vector<2000xf32>
    %reduce_sum3A_31 = vector.multi_reduction <add>, %mul3A_29, %reduce_sum3A_30 [1] : vector<2000x256xf32> to vector<2000xf32>
    %broadcast_in_dim3A_32 = vector.shape_cast %reduce_sum3A_31 : vector<2000xf32> to vector<2000x1xf32>
    %div3A_33 = arith.constant 2.560000e+02 : f32
    %div3A_34 = vector.broadcast %div3A_33 : f32 to vector<2000x1xf32>
    %div3A_35 = arith.divf %broadcast_in_dim3A_32, %div3A_34 : vector<2000x1xf32>
    %add3A_36 = arith.constant 9.99999974E-6 : f32
    %add3A_37 = vector.broadcast %add3A_36 : f32 to vector<2000x1xf32>
    %add3A_38 = arith.addf %div3A_35, %add3A_37 : vector<2000x1xf32>
    %rsqrt3A = math.rsqrt %add3A_38 : vector<2000x1xf32>
    %mul3A_39 = vector.broadcast %rsqrt3A : vector<2000x1xf32> to vector<2000x256xf32>
    %mul3A_40 = arith.mulf %sub3A_28, %mul3A_39 : vector<2000x256xf32>
    %get3A_41 = arith.constant 0 : index
    %get3A_42 = arith.constant 0 : index
    %get3A_43 = vector.load %arg6[%get3A_41, %get3A_42] : memref<1x256xf32, #tpu.memory_space<vmem>>, vector<1x256xf32>
    %mul3A_44 = vector.broadcast %get3A_43 : vector<1x256xf32> to vector<2000x256xf32>
    %mul3A_45 = arith.mulf %mul3A_40, %mul3A_44 : vector<2000x256xf32>
    %get3A_46 = arith.constant 0 : index
    %get3A_47 = arith.constant 0 : index
    %get3A_48 = vector.load %arg7[%get3A_46, %get3A_47] : memref<1x256xf32, #tpu.memory_space<vmem>>, vector<1x256xf32>
    %add3A_49 = vector.broadcast %get3A_48 : vector<1x256xf32> to vector<2000x256xf32>
    %add3A_50 = arith.addf %mul3A_45, %add3A_49 : vector<2000x256xf32>
    %max3A = arith.constant 0.000000e+00 : f32
    %max3A_51 = vector.broadcast %max3A : f32 to vector<2000x256xf32>
    %max3A_52 = arith.maximumf %add3A_50, %max3A_51 : vector<2000x256xf32>
    %get3A_53 = arith.constant 0 : index
    %get3A_54 = arith.constant 0 : index
    %get3A_55 = vector.load %arg8[%get3A_53, %get3A_54] : memref<256x128xf32, #tpu.memory_space<vmem>>, vector<256x128xf32>
    %dot_general3A_56 = arith.constant dense<0.000000e+00> : vector<2000x128xf32>
    %dot_general3A_57 = tpu.matmul %max3A_52, %get3A_55, %dot_general3A_56 {dimension_numbers = #tpu.dot_dimension_numbers<[1], [0], [0], [1], [0, 0, 1, 1], [], []>, transpose_lhs_hint = false} : vector<2000x256xf32>, vector<256x128xf32>, vector<2000x128xf32> -> vector<2000x128xf32>
    %get3A_58 = arith.constant 0 : index
    %get3A_59 = arith.constant 0 : index
    %get3A_60 = vector.load %arg9[%get3A_58, %get3A_59] : memref<1x128xf32, #tpu.memory_space<vmem>>, vector<1x128xf32>
    %add3A_61 = vector.broadcast %get3A_60 : vector<1x128xf32> to vector<2000x128xf32>
    %add3A_62 = arith.addf %dot_general3A_57, %add3A_61 : vector<2000x128xf32>
    %add3A_63 = arith.addf %get3A_1, %add3A_62 : vector<2000x128xf32>
    %swap3A = arith.constant 0 : index
    %swap3A_64 = arith.constant 0 : index
    %swap3A_65 = vector.load %arg10[%swap3A, %swap3A_64] : memref<2000x128xf32, #tpu.memory_space<vmem>>, vector<2000x128xf32>
    tpu.vector_store %arg10[%swap3A, %swap3A_64], %add3A_63 {strides = array<i32>} : memref<2000x128xf32, #tpu.memory_space<vmem>>, vector<2000x128xf32>,
    %max3A_66 = arith.constant 0.000000e+00 : f32
    %max3A_67 = vector.broadcast %max3A_66 : f32 to vector<2000x128xf32>
    %max3A_68 = arith.maximumf %add3A_63, %max3A_67 : vector<2000x128xf32>
    %swap3A_69 = arith.constant 0 : index
    %swap3A_70 = arith.constant 0 : index
    %swap3A_71 = vector.load %arg11[%swap3A_69, %swap3A_70] : memref<2000x128xf32, #tpu.memory_space<vmem>>, vector<2000x128xf32>
    tpu.vector_store %arg11[%swap3A_69, %swap3A_70], %max3A_68 {strides = array<i32>} : memref<2000x128xf32, #tpu.memory_space<vmem>>, vector<2000x128xf32>,
    return
  }
  func.func @transform_0(%arg0: i32) -> i32 {
    %c0_i32 = arith.constant 0 : i32
    %c0_i32_0 = arith.constant 0 : i32
    return %c0_i32 : i32
  }
  func.func @transform_1(%arg0: i32) -> (i32, i32) {
    %c0_i32 = arith.constant 0 : i32
    %c0_i32_0 = arith.constant 0 : i32
    return %arg0, %c0_i32 : i32, i32
  }
  func.func @transform_2(%arg0: i32) -> (i32, i32, i32) {
    %c0_i32 = arith.constant 0 : i32
    %c0_i32_0 = arith.constant 0 : i32
    %c0_i32_1 = arith.constant 0 : i32
    return %c0_i32, %arg0, %c0_i32_0 : i32, i32, i32
  }
  func.func @transform_3(%arg0: i32) -> (i32, i32) {
    %c0_i32 = arith.constant 0 : i32
    %c0_i32_0 = arith.constant 0 : i32
    %c0_i32_1 = arith.constant 0 : i32
    return %c0_i32, %c0_i32_0 : i32, i32
  }
  func.func @transform_4(%arg0: i32) -> (i32, i32) {
    %c0_i32 = arith.constant 0 : i32
    %c0_i32_0 = arith.constant 0 : i32
    %c0_i32_1 = arith.constant 0 : i32
    return %c0_i32, %c0_i32_0 : i32, i32
  }
  func.func @transform_5(%arg0: i32) -> (i32, i32) {
    %c0_i32 = arith.constant 0 : i32
    %c0_i32_0 = arith.constant 0 : i32
    %c0_i32_1 = arith.constant 0 : i32
    return %c0_i32, %c0_i32_0 : i32, i32
  }
  func.func @transform_6(%arg0: i32) -> (i32, i32) {
    %c0_i32 = arith.constant 0 : i32
    %c0_i32_0 = arith.constant 0 : i32
    %c0_i32_1 = arith.constant 0 : i32
    return %c0_i32, %c0_i32_0 : i32, i32
  }
  func.func @transform_7(%arg0: i32) -> (i32, i32) {
    %c0_i32 = arith.constant 0 : i32
    %c0_i32_0 = arith.constant 0 : i32
    %c0_i32_1 = arith.constant 0 : i32
    return %c0_i32, %c0_i32_0 : i32, i32
  }
  func.func @transform_8(%arg0: i32) -> (i32, i32) {
    %c0_i32 = arith.constant 0 : i32
    %c0_i32_0 = arith.constant 0 : i32
    %c0_i32_1 = arith.constant 0 : i32
    return %c0_i32, %c0_i32_0 : i32, i32
  }
  func.func @transform_9(%arg0: i32) -> (i32, i32) {
    %c0_i32 = arith.constant 0 : i32
    %c0_i32_0 = arith.constant 0 : i32
    return %arg0, %c0_i32 : i32, i32
  }
  func.func @transform_10(%arg0: i32) -> (i32, i32) {
    %c0_i32 = arith.constant 0 : i32
    %c0_i32_0 = arith.constant 0 : i32
    return %arg0, %c0_i32 : i32, i32
  }
}

module attributes {stable_mosaic.version = 14 : i64} {
  func.func @_mlp3_body(%arg0: i32, %arg1: memref<1xf32, #tpu.memory_space<smem>>, %arg2: memref<2000x128xf32, #tpu.memory_space<vmem>>, %arg3: memref<2x2000x128xf32, #tpu.memory_space<vmem>>, %arg4: memref<128x256xf32, #tpu.memory_space<vmem>>, %arg5: memref<1x256xf32, #tpu.memory_space<vmem>>, %arg6: memref<1x256xf32, #tpu.memory_space<vmem>>, %arg7: memref<1x256xf32, #tpu.memory_space<vmem>>, %arg8: memref<256x128xf32, #tpu.memory_space<vmem>>, %arg9: memref<1x128xf32, #tpu.memory_space<vmem>>, %arg10: memref<1x1x2000xi32, #tpu.memory_space<vmem>>, %arg11: memref<128x256xf32, #tpu.memory_space<vmem>>, %arg12: memref<1x256xf32, #tpu.memory_space<vmem>>, %arg13: memref<256x128xf32, #tpu.memory_space<vmem>>, %arg14: memref<1x128xf32, #tpu.memory_space<vmem>>, %arg15: memref<64x128xf32, #tpu.memory_space<vmem>>, %arg16: memref<64x128xf32, #tpu.memory_space<vmem>>) attributes {dimension_semantics = [#tpu.dimension_semantics<arbitrary>], iteration_bounds = array<i64: 5>, scalar_prefetch = 0 : i64, scratch_operands = 1 : i64, tpu.core_type = #tpu.core_type<tc>, window_params = [{transform_indices = @transform_0, window_bounds = array<i64: 1>}, {transform_indices = @transform_1, window_bounds = array<i64: 2000, 128>}, {transform_indices = @transform_2, window_bounds = array<i64: 2, 2000, 128>}, {pipeline_mode = #tpu.pipeline_mode<synchronous>, transform_indices = @transform_3, window_bounds = array<i64: 128, 256>}, {pipeline_mode = #tpu.pipeline_mode<synchronous>, transform_indices = @transform_4, window_bounds = array<i64: 1, 256>}, {pipeline_mode = #tpu.pipeline_mode<synchronous>, transform_indices = @transform_5, window_bounds = array<i64: 1, 256>}, {pipeline_mode = #tpu.pipeline_mode<synchronous>, transform_indices = @transform_6, window_bounds = array<i64: 1, 256>}, {pipeline_mode = #tpu.pipeline_mode<synchronous>, transform_indices = @transform_7, window_bounds = array<i64: 256, 128>}, {pipeline_mode = #tpu.pipeline_mode<synchronous>, transform_indices = @transform_8, window_bounds = array<i64: 1, 128>}, {transform_indices = @transform_9, window_bounds = array<i64: 1, 1, 2000>}, {pipeline_mode = #tpu.pipeline_mode<synchronous>, transform_indices = @transform_10, window_bounds = array<i64: 128, 256>}, {pipeline_mode = #tpu.pipeline_mode<synchronous>, transform_indices = @transform_11, window_bounds = array<i64: 1, 256>}, {pipeline_mode = #tpu.pipeline_mode<synchronous>, transform_indices = @transform_12, window_bounds = array<i64: 256, 128>}, {pipeline_mode = #tpu.pipeline_mode<synchronous>, transform_indices = @transform_13, window_bounds = array<i64: 1, 128>}, {pipeline_mode = #tpu.pipeline_mode<synchronous>, transform_indices = @transform_14, window_bounds = array<i64: 64, 128>}]} {
    %get3A = arith.constant 0 : index
    %get3A_0 = arith.constant 0 : index
    %get3A_1 = vector.load %arg2[%get3A, %get3A_0] : memref<2000x128xf32, #tpu.memory_space<vmem>>, vector<2000x128xf32>
    %get3A_2 = arith.constant 0 : index
    %get3A_3 = memref.load %arg1[%get3A_2] : memref<1xf32, #tpu.memory_space<smem>>
    %mul3A = vector.broadcast %get3A_3 : f32 to vector<2000x128xf32>
    %mul3A_4 = arith.mulf %mul3A, %get3A_1 : vector<2000x128xf32>
    %get3A_5 = arith.constant 0 : index
    %get3A_6 = arith.constant 0 : index
    %get3A_7 = arith.constant 0 : index
    %get3A_8 = vector.load %arg3[%get3A_5, %get3A_6, %get3A_7] : memref<2x2000x128xf32, #tpu.memory_space<vmem>>, vector<1x2000x128xf32>
    %get3A_9 = vector.shape_cast %get3A_8 : vector<1x2000x128xf32> to vector<2000x128xf32>
    %add3A = arith.addf %mul3A_4, %get3A_9 : vector<2000x128xf32>
    %get3A_10 = arith.constant 1 : index
    %get3A_11 = arith.constant 0 : index
    %get3A_12 = arith.constant 0 : index
    %get3A_13 = vector.load %arg3[%get3A_10, %get3A_11, %get3A_12] : memref<2x2000x128xf32, #tpu.memory_space<vmem>>, vector<1x2000x128xf32>
    %get3A_14 = vector.shape_cast %get3A_13 : vector<1x2000x128xf32> to vector<2000x128xf32>
    %add3A_15 = arith.addf %add3A, %get3A_14 : vector<2000x128xf32>
    %get3A_16 = arith.constant 0 : index
    %get3A_17 = arith.constant 0 : index
    %get3A_18 = vector.load %arg4[%get3A_16, %get3A_17] : memref<128x256xf32, #tpu.memory_space<vmem>>, vector<128x256xf32>
    %dot_general3A = arith.constant dense<0.000000e+00> : vector<2000x256xf32>
    %dot_general3A_19 = tpu.matmul %add3A_15, %get3A_18, %dot_general3A {dimension_numbers = #tpu.dot_dimension_numbers<[1], [0], [0], [1], [0, 0, 1, 1], [], []>, transpose_lhs_hint = false} : vector<2000x128xf32>, vector<128x256xf32>, vector<2000x256xf32> -> vector<2000x256xf32>
    %get3A_20 = arith.constant 0 : index
    %get3A_21 = arith.constant 0 : index
    %get3A_22 = vector.load %arg5[%get3A_20, %get3A_21] : memref<1x256xf32, #tpu.memory_space<vmem>>, vector<1x256xf32>
    %add3A_23 = vector.broadcast %get3A_22 : vector<1x256xf32> to vector<2000x256xf32>
    %add3A_24 = arith.addf %dot_general3A_19, %add3A_23 : vector<2000x256xf32>
    %reduce_sum3A = arith.constant dense<0.000000e+00> : vector<2000xf32>
    %reduce_sum3A_25 = vector.multi_reduction <add>, %add3A_24, %reduce_sum3A [1] : vector<2000x256xf32> to vector<2000xf32>
    %broadcast_in_dim3A = vector.shape_cast %reduce_sum3A_25 : vector<2000xf32> to vector<2000x1xf32>
    %div3A = arith.constant 2.560000e+02 : f32
    %div3A_26 = vector.broadcast %div3A : f32 to vector<2000x1xf32>
    %div3A_27 = arith.divf %broadcast_in_dim3A, %div3A_26 : vector<2000x1xf32>
    %sub3A = vector.broadcast %div3A_27 : vector<2000x1xf32> to vector<2000x256xf32>
    %sub3A_28 = arith.subf %add3A_24, %sub3A : vector<2000x256xf32>
    %mul3A_29 = arith.mulf %sub3A_28, %sub3A_28 : vector<2000x256xf32>
    %reduce_sum3A_30 = arith.constant dense<0.000000e+00> : vector<2000xf32>
    %reduce_sum3A_31 = vector.multi_reduction <add>, %mul3A_29, %reduce_sum3A_30 [1] : vector<2000x256xf32> to vector<2000xf32>
    %broadcast_in_dim3A_32 = vector.shape_cast %reduce_sum3A_31 : vector<2000xf32> to vector<2000x1xf32>
    %div3A_33 = arith.constant 2.560000e+02 : f32
    %div3A_34 = vector.broadcast %div3A_33 : f32 to vector<2000x1xf32>
    %div3A_35 = arith.divf %broadcast_in_dim3A_32, %div3A_34 : vector<2000x1xf32>
    %add3A_36 = arith.constant 9.99999974E-6 : f32
    %add3A_37 = vector.broadcast %add3A_36 : f32 to vector<2000x1xf32>
    %add3A_38 = arith.addf %div3A_35, %add3A_37 : vector<2000x1xf32>
    %rsqrt3A = math.rsqrt %add3A_38 : vector<2000x1xf32>
    %mul3A_39 = vector.broadcast %rsqrt3A : vector<2000x1xf32> to vector<2000x256xf32>
    %mul3A_40 = arith.mulf %sub3A_28, %mul3A_39 : vector<2000x256xf32>
    %get3A_41 = arith.constant 0 : index
    %get3A_42 = arith.constant 0 : index
    %get3A_43 = vector.load %arg6[%get3A_41, %get3A_42] : memref<1x256xf32, #tpu.memory_space<vmem>>, vector<1x256xf32>
    %mul3A_44 = vector.broadcast %get3A_43 : vector<1x256xf32> to vector<2000x256xf32>
    %mul3A_45 = arith.mulf %mul3A_40, %mul3A_44 : vector<2000x256xf32>
    %get3A_46 = arith.constant 0 : index
    %get3A_47 = arith.constant 0 : index
    %get3A_48 = vector.load %arg7[%get3A_46, %get3A_47] : memref<1x256xf32, #tpu.memory_space<vmem>>, vector<1x256xf32>
    %add3A_49 = vector.broadcast %get3A_48 : vector<1x256xf32> to vector<2000x256xf32>
    %add3A_50 = arith.addf %mul3A_45, %add3A_49 : vector<2000x256xf32>
    %max3A = arith.constant 0.000000e+00 : f32
    %max3A_51 = vector.broadcast %max3A : f32 to vector<2000x256xf32>
    %max3A_52 = arith.maximumf %add3A_50, %max3A_51 : vector<2000x256xf32>
    %get3A_53 = arith.constant 0 : index
    %get3A_54 = arith.constant 0 : index
    %get3A_55 = vector.load %arg8[%get3A_53, %get3A_54] : memref<256x128xf32, #tpu.memory_space<vmem>>, vector<256x128xf32>
    %dot_general3A_56 = arith.constant dense<0.000000e+00> : vector<2000x128xf32>
    %dot_general3A_57 = tpu.matmul %max3A_52, %get3A_55, %dot_general3A_56 {dimension_numbers = #tpu.dot_dimension_numbers<[1], [0], [0], [1], [0, 0, 1, 1], [], []>, transpose_lhs_hint = false} : vector<2000x256xf32>, vector<256x128xf32>, vector<2000x128xf32> -> vector<2000x128xf32>
    %get3A_58 = arith.constant 0 : index
    %get3A_59 = arith.constant 0 : index
    %get3A_60 = vector.load %arg9[%get3A_58, %get3A_59] : memref<1x128xf32, #tpu.memory_space<vmem>>, vector<1x128xf32>
    %add3A_61 = vector.broadcast %get3A_60 : vector<1x128xf32> to vector<2000x128xf32>
    %add3A_62 = arith.addf %dot_general3A_57, %add3A_61 : vector<2000x128xf32>
    %add3A_63 = arith.addf %get3A_1, %add3A_62 : vector<2000x128xf32>
    %get3A_64 = arith.constant 0 : index
    %get3A_65 = arith.constant 0 : index
    %get3A_66 = arith.constant 0 : index
    %get3A_67 = vector.load %arg10[%get3A_64, %get3A_65, %get3A_66] : memref<1x1x2000xi32, #tpu.memory_space<vmem>>, vector<1x1x2000xi32>
    %get3A_68 = vector.shape_cast %get3A_67 : vector<1x1x2000xi32> to vector<1x2000xi32>
    %iota3A = tpu.iota {dimensions = array<i32: 0>} : vector<64x2000xi32>
    %eq3A = vector.broadcast %get3A_68 : vector<1x2000xi32> to vector<64x2000xi32>
    %eq3A_69 = arith.cmpi eq, %iota3A, %eq3A : vector<64x2000xi32>
    %jit3A = arith.constant 1.000000e+00 : f32
    %jit3A_70 = arith.constant 0.000000e+00 : f32
    %broadcast_in_dim3A_71 = vector.broadcast %jit3A : f32 to vector<64x2000xf32>
    %broadcast_in_dim3A_72 = vector.broadcast %jit3A_70 : f32 to vector<64x2000xf32>
    %select_n3A = arith.select %eq3A_69, %broadcast_in_dim3A_71, %broadcast_in_dim3A_72 : vector<64x2000xi1>, vector<64x2000xf32>
    %dot_general3A_73 = arith.constant dense<0.000000e+00> : vector<64x128xf32>
    %dot_general3A_74 = tpu.matmul %select_n3A, %add3A_63, %dot_general3A_73 {dimension_numbers = #tpu.dot_dimension_numbers<[1], [0], [0], [1], [0, 0, 1, 1], [], []>, transpose_lhs_hint = false} : vector<64x2000xf32>, vector<2000x128xf32>, vector<64x128xf32> -> vector<64x128xf32>
    %eq3A_75 = arith.constant 0 : i32
    %eq3A_76 = arith.cmpi eq, %arg0, %eq3A_75 : i32
    %convert_element_type3A = arith.extui %eq3A_76 : i1 to i32
    %cond3A = arith.constant 0 : i32
    %cond3A_77 = arith.cmpi ne, %convert_element_type3A, %cond3A : i32
    scf.if %cond3A_77 {
      %swap3A = arith.constant 0 : index
      %swap3A_87 = arith.constant 0 : index
      %swap3A_88 = vector.load %arg16[%swap3A, %swap3A_87] : memref<64x128xf32, #tpu.memory_space<vmem>>, vector<64x128xf32>
      tpu.vector_store %arg16[%swap3A, %swap3A_87], %dot_general3A_74 {strides = array<i32>} : memref<64x128xf32, #tpu.memory_space<vmem>>, vector<64x128xf32>,
    } else {
    }
    %gt3A = arith.constant 0 : i32
    %gt3A_78 = arith.cmpi sgt, %arg0, %gt3A : i32
    %convert_element_type3A_79 = arith.extui %gt3A_78 : i1 to i32
    %cond3A_80 = arith.constant 0 : i32
    %cond3A_81 = arith.cmpi ne, %convert_element_type3A_79, %cond3A_80 : i32
    scf.if %cond3A_81 {
      %get3A_87 = arith.constant 0 : index
      %get3A_88 = arith.constant 0 : index
      %get3A_89 = vector.load %arg16[%get3A_87, %get3A_88] : memref<64x128xf32, #tpu.memory_space<vmem>>, vector<64x128xf32>
      %add3A_90 = arith.addf %get3A_89, %dot_general3A_74 : vector<64x128xf32>
      %swap3A = arith.constant 0 : index
      %swap3A_91 = arith.constant 0 : index
      %swap3A_92 = vector.load %arg16[%swap3A, %swap3A_91] : memref<64x128xf32, #tpu.memory_space<vmem>>, vector<64x128xf32>
      tpu.vector_store %arg16[%swap3A, %swap3A_91], %add3A_90 {strides = array<i32>} : memref<64x128xf32, #tpu.memory_space<vmem>>, vector<64x128xf32>,
    } else {
    }
    %eq3A_82 = arith.constant 4 : i32
    %eq3A_83 = arith.cmpi eq, %arg0, %eq3A_82 : i32
    %convert_element_type3A_84 = arith.extui %eq3A_83 : i1 to i32
    %cond3A_85 = arith.constant 0 : i32
    %cond3A_86 = arith.cmpi ne, %convert_element_type3A_84, %cond3A_85 : i32
    scf.if %cond3A_86 {
      %get3A_87 = arith.constant 0 : index
      %get3A_88 = arith.constant 0 : index
      %get3A_89 = vector.load %arg16[%get3A_87, %get3A_88] : memref<64x128xf32, #tpu.memory_space<vmem>>, vector<64x128xf32>
      %get3A_90 = arith.constant 0 : index
      %get3A_91 = arith.constant 0 : index
      %get3A_92 = vector.load %arg11[%get3A_90, %get3A_91] : memref<128x256xf32, #tpu.memory_space<vmem>>, vector<128x256xf32>
      %dot_general3A_93 = arith.constant dense<0.000000e+00> : vector<64x256xf32>
      %dot_general3A_94 = tpu.matmul %get3A_89, %get3A_92, %dot_general3A_93 {dimension_numbers = #tpu.dot_dimension_numbers<[1], [0], [0], [1], [0, 0, 1, 1], [], []>, transpose_lhs_hint = false} : vector<64x128xf32>, vector<128x256xf32>, vector<64x256xf32> -> vector<64x256xf32>
      %get3A_95 = arith.constant 0 : index
      %get3A_96 = arith.constant 0 : index
      %get3A_97 = vector.load %arg12[%get3A_95, %get3A_96] : memref<1x256xf32, #tpu.memory_space<vmem>>, vector<1x256xf32>
      %add3A_98 = vector.broadcast %get3A_97 : vector<1x256xf32> to vector<64x256xf32>
      %add3A_99 = arith.addf %dot_general3A_94, %add3A_98 : vector<64x256xf32>
      %max3A_100 = arith.constant 0.000000e+00 : f32
      %max3A_101 = vector.broadcast %max3A_100 : f32 to vector<64x256xf32>
      %max3A_102 = arith.maximumf %add3A_99, %max3A_101 : vector<64x256xf32>
      %get3A_103 = arith.constant 0 : index
      %get3A_104 = arith.constant 0 : index
      %get3A_105 = vector.load %arg13[%get3A_103, %get3A_104] : memref<256x128xf32, #tpu.memory_space<vmem>>, vector<256x128xf32>
      %dot_general3A_106 = arith.constant dense<0.000000e+00> : vector<64x128xf32>
      %dot_general3A_107 = tpu.matmul %max3A_102, %get3A_105, %dot_general3A_106 {dimension_numbers = #tpu.dot_dimension_numbers<[1], [0], [0], [1], [0, 0, 1, 1], [], []>, transpose_lhs_hint = false} : vector<64x256xf32>, vector<256x128xf32>, vector<64x128xf32> -> vector<64x128xf32>
      %get3A_108 = arith.constant 0 : index
      %get3A_109 = arith.constant 0 : index
      %get3A_110 = vector.load %arg14[%get3A_108, %get3A_109] : memref<1x128xf32, #tpu.memory_space<vmem>>, vector<1x128xf32>
      %add3A_111 = vector.broadcast %get3A_110 : vector<1x128xf32> to vector<64x128xf32>
      %add3A_112 = arith.addf %dot_general3A_107, %add3A_111 : vector<64x128xf32>
      %swap3A = arith.constant 0 : index
      %swap3A_113 = arith.constant 0 : index
      %swap3A_114 = vector.load %arg15[%swap3A, %swap3A_113] : memref<64x128xf32, #tpu.memory_space<vmem>>, vector<64x128xf32>
      tpu.vector_store %arg15[%swap3A, %swap3A_113], %add3A_112 {strides = array<i32>} : memref<64x128xf32, #tpu.memory_space<vmem>>, vector<64x128xf32>,
    } else {
    }
    return
  }
  func.func @transform_0(%arg0: i32) -> i32 {
    %c0_i32 = arith.constant 0 : i32
    %c0_i32_0 = arith.constant 0 : i32
    return %c0_i32 : i32
  }
  func.func @transform_1(%arg0: i32) -> (i32, i32) {
    %c0_i32 = arith.constant 0 : i32
    %c0_i32_0 = arith.constant 0 : i32
    return %arg0, %c0_i32 : i32, i32
  }
  func.func @transform_2(%arg0: i32) -> (i32, i32, i32) {
    %c0_i32 = arith.constant 0 : i32
    %c0_i32_0 = arith.constant 0 : i32
    %c0_i32_1 = arith.constant 0 : i32
    return %c0_i32, %arg0, %c0_i32_0 : i32, i32, i32
  }
  func.func @transform_3(%arg0: i32) -> (i32, i32) {
    %c0_i32 = arith.constant 0 : i32
    %c0_i32_0 = arith.constant 0 : i32
    %c0_i32_1 = arith.constant 0 : i32
    return %c0_i32, %c0_i32_0 : i32, i32
  }
  func.func @transform_4(%arg0: i32) -> (i32, i32) {
    %c0_i32 = arith.constant 0 : i32
    %c0_i32_0 = arith.constant 0 : i32
    %c0_i32_1 = arith.constant 0 : i32
    return %c0_i32, %c0_i32_0 : i32, i32
  }
  func.func @transform_5(%arg0: i32) -> (i32, i32) {
    %c0_i32 = arith.constant 0 : i32
    %c0_i32_0 = arith.constant 0 : i32
    %c0_i32_1 = arith.constant 0 : i32
    return %c0_i32, %c0_i32_0 : i32, i32
  }
  func.func @transform_6(%arg0: i32) -> (i32, i32) {
    %c0_i32 = arith.constant 0 : i32
    %c0_i32_0 = arith.constant 0 : i32
    %c0_i32_1 = arith.constant 0 : i32
    return %c0_i32, %c0_i32_0 : i32, i32
  }
  func.func @transform_7(%arg0: i32) -> (i32, i32) {
    %c0_i32 = arith.constant 0 : i32
    %c0_i32_0 = arith.constant 0 : i32
    %c0_i32_1 = arith.constant 0 : i32
    return %c0_i32, %c0_i32_0 : i32, i32
  }
  func.func @transform_8(%arg0: i32) -> (i32, i32) {
    %c0_i32 = arith.constant 0 : i32
    %c0_i32_0 = arith.constant 0 : i32
    %c0_i32_1 = arith.constant 0 : i32
    return %c0_i32, %c0_i32_0 : i32, i32
  }
  func.func @transform_9(%arg0: i32) -> (i32, i32, i32) {
    %c0_i32 = arith.constant 0 : i32
    %c0_i32_0 = arith.constant 0 : i32
    %c0_i32_1 = arith.constant 0 : i32
    return %arg0, %c0_i32, %c0_i32_0 : i32, i32, i32
  }
  func.func @transform_10(%arg0: i32) -> (i32, i32) {
    %c0_i32 = arith.constant 0 : i32
    %c0_i32_0 = arith.constant 0 : i32
    %c0_i32_1 = arith.constant 0 : i32
    return %c0_i32, %c0_i32_0 : i32, i32
  }
  func.func @transform_11(%arg0: i32) -> (i32, i32) {
    %c0_i32 = arith.constant 0 : i32
    %c0_i32_0 = arith.constant 0 : i32
    %c0_i32_1 = arith.constant 0 : i32
    return %c0_i32, %c0_i32_0 : i32, i32
  }
  func.func @transform_12(%arg0: i32) -> (i32, i32) {
    %c0_i32 = arith.constant 0 : i32
    %c0_i32_0 = arith.constant 0 : i32
    %c0_i32_1 = arith.constant 0 : i32
    return %c0_i32, %c0_i32_0 : i32, i32
  }
  func.func @transform_13(%arg0: i32) -> (i32, i32) {
    %c0_i32 = arith.constant 0 : i32
    %c0_i32_0 = arith.constant 0 : i32
    %c0_i32_1 = arith.constant 0 : i32
    return %c0_i32, %c0_i32_0 : i32, i32
  }
  func.func @transform_14(%arg0: i32) -> (i32, i32) {
    %c0_i32 = arith.constant 0 : i32
    %c0_i32_0 = arith.constant 0 : i32
    %c0_i32_1 = arith.constant 0 : i32
    return %c0_i32, %c0_i32_0 : i32, i32
  }
}

</mosaic_0001>

<sc_bundles>
// kernel: kernel.12.cloned.1.call-start
scs
__scs_entry_jumppad:
0x0: {  	(pc) =	sbr.rel $0x88, $3  }
0x1: {  	(tag) =	ssettag $0x0;
	lr =	simm.s32 $0x1  }
0x2: {  	[smem:$0x3F91] =	sst lr;
	_ =	strace $0xD0000000  }
0x3: {  	_ = 	snop  }
0x4: {  	_ = 	snop  }
0x5: {  	_ = 	snop  }
0x6: {  	_ = 	snop  }
0x7: {  	_ = 	snop  }
__scs_overlays_trampoline_lowered:
0x8: {  	[smem:$0x3FA0] =	sst s0  }
0x9: {  	[smem:$0x3FA1] =	sst s1  }
0xa: {  	[smem:$0x3FA2] =	sst s2  }
0xb: {  	[smem:$0x3FA3] =	sst s3  }
0xc: {  	[smem:$0x3FA4] =	sst s4  }
0xd: {  	[smem:$0x3FA5] =	sst s5  }
0xe: {  	[smem:$0x3FA6] =	sst s6  }
0xf: {  	[smem:$0x3FA7] =	sst s7  }
0x10: {  	[smem:$0x3FA8] =	sst s8  }
0x11: {  	[smem:$0x3FA9] =	sst s9;
	s0 =	simm.s32 @!p0 $0x0  }
0x12: {  	s1 =	sld [smem:$0x3F8F];
	s0 =	simm.s32 @p0 $0x1  }
0x13: {  	[smem:$0x3FAA] =	sst s0;
	s0 =	simm.s32 @!p1 $0x0  }
0x14: {  	s2 =	sld [smem:$0x3F8E];
	s0 =	simm.s32 @p1 $0x1  }
0x15: {  	[smem:$0x3FAB] =	sst s0;
	s0 =	simm.s32 @!p2 $0x0  }
0x16: {  	s3 =	sld [smem:$0x3FDB];
	s0 =	simm.s32 @p2 $0x1  }
0x17: {  	s4 =	simm.s32 $0x1BF5;
	[smem:$0x3FAD] =	sst s0  }
0x18: {  	s0 =	sld [smem:$0x3F90];
	_ =	swait.ge [sflag:s4], $0x0  }
0x19: {  	s7 =	sld [smem:$0x3F91]  }
0x1a: {  	s8 =	sadd.s32 $0xFFFFE003, lr  }
0x1b: {  	s9 =	sadd.s32 $0xFFFFFEF7, lr;
	s5 =	simm.s32 $0xFFFFFFFF;
	p2 =	slt.u32 s8, $0xFFFFF086  }
0x1c: {  	p1 =	slt.u32 s9, $0xF7A;
	s5 =	simm.s32 @!p2 $0x0  }
0x1d: {  	s5 =	simm.s32 @p1 $0x1;
	p0 =	seq.s32 s7, s2  }
0x1e: {  	s7 =	smul.u32 @!p0 $0xF7A, s2;
	p2 =	seq.s32 @!p0 s5, $0x0  }
0x1f: {  	s9 =	smul.u32 $0xF7A, s1;
	s8 =	simm.s32 @!p0 $0x1BF5;
	p2 =	por !p2, p0  }
0x20: {  	[sflag:s8] =	ssyncset.s32 @!p0 $0xFFFFF086;
	s6 =	sadd.s32 @!p0 s3, s7;
	s7 =	simm.s32 @!p0 $0x108  }
0x21: {  	s3 =	sadd.s32 s3, s9;
	s6 =	sadd.s32 @!p0 $0x88, s6;
	s7 =	simm.s32 @p2 $0x1082  }
0x22: {  	[simem:s7], [sflag:s8] =	dma.local @!p0 [hbm:s6], $0xF7A  }
0x23: {  	s9 =	sor.u32 $0xD0000000, s2;
	s6 =	simm.s32 $0x108;
	_ =	swait.ge @!p0 [sflag:s8], $0x0  }
0x24: {  	s3 =	sadd.s32 $0x88, s3;
	s6 =	simm.s32 @!p1 $0x1082;
	[sflag:s4] =	ssyncset.s32 $0xFFFFF086  }
0x25: {  	[simem:s6], [sflag:s4] =	dma.local [hbm:s3], $0xF7A  }
0x26: {  	[smem:$0x3F91] =	sst s1;
	(tag) =	ssettag s2;
	_ =	strace s9  }
0x27: {  	s1 =	sld [smem:$0x3FA1]  }
0x28: {  	s2 =	sld [smem:$0x3FA2]  }
0x29: {  	s4 =	sld [smem:$0x3FA4]  }
0x2a: {  	p0 =	seq.s32 s5, $0x0;
	s5 =	sld [smem:$0x3FA5]  }
0x2b: {  	s6 =	sld [smem:$0x3FA6]  }
0x2c: {  	s7 =	sld [smem:$0x3FA7]  }
0x2d: {  	s3 =	simm.s32 $0x108;
	s8 =	sld [smem:$0x3FA8]  }
0x2e: {  	s3 =	simm.s32 @!p0 $0x1082;
	s9 =	sld [smem:$0x3FA9]  }
0x2f: {  	lr =	sadd.s32 s0, s3;
	s0 =	sld [smem:$0x3FA0]  }
0x30: {  	s3 =	sld [smem:$0x3FA3]  }
0x31: {  	[smem:$0x3FAC] =	sst s10  }
0x32: {  	s10 =	sld [smem:$0x3FAA];
	_ =	sdelay $0x3  }
0x33: {  	p0 =	seq.s32 s10, $0x1;
	s10 =	sld [smem:$0x3FAC];
	_ =	sdelay $0x3  }
0x34: {  	[smem:$0x3FAC] =	sst s10  }
0x35: {  	s10 =	sld [smem:$0x3FAB];
	_ =	sdelay $0x3  }
0x36: {  	p1 =	seq.s32 s10, $0x1;
	s10 =	sld [smem:$0x3FAC];
	_ =	sdelay $0x3  }
0x37: {  	[smem:$0x3FAC] =	sst s10  }
0x38: {  	s10 =	sld [smem:$0x3FAD]  }
0x39: {  	_ = 	snop;
	(pc) =	sbr.ind lr, $3  }
0x3a: {  	_ = 	snop  }
0x3b: {  	_ = 	snop  }
0x3c: {  	p2 =	seq.s32 s10, $0x1;
	s10 =	sld [smem:$0x3FAC]  }
0x3d: {  	_ =	shalt  }
0x3e: {  	_ =	shalt  }
0x3f: {  	_ =	shalt  }
0x40: {  	_ =	shalt  }
0x41: {  	_ =	shalt  }
0x42: {  	_ =	shalt  }
0x43: {  	_ =	shalt  }
0x44: {  	_ =	shalt  }
0x45: {  	_ =	shalt  }
0x46: {  	_ =	shalt  }
0x47: {  	_ =	shalt  }
0x48: {  	_ =	shalt  }
0x49: {  	_ =	shalt  }
0x4a: {  	_ =	shalt  }
0x4b: {  	_ =	shalt  }
0x4c: {  	_ =	shalt  }
0x4d: {  	_ =	shalt  }
0x4e: {  	_ =	shalt  }
0x4f: {  	_ =	shalt  }
0x50: {  	_ =	shalt  }
0x51: {  	_ =	shalt  }
0x52: {  	_ =	shalt  }
0x53: {  	_ =	shalt  }
0x54: {  	_ =	shalt  }
0x55: {  	_ =	shalt  }
0x56: {  	_ =	shalt  }
0x57: {  	_ =	shalt  }
0x58: {  	_ =	shalt  }
0x59: {  	_ =	shalt  }
0x5a: {  	_ =	shalt  }
0x5b: {  	_ =	shalt  }
0x5c: {  	_ =	shalt  }
0x5d: {  	_ =	shalt  }
0x5e: {  	_ =	shalt  }
0x5f: {  	_ =	shalt  }
0x60: {  	_ =	shalt  }
0x61: {  	_ =	shalt  }
0x62: {  	_ =	shalt  }
0x63: {  	_ =	shalt  }
0x64: {  	_ =	shalt  }
0x65: {  	_ =	shalt  }
0x66: {  	_ =	shalt  }
0x67: {  	_ =	shalt  }
0x68: {  	_ =	shalt  }
0x69: {  	_ =	shalt  }
0x6a: {  	_ =	shalt  }
0x6b: {  	_ =	shalt  }
0x6c: {  	_ =	shalt  }
0x6d: {  	_ =	shalt  }
0x6e: {  	_ =	shalt  }
0x6f: {  	_ =	shalt  }
0x70: {  	_ =	shalt  }
0x71: {  	_ =	shalt  }
0x72: {  	_ =	shalt  }
0x73: {  	_ =	shalt  }
0x74: {  	_ =	shalt  }
0x75: {  	_ =	shalt  }
0x76: {  	_ =	shalt  }
0x77: {  	_ =	shalt  }
0x78: {  	_ =	shalt  }
0x79: {  	_ =	shalt  }
0x7a: {  	_ =	shalt  }
0x7b: {  	_ =	shalt  }
0x7c: {  	_ =	shalt  }
0x7d: {  	_ =	shalt  }
0x7e: {  	_ =	shalt  }
0x7f: {  	_ =	shalt  }
0x80: {  	_ =	shalt  }
0x81: {  	_ =	shalt  }
0x82: {  	_ =	shalt  }
0x83: {  	_ =	shalt  }
0x84: {  	_ =	shalt  }
0x85: {  	_ =	shalt  }
0x86: {  	_ =	shalt  }
0x87: {  	_ =	shalt  }
.Lfunc_end0:
.L_simem_size_0:
called_computation.1_lowered:
.L_overlay_start_0:
0x88: {  	s2 =	sld [smem:$0x3FD9]  }
0x89: {  	s3 =	sld [smem:$0x3FFE];
	_ =	sdelay $0x1  }
0x8a: {  	s1 =	srdreg.scid  }
0x8b: {  	s0 =	sand.u32 $0x1, s1  }
0x8c: {  	s16 =	sshll.u32 s0, $0xA;
	s2 =	sadd.s32 s3, s2  }
0x8d: {  	s2 =	sadd.s32 s2, s16  }
0x8e: {  	[smem:$0x3FB8] =	sst s2  }
0x8f: {  	_ = 	snop  }
0x90: {  	(tm) =	ssettm $0x1  }
0x91: {  	s17 =	sld [smem:$0x3FFB];
	_ =	sdelay $0x3  }
0x92: {  	_ =	strace s17  }
0x93: {  	s2 =	sld [smem:$0x3FFC];
	_ =	sdelay $0x3  }
0x94: {  	_ =	strace s2  }
0x95: {  	s2 =	sld [smem:$0x3FFD];
	_ =	sdelay $0x3  }
0x96: {  	_ =	strace s2  }
0x97: {  	_ =	strace $0x8FFFFFFF  }
0x98: {  	s18 =	sld [smem:$0x3FDB];
	_ =	sdelay $0x1  }
0x99: {  	s19 =	simm.s32 $_scs_section_size  }
0x9a: {  	s4 =	simm.s32 $_size__tile_overlayer_lowered;
	s5 =	simm.s32 $_tile_overlayer_lowered  }
0x9b: {  	s22 =	simm.s32 $0x1BFF;
	s21 =	sshll.u32 s5, $0x1;
	s2 =	sadd.s32 s19, s18  }
0x9c: {  	s6 =	simm.s32 $0x0;
	s20 =	sshll.u32 s4, $0x1;
	s4 =	sadd.s32 s21, s2  }
0x9d: {  	[timem:s6], [sflag:s22] =	dma.local [hbm:s4], s20  }
0x9e: {  	_ =	swait.ge [sflag:s22], s20  }
0x9f: {  	s3 =	ssub.s32 $0x0, s20;
	[sflag:s22] =	ssyncset.done $0x0  }
0xa0: {  	[sflag:s22] =	ssyncadd.s32 s3;
	_ =	sdelay $0x1  }
0xa1: {  	s23 =	simm.s32 $0x1B8B  }
0xa2: {  	_ =	swait.ge [sflag:s23], $0x1  }
0xa3: {  	[sflag:s23] =	ssyncset.done $0x0  }
0xa4: {  	s25 =	simm.s32 $0x1B8E;
	s24 =	sld [smem:$0x3FFE];
	[sflag:s23] =	ssyncadd.s32 $0xFFFFFFFF  }
0xa5: {  	s26 =	simm.s32 $execute0_lowered;
	[smem:$0x3FD2] =	sst s25  }
0xa6: {  	s4 =	sshll.u32 s26, $0x1;
	_ =	strace $0x80000049;
	[dreg:$0x1] =	wrdreg $0xFFFFFFFF  }
0xa7: {  	s28 =	simm.s32 $_size_execute0_lowered;
	s2 =	sadd.s32 s2, s4;
	[dreg:$0x0] =	wrdreg $0x0  }
0xa8: {  	s4 =	sshll.u32 s28, $0x1;
	[dreg:$0x2] =	wrdreg s2  }
0xa9: {  	[dreg:$0x3] =	wrdreg s4  }
0xaa: {  	[dreg:$0x4] =	wrdreg $0xC0  }
0xab: {  	_ =	task [dreg:s6], $0x5FFFF  }
0xac: {  	[dreg:$0x1] =	wrdreg $0xFFFFFFFF  }
0xad: {  	[dreg:$0x0] =	wrdreg $0x60  }
0xae: {  	[dreg:$0x2] =	wrdreg s24  }
0xaf: {  	[dreg:$0x3] =	wrdreg $0x7B000  }
0xb0: {  	[dreg:$0x4] =	wrdreg $0x9  }
0xb1: {  	_ =	task.clear_ibuf [dreg:s6], $0x5FFFF;
	_ =	strace $0x90000049  }
0xb2: {  	s29 =	simm.s32 $0x9;
	_ =	strace $0x8000004B  }
0xb3: {  	_ =	swait.ge [sflag:s29], $0x1  }
0xb4: {  	[sflag:s29] =	ssyncadd.s32 $0xFFFFFFFF  }
0xb5: {  	_ =	strace $0x9000004B  }
0xb6: {  	_ =	sfence  }
0xb7: {  	s30 =	sld [smem:$0x0];
	_ =	sdelay $0x2  }
0xb8: {  	s31 =	sshll.u32 s1, $0xD;
	s1 =	sshrl.u32 s1, $0x2  }
0xb9: {  	s3 =	sand.u32 $0x4000, s31;
	s1 =	sadd.s32 s1, s30  }
0xba: {  	s0 =	sor.u32 s3, s0;
	s1 =	sshll.u32 s1, $0x11  }
0xbb: {  	s0 =	sor.u32 s1, s0  }
0xbc: {  	s0 =	sadd.s32 $0x8F2B, s0  }
0xbd: {  	[sflag:s0] =	ssyncadd.remote.s32 $0x1  }
0xbe: {  	_ =	sfence.sel $0xFFFF  }
0xbf: {  	[dreg:$0x0] =	wrdreg $0xFFFFFFFF;
	(pc) =	sbr.abs _section_cstart, $3  }
0xc0: {  	[dreg:$0x1] =	wrdreg $0xFFFFFFFF  }
0xc1: {  	_ =	task.clear_ibuf [dreg:s6], $0x2FFFF;
	_ =	strace $0x9FFFFFFF  }
0xc2: {  	(tm) =	ssettm $0x7FFFFFFF  }
0xc3: {  	_ =	shalt  }
tec
execute0_lowered:
.L_overlay_start_1:
0x0: {  	(tag) =	ssettag $0x1  }
0x1: {  	s0 =	rddreg [dreg:$0x0]  }
0x2: {  	s1 =	rddreg [dreg:$0x1];
	s2 =	srdreg.scid  }
0x3: {  	s3 =	simm.s32 $0x0;
	s5 =	stileid.u32;
	s31 =	simm.s32 $0x300  }
0x4: {  	s28 =	simm.s32 $0x0;
	s2 =	sand.u32 $0x1, s2;
	s7 =	smul.u32 $0x14000, s5  }
0x5: {  	[smem:$0x7FF] =	sst s3;
	s4 =	sadd.s32 $0x23000, s0;
	s9 =	smul.u32 $0x50000, s5  }
0x6: {  	s11 =	sadd.s32 $0x3C00, s0;
	s8 =	sshll.u32 s5, $0x1;
	s13 =	smul.u32 $0x7D00, s5  }
0x7: {  	s6 =	smul.u32 $0x140000, s2;
	_ =	strace $0x8000004A;
	s8 =	sor.u32 s2, s8  }
0x8: {  	s10 =	ssub.s32 $0x2, s2;
	s2 =	smul.u32 $0x3E80, s2;
	[dreg:$0x3] =	wrdreg s11  }
0x9: {  	s9 =	sshrl.u32 s9, $0x2;
	s8 =	smul.u32 $0x3E80, s8;
	s20 =	sshrl.u32 s10, $0x1  }
0xa: {  	s7 =	sadd.s32 s7, s6;
	s6 =	sadd.s32 $0x13600, s0;
	s30 =	sadd.s32 s9, s1  }
0xb: {  	s19 =	sadd.s32 s2, s13;
	s13 =	simm.s32 $0x2B00;
	s7 =	sshrl.u32 s7, $0x3  }
0xc: {  	s9 =	sadd.s32 $0x2800, s30;
	s8 =	sshrl.u32 s8, $0x3;
	[dreg:$0x4] =	wrdreg s30  }
0xd: {  	s21 =	sadd.s32 $0x5000, s30;
	s22 =	sadd.s32 $0x7800, s30;
	[dreg:$0x5] =	wrdreg s9  }
0xe: {  	s2 =	sadd.s32 $0x300, s19;
	s0 =	sadd.s32 s7, s0;
	[dreg:$0x6] =	wrdreg s21  }
0xf: {  	s7 =	ssub.s32 s10, s20;
	[dreg:$0x7] =	wrdreg s22;
	s23 =	sadd.s32 s11, s8  }
0x10: {  	s24 =	sadd.s32 s6, s8;
	s25 =	sadd.s32 $0x10, s8;
	[dreg:$0x8] =	wrdreg s23  }
0x11: {  	s26 =	sadd.s32 $0x20, s8;
	s21 =	sadd.s32 $0xA000, s30;
	[dreg:$0x9] =	wrdreg s24  }
0x12: {  	s20 =	sadd.s32 $0x280, s19;
	s22 =	sadd.s32 $0xC800, s30;
	[dreg:$0x14] =	wrdreg s21  }
0x13: {  	s12 =	sadd.s32 s11, s25;
	s9 =	sadd.s32 s6, s25;
	[dreg:$0x15] =	wrdreg s22  }
0x14: {  	s29 =	sadd.s32 s11, s26;
	s10 =	sadd.s32 s6, s26;
	[dreg:$0xa] =	wrdreg s12  }
0x15: {  	s0 =	sadd.s32 $0x4A200, s0;
	s18 =	smax.u32 s7, $0x1;
	[dreg:$0xb] =	wrdreg s9  }
0x16: {  	s23 =	sshrl.u32 s2, $0x3;
	s24 =	sshrl.u32 s20, $0x3;
	[dreg:$0xc] =	wrdreg s29  }
0x17: {  	s26 =	sadd.s32 $0xF000, s30;
	s2 =	simm.s32 $0x180;
	[dreg:$0xd] =	wrdreg s10  }
0x18: {  	s20 =	simm.s32 $0x5;
	s21 =	simm.s32 $0x8;
	[dreg:$0x12] =	wrdreg s0  }
0x19: {  	s22 =	simm.s32 $0x6;
	s12 =	sadd.s32 $0x30, s8;
	[dreg:$0x13] =	wrdreg s18  }
0x1a: {  	s8 =	sadd.s32 $0x7C0, s8;
	s0 =	sadd.s32 $0x200, s19;
	[dreg:$0x16] =	wrdreg s26  }
0x1b: {  	s29 =	sadd.s32 $0x11800, s30;
	s9 =	simm.s32 $0x200;
	s10 =	simm.s32 $0x1  }
0x1c: {  	s18 =	simm.s32 $0x5300;
	s19 =	simm.s32 $0x7;
	s26 =	simm.s32 $0x9  }
0x1d: {  	s14 =	sadd.s32 s11, s12;
	s15 =	sadd.s32 s6, s12;
	[dreg:$0x17] =	wrdreg s29  }
0x1e: {  	s16 =	sadd.s32 s11, s8;
	s17 =	sadd.s32 s6, s8;
	[dreg:$0xe] =	wrdreg s14  }
0x1f: {  	s25 =	sshrl.u32 s0, $0x3;
	s0 =	simm.s32 $0xA;
	[dreg:$0xf] =	wrdreg s15  }
0x20: {  	s8 =	simm.s32 $0x80;
	s11 =	simm.s32 $0x50;
	[dreg:$0x10] =	wrdreg s16  }
0x21: {  	s12 =	simm.s32 $0x2;
	[dreg:$0x11] =	wrdreg s17;
	s14 =	simm.s32 $0x100  }
0x22: {  	v0 =	vimm.f32 $0.0e+00;
	s15 =	simm.s32 $0x280;
	s16 =	simm.s32 $0x4;
	s17 =	simm.s32 $0x3  }
.LBB2_1:
0x23: {  	s7 =	simm.s32 $0x0;
	s29 =	simm.s32 $0x200  }
.LBB2_2:
0x24: {  	p0 =	sne.s32 s29, $0x9E00;
	[tilespmem:s7+$0x370] =	vst v0  }
0x25: {  	[tilespmem:s7+$0x300] =	vst v0  }
0x26: {  	[tilespmem:s7+$0x310] =	vst v0  }
.Ltmp0:
0x27: {  	[tilespmem:s7+$0x320] =	vst v0;
	(pc) =	sbr.rel @p0 .LBB2_2-.Ltmp0, $4  }
0x28: {  	[tilespmem:s7+$0x330] =	vst v0  }
0x29: {  	[tilespmem:s7+$0x340] =	vst v0  }
0x2a: {  	[tilespmem:s7+$0x350] =	vst v0  }
0x2b: {  	[tilespmem:s7+$0x360] =	vst v0;
	s7 =	sshra.s32 s29, $0x2;
	s29 =	sadd.s32 $0x200, s29  }
0x2c: {  	[tilespmem:s7+$0x370] =	vst v0  }
0x2d: {  	[tilespmem:s7+$0x300] =	vst v0  }
0x2e: {  	[tilespmem:s7+$0x310] =	vst v0  }
0x2f: {  	[tilespmem:s7+$0x320] =	vst v0  }
0x30: {  	[tilespmem:s7+$0x330] =	vst v0  }
0x31: {  	[tilespmem:s7+$0x340] =	vst v0  }
0x32: {  	[tilespmem:s7+$0x350] =	vst v0  }
0x33: {  	[tilespmem:s7+$0x360] =	vst v0  }
0x34: {  	[spmem:s30] =	stream.linear.scatter [tilespmem:s31], [sflag:$0xA], $0x2800, $0x38;
	[tilespmem:$0x1BB00] =	vst v63  }
0x35: {  	_ =	swait.ge [sflag:s0], $0x2800  }
0x36: {  	[sflag:s0] =	ssyncset.done $0x0  }
0x37: {  	s5 =	rddreg [dreg:$0x5];
	[sflag:s0] =	ssyncadd.s32 $0xFFFFD800  }
0x38: {  	[spmem:s5] =	stream.linear.scatter [tilespmem:s31], [sflag:$0xA], $0x2800, $0x38;
	[tilespmem:$0x1BB00] =	vst v63  }
0x39: {  	_ =	swait.ge [sflag:s0], $0x2800  }
0x3a: {  	[sflag:s0] =	ssyncset.done $0x0  }
0x3b: {  	s7 =	rddreg [dreg:$0x6];
	[sflag:s0] =	ssyncadd.s32 $0xFFFFD800  }
0x3c: {  	[spmem:s7] =	stream.linear.scatter [tilespmem:s31], [sflag:$0xA], $0x2800, $0x38;
	[tilespmem:$0x1BB00] =	vst v63  }
0x3d: {  	_ =	swait.ge [sflag:s0], $0x2800  }
0x3e: {  	[sflag:s0] =	ssyncset.done $0x0  }
0x3f: {  	s7 =	rddreg [dreg:$0x7];
	[sflag:s0] =	ssyncadd.s32 $0xFFFFD800  }
0x40: {  	[spmem:s7] =	stream.linear.scatter [tilespmem:s31], [sflag:$0xA], $0x2800, $0x38;
	[tilespmem:$0x1BB00] =	vst v63  }
0x41: {  	_ =	swait.ge [sflag:s0], $0x2800  }
0x42: {  	[sflag:s0] =	ssyncset.done $0x0  }
0x43: {  	s7 =	rddreg [dreg:$0x14];
	[sflag:s0] =	ssyncadd.s32 $0xFFFFD800  }
0x44: {  	[spmem:s7] =	stream.linear.scatter [tilespmem:s31], [sflag:$0xA], $0x2800, $0x38;
	[tilespmem:$0x1BB00] =	vst v63  }
0x45: {  	_ =	swait.ge [sflag:s0], $0x2800  }
0x46: {  	[sflag:s0] =	ssyncset.done $0x0  }
0x47: {  	s7 =	rddreg [dreg:$0x15];
	[sflag:s0] =	ssyncadd.s32 $0xFFFFD800  }
0x48: {  	[spmem:s7] =	stream.linear.scatter [tilespmem:s31], [sflag:$0xA], $0x2800, $0x38;
	[tilespmem:$0x1BB00] =	vst v63  }
0x49: {  	_ =	swait.ge [sflag:s0], $0x2800  }
0x4a: {  	[sflag:s0] =	ssyncset.done $0x0  }
0x4b: {  	s7 =	rddreg [dreg:$0x16];
	[sflag:s0] =	ssyncadd.s32 $0xFFFFD800  }
0x4c: {  	[spmem:s7] =	stream.linear.scatter [tilespmem:s31], [sflag:$0xA], $0x2800, $0x38;
	[tilespmem:$0x1BB00] =	vst v63  }
0x4d: {  	_ =	swait.ge [sflag:s0], $0x2800  }
0x4e: {  	[sflag:s0] =	ssyncset.done $0x0  }
0x4f: {  	s7 =	rddreg [dreg:$0x17];
	[sflag:s0] =	ssyncadd.s32 $0xFFFFD800  }
0x50: {  	[spmem:s7] =	stream.linear.scatter [tilespmem:s31], [sflag:$0xA], $0x2800, $0x38;
	[tilespmem:$0x1BB00] =	vst v63  }
0x51: {  	_ =	swait.ge [sflag:s0], $0x2800  }
0x52: {  	[sflag:s0] =	ssyncset.done $0x0  }
0x53: {  	[sflag:s0] =	ssyncadd.s32 $0xFFFFD800  }
0x54: {  	[bflag:$0x0] =	sbarrier.arrive $0xFFFF  }
0x55: {  	s7 =	rddreg [dreg:$0x8]  }
0x56: {  	[tilespmem:s3], [sflag:$0x1] =	stream.linear.gather [hbm4b:s7+s3], $0x80, $0x38;
	[tilespmem:$0x1BB00] =	vst v63  }
0x57: {  	s7 =	rddreg [dreg:$0x9]  }
0x58: {  	[tilespmem:s2], [sflag:$0x1] =	stream.linear.gather [hbm4b:s7+s3], $0x80, $0x38;
	[tilespmem:$0x1BB00] =	vst v63  }
0x59: {  	s7 =	rddreg [dreg:$0xa]  }
0x5a: {  	[tilespmem:s8], [sflag:$0x2] =	stream.linear.gather [hbm4b:s7+s3], $0x80, $0x38;
	[tilespmem:$0x1BB00] =	vst v63  }
0x5b: {  	s7 =	rddreg [dreg:$0xb]  }
0x5c: {  	[tilespmem:s9], [sflag:$0x2] =	stream.linear.gather [hbm4b:s7+s3], $0x80, $0x38;
	[tilespmem:$0x1BB00] =	vst v63  }
0x5d: {  	_ =	swait.ge [sflag:s10], $0x80  }
0x5e: {  	[sflag:s10] =	ssyncset.done $0x0  }
0x5f: {  	[sflag:s10] =	ssyncadd.s32 $0xFFFFFF80  }
0x60: {  	_ =	swait.ge [sflag:s10], $0x80  }
0x61: {  	[sflag:s10] =	ssyncset.done $0x0  }
0x62: {  	[sflag:s10] =	ssyncadd.s32 $0xFFFFFF80  }
0x63: {  	[tilespmem:s31], [sflag:$0x4] =	stream.indirect.gather [hbm4b:s4+s11], $0x80, s3, s11, $0xb8;
	[tilespmem:$0x1BB00] =	vst v63  }
0x64: {  	_ =	swait.ge [sflag:s12], $0x80  }
0x65: {  	[sflag:s12] =	ssyncset.done $0x0  }
0x66: {  	[sflag:s12] =	ssyncadd.s32 $0xFFFFFF80  }
0x67: {  	_ =	swait.ge [sflag:s12], $0x80  }
0x68: {  	[sflag:s12] =	ssyncset.done $0x0  }
0x69: {  	[sflag:s12] =	ssyncadd.s32 $0xFFFFFF80  }
0x6a: {  	[tilespmem:s13], [sflag:$0x5] =	stream.indirect.gather [hbm4b:s4+s11], $0x80, s8, s11, $0xb8;
	[tilespmem:$0x1BB00] =	vst v63  }
0x6b: {  	s7 =	rddreg [dreg:$0xc]  }
0x6c: {  	[tilespmem:s14], [sflag:$0x3] =	stream.linear.gather [hbm4b:s7+s3], $0x80, $0x38;
	[tilespmem:$0x1BB00] =	vst v63  }
0x6d: {  	s7 =	rddreg [dreg:$0xd]  }
0x6e: {  	[tilespmem:s15], [sflag:$0x3] =	stream.linear.gather [hbm4b:s7+s3], $0x80, $0x38;
	[tilespmem:$0x1BB00] =	vst v63  }
0x6f: {  	_ =	swait.ge [sflag:s16], $0x2800  }
0x70: {  	[sflag:s16] =	ssyncset.done $0x0  }
0x71: {  	[sflag:s16] =	ssyncadd.s32 $0xFFFFD800  }
0x72: {  	[spmem:s1] =	stream.indirect.scatter.add.f32 [tilespmem:s31], [sflag:$0x7], $0x80, s2, s11, $0xb8;
	[tilespmem:$0x1BB00] =	vst v63  }
0x73: {  	_ =	swait.ge [sflag:s17], $0x80  }
0x74: {  	[sflag:s17] =	ssyncset.done $0x0  }
0x75: {  	[sflag:s17] =	ssyncadd.s32 $0xFFFFFF80  }
0x76: {  	_ =	swait.ge [sflag:s17], $0x80  }
0x77: {  	[sflag:s17] =	ssyncset.done $0x0  }
0x78: {  	[sflag:s17] =	ssyncadd.s32 $0xFFFFFF80  }
0x79: {  	[tilespmem:s18], [sflag:$0x6] =	stream.indirect.gather [hbm4b:s4+s11], $0x80, s14, s11, $0xb8;
	[tilespmem:$0x1BB00] =	vst v63  }
0x7a: {  	_ =	swait.ge [sflag:s19], $0x2800  }
0x7b: {  	[sflag:s19] =	ssyncset.done $0x0  }
0x7c: {  	s7 =	rddreg [dreg:$0xe];
	[sflag:s19] =	ssyncadd.s32 $0xFFFFD800  }
0x7d: {  	[tilespmem:s3], [sflag:$0x1] =	stream.linear.gather [hbm4b:s7+s3], $0x80, $0x38;
	[tilespmem:$0x1BB00] =	vst v63  }
0x7e: {  	s7 =	rddreg [dreg:$0xf]  }
0x7f: {  	[tilespmem:s2], [sflag:$0x1] =	stream.linear.gather [hbm4b:s7+s3], $0x80, $0x38;
	[tilespmem:$0x1BB00] =	vst v63  }
0x80: {  	_ =	swait.ge [sflag:s20], $0x2800  }
0x81: {  	[sflag:s20] =	ssyncset.done $0x0  }
0x82: {  	[sflag:s20] =	ssyncadd.s32 $0xFFFFD800  }
0x83: {  	[spmem:s1] =	stream.indirect.scatter.add.f32 [tilespmem:s13], [sflag:$0x8], $0x80, s9, s11, $0xb8;
	[tilespmem:$0x1BB00] =	vst v63  }
0x84: {  	_ =	swait.ge [sflag:s10], $0x80  }
0x85: {  	[sflag:s10] =	ssyncset.done $0x0  }
0x86: {  	[sflag:s10] =	ssyncadd.s32 $0xFFFFFF80  }
0x87: {  	_ =	swait.ge [sflag:s10], $0x80  }
0x88: {  	[sflag:s10] =	ssyncset.done $0x0  }
0x89: {  	[sflag:s10] =	ssyncadd.s32 $0xFFFFFF80  }
0x8a: {  	[tilespmem:s31], [sflag:$0x4] =	stream.indirect.gather [hbm4b:s4+s11], $0x80, s3, s11, $0xb8;
	[tilespmem:$0x1BB00] =	vst v63  }
0x8b: {  	_ =	swait.ge [sflag:s21], $0x2800  }
0x8c: {  	[sflag:s21] =	ssyncset.done $0x0;
	s5 =	rddreg [dreg:$0x3]  }
0x8d: {  	[sflag:s21] =	ssyncadd.s32 $0xFFFFD800;
	s7 =	sadd.s32 s5, s25  }
0x8e: {  	[tilespmem:s8], [sflag:$0x2] =	stream.linear.gather [hbm4b:s7+s3], $0x80, $0x38;
	[tilespmem:$0x1BB00] =	vst v63  }
0x8f: {  	s7 =	sadd.s32 s6, s25  }
0x90: {  	[tilespmem:s9], [sflag:$0x2] =	stream.linear.gather [hbm4b:s7+s3], $0x80, $0x38;
	[tilespmem:$0x1BB00] =	vst v63  }
0x91: {  	_ =	swait.ge [sflag:s22], $0x2800  }
0x92: {  	[sflag:s22] =	ssyncset.done $0x0  }
0x93: {  	[sflag:s22] =	ssyncadd.s32 $0xFFFFD800  }
0x94: {  	[spmem:s1] =	stream.indirect.scatter.add.f32 [tilespmem:s18], [sflag:$0x9], $0x80, s15, s11, $0xb8;
	[tilespmem:$0x1BB00] =	vst v63  }
0x95: {  	_ =	swait.ge [sflag:s12], $0x80  }
0x96: {  	[sflag:s12] =	ssyncset.done $0x0  }
0x97: {  	[sflag:s12] =	ssyncadd.s32 $0xFFFFFF80  }
0x98: {  	_ =	swait.ge [sflag:s12], $0x80  }
0x99: {  	[sflag:s12] =	ssyncset.done $0x0  }
0x9a: {  	[sflag:s12] =	ssyncadd.s32 $0xFFFFFF80  }
0x9b: {  	[tilespmem:s13], [sflag:$0x5] =	stream.indirect.gather [hbm4b:s4+s11], $0x80, s8, s11, $0xb8;
	[tilespmem:$0x1BB00] =	vst v63  }
0x9c: {  	_ =	swait.ge [sflag:s26], $0x2800  }
0x9d: {  	[sflag:s26] =	ssyncset.done $0x0  }
0x9e: {  	s7 =	sadd.s32 s5, s24;
	[sflag:s26] =	ssyncadd.s32 $0xFFFFD800  }
0x9f: {  	[tilespmem:s14], [sflag:$0x3] =	stream.linear.gather [hbm4b:s7+s3], $0x80, $0x38;
	[tilespmem:$0x1BB00] =	vst v63  }
0xa0: {  	s7 =	sadd.s32 s6, s24  }
0xa1: {  	[tilespmem:s15], [sflag:$0x3] =	stream.linear.gather [hbm4b:s7+s3], $0x80, $0x38;
	[tilespmem:$0x1BB00] =	vst v63  }
0xa2: {  	_ =	swait.ge [sflag:s16], $0x2800  }
0xa3: {  	[sflag:s16] =	ssyncset.done $0x0  }
0xa4: {  	[sflag:s16] =	ssyncadd.s32 $0xFFFFD800  }
0xa5: {  	[spmem:s1] =	stream.indirect.scatter.add.f32 [tilespmem:s31], [sflag:$0x7], $0x80, s2, s11, $0xb8;
	[tilespmem:$0x1BB00] =	vst v63  }
0xa6: {  	_ =	swait.ge [sflag:s17], $0x80  }
0xa7: {  	[sflag:s17] =	ssyncset.done $0x0  }
0xa8: {  	[sflag:s17] =	ssyncadd.s32 $0xFFFFFF80  }
0xa9: {  	_ =	swait.ge [sflag:s17], $0x80  }
0xaa: {  	[sflag:s17] =	ssyncset.done $0x0  }
0xab: {  	[sflag:s17] =	ssyncadd.s32 $0xFFFFFF80  }
0xac: {  	[tilespmem:s18], [sflag:$0x6] =	stream.indirect.gather [hbm4b:s4+s11], $0x80, s14, s11, $0xb8;
	[tilespmem:$0x1BB00] =	vst v63  }
0xad: {  	_ =	swait.ge [sflag:s19], $0x2800  }
0xae: {  	[sflag:s19] =	ssyncset.done $0x0  }
0xaf: {  	s7 =	sadd.s32 s5, s23;
	[sflag:s19] =	ssyncadd.s32 $0xFFFFD800  }
0xb0: {  	[tilespmem:s3], [sflag:$0x1] =	stream.linear.gather [hbm4b:s7+s3], $0x80, $0x38;
	[tilespmem:$0x1BB00] =	vst v63  }
0xb1: {  	s7 =	sadd.s32 s6, s23  }
0xb2: {  	[tilespmem:s2], [sflag:$0x1] =	stream.linear.gather [hbm4b:s7+s3], $0x80, $0x38;
	[tilespmem:$0x1BB00] =	vst v63  }
0xb3: {  	_ =	swait.ge [sflag:s20], $0x2800  }
0xb4: {  	[sflag:s20] =	ssyncset.done $0x0  }
0xb5: {  	[sflag:s20] =	ssyncadd.s32 $0xFFFFD800  }
0xb6: {  	[spmem:s1] =	stream.indirect.scatter.add.f32 [tilespmem:s13], [sflag:$0x8], $0x80, s9, s11, $0xb8;
	[tilespmem:$0x1BB00] =	vst v63  }
0xb7: {  	_ =	swait.ge [sflag:s10], $0x80  }
0xb8: {  	[sflag:s10] =	ssyncset.done $0x0  }
0xb9: {  	[sflag:s10] =	ssyncadd.s32 $0xFFFFFF80  }
0xba: {  	_ =	swait.ge [sflag:s10], $0x80  }
0xbb: {  	s29 =	simm.s32 $0x27;
	[sflag:s10] =	ssyncset.done $0x0  }
0xbc: {  	s30 =	sadd.s32 $0x30, s6;
	s7 =	sadd.s32 $0x30, s5;
	[sflag:s10] =	ssyncadd.s32 $0xFFFFFF80  }
.LBB2_4:
0xbd: {  	[tilespmem:s31], [sflag:$0x4] =	stream.indirect.gather [hbm4b:s4+s11], $0x80, s3, s11, $0xb8;
	[tilespmem:$0x1BB00] =	vst v63  }
0xbe: {  	p0 =	sne.s32 s29, $0x1;
	s29 =	sadd.s32 $0xFFFFFFFF, s29;
	_ =	swait.ge [sflag:s21], $0x2800  }
0xbf: {  	[sflag:s21] =	ssyncset.done $0x0  }
0xc0: {  	s5 =	sadd.s32 s7, s25;
	[sflag:s21] =	ssyncadd.s32 $0xFFFFD800  }
0xc1: {  	[tilespmem:s8], [sflag:$0x2] =	stream.linear.gather [hbm4b:s5+s3], $0x80, $0x38;
	[tilespmem:$0x1BB00] =	vst v63  }
0xc2: {  	s5 =	sadd.s32 s30, s25  }
0xc3: {  	[tilespmem:s9], [sflag:$0x2] =	stream.linear.gather [hbm4b:s5+s3], $0x80, $0x38;
	[tilespmem:$0x1BB00] =	vst v63  }
0xc4: {  	_ =	swait.ge [sflag:s22], $0x2800  }
0xc5: {  	[sflag:s22] =	ssyncset.done $0x0  }
0xc6: {  	[sflag:s22] =	ssyncadd.s32 $0xFFFFD800  }
0xc7: {  	[spmem:s1] =	stream.indirect.scatter.add.f32 [tilespmem:s18], [sflag:$0x9], $0x80, s15, s11, $0xb8;
	[tilespmem:$0x1BB00] =	vst v63  }
0xc8: {  	_ =	swait.ge [sflag:s12], $0x80  }
0xc9: {  	[sflag:s12] =	ssyncset.done $0x0  }
0xca: {  	[sflag:s12] =	ssyncadd.s32 $0xFFFFFF80  }
0xcb: {  	_ =	swait.ge [sflag:s12], $0x80  }
0xcc: {  	[sflag:s12] =	ssyncset.done $0x0  }
0xcd: {  	[sflag:s12] =	ssyncadd.s32 $0xFFFFFF80  }
0xce: {  	[tilespmem:s13], [sflag:$0x5] =	stream.indirect.gather [hbm4b:s4+s11], $0x80, s8, s11, $0xb8;
	[tilespmem:$0x1BB00] =	vst v63  }
0xcf: {  	_ =	swait.ge [sflag:s26], $0x2800  }
0xd0: {  	[sflag:s26] =	ssyncset.done $0x0  }
0xd1: {  	s5 =	sadd.s32 s7, s24;
	[sflag:s26] =	ssyncadd.s32 $0xFFFFD800  }
0xd2: {  	[tilespmem:s14], [sflag:$0x3] =	stream.linear.gather [hbm4b:s5+s3], $0x80, $0x38;
	[tilespmem:$0x1BB00] =	vst v63  }
0xd3: {  	s5 =	sadd.s32 s30, s24  }
0xd4: {  	[tilespmem:s15], [sflag:$0x3] =	stream.linear.gather [hbm4b:s5+s3], $0x80, $0x38;
	[tilespmem:$0x1BB00] =	vst v63  }
0xd5: {  	_ =	swait.ge [sflag:s16], $0x2800  }
0xd6: {  	[sflag:s16] =	ssyncset.done $0x0  }
0xd7: {  	[sflag:s16] =	ssyncadd.s32 $0xFFFFD800  }
0xd8: {  	[spmem:s1] =	stream.indirect.scatter.add.f32 [tilespmem:s31], [sflag:$0x7], $0x80, s2, s11, $0xb8;
	[tilespmem:$0x1BB00] =	vst v63  }
0xd9: {  	_ =	swait.ge [sflag:s17], $0x80  }
0xda: {  	[sflag:s17] =	ssyncset.done $0x0  }
0xdb: {  	[sflag:s17] =	ssyncadd.s32 $0xFFFFFF80  }
0xdc: {  	_ =	swait.ge [sflag:s17], $0x80  }
0xdd: {  	[sflag:s17] =	ssyncset.done $0x0  }
0xde: {  	[sflag:s17] =	ssyncadd.s32 $0xFFFFFF80  }
0xdf: {  	[tilespmem:s18], [sflag:$0x6] =	stream.indirect.gather [hbm4b:s4+s11], $0x80, s14, s11, $0xb8;
	[tilespmem:$0x1BB00] =	vst v63  }
0xe0: {  	_ =	swait.ge [sflag:s19], $0x2800  }
0xe1: {  	[sflag:s19] =	ssyncset.done $0x0  }
0xe2: {  	s5 =	sadd.s32 s7, s23;
	[sflag:s19] =	ssyncadd.s32 $0xFFFFD800  }
0xe3: {  	[tilespmem:s3], [sflag:$0x1] =	stream.linear.gather [hbm4b:s5+s3], $0x80, $0x38;
	[tilespmem:$0x1BB00] =	vst v63  }
0xe4: {  	s5 =	sadd.s32 s30, s23  }
0xe5: {  	[tilespmem:s2], [sflag:$0x1] =	stream.linear.gather [hbm4b:s5+s3], $0x80, $0x38;
	[tilespmem:$0x1BB00] =	vst v63  }
0xe6: {  	_ =	swait.ge [sflag:s20], $0x2800  }
0xe7: {  	[sflag:s20] =	ssyncset.done $0x0  }
0xe8: {  	[sflag:s20] =	ssyncadd.s32 $0xFFFFD800  }
0xe9: {  	[spmem:s1] =	stream.indirect.scatter.add.f32 [tilespmem:s13], [sflag:$0x8], $0x80, s9, s11, $0xb8;
	[tilespmem:$0x1BB00] =	vst v63  }
0xea: {  	_ =	swait.ge [sflag:s10], $0x80  }
.Ltmp1:
0xeb: {  	[sflag:s10] =	ssyncset.done $0x0;
	(pc) =	sbr.rel @p0 .LBB2_4-.Ltmp1, $4  }
0xec: {  	[sflag:s10] =	ssyncadd.s32 $0xFFFFFF80  }
0xed: {  	_ =	swait.ge [sflag:s10], $0x80  }
0xee: {  	[sflag:s10] =	ssyncset.done $0x0  }
0xef: {  	s7 =	sadd.s32 $0x30, s7;
	s30 =	sadd.s32 $0x30, s30;
	[sflag:s10] =	ssyncadd.s32 $0xFFFFFF80  }
0xf0: {  	[tilespmem:s31], [sflag:$0x4] =	stream.indirect.gather [hbm4b:s4+s11], $0x80, s3, s11, $0xb8;
	[tilespmem:$0x1BB00] =	vst v63  }
0xf1: {  	_ =	swait.ge [sflag:s21], $0x2800  }
0xf2: {  	[sflag:s21] =	ssyncset.done $0x0  }
0xf3: {  	s5 =	rddreg [dreg:$0x10];
	[sflag:s21] =	ssyncadd.s32 $0xFFFFD800  }
0xf4: {  	[tilespmem:s8], [sflag:$0x2] =	stream.linear.gather [hbm4b:s5+s3], $0x80, $0x38;
	[tilespmem:$0x1BB00] =	vst v63  }
0xf5: {  	s29 =	rddreg [dreg:$0x11]  }
0xf6: {  	[tilespmem:s9], [sflag:$0x2] =	stream.linear.gather [hbm4b:s29+s3], $0x80, $0x38;
	[tilespmem:$0x1BB00] =	vst v63  }
0xf7: {  	_ =	swait.ge [sflag:s22], $0x2800  }
0xf8: {  	[sflag:s22] =	ssyncset.done $0x0  }
0xf9: {  	[sflag:s22] =	ssyncadd.s32 $0xFFFFD800  }
0xfa: {  	[spmem:s1] =	stream.indirect.scatter.add.f32 [tilespmem:s18], [sflag:$0x9], $0x80, s15, s11, $0xb8;
	[tilespmem:$0x1BB00] =	vst v63  }
0xfb: {  	_ =	swait.ge [sflag:s12], $0x80  }
0xfc: {  	[sflag:s12] =	ssyncset.done $0x0  }
0xfd: {  	[sflag:s12] =	ssyncadd.s32 $0xFFFFFF80  }
0xfe: {  	_ =	swait.ge [sflag:s12], $0x80  }
0xff: {  	[sflag:s12] =	ssyncset.done $0x0  }
0x100: {  	[sflag:s12] =	ssyncadd.s32 $0xFFFFFF80  }
0x101: {  	[tilespmem:s13], [sflag:$0x5] =	stream.indirect.gather [hbm4b:s4+s11], $0x80, s8, s11, $0xb8;
	[tilespmem:$0x1BB00] =	vst v63  }
0x102: {  	_ =	swait.ge [sflag:s26], $0x2800  }
0x103: {  	[sflag:s26] =	ssyncset.done $0x0  }
0x104: {  	[sflag:s26] =	ssyncadd.s32 $0xFFFFD800  }
0x105: {  	_ =	swait.ge [sflag:s16], $0x2800  }
0x106: {  	[sflag:s16] =	ssyncset.done $0x0  }
0x107: {  	[sflag:s16] =	ssyncadd.s32 $0xFFFFD800  }
0x108: {  	[spmem:s1] =	stream.indirect.scatter.add.f32 [tilespmem:s31], [sflag:$0x7], $0x80, s2, s11, $0xb8;
	[tilespmem:$0x1BB00] =	vst v63  }
0x109: {  	_ =	swait.ge [sflag:s19], $0x2800  }
0x10a: {  	[sflag:s19] =	ssyncset.done $0x0  }
0x10b: {  	[sflag:s19] =	ssyncadd.s32 $0xFFFFD800  }
0x10c: {  	_ =	swait.ge [sflag:s20], $0x2800  }
0x10d: {  	[sflag:s20] =	ssyncset.done $0x0  }
0x10e: {  	[sflag:s20] =	ssyncadd.s32 $0xFFFFD800  }
0x10f: {  	[spmem:s1] =	stream.indirect.scatter.add.f32 [tilespmem:s13], [sflag:$0x8], $0x80, s9, s11, $0xb8;
	[tilespmem:$0x1BB00] =	vst v63  }
0x110: {  	_ =	swait.ge [sflag:s21], $0x2800  }
0x111: {  	[sflag:s21] =	ssyncset.done $0x0  }
0x112: {  	[sflag:s21] =	ssyncadd.s32 $0xFFFFD800  }
0x113: {  	s7 =	stileid.u32;
	[bflag:$0x0] =	sbarrier.arrive $0xFFFF  }
0x114: {  	s5 =	sshll.u32 s7, $0x6;
	s30 =	rddreg [dreg:$0x4]  }
0x115: {  	s5 =	sor.u32 $0x1C0A, s5;
	s29 =	rddreg [dreg:$0x12];
	s7 =	sshrl.u32 s30, $0x3  }
0x116: {  	[hbm:s29], [sflag:s5] =	dma.local [spmem:s7], $0x2800  }
0x117: {  	_ =	swait.ge [sflag:s0], $0x2800  }
0x118: {  	s28 =	sadd.s32 $0x1, s28;
	s29 =	rddreg [dreg:$0x13]  }
0x119: {  	p0 =	sne.s32 s28, s29  }
.Ltmp2:
0x11a: {  	_ = 	snop;
	(pc) =	sbr.rel @p0 .LBB2_1-.Ltmp2, $3  }
0x11b: {  	_ =	sdelay $0x1  }
0x11c: {  	[sflag:s0] =	ssyncset.done $0x0  }
0x11d: {  	[sflag:s0] =	ssyncadd.s32 $0xFFFFD800  }
0x11e: {  	_ =	sfence.sel $0x180000  }
0x11f: {  	[bflag:$0x0] =	sbarrier.arrive $0xFFFF  }
0x120: {  	_ =	strace $0x9000004A  }
0x121: {  	s0 =	stileid.u32;
	[bflag:$0x2] =	sbarrier.arrive $0xFFFF  }
0x122: {  	p0 =	sne.s32 s0, $0x0;
	s0 =	rddreg [dreg:$0x2]  }
0x123: {  	s0 =	sadd.s32 @!p0 $0x100000, s0  }
0x124: {  	[sflag:s0] =	ssyncadd.tile.s32 @!p0 $0x1;
	_ =	shalt  }
.Lfunc_end2:
_tile_overlayer_lowered:
.L_overlay_start_2:
0x125: {  	(tag) =	ssettag $0x2  }
0x126: {  	s0 =	rddreg [dreg:$0x0];
	s2 =	stileid.u32  }
0x127: {  	s1 =	rddreg [dreg:$0x1];
	p0 =	sne.s32 s2, $0x0  }
0x128: {  	s3 =	rddreg [dreg:$0x2];
	[bflag:$0x3] =	sbarrier.arrive $0xFFFF;
	s2 =	simm.s32 @!p0 $0x1C0A  }
0x129: {  	[timem:s3], [sflag:s2] =	dma.local @!p0 [hbm:s0], s1  }
0x12a: {  	s0 =	simm.s32 @!p0 $0xA  }
0x12b: {  	_ =	swait.ge @!p0 [sflag:s0], s1  }
0x12c: {  	s1 =	ssub.s32 @!p0 $0x0, s1;
	[sflag:s0] =	ssyncset.done @!p0 $0x0  }
0x12d: {  	[sflag:s0] =	ssyncadd.s32 @!p0 s1  }
0x12e: {  	[bflag:$0x3] =	sbarrier.arrive $0xFFFF  }
0x12f: {  	_ =	shalt  }

// kernel: kernel.15.cloned.1.call-start
scs
__scs_entry_jumppad:
0x0: {  	(pc) =	sbr.rel $0x88, $3  }
0x1: {  	(tag) =	ssettag $0x0;
	lr =	simm.s32 $0x1  }
0x2: {  	[smem:$0x3F91] =	sst lr;
	_ =	strace $0xD0000000  }
0x3: {  	_ = 	snop  }
0x4: {  	_ = 	snop  }
0x5: {  	_ = 	snop  }
0x6: {  	_ = 	snop  }
0x7: {  	_ = 	snop  }
__scs_overlays_trampoline_lowered:
0x8: {  	[smem:$0x3FA0] =	sst s0  }
0x9: {  	[smem:$0x3FA1] =	sst s1  }
0xa: {  	[smem:$0x3FA2] =	sst s2  }
0xb: {  	[smem:$0x3FA3] =	sst s3  }
0xc: {  	[smem:$0x3FA4] =	sst s4  }
0xd: {  	[smem:$0x3FA5] =	sst s5  }
0xe: {  	[smem:$0x3FA6] =	sst s6  }
0xf: {  	[smem:$0x3FA7] =	sst s7  }
0x10: {  	[smem:$0x3FA8] =	sst s8  }
0x11: {  	[smem:$0x3FA9] =	sst s9;
	s0 =	simm.s32 @!p0 $0x0  }
0x12: {  	s1 =	sld [smem:$0x3F8F];
	s0 =	simm.s32 @p0 $0x1  }
0x13: {  	[smem:$0x3FAA] =	sst s0;
	s0 =	simm.s32 @!p1 $0x0  }
0x14: {  	s2 =	sld [smem:$0x3F8E];
	s0 =	simm.s32 @p1 $0x1  }
0x15: {  	[smem:$0x3FAB] =	sst s0;
	s0 =	simm.s32 @!p2 $0x0  }
0x16: {  	s3 =	sld [smem:$0x3FDB];
	s0 =	simm.s32 @p2 $0x1  }
0x17: {  	s4 =	simm.s32 $0x1BF5;
	[smem:$0x3FAD] =	sst s0  }
0x18: {  	s0 =	sld [smem:$0x3F90];
	_ =	swait.ge [sflag:s4], $0x0  }
0x19: {  	s7 =	sld [smem:$0x3F91]  }
0x1a: {  	s8 =	sadd.s32 $0xFFFFE003, lr  }
0x1b: {  	s9 =	sadd.s32 $0xFFFFFEF7, lr;
	s5 =	simm.s32 $0xFFFFFFFF;
	p2 =	slt.u32 s8, $0xFFFFF086  }
0x1c: {  	p1 =	slt.u32 s9, $0xF7A;
	s5 =	simm.s32 @!p2 $0x0  }
0x1d: {  	s5 =	simm.s32 @p1 $0x1;
	p0 =	seq.s32 s7, s2  }
0x1e: {  	s7 =	smul.u32 @!p0 $0xF7A, s2;
	p2 =	seq.s32 @!p0 s5, $0x0  }
0x1f: {  	s9 =	smul.u32 $0xF7A, s1;
	s8 =	simm.s32 @!p0 $0x1BF5;
	p2 =	por !p2, p0  }
0x20: {  	[sflag:s8] =	ssyncset.s32 @!p0 $0xFFFFF086;
	s6 =	sadd.s32 @!p0 s3, s7;
	s7 =	simm.s32 @!p0 $0x108  }
0x21: {  	s3 =	sadd.s32 s3, s9;
	s6 =	sadd.s32 @!p0 $0x88, s6;
	s7 =	simm.s32 @p2 $0x1082  }
0x22: {  	[simem:s7], [sflag:s8] =	dma.local @!p0 [hbm:s6], $0xF7A  }
0x23: {  	s9 =	sor.u32 $0xD0000000, s2;
	s6 =	simm.s32 $0x108;
	_ =	swait.ge @!p0 [sflag:s8], $0x0  }
0x24: {  	s3 =	sadd.s32 $0x88, s3;
	s6 =	simm.s32 @!p1 $0x1082;
	[sflag:s4] =	ssyncset.s32 $0xFFFFF086  }
0x25: {  	[simem:s6], [sflag:s4] =	dma.local [hbm:s3], $0xF7A  }
0x26: {  	[smem:$0x3F91] =	sst s1;
	(tag) =	ssettag s2;
	_ =	strace s9  }
0x27: {  	s1 =	sld [smem:$0x3FA1]  }
0x28: {  	s2 =	sld [smem:$0x3FA2]  }
0x29: {  	s4 =	sld [smem:$0x3FA4]  }
0x2a: {  	p0 =	seq.s32 s5, $0x0;
	s5 =	sld [smem:$0x3FA5]  }
0x2b: {  	s6 =	sld [smem:$0x3FA6]  }
0x2c: {  	s7 =	sld [smem:$0x3FA7]  }
0x2d: {  	s3 =	simm.s32 $0x108;
	s8 =	sld [smem:$0x3FA8]  }
0x2e: {  	s3 =	simm.s32 @!p0 $0x1082;
	s9 =	sld [smem:$0x3FA9]  }
0x2f: {  	lr =	sadd.s32 s0, s3;
	s0 =	sld [smem:$0x3FA0]  }
0x30: {  	s3 =	sld [smem:$0x3FA3]  }
0x31: {  	[smem:$0x3FAC] =	sst s10  }
0x32: {  	s10 =	sld [smem:$0x3FAA];
	_ =	sdelay $0x3  }
0x33: {  	p0 =	seq.s32 s10, $0x1;
	s10 =	sld [smem:$0x3FAC];
	_ =	sdelay $0x3  }
0x34: {  	[smem:$0x3FAC] =	sst s10  }
0x35: {  	s10 =	sld [smem:$0x3FAB];
	_ =	sdelay $0x3  }
0x36: {  	p1 =	seq.s32 s10, $0x1;
	s10 =	sld [smem:$0x3FAC];
	_ =	sdelay $0x3  }
0x37: {  	[smem:$0x3FAC] =	sst s10  }
0x38: {  	s10 =	sld [smem:$0x3FAD]  }
0x39: {  	_ = 	snop;
	(pc) =	sbr.ind lr, $3  }
0x3a: {  	_ = 	snop  }
0x3b: {  	_ = 	snop  }
0x3c: {  	p2 =	seq.s32 s10, $0x1;
	s10 =	sld [smem:$0x3FAC]  }
0x3d: {  	_ =	shalt  }
0x3e: {  	_ =	shalt  }
0x3f: {  	_ =	shalt  }
0x40: {  	_ =	shalt  }
0x41: {  	_ =	shalt  }
0x42: {  	_ =	shalt  }
0x43: {  	_ =	shalt  }
0x44: {  	_ =	shalt  }
0x45: {  	_ =	shalt  }
0x46: {  	_ =	shalt  }
0x47: {  	_ =	shalt  }
0x48: {  	_ =	shalt  }
0x49: {  	_ =	shalt  }
0x4a: {  	_ =	shalt  }
0x4b: {  	_ =	shalt  }
0x4c: {  	_ =	shalt  }
0x4d: {  	_ =	shalt  }
0x4e: {  	_ =	shalt  }
0x4f: {  	_ =	shalt  }
0x50: {  	_ =	shalt  }
0x51: {  	_ =	shalt  }
0x52: {  	_ =	shalt  }
0x53: {  	_ =	shalt  }
0x54: {  	_ =	shalt  }
0x55: {  	_ =	shalt  }
0x56: {  	_ =	shalt  }
0x57: {  	_ =	shalt  }
0x58: {  	_ =	shalt  }
0x59: {  	_ =	shalt  }
0x5a: {  	_ =	shalt  }
0x5b: {  	_ =	shalt  }
0x5c: {  	_ =	shalt  }
0x5d: {  	_ =	shalt  }
0x5e: {  	_ =	shalt  }
0x5f: {  	_ =	shalt  }
0x60: {  	_ =	shalt  }
0x61: {  	_ =	shalt  }
0x62: {  	_ =	shalt  }
0x63: {  	_ =	shalt  }
0x64: {  	_ =	shalt  }
0x65: {  	_ =	shalt  }
0x66: {  	_ =	shalt  }
0x67: {  	_ =	shalt  }
0x68: {  	_ =	shalt  }
0x69: {  	_ =	shalt  }
0x6a: {  	_ =	shalt  }
0x6b: {  	_ =	shalt  }
0x6c: {  	_ =	shalt  }
0x6d: {  	_ =	shalt  }
0x6e: {  	_ =	shalt  }
0x6f: {  	_ =	shalt  }
0x70: {  	_ =	shalt  }
0x71: {  	_ =	shalt  }
0x72: {  	_ =	shalt  }
0x73: {  	_ =	shalt  }
0x74: {  	_ =	shalt  }
0x75: {  	_ =	shalt  }
0x76: {  	_ =	shalt  }
0x77: {  	_ =	shalt  }
0x78: {  	_ =	shalt  }
0x79: {  	_ =	shalt  }
0x7a: {  	_ =	shalt  }
0x7b: {  	_ =	shalt  }
0x7c: {  	_ =	shalt  }
0x7d: {  	_ =	shalt  }
0x7e: {  	_ =	shalt  }
0x7f: {  	_ =	shalt  }
0x80: {  	_ =	shalt  }
0x81: {  	_ =	shalt  }
0x82: {  	_ =	shalt  }
0x83: {  	_ =	shalt  }
0x84: {  	_ =	shalt  }
0x85: {  	_ =	shalt  }
0x86: {  	_ =	shalt  }
0x87: {  	_ =	shalt  }
.Lfunc_end0:
.L_simem_size_0:
called_computation.2_lowered:
.L_overlay_start_0:
0x88: {  	s2 =	sld [smem:$0x3FD9]  }
0x89: {  	s3 =	sld [smem:$0x3FFE];
	_ =	sdelay $0x1  }
0x8a: {  	s1 =	srdreg.scid  }
0x8b: {  	s0 =	sand.u32 $0x1, s1  }
0x8c: {  	s16 =	sshll.u32 s0, $0xA;
	s2 =	sadd.s32 s3, s2  }
0x8d: {  	s2 =	sadd.s32 s2, s16  }
0x8e: {  	[smem:$0x3FB8] =	sst s2  }
0x8f: {  	_ = 	snop  }
0x90: {  	(tm) =	ssettm $0x1  }
0x91: {  	s17 =	sld [smem:$0x3FFB];
	_ =	sdelay $0x3  }
0x92: {  	_ =	strace s17  }
0x93: {  	s2 =	sld [smem:$0x3FFC];
	_ =	sdelay $0x3  }
0x94: {  	_ =	strace s2  }
0x95: {  	s2 =	sld [smem:$0x3FFD];
	_ =	sdelay $0x3  }
0x96: {  	_ =	strace s2  }
0x97: {  	_ =	strace $0x8FFFFFFF  }
0x98: {  	s18 =	sld [smem:$0x3FDB];
	_ =	sdelay $0x1  }
0x99: {  	s19 =	simm.s32 $_scs_section_size  }
0x9a: {  	s4 =	simm.s32 $_size__tile_overlayer_lowered;
	s5 =	simm.s32 $_tile_overlayer_lowered  }
0x9b: {  	s22 =	simm.s32 $0x1BFF;
	s21 =	sshll.u32 s5, $0x1;
	s2 =	sadd.s32 s19, s18  }
0x9c: {  	s6 =	simm.s32 $0x0;
	s20 =	sshll.u32 s4, $0x1;
	s4 =	sadd.s32 s21, s2  }
0x9d: {  	[timem:s6], [sflag:s22] =	dma.local [hbm:s4], s20  }
0x9e: {  	_ =	swait.ge [sflag:s22], s20  }
0x9f: {  	s3 =	ssub.s32 $0x0, s20;
	[sflag:s22] =	ssyncset.done $0x0  }
0xa0: {  	[sflag:s22] =	ssyncadd.s32 s3;
	_ =	sdelay $0x1  }
0xa1: {  	s23 =	simm.s32 $0x1B8B  }
0xa2: {  	_ =	swait.ge [sflag:s23], $0x1  }
0xa3: {  	[sflag:s23] =	ssyncset.done $0x0  }
0xa4: {  	s25 =	simm.s32 $0x1B8E;
	s24 =	sld [smem:$0x3FFE];
	[sflag:s23] =	ssyncadd.s32 $0xFFFFFFFF  }
0xa5: {  	s26 =	simm.s32 $execute0_lowered;
	[smem:$0x3FD2] =	sst s25  }
0xa6: {  	s4 =	sshll.u32 s26, $0x1;
	_ =	strace $0x8000004C;
	[dreg:$0x1] =	wrdreg $0xFFFFFFFF  }
0xa7: {  	s28 =	simm.s32 $_size_execute0_lowered;
	s2 =	sadd.s32 s2, s4;
	[dreg:$0x0] =	wrdreg $0x0  }
0xa8: {  	s4 =	sshll.u32 s28, $0x1;
	[dreg:$0x2] =	wrdreg s2  }
0xa9: {  	[dreg:$0x3] =	wrdreg s4  }
0xaa: {  	[dreg:$0x4] =	wrdreg $0xC0  }
0xab: {  	_ =	task [dreg:s6], $0x5FFFF  }
0xac: {  	[dreg:$0x1] =	wrdreg $0xFFFFFFFF  }
0xad: {  	[dreg:$0x0] =	wrdreg $0x60  }
0xae: {  	[dreg:$0x2] =	wrdreg s24  }
0xaf: {  	[dreg:$0x3] =	wrdreg $0x7B000  }
0xb0: {  	[dreg:$0x4] =	wrdreg $0x9  }
0xb1: {  	_ =	task.clear_ibuf [dreg:s6], $0x5FFFF;
	_ =	strace $0x9000004C  }
0xb2: {  	s29 =	simm.s32 $0x9;
	_ =	strace $0x8000004E  }
0xb3: {  	_ =	swait.ge [sflag:s29], $0x1  }
0xb4: {  	[sflag:s29] =	ssyncadd.s32 $0xFFFFFFFF  }
0xb5: {  	_ =	strace $0x9000004E  }
0xb6: {  	_ =	sfence  }
0xb7: {  	s30 =	sld [smem:$0x0];
	_ =	sdelay $0x2  }
0xb8: {  	s31 =	sshll.u32 s1, $0xD;
	s1 =	sshrl.u32 s1, $0x2  }
0xb9: {  	s3 =	sand.u32 $0x4000, s31;
	s1 =	sadd.s32 s1, s30  }
0xba: {  	s0 =	sor.u32 s3, s0;
	s1 =	sshll.u32 s1, $0x11  }
0xbb: {  	s0 =	sor.u32 s1, s0  }
0xbc: {  	s0 =	sadd.s32 $0x8F2B, s0  }
0xbd: {  	[sflag:s0] =	ssyncadd.remote.s32 $0x1  }
0xbe: {  	_ =	sfence.sel $0xFFFF  }
0xbf: {  	[dreg:$0x0] =	wrdreg $0xFFFFFFFF;
	(pc) =	sbr.abs _section_cstart, $3  }
0xc0: {  	[dreg:$0x1] =	wrdreg $0xFFFFFFFF  }
0xc1: {  	_ =	task.clear_ibuf [dreg:s6], $0x2FFFF;
	_ =	strace $0x9FFFFFFF  }
0xc2: {  	(tm) =	ssettm $0x7FFFFFFF  }
0xc3: {  	_ =	shalt  }
tec
execute0_lowered:
.L_overlay_start_1:
0x0: {  	(tag) =	ssettag $0x1  }
0x1: {  	s0 =	rddreg [dreg:$0x0]  }
0x2: {  	s1 =	rddreg [dreg:$0x1];
	s2 =	srdreg.scid  }
0x3: {  	s3 =	simm.s32 $0x0;
	s5 =	stileid.u32;
	s31 =	simm.s32 $0x300  }
0x4: {  	s28 =	simm.s32 $0x0;
	s2 =	sand.u32 $0x1, s2;
	s7 =	smul.u32 $0x14000, s5  }
0x5: {  	[smem:$0x7FF] =	sst s3;
	s4 =	sadd.s32 $0x23000, s0;
	s9 =	smul.u32 $0x50000, s5  }
0x6: {  	s11 =	sadd.s32 $0x3C00, s0;
	s8 =	sshll.u32 s5, $0x1;
	s13 =	smul.u32 $0x7D00, s5  }
0x7: {  	s6 =	smul.u32 $0x140000, s2;
	_ =	strace $0x8000004D;
	s8 =	sor.u32 s2, s8  }
0x8: {  	s10 =	ssub.s32 $0x2, s2;
	s2 =	smul.u32 $0x3E80, s2;
	[dreg:$0x3] =	wrdreg s11  }
0x9: {  	s9 =	sshrl.u32 s9, $0x2;
	s8 =	smul.u32 $0x3E80, s8;
	s20 =	sshrl.u32 s10, $0x1  }
0xa: {  	s7 =	sadd.s32 s7, s6;
	s6 =	sadd.s32 $0x13600, s0;
	s30 =	sadd.s32 s9, s1  }
0xb: {  	s19 =	sadd.s32 s2, s13;
	s13 =	simm.s32 $0x2B00;
	s7 =	sshrl.u32 s7, $0x3  }
0xc: {  	s9 =	sadd.s32 $0x2800, s30;
	s8 =	sshrl.u32 s8, $0x3;
	[dreg:$0x4] =	wrdreg s30  }
0xd: {  	s21 =	sadd.s32 $0x5000, s30;
	s22 =	sadd.s32 $0x7800, s30;
	[dreg:$0x5] =	wrdreg s9  }
0xe: {  	s2 =	sadd.s32 $0x300, s19;
	s0 =	sadd.s32 s7, s0;
	[dreg:$0x6] =	wrdreg s21  }
0xf: {  	s7 =	ssub.s32 s10, s20;
	[dreg:$0x7] =	wrdreg s22;
	s23 =	sadd.s32 s11, s8  }
0x10: {  	s24 =	sadd.s32 s6, s8;
	s25 =	sadd.s32 $0x10, s8;
	[dreg:$0x8] =	wrdreg s23  }
0x11: {  	s26 =	sadd.s32 $0x20, s8;
	s21 =	sadd.s32 $0xA000, s30;
	[dreg:$0x9] =	wrdreg s24  }
0x12: {  	s20 =	sadd.s32 $0x280, s19;
	s22 =	sadd.s32 $0xC800, s30;
	[dreg:$0x14] =	wrdreg s21  }
0x13: {  	s12 =	sadd.s32 s11, s25;
	s9 =	sadd.s32 s6, s25;
	[dreg:$0x15] =	wrdreg s22  }
0x14: {  	s29 =	sadd.s32 s11, s26;
	s10 =	sadd.s32 s6, s26;
	[dreg:$0xa] =	wrdreg s12  }
0x15: {  	s0 =	sadd.s32 $0x4A200, s0;
	s18 =	smax.u32 s7, $0x1;
	[dreg:$0xb] =	wrdreg s9  }
0x16: {  	s23 =	sshrl.u32 s2, $0x3;
	s24 =	sshrl.u32 s20, $0x3;
	[dreg:$0xc] =	wrdreg s29  }
0x17: {  	s26 =	sadd.s32 $0xF000, s30;
	s2 =	simm.s32 $0x180;
	[dreg:$0xd] =	wrdreg s10  }
0x18: {  	s20 =	simm.s32 $0x5;
	s21 =	simm.s32 $0x8;
	[dreg:$0x12] =	wrdreg s0  }
0x19: {  	s22 =	simm.s32 $0x6;
	s12 =	sadd.s32 $0x30, s8;
	[dreg:$0x13] =	wrdreg s18  }
0x1a: {  	s8 =	sadd.s32 $0x7C0, s8;
	s0 =	sadd.s32 $0x200, s19;
	[dreg:$0x16] =	wrdreg s26  }
0x1b: {  	s29 =	sadd.s32 $0x11800, s30;
	s9 =	simm.s32 $0x200;
	s10 =	simm.s32 $0x1  }
0x1c: {  	s18 =	simm.s32 $0x5300;
	s19 =	simm.s32 $0x7;
	s26 =	simm.s32 $0x9  }
0x1d: {  	s14 =	sadd.s32 s11, s12;
	s15 =	sadd.s32 s6, s12;
	[dreg:$0x17] =	wrdreg s29  }
0x1e: {  	s16 =	sadd.s32 s11, s8;
	s17 =	sadd.s32 s6, s8;
	[dreg:$0xe] =	wrdreg s14  }
0x1f: {  	s25 =	sshrl.u32 s0, $0x3;
	s0 =	simm.s32 $0xA;
	[dreg:$0xf] =	wrdreg s15  }
0x20: {  	s8 =	simm.s32 $0x80;
	s11 =	simm.s32 $0x50;
	[dreg:$0x10] =	wrdreg s16  }
0x21: {  	s12 =	simm.s32 $0x2;
	[dreg:$0x11] =	wrdreg s17;
	s14 =	simm.s32 $0x100  }
0x22: {  	v0 =	vimm.f32 $0.0e+00;
	s15 =	simm.s32 $0x280;
	s16 =	simm.s32 $0x4;
	s17 =	simm.s32 $0x3  }
.LBB2_1:
0x23: {  	s7 =	simm.s32 $0x0;
	s29 =	simm.s32 $0x200  }
.LBB2_2:
0x24: {  	p0 =	sne.s32 s29, $0x9E00;
	[tilespmem:s7+$0x370] =	vst v0  }
0x25: {  	[tilespmem:s7+$0x300] =	vst v0  }
0x26: {  	[tilespmem:s7+$0x310] =	vst v0  }
.Ltmp0:
0x27: {  	[tilespmem:s7+$0x320] =	vst v0;
	(pc) =	sbr.rel @p0 .LBB2_2-.Ltmp0, $4  }
0x28: {  	[tilespmem:s7+$0x330] =	vst v0  }
0x29: {  	[tilespmem:s7+$0x340] =	vst v0  }
0x2a: {  	[tilespmem:s7+$0x350] =	vst v0  }
0x2b: {  	[tilespmem:s7+$0x360] =	vst v0;
	s7 =	sshra.s32 s29, $0x2;
	s29 =	sadd.s32 $0x200, s29  }
0x2c: {  	[tilespmem:s7+$0x370] =	vst v0  }
0x2d: {  	[tilespmem:s7+$0x300] =	vst v0  }
0x2e: {  	[tilespmem:s7+$0x310] =	vst v0  }
0x2f: {  	[tilespmem:s7+$0x320] =	vst v0  }
0x30: {  	[tilespmem:s7+$0x330] =	vst v0  }
0x31: {  	[tilespmem:s7+$0x340] =	vst v0  }
0x32: {  	[tilespmem:s7+$0x350] =	vst v0  }
0x33: {  	[tilespmem:s7+$0x360] =	vst v0  }
0x34: {  	[spmem:s30] =	stream.linear.scatter [tilespmem:s31], [sflag:$0xA], $0x2800, $0x38;
	[tilespmem:$0x1BB00] =	vst v63  }
0x35: {  	_ =	swait.ge [sflag:s0], $0x2800  }
0x36: {  	[sflag:s0] =	ssyncset.done $0x0  }
0x37: {  	s5 =	rddreg [dreg:$0x5];
	[sflag:s0] =	ssyncadd.s32 $0xFFFFD800  }
0x38: {  	[spmem:s5] =	stream.linear.scatter [tilespmem:s31], [sflag:$0xA], $0x2800, $0x38;
	[tilespmem:$0x1BB00] =	vst v63  }
0x39: {  	_ =	swait.ge [sflag:s0], $0x2800  }
0x3a: {  	[sflag:s0] =	ssyncset.done $0x0  }
0x3b: {  	s7 =	rddreg [dreg:$0x6];
	[sflag:s0] =	ssyncadd.s32 $0xFFFFD800  }
0x3c: {  	[spmem:s7] =	stream.linear.scatter [tilespmem:s31], [sflag:$0xA], $0x2800, $0x38;
	[tilespmem:$0x1BB00] =	vst v63  }
0x3d: {  	_ =	swait.ge [sflag:s0], $0x2800  }
0x3e: {  	[sflag:s0] =	ssyncset.done $0x0  }
0x3f: {  	s7 =	rddreg [dreg:$0x7];
	[sflag:s0] =	ssyncadd.s32 $0xFFFFD800  }
0x40: {  	[spmem:s7] =	stream.linear.scatter [tilespmem:s31], [sflag:$0xA], $0x2800, $0x38;
	[tilespmem:$0x1BB00] =	vst v63  }
0x41: {  	_ =	swait.ge [sflag:s0], $0x2800  }
0x42: {  	[sflag:s0] =	ssyncset.done $0x0  }
0x43: {  	s7 =	rddreg [dreg:$0x14];
	[sflag:s0] =	ssyncadd.s32 $0xFFFFD800  }
0x44: {  	[spmem:s7] =	stream.linear.scatter [tilespmem:s31], [sflag:$0xA], $0x2800, $0x38;
	[tilespmem:$0x1BB00] =	vst v63  }
0x45: {  	_ =	swait.ge [sflag:s0], $0x2800  }
0x46: {  	[sflag:s0] =	ssyncset.done $0x0  }
0x47: {  	s7 =	rddreg [dreg:$0x15];
	[sflag:s0] =	ssyncadd.s32 $0xFFFFD800  }
0x48: {  	[spmem:s7] =	stream.linear.scatter [tilespmem:s31], [sflag:$0xA], $0x2800, $0x38;
	[tilespmem:$0x1BB00] =	vst v63  }
0x49: {  	_ =	swait.ge [sflag:s0], $0x2800  }
0x4a: {  	[sflag:s0] =	ssyncset.done $0x0  }
0x4b: {  	s7 =	rddreg [dreg:$0x16];
	[sflag:s0] =	ssyncadd.s32 $0xFFFFD800  }
0x4c: {  	[spmem:s7] =	stream.linear.scatter [tilespmem:s31], [sflag:$0xA], $0x2800, $0x38;
	[tilespmem:$0x1BB00] =	vst v63  }
0x4d: {  	_ =	swait.ge [sflag:s0], $0x2800  }
0x4e: {  	[sflag:s0] =	ssyncset.done $0x0  }
0x4f: {  	s7 =	rddreg [dreg:$0x17];
	[sflag:s0] =	ssyncadd.s32 $0xFFFFD800  }
0x50: {  	[spmem:s7] =	stream.linear.scatter [tilespmem:s31], [sflag:$0xA], $0x2800, $0x38;
	[tilespmem:$0x1BB00] =	vst v63  }
0x51: {  	_ =	swait.ge [sflag:s0], $0x2800  }
0x52: {  	[sflag:s0] =	ssyncset.done $0x0  }
0x53: {  	[sflag:s0] =	ssyncadd.s32 $0xFFFFD800  }
0x54: {  	[bflag:$0x0] =	sbarrier.arrive $0xFFFF  }
0x55: {  	s7 =	rddreg [dreg:$0x8]  }
0x56: {  	[tilespmem:s3], [sflag:$0x1] =	stream.linear.gather [hbm4b:s7+s3], $0x80, $0x38;
	[tilespmem:$0x1BB00] =	vst v63  }
0x57: {  	s7 =	rddreg [dreg:$0x9]  }
0x58: {  	[tilespmem:s2], [sflag:$0x1] =	stream.linear.gather [hbm4b:s7+s3], $0x80, $0x38;
	[tilespmem:$0x1BB00] =	vst v63  }
0x59: {  	s7 =	rddreg [dreg:$0xa]  }
0x5a: {  	[tilespmem:s8], [sflag:$0x2] =	stream.linear.gather [hbm4b:s7+s3], $0x80, $0x38;
	[tilespmem:$0x1BB00] =	vst v63  }
0x5b: {  	s7 =	rddreg [dreg:$0xb]  }
0x5c: {  	[tilespmem:s9], [sflag:$0x2] =	stream.linear.gather [hbm4b:s7+s3], $0x80, $0x38;
	[tilespmem:$0x1BB00] =	vst v63  }
0x5d: {  	_ =	swait.ge [sflag:s10], $0x80  }
0x5e: {  	[sflag:s10] =	ssyncset.done $0x0  }
0x5f: {  	[sflag:s10] =	ssyncadd.s32 $0xFFFFFF80  }
0x60: {  	_ =	swait.ge [sflag:s10], $0x80  }
0x61: {  	[sflag:s10] =	ssyncset.done $0x0  }
0x62: {  	[sflag:s10] =	ssyncadd.s32 $0xFFFFFF80  }
0x63: {  	[tilespmem:s31], [sflag:$0x4] =	stream.indirect.gather [hbm4b:s4+s11], $0x80, s3, s11, $0xb8;
	[tilespmem:$0x1BB00] =	vst v63  }
0x64: {  	_ =	swait.ge [sflag:s12], $0x80  }
0x65: {  	[sflag:s12] =	ssyncset.done $0x0  }
0x66: {  	[sflag:s12] =	ssyncadd.s32 $0xFFFFFF80  }
0x67: {  	_ =	swait.ge [sflag:s12], $0x80  }
0x68: {  	[sflag:s12] =	ssyncset.done $0x0  }
0x69: {  	[sflag:s12] =	ssyncadd.s32 $0xFFFFFF80  }
0x6a: {  	[tilespmem:s13], [sflag:$0x5] =	stream.indirect.gather [hbm4b:s4+s11], $0x80, s8, s11, $0xb8;
	[tilespmem:$0x1BB00] =	vst v63  }
0x6b: {  	s7 =	rddreg [dreg:$0xc]  }
0x6c: {  	[tilespmem:s14], [sflag:$0x3] =	stream.linear.gather [hbm4b:s7+s3], $0x80, $0x38;
	[tilespmem:$0x1BB00] =	vst v63  }
0x6d: {  	s7 =	rddreg [dreg:$0xd]  }
0x6e: {  	[tilespmem:s15], [sflag:$0x3] =	stream.linear.gather [hbm4b:s7+s3], $0x80, $0x38;
	[tilespmem:$0x1BB00] =	vst v63  }
0x6f: {  	_ =	swait.ge [sflag:s16], $0x2800  }
0x70: {  	[sflag:s16] =	ssyncset.done $0x0  }
0x71: {  	[sflag:s16] =	ssyncadd.s32 $0xFFFFD800  }
0x72: {  	[spmem:s1] =	stream.indirect.scatter.add.f32 [tilespmem:s31], [sflag:$0x7], $0x80, s2, s11, $0xb8;
	[tilespmem:$0x1BB00] =	vst v63  }
0x73: {  	_ =	swait.ge [sflag:s17], $0x80  }
0x74: {  	[sflag:s17] =	ssyncset.done $0x0  }
0x75: {  	[sflag:s17] =	ssyncadd.s32 $0xFFFFFF80  }
0x76: {  	_ =	swait.ge [sflag:s17], $0x80  }
0x77: {  	[sflag:s17] =	ssyncset.done $0x0  }
0x78: {  	[sflag:s17] =	ssyncadd.s32 $0xFFFFFF80  }
0x79: {  	[tilespmem:s18], [sflag:$0x6] =	stream.indirect.gather [hbm4b:s4+s11], $0x80, s14, s11, $0xb8;
	[tilespmem:$0x1BB00] =	vst v63  }
0x7a: {  	_ =	swait.ge [sflag:s19], $0x2800  }
0x7b: {  	[sflag:s19] =	ssyncset.done $0x0  }
0x7c: {  	s7 =	rddreg [dreg:$0xe];
	[sflag:s19] =	ssyncadd.s32 $0xFFFFD800  }
0x7d: {  	[tilespmem:s3], [sflag:$0x1] =	stream.linear.gather [hbm4b:s7+s3], $0x80, $0x38;
	[tilespmem:$0x1BB00] =	vst v63  }
0x7e: {  	s7 =	rddreg [dreg:$0xf]  }
0x7f: {  	[tilespmem:s2], [sflag:$0x1] =	stream.linear.gather [hbm4b:s7+s3], $0x80, $0x38;
	[tilespmem:$0x1BB00] =	vst v63  }
0x80: {  	_ =	swait.ge [sflag:s20], $0x2800  }
0x81: {  	[sflag:s20] =	ssyncset.done $0x0  }
0x82: {  	[sflag:s20] =	ssyncadd.s32 $0xFFFFD800  }
0x83: {  	[spmem:s1] =	stream.indirect.scatter.add.f32 [tilespmem:s13], [sflag:$0x8], $0x80, s9, s11, $0xb8;
	[tilespmem:$0x1BB00] =	vst v63  }
0x84: {  	_ =	swait.ge [sflag:s10], $0x80  }
0x85: {  	[sflag:s10] =	ssyncset.done $0x0  }
0x86: {  	[sflag:s10] =	ssyncadd.s32 $0xFFFFFF80  }
0x87: {  	_ =	swait.ge [sflag:s10], $0x80  }
0x88: {  	[sflag:s10] =	ssyncset.done $0x0  }
0x89: {  	[sflag:s10] =	ssyncadd.s32 $0xFFFFFF80  }
0x8a: {  	[tilespmem:s31], [sflag:$0x4] =	stream.indirect.gather [hbm4b:s4+s11], $0x80, s3, s11, $0xb8;
	[tilespmem:$0x1BB00] =	vst v63  }
0x8b: {  	_ =	swait.ge [sflag:s21], $0x2800  }
0x8c: {  	[sflag:s21] =	ssyncset.done $0x0;
	s5 =	rddreg [dreg:$0x3]  }
0x8d: {  	[sflag:s21] =	ssyncadd.s32 $0xFFFFD800;
	s7 =	sadd.s32 s5, s25  }
0x8e: {  	[tilespmem:s8], [sflag:$0x2] =	stream.linear.gather [hbm4b:s7+s3], $0x80, $0x38;
	[tilespmem:$0x1BB00] =	vst v63  }
0x8f: {  	s7 =	sadd.s32 s6, s25  }
0x90: {  	[tilespmem:s9], [sflag:$0x2] =	stream.linear.gather [hbm4b:s7+s3], $0x80, $0x38;
	[tilespmem:$0x1BB00] =	vst v63  }
0x91: {  	_ =	swait.ge [sflag:s22], $0x2800  }
0x92: {  	[sflag:s22] =	ssyncset.done $0x0  }
0x93: {  	[sflag:s22] =	ssyncadd.s32 $0xFFFFD800  }
0x94: {  	[spmem:s1] =	stream.indirect.scatter.add.f32 [tilespmem:s18], [sflag:$0x9], $0x80, s15, s11, $0xb8;
	[tilespmem:$0x1BB00] =	vst v63  }
0x95: {  	_ =	swait.ge [sflag:s12], $0x80  }
0x96: {  	[sflag:s12] =	ssyncset.done $0x0  }
0x97: {  	[sflag:s12] =	ssyncadd.s32 $0xFFFFFF80  }
0x98: {  	_ =	swait.ge [sflag:s12], $0x80  }
0x99: {  	[sflag:s12] =	ssyncset.done $0x0  }
0x9a: {  	[sflag:s12] =	ssyncadd.s32 $0xFFFFFF80  }
0x9b: {  	[tilespmem:s13], [sflag:$0x5] =	stream.indirect.gather [hbm4b:s4+s11], $0x80, s8, s11, $0xb8;
	[tilespmem:$0x1BB00] =	vst v63  }
0x9c: {  	_ =	swait.ge [sflag:s26], $0x2800  }
0x9d: {  	[sflag:s26] =	ssyncset.done $0x0  }
0x9e: {  	s7 =	sadd.s32 s5, s24;
	[sflag:s26] =	ssyncadd.s32 $0xFFFFD800  }
0x9f: {  	[tilespmem:s14], [sflag:$0x3] =	stream.linear.gather [hbm4b:s7+s3], $0x80, $0x38;
	[tilespmem:$0x1BB00] =	vst v63  }
0xa0: {  	s7 =	sadd.s32 s6, s24  }
0xa1: {  	[tilespmem:s15], [sflag:$0x3] =	stream.linear.gather [hbm4b:s7+s3], $0x80, $0x38;
	[tilespmem:$0x1BB00] =	vst v63  }
0xa2: {  	_ =	swait.ge [sflag:s16], $0x2800  }
0xa3: {  	[sflag:s16] =	ssyncset.done $0x0  }
0xa4: {  	[sflag:s16] =	ssyncadd.s32 $0xFFFFD800  }
0xa5: {  	[spmem:s1] =	stream.indirect.scatter.add.f32 [tilespmem:s31], [sflag:$0x7], $0x80, s2, s11, $0xb8;
	[tilespmem:$0x1BB00] =	vst v63  }
0xa6: {  	_ =	swait.ge [sflag:s17], $0x80  }
0xa7: {  	[sflag:s17] =	ssyncset.done $0x0  }
0xa8: {  	[sflag:s17] =	ssyncadd.s32 $0xFFFFFF80  }
0xa9: {  	_ =	swait.ge [sflag:s17], $0x80  }
0xaa: {  	[sflag:s17] =	ssyncset.done $0x0  }
0xab: {  	[sflag:s17] =	ssyncadd.s32 $0xFFFFFF80  }
0xac: {  	[tilespmem:s18], [sflag:$0x6] =	stream.indirect.gather [hbm4b:s4+s11], $0x80, s14, s11, $0xb8;
	[tilespmem:$0x1BB00] =	vst v63  }
0xad: {  	_ =	swait.ge [sflag:s19], $0x2800  }
0xae: {  	[sflag:s19] =	ssyncset.done $0x0  }
0xaf: {  	s7 =	sadd.s32 s5, s23;
	[sflag:s19] =	ssyncadd.s32 $0xFFFFD800  }
0xb0: {  	[tilespmem:s3], [sflag:$0x1] =	stream.linear.gather [hbm4b:s7+s3], $0x80, $0x38;
	[tilespmem:$0x1BB00] =	vst v63  }
0xb1: {  	s7 =	sadd.s32 s6, s23  }
0xb2: {  	[tilespmem:s2], [sflag:$0x1] =	stream.linear.gather [hbm4b:s7+s3], $0x80, $0x38;
	[tilespmem:$0x1BB00] =	vst v63  }
0xb3: {  	_ =	swait.ge [sflag:s20], $0x2800  }
0xb4: {  	[sflag:s20] =	ssyncset.done $0x0  }
0xb5: {  	[sflag:s20] =	ssyncadd.s32 $0xFFFFD800  }
0xb6: {  	[spmem:s1] =	stream.indirect.scatter.add.f32 [tilespmem:s13], [sflag:$0x8], $0x80, s9, s11, $0xb8;
	[tilespmem:$0x1BB00] =	vst v63  }
0xb7: {  	_ =	swait.ge [sflag:s10], $0x80  }
0xb8: {  	[sflag:s10] =	ssyncset.done $0x0  }
0xb9: {  	[sflag:s10] =	ssyncadd.s32 $0xFFFFFF80  }
0xba: {  	_ =	swait.ge [sflag:s10], $0x80  }
0xbb: {  	s29 =	simm.s32 $0x27;
	[sflag:s10] =	ssyncset.done $0x0  }
0xbc: {  	s30 =	sadd.s32 $0x30, s6;
	s7 =	sadd.s32 $0x30, s5;
	[sflag:s10] =	ssyncadd.s32 $0xFFFFFF80  }
.LBB2_4:
0xbd: {  	[tilespmem:s31], [sflag:$0x4] =	stream.indirect.gather [hbm4b:s4+s11], $0x80, s3, s11, $0xb8;
	[tilespmem:$0x1BB00] =	vst v63  }
0xbe: {  	p0 =	sne.s32 s29, $0x1;
	s29 =	sadd.s32 $0xFFFFFFFF, s29;
	_ =	swait.ge [sflag:s21], $0x2800  }
0xbf: {  	[sflag:s21] =	ssyncset.done $0x0  }
0xc0: {  	s5 =	sadd.s32 s7, s25;
	[sflag:s21] =	ssyncadd.s32 $0xFFFFD800  }
0xc1: {  	[tilespmem:s8], [sflag:$0x2] =	stream.linear.gather [hbm4b:s5+s3], $0x80, $0x38;
	[tilespmem:$0x1BB00] =	vst v63  }
0xc2: {  	s5 =	sadd.s32 s30, s25  }
0xc3: {  	[tilespmem:s9], [sflag:$0x2] =	stream.linear.gather [hbm4b:s5+s3], $0x80, $0x38;
	[tilespmem:$0x1BB00] =	vst v63  }
0xc4: {  	_ =	swait.ge [sflag:s22], $0x2800  }
0xc5: {  	[sflag:s22] =	ssyncset.done $0x0  }
0xc6: {  	[sflag:s22] =	ssyncadd.s32 $0xFFFFD800  }
0xc7: {  	[spmem:s1] =	stream.indirect.scatter.add.f32 [tilespmem:s18], [sflag:$0x9], $0x80, s15, s11, $0xb8;
	[tilespmem:$0x1BB00] =	vst v63  }
0xc8: {  	_ =	swait.ge [sflag:s12], $0x80  }
0xc9: {  	[sflag:s12] =	ssyncset.done $0x0  }
0xca: {  	[sflag:s12] =	ssyncadd.s32 $0xFFFFFF80  }
0xcb: {  	_ =	swait.ge [sflag:s12], $0x80  }
0xcc: {  	[sflag:s12] =	ssyncset.done $0x0  }
0xcd: {  	[sflag:s12] =	ssyncadd.s32 $0xFFFFFF80  }
0xce: {  	[tilespmem:s13], [sflag:$0x5] =	stream.indirect.gather [hbm4b:s4+s11], $0x80, s8, s11, $0xb8;
	[tilespmem:$0x1BB00] =	vst v63  }
0xcf: {  	_ =	swait.ge [sflag:s26], $0x2800  }
0xd0: {  	[sflag:s26] =	ssyncset.done $0x0  }
0xd1: {  	s5 =	sadd.s32 s7, s24;
	[sflag:s26] =	ssyncadd.s32 $0xFFFFD800  }
0xd2: {  	[tilespmem:s14], [sflag:$0x3] =	stream.linear.gather [hbm4b:s5+s3], $0x80, $0x38;
	[tilespmem:$0x1BB00] =	vst v63  }
0xd3: {  	s5 =	sadd.s32 s30, s24  }
0xd4: {  	[tilespmem:s15], [sflag:$0x3] =	stream.linear.gather [hbm4b:s5+s3], $0x80, $0x38;
	[tilespmem:$0x1BB00] =	vst v63  }
0xd5: {  	_ =	swait.ge [sflag:s16], $0x2800  }
0xd6: {  	[sflag:s16] =	ssyncset.done $0x0  }
0xd7: {  	[sflag:s16] =	ssyncadd.s32 $0xFFFFD800  }
0xd8: {  	[spmem:s1] =	stream.indirect.scatter.add.f32 [tilespmem:s31], [sflag:$0x7], $0x80, s2, s11, $0xb8;
	[tilespmem:$0x1BB00] =	vst v63  }
0xd9: {  	_ =	swait.ge [sflag:s17], $0x80  }
0xda: {  	[sflag:s17] =	ssyncset.done $0x0  }
0xdb: {  	[sflag:s17] =	ssyncadd.s32 $0xFFFFFF80  }
0xdc: {  	_ =	swait.ge [sflag:s17], $0x80  }
0xdd: {  	[sflag:s17] =	ssyncset.done $0x0  }
0xde: {  	[sflag:s17] =	ssyncadd.s32 $0xFFFFFF80  }
0xdf: {  	[tilespmem:s18], [sflag:$0x6] =	stream.indirect.gather [hbm4b:s4+s11], $0x80, s14, s11, $0xb8;
	[tilespmem:$0x1BB00] =	vst v63  }
0xe0: {  	_ =	swait.ge [sflag:s19], $0x2800  }
0xe1: {  	[sflag:s19] =	ssyncset.done $0x0  }
0xe2: {  	s5 =	sadd.s32 s7, s23;
	[sflag:s19] =	ssyncadd.s32 $0xFFFFD800  }
0xe3: {  	[tilespmem:s3], [sflag:$0x1] =	stream.linear.gather [hbm4b:s5+s3], $0x80, $0x38;
	[tilespmem:$0x1BB00] =	vst v63  }
0xe4: {  	s5 =	sadd.s32 s30, s23  }
0xe5: {  	[tilespmem:s2], [sflag:$0x1] =	stream.linear.gather [hbm4b:s5+s3], $0x80, $0x38;
	[tilespmem:$0x1BB00] =	vst v63  }
0xe6: {  	_ =	swait.ge [sflag:s20], $0x2800  }
0xe7: {  	[sflag:s20] =	ssyncset.done $0x0  }
0xe8: {  	[sflag:s20] =	ssyncadd.s32 $0xFFFFD800  }
0xe9: {  	[spmem:s1] =	stream.indirect.scatter.add.f32 [tilespmem:s13], [sflag:$0x8], $0x80, s9, s11, $0xb8;
	[tilespmem:$0x1BB00] =	vst v63  }
0xea: {  	_ =	swait.ge [sflag:s10], $0x80  }
.Ltmp1:
0xeb: {  	[sflag:s10] =	ssyncset.done $0x0;
	(pc) =	sbr.rel @p0 .LBB2_4-.Ltmp1, $4  }
0xec: {  	[sflag:s10] =	ssyncadd.s32 $0xFFFFFF80  }
0xed: {  	_ =	swait.ge [sflag:s10], $0x80  }
0xee: {  	[sflag:s10] =	ssyncset.done $0x0  }
0xef: {  	s7 =	sadd.s32 $0x30, s7;
	s30 =	sadd.s32 $0x30, s30;
	[sflag:s10] =	ssyncadd.s32 $0xFFFFFF80  }
0xf0: {  	[tilespmem:s31], [sflag:$0x4] =	stream.indirect.gather [hbm4b:s4+s11], $0x80, s3, s11, $0xb8;
	[tilespmem:$0x1BB00] =	vst v63  }
0xf1: {  	_ =	swait.ge [sflag:s21], $0x2800  }
0xf2: {  	[sflag:s21] =	ssyncset.done $0x0  }
0xf3: {  	s5 =	rddreg [dreg:$0x10];
	[sflag:s21] =	ssyncadd.s32 $0xFFFFD800  }
0xf4: {  	[tilespmem:s8], [sflag:$0x2] =	stream.linear.gather [hbm4b:s5+s3], $0x80, $0x38;
	[tilespmem:$0x1BB00] =	vst v63  }
0xf5: {  	s29 =	rddreg [dreg:$0x11]  }
0xf6: {  	[tilespmem:s9], [sflag:$0x2] =	stream.linear.gather [hbm4b:s29+s3], $0x80, $0x38;
	[tilespmem:$0x1BB00] =	vst v63  }
0xf7: {  	_ =	swait.ge [sflag:s22], $0x2800  }
0xf8: {  	[sflag:s22] =	ssyncset.done $0x0  }
0xf9: {  	[sflag:s22] =	ssyncadd.s32 $0xFFFFD800  }
0xfa: {  	[spmem:s1] =	stream.indirect.scatter.add.f32 [tilespmem:s18], [sflag:$0x9], $0x80, s15, s11, $0xb8;
	[tilespmem:$0x1BB00] =	vst v63  }
0xfb: {  	_ =	swait.ge [sflag:s12], $0x80  }
0xfc: {  	[sflag:s12] =	ssyncset.done $0x0  }
0xfd: {  	[sflag:s12] =	ssyncadd.s32 $0xFFFFFF80  }
0xfe: {  	_ =	swait.ge [sflag:s12], $0x80  }
0xff: {  	[sflag:s12] =	ssyncset.done $0x0  }
0x100: {  	[sflag:s12] =	ssyncadd.s32 $0xFFFFFF80  }
0x101: {  	[tilespmem:s13], [sflag:$0x5] =	stream.indirect.gather [hbm4b:s4+s11], $0x80, s8, s11, $0xb8;
	[tilespmem:$0x1BB00] =	vst v63  }
0x102: {  	_ =	swait.ge [sflag:s26], $0x2800  }
0x103: {  	[sflag:s26] =	ssyncset.done $0x0  }
0x104: {  	[sflag:s26] =	ssyncadd.s32 $0xFFFFD800  }
0x105: {  	_ =	swait.ge [sflag:s16], $0x2800  }
0x106: {  	[sflag:s16] =	ssyncset.done $0x0  }
0x107: {  	[sflag:s16] =	ssyncadd.s32 $0xFFFFD800  }
0x108: {  	[spmem:s1] =	stream.indirect.scatter.add.f32 [tilespmem:s31], [sflag:$0x7], $0x80, s2, s11, $0xb8;
	[tilespmem:$0x1BB00] =	vst v63  }
0x109: {  	_ =	swait.ge [sflag:s19], $0x2800  }
0x10a: {  	[sflag:s19] =	ssyncset.done $0x0  }
0x10b: {  	[sflag:s19] =	ssyncadd.s32 $0xFFFFD800  }
0x10c: {  	_ =	swait.ge [sflag:s20], $0x2800  }
0x10d: {  	[sflag:s20] =	ssyncset.done $0x0  }
0x10e: {  	[sflag:s20] =	ssyncadd.s32 $0xFFFFD800  }
0x10f: {  	[spmem:s1] =	stream.indirect.scatter.add.f32 [tilespmem:s13], [sflag:$0x8], $0x80, s9, s11, $0xb8;
	[tilespmem:$0x1BB00] =	vst v63  }
0x110: {  	_ =	swait.ge [sflag:s21], $0x2800  }
0x111: {  	[sflag:s21] =	ssyncset.done $0x0  }
0x112: {  	[sflag:s21] =	ssyncadd.s32 $0xFFFFD800  }
0x113: {  	s7 =	stileid.u32;
	[bflag:$0x0] =	sbarrier.arrive $0xFFFF  }
0x114: {  	s5 =	sshll.u32 s7, $0x6;
	s30 =	rddreg [dreg:$0x4]  }
0x115: {  	s5 =	sor.u32 $0x1C0A, s5;
	s29 =	rddreg [dreg:$0x12];
	s7 =	sshrl.u32 s30, $0x3  }
0x116: {  	[hbm:s29], [sflag:s5] =	dma.local [spmem:s7], $0x2800  }
0x117: {  	_ =	swait.ge [sflag:s0], $0x2800  }
0x118: {  	s28 =	sadd.s32 $0x1, s28;
	s29 =	rddreg [dreg:$0x13]  }
0x119: {  	p0 =	sne.s32 s28, s29  }
.Ltmp2:
0x11a: {  	_ = 	snop;
	(pc) =	sbr.rel @p0 .LBB2_1-.Ltmp2, $3  }
0x11b: {  	_ =	sdelay $0x1  }
0x11c: {  	[sflag:s0] =	ssyncset.done $0x0  }
0x11d: {  	[sflag:s0] =	ssyncadd.s32 $0xFFFFD800  }
0x11e: {  	_ =	sfence.sel $0x180000  }
0x11f: {  	[bflag:$0x0] =	sbarrier.arrive $0xFFFF  }
0x120: {  	_ =	strace $0x9000004D  }
0x121: {  	s0 =	stileid.u32;
	[bflag:$0x2] =	sbarrier.arrive $0xFFFF  }
0x122: {  	p0 =	sne.s32 s0, $0x0;
	s0 =	rddreg [dreg:$0x2]  }
0x123: {  	s0 =	sadd.s32 @!p0 $0x100000, s0  }
0x124: {  	[sflag:s0] =	ssyncadd.tile.s32 @!p0 $0x1;
	_ =	shalt  }
.Lfunc_end2:
_tile_overlayer_lowered:
.L_overlay_start_2:
0x125: {  	(tag) =	ssettag $0x2  }
0x126: {  	s0 =	rddreg [dreg:$0x0];
	s2 =	stileid.u32  }
0x127: {  	s1 =	rddreg [dreg:$0x1];
	p0 =	sne.s32 s2, $0x0  }
0x128: {  	s3 =	rddreg [dreg:$0x2];
	[bflag:$0x3] =	sbarrier.arrive $0xFFFF;
	s2 =	simm.s32 @!p0 $0x1C0A  }
0x129: {  	[timem:s3], [sflag:s2] =	dma.local @!p0 [hbm:s0], s1  }
0x12a: {  	s0 =	simm.s32 @!p0 $0xA  }
0x12b: {  	_ =	swait.ge @!p0 [sflag:s0], s1  }
0x12c: {  	s1 =	ssub.s32 @!p0 $0x0, s1;
	[sflag:s0] =	ssyncset.done @!p0 $0x0  }
0x12d: {  	[sflag:s0] =	ssyncadd.s32 @!p0 s1  }
0x12e: {  	[bflag:$0x3] =	sbarrier.arrive $0xFFFF  }
0x12f: {  	_ =	shalt  }

// kernel: kernel.9.cloned.1.call-start
scs
__scs_entry_jumppad:
0x0: {  	(pc) =	sbr.rel $0x88, $3  }
0x1: {  	(tag) =	ssettag $0x0;
	lr =	simm.s32 $0x1  }
0x2: {  	[smem:$0x3F91] =	sst lr;
	_ =	strace $0xD0000000  }
0x3: {  	_ = 	snop  }
0x4: {  	_ = 	snop  }
0x5: {  	_ = 	snop  }
0x6: {  	_ = 	snop  }
0x7: {  	_ = 	snop  }
__scs_overlays_trampoline_lowered:
0x8: {  	[smem:$0x3FA0] =	sst s0  }
0x9: {  	[smem:$0x3FA1] =	sst s1  }
0xa: {  	[smem:$0x3FA2] =	sst s2  }
0xb: {  	[smem:$0x3FA3] =	sst s3  }
0xc: {  	[smem:$0x3FA4] =	sst s4  }
0xd: {  	[smem:$0x3FA5] =	sst s5  }
0xe: {  	[smem:$0x3FA6] =	sst s6  }
0xf: {  	[smem:$0x3FA7] =	sst s7  }
0x10: {  	[smem:$0x3FA8] =	sst s8  }
0x11: {  	[smem:$0x3FA9] =	sst s9;
	s0 =	simm.s32 @!p0 $0x0  }
0x12: {  	s1 =	sld [smem:$0x3F8F];
	s0 =	simm.s32 @p0 $0x1  }
0x13: {  	[smem:$0x3FAA] =	sst s0;
	s0 =	simm.s32 @!p1 $0x0  }
0x14: {  	s2 =	sld [smem:$0x3F8E];
	s0 =	simm.s32 @p1 $0x1  }
0x15: {  	[smem:$0x3FAB] =	sst s0;
	s0 =	simm.s32 @!p2 $0x0  }
0x16: {  	s3 =	sld [smem:$0x3FDB];
	s0 =	simm.s32 @p2 $0x1  }
0x17: {  	s4 =	simm.s32 $0x1BF5;
	[smem:$0x3FAD] =	sst s0  }
0x18: {  	s0 =	sld [smem:$0x3F90];
	_ =	swait.ge [sflag:s4], $0x0  }
0x19: {  	s7 =	sld [smem:$0x3F91]  }
0x1a: {  	s8 =	sadd.s32 $0xFFFFE003, lr  }
0x1b: {  	s9 =	sadd.s32 $0xFFFFFEF7, lr;
	s5 =	simm.s32 $0xFFFFFFFF;
	p2 =	slt.u32 s8, $0xFFFFF086  }
0x1c: {  	p1 =	slt.u32 s9, $0xF7A;
	s5 =	simm.s32 @!p2 $0x0  }
0x1d: {  	s5 =	simm.s32 @p1 $0x1;
	p0 =	seq.s32 s7, s2  }
0x1e: {  	s7 =	smul.u32 @!p0 $0xF7A, s2;
	p2 =	seq.s32 @!p0 s5, $0x0  }
0x1f: {  	s9 =	smul.u32 $0xF7A, s1;
	s8 =	simm.s32 @!p0 $0x1BF5;
	p2 =	por !p2, p0  }
0x20: {  	[sflag:s8] =	ssyncset.s32 @!p0 $0xFFFFF086;
	s6 =	sadd.s32 @!p0 s3, s7;
	s7 =	simm.s32 @!p0 $0x108  }
0x21: {  	s3 =	sadd.s32 s3, s9;
	s6 =	sadd.s32 @!p0 $0x88, s6;
	s7 =	simm.s32 @p2 $0x1082  }
0x22: {  	[simem:s7], [sflag:s8] =	dma.local @!p0 [hbm:s6], $0xF7A  }
0x23: {  	s9 =	sor.u32 $0xD0000000, s2;
	s6 =	simm.s32 $0x108;
	_ =	swait.ge @!p0 [sflag:s8], $0x0  }
0x24: {  	s3 =	sadd.s32 $0x88, s3;
	s6 =	simm.s32 @!p1 $0x1082;
	[sflag:s4] =	ssyncset.s32 $0xFFFFF086  }
0x25: {  	[simem:s6], [sflag:s4] =	dma.local [hbm:s3], $0xF7A  }
0x26: {  	[smem:$0x3F91] =	sst s1;
	(tag) =	ssettag s2;
	_ =	strace s9  }
0x27: {  	s1 =	sld [smem:$0x3FA1]  }
0x28: {  	s2 =	sld [smem:$0x3FA2]  }
0x29: {  	s4 =	sld [smem:$0x3FA4]  }
0x2a: {  	p0 =	seq.s32 s5, $0x0;
	s5 =	sld [smem:$0x3FA5]  }
0x2b: {  	s6 =	sld [smem:$0x3FA6]  }
0x2c: {  	s7 =	sld [smem:$0x3FA7]  }
0x2d: {  	s3 =	simm.s32 $0x108;
	s8 =	sld [smem:$0x3FA8]  }
0x2e: {  	s3 =	simm.s32 @!p0 $0x1082;
	s9 =	sld [smem:$0x3FA9]  }
0x2f: {  	lr =	sadd.s32 s0, s3;
	s0 =	sld [smem:$0x3FA0]  }
0x30: {  	s3 =	sld [smem:$0x3FA3]  }
0x31: {  	[smem:$0x3FAC] =	sst s10  }
0x32: {  	s10 =	sld [smem:$0x3FAA];
	_ =	sdelay $0x3  }
0x33: {  	p0 =	seq.s32 s10, $0x1;
	s10 =	sld [smem:$0x3FAC];
	_ =	sdelay $0x3  }
0x34: {  	[smem:$0x3FAC] =	sst s10  }
0x35: {  	s10 =	sld [smem:$0x3FAB];
	_ =	sdelay $0x3  }
0x36: {  	p1 =	seq.s32 s10, $0x1;
	s10 =	sld [smem:$0x3FAC];
	_ =	sdelay $0x3  }
0x37: {  	[smem:$0x3FAC] =	sst s10  }
0x38: {  	s10 =	sld [smem:$0x3FAD]  }
0x39: {  	_ = 	snop;
	(pc) =	sbr.ind lr, $3  }
0x3a: {  	_ = 	snop  }
0x3b: {  	_ = 	snop  }
0x3c: {  	p2 =	seq.s32 s10, $0x1;
	s10 =	sld [smem:$0x3FAC]  }
0x3d: {  	_ =	shalt  }
0x3e: {  	_ =	shalt  }
0x3f: {  	_ =	shalt  }
0x40: {  	_ =	shalt  }
0x41: {  	_ =	shalt  }
0x42: {  	_ =	shalt  }
0x43: {  	_ =	shalt  }
0x44: {  	_ =	shalt  }
0x45: {  	_ =	shalt  }
0x46: {  	_ =	shalt  }
0x47: {  	_ =	shalt  }
0x48: {  	_ =	shalt  }
0x49: {  	_ =	shalt  }
0x4a: {  	_ =	shalt  }
0x4b: {  	_ =	shalt  }
0x4c: {  	_ =	shalt  }
0x4d: {  	_ =	shalt  }
0x4e: {  	_ =	shalt  }
0x4f: {  	_ =	shalt  }
0x50: {  	_ =	shalt  }
0x51: {  	_ =	shalt  }
0x52: {  	_ =	shalt  }
0x53: {  	_ =	shalt  }
0x54: {  	_ =	shalt  }
0x55: {  	_ =	shalt  }
0x56: {  	_ =	shalt  }
0x57: {  	_ =	shalt  }
0x58: {  	_ =	shalt  }
0x59: {  	_ =	shalt  }
0x5a: {  	_ =	shalt  }
0x5b: {  	_ =	shalt  }
0x5c: {  	_ =	shalt  }
0x5d: {  	_ =	shalt  }
0x5e: {  	_ =	shalt  }
0x5f: {  	_ =	shalt  }
0x60: {  	_ =	shalt  }
0x61: {  	_ =	shalt  }
0x62: {  	_ =	shalt  }
0x63: {  	_ =	shalt  }
0x64: {  	_ =	shalt  }
0x65: {  	_ =	shalt  }
0x66: {  	_ =	shalt  }
0x67: {  	_ =	shalt  }
0x68: {  	_ =	shalt  }
0x69: {  	_ =	shalt  }
0x6a: {  	_ =	shalt  }
0x6b: {  	_ =	shalt  }
0x6c: {  	_ =	shalt  }
0x6d: {  	_ =	shalt  }
0x6e: {  	_ =	shalt  }
0x6f: {  	_ =	shalt  }
0x70: {  	_ =	shalt  }
0x71: {  	_ =	shalt  }
0x72: {  	_ =	shalt  }
0x73: {  	_ =	shalt  }
0x74: {  	_ =	shalt  }
0x75: {  	_ =	shalt  }
0x76: {  	_ =	shalt  }
0x77: {  	_ =	shalt  }
0x78: {  	_ =	shalt  }
0x79: {  	_ =	shalt  }
0x7a: {  	_ =	shalt  }
0x7b: {  	_ =	shalt  }
0x7c: {  	_ =	shalt  }
0x7d: {  	_ =	shalt  }
0x7e: {  	_ =	shalt  }
0x7f: {  	_ =	shalt  }
0x80: {  	_ =	shalt  }
0x81: {  	_ =	shalt  }
0x82: {  	_ =	shalt  }
0x83: {  	_ =	shalt  }
0x84: {  	_ =	shalt  }
0x85: {  	_ =	shalt  }
0x86: {  	_ =	shalt  }
0x87: {  	_ =	shalt  }
.Lfunc_end0:
.L_simem_size_0:
called_computation_lowered:
.L_overlay_start_0:
0x88: {  	s2 =	sld [smem:$0x3FD9]  }
0x89: {  	s3 =	sld [smem:$0x3FFE];
	_ =	sdelay $0x1  }
0x8a: {  	s1 =	srdreg.scid  }
0x8b: {  	s0 =	sand.u32 $0x1, s1  }
0x8c: {  	s16 =	sshll.u32 s0, $0xA;
	s2 =	sadd.s32 s3, s2  }
0x8d: {  	s2 =	sadd.s32 s2, s16  }
0x8e: {  	[smem:$0x3FB8] =	sst s2  }
0x8f: {  	_ = 	snop  }
0x90: {  	(tm) =	ssettm $0x1  }
0x91: {  	s17 =	sld [smem:$0x3FFB];
	_ =	sdelay $0x3  }
0x92: {  	_ =	strace s17  }
0x93: {  	s2 =	sld [smem:$0x3FFC];
	_ =	sdelay $0x3  }
0x94: {  	_ =	strace s2  }
0x95: {  	s2 =	sld [smem:$0x3FFD];
	_ =	sdelay $0x3  }
0x96: {  	_ =	strace s2  }
0x97: {  	_ =	strace $0x8FFFFFFF  }
0x98: {  	s18 =	sld [smem:$0x3FDB];
	_ =	sdelay $0x1  }
0x99: {  	s19 =	simm.s32 $_scs_section_size  }
0x9a: {  	s4 =	simm.s32 $_size__tile_overlayer_lowered;
	s5 =	simm.s32 $_tile_overlayer_lowered  }
0x9b: {  	s22 =	simm.s32 $0x1BFF;
	s21 =	sshll.u32 s5, $0x1;
	s2 =	sadd.s32 s19, s18  }
0x9c: {  	s6 =	simm.s32 $0x0;
	s20 =	sshll.u32 s4, $0x1;
	s4 =	sadd.s32 s21, s2  }
0x9d: {  	[timem:s6], [sflag:s22] =	dma.local [hbm:s4], s20  }
0x9e: {  	_ =	swait.ge [sflag:s22], s20  }
0x9f: {  	s3 =	ssub.s32 $0x0, s20;
	[sflag:s22] =	ssyncset.done $0x0  }
0xa0: {  	[sflag:s22] =	ssyncadd.s32 s3;
	_ =	sdelay $0x1  }
0xa1: {  	s23 =	simm.s32 $0x1B8B  }
0xa2: {  	_ =	swait.ge [sflag:s23], $0x1  }
0xa3: {  	[sflag:s23] =	ssyncset.done $0x0  }
0xa4: {  	s25 =	simm.s32 $0x1B8E;
	s24 =	sld [smem:$0x3FFE];
	[sflag:s23] =	ssyncadd.s32 $0xFFFFFFFF  }
0xa5: {  	s26 =	simm.s32 $execute0_lowered;
	[smem:$0x3FD2] =	sst s25  }
0xa6: {  	s4 =	sshll.u32 s26, $0x1;
	_ =	strace $0x80000046;
	[dreg:$0x1] =	wrdreg $0xFFFFFFFF  }
0xa7: {  	s28 =	simm.s32 $_size_execute0_lowered;
	s2 =	sadd.s32 s2, s4;
	[dreg:$0x0] =	wrdreg $0x0  }
0xa8: {  	s4 =	sshll.u32 s28, $0x1;
	[dreg:$0x2] =	wrdreg s2  }
0xa9: {  	[dreg:$0x3] =	wrdreg s4  }
0xaa: {  	[dreg:$0x4] =	wrdreg $0xC0  }
0xab: {  	_ =	task [dreg:s6], $0x5FFFF  }
0xac: {  	[dreg:$0x1] =	wrdreg $0xFFFFFFFF  }
0xad: {  	[dreg:$0x0] =	wrdreg $0x60  }
0xae: {  	[dreg:$0x2] =	wrdreg s24  }
0xaf: {  	[dreg:$0x3] =	wrdreg $0x7B000  }
0xb0: {  	[dreg:$0x4] =	wrdreg $0x9  }
0xb1: {  	_ =	task.clear_ibuf [dreg:s6], $0x5FFFF;
	_ =	strace $0x90000046  }
0xb2: {  	s29 =	simm.s32 $0x9;
	_ =	strace $0x80000048  }
0xb3: {  	_ =	swait.ge [sflag:s29], $0x1  }
0xb4: {  	[sflag:s29] =	ssyncadd.s32 $0xFFFFFFFF  }
0xb5: {  	_ =	strace $0x90000048  }
0xb6: {  	_ =	sfence  }
0xb7: {  	s30 =	sld [smem:$0x0];
	_ =	sdelay $0x2  }
0xb8: {  	s31 =	sshll.u32 s1, $0xD;
	s1 =	sshrl.u32 s1, $0x2  }
0xb9: {  	s3 =	sand.u32 $0x4000, s31;
	s1 =	sadd.s32 s1, s30  }
0xba: {  	s0 =	sor.u32 s3, s0;
	s1 =	sshll.u32 s1, $0x11  }
0xbb: {  	s0 =	sor.u32 s1, s0  }
0xbc: {  	s0 =	sadd.s32 $0x8F2B, s0  }
0xbd: {  	[sflag:s0] =	ssyncadd.remote.s32 $0x1  }
0xbe: {  	_ =	sfence.sel $0xFFFF  }
0xbf: {  	[dreg:$0x0] =	wrdreg $0xFFFFFFFF;
	(pc) =	sbr.abs _section_cstart, $3  }
0xc0: {  	[dreg:$0x1] =	wrdreg $0xFFFFFFFF  }
0xc1: {  	_ =	task.clear_ibuf [dreg:s6], $0x2FFFF;
	_ =	strace $0x9FFFFFFF  }
0xc2: {  	(tm) =	ssettm $0x7FFFFFFF  }
0xc3: {  	_ =	shalt  }
tec
execute0_lowered:
.L_overlay_start_1:
0x0: {  	(tag) =	ssettag $0x1  }
0x1: {  	s0 =	rddreg [dreg:$0x0]  }
0x2: {  	s1 =	rddreg [dreg:$0x1];
	s2 =	srdreg.scid  }
0x3: {  	s3 =	simm.s32 $0x0;
	s5 =	stileid.u32;
	s31 =	simm.s32 $0x300  }
0x4: {  	s28 =	simm.s32 $0x0;
	s2 =	sand.u32 $0x1, s2;
	s7 =	smul.u32 $0x14000, s5  }
0x5: {  	[smem:$0x7FF] =	sst s3;
	s4 =	sadd.s32 $0x23000, s0;
	s9 =	smul.u32 $0x50000, s5  }
0x6: {  	s11 =	sadd.s32 $0x3C00, s0;
	s8 =	sshll.u32 s5, $0x1;
	s13 =	smul.u32 $0x7D00, s5  }
0x7: {  	s6 =	smul.u32 $0x140000, s2;
	_ =	strace $0x80000047;
	s8 =	sor.u32 s2, s8  }
0x8: {  	s10 =	ssub.s32 $0x2, s2;
	s2 =	smul.u32 $0x3E80, s2;
	[dreg:$0x3] =	wrdreg s11  }
0x9: {  	s9 =	sshrl.u32 s9, $0x2;
	s8 =	smul.u32 $0x3E80, s8;
	s20 =	sshrl.u32 s10, $0x1  }
0xa: {  	s7 =	sadd.s32 s7, s6;
	s6 =	sadd.s32 $0x13600, s0;
	s30 =	sadd.s32 s9, s1  }
0xb: {  	s19 =	sadd.s32 s2, s13;
	s13 =	simm.s32 $0x2B00;
	s7 =	sshrl.u32 s7, $0x3  }
0xc: {  	s9 =	sadd.s32 $0x2800, s30;
	s8 =	sshrl.u32 s8, $0x3;
	[dreg:$0x4] =	wrdreg s30  }
0xd: {  	s21 =	sadd.s32 $0x5000, s30;
	s22 =	sadd.s32 $0x7800, s30;
	[dreg:$0x5] =	wrdreg s9  }
0xe: {  	s2 =	sadd.s32 $0x300, s19;
	s0 =	sadd.s32 s7, s0;
	[dreg:$0x6] =	wrdreg s21  }
0xf: {  	s7 =	ssub.s32 s10, s20;
	[dreg:$0x7] =	wrdreg s22;
	s23 =	sadd.s32 s11, s8  }
0x10: {  	s24 =	sadd.s32 s6, s8;
	s25 =	sadd.s32 $0x10, s8;
	[dreg:$0x8] =	wrdreg s23  }
0x11: {  	s26 =	sadd.s32 $0x20, s8;
	s21 =	sadd.s32 $0xA000, s30;
	[dreg:$0x9] =	wrdreg s24  }
0x12: {  	s20 =	sadd.s32 $0x280, s19;
	s22 =	sadd.s32 $0xC800, s30;
	[dreg:$0x14] =	wrdreg s21  }
0x13: {  	s12 =	sadd.s32 s11, s25;
	s9 =	sadd.s32 s6, s25;
	[dreg:$0x15] =	wrdreg s22  }
0x14: {  	s29 =	sadd.s32 s11, s26;
	s10 =	sadd.s32 s6, s26;
	[dreg:$0xa] =	wrdreg s12  }
0x15: {  	s0 =	sadd.s32 $0x4A200, s0;
	s18 =	smax.u32 s7, $0x1;
	[dreg:$0xb] =	wrdreg s9  }
0x16: {  	s23 =	sshrl.u32 s2, $0x3;
	s24 =	sshrl.u32 s20, $0x3;
	[dreg:$0xc] =	wrdreg s29  }
0x17: {  	s26 =	sadd.s32 $0xF000, s30;
	s2 =	simm.s32 $0x180;
	[dreg:$0xd] =	wrdreg s10  }
0x18: {  	s20 =	simm.s32 $0x5;
	s21 =	simm.s32 $0x8;
	[dreg:$0x12] =	wrdreg s0  }
0x19: {  	s22 =	simm.s32 $0x6;
	s12 =	sadd.s32 $0x30, s8;
	[dreg:$0x13] =	wrdreg s18  }
0x1a: {  	s8 =	sadd.s32 $0x7C0, s8;
	s0 =	sadd.s32 $0x200, s19;
	[dreg:$0x16] =	wrdreg s26  }
0x1b: {  	s29 =	sadd.s32 $0x11800, s30;
	s9 =	simm.s32 $0x200;
	s10 =	simm.s32 $0x1  }
0x1c: {  	s18 =	simm.s32 $0x5300;
	s19 =	simm.s32 $0x7;
	s26 =	simm.s32 $0x9  }
0x1d: {  	s14 =	sadd.s32 s11, s12;
	s15 =	sadd.s32 s6, s12;
	[dreg:$0x17] =	wrdreg s29  }
0x1e: {  	s16 =	sadd.s32 s11, s8;
	s17 =	sadd.s32 s6, s8;
	[dreg:$0xe] =	wrdreg s14  }
0x1f: {  	s25 =	sshrl.u32 s0, $0x3;
	s0 =	simm.s32 $0xA;
	[dreg:$0xf] =	wrdreg s15  }
0x20: {  	s8 =	simm.s32 $0x80;
	s11 =	simm.s32 $0x50;
	[dreg:$0x10] =	wrdreg s16  }
0x21: {  	s12 =	simm.s32 $0x2;
	[dreg:$0x11] =	wrdreg s17;
	s14 =	simm.s32 $0x100  }
0x22: {  	v0 =	vimm.f32 $0.0e+00;
	s15 =	simm.s32 $0x280;
	s16 =	simm.s32 $0x4;
	s17 =	simm.s32 $0x3  }
.LBB2_1:
0x23: {  	s7 =	simm.s32 $0x0;
	s29 =	simm.s32 $0x200  }
.LBB2_2:
0x24: {  	p0 =	sne.s32 s29, $0x9E00;
	[tilespmem:s7+$0x370] =	vst v0  }
0x25: {  	[tilespmem:s7+$0x300] =	vst v0  }
0x26: {  	[tilespmem:s7+$0x310] =	vst v0  }
.Ltmp0:
0x27: {  	[tilespmem:s7+$0x320] =	vst v0;
	(pc) =	sbr.rel @p0 .LBB2_2-.Ltmp0, $4  }
0x28: {  	[tilespmem:s7+$0x330] =	vst v0  }
0x29: {  	[tilespmem:s7+$0x340] =	vst v0  }
0x2a: {  	[tilespmem:s7+$0x350] =	vst v0  }
0x2b: {  	[tilespmem:s7+$0x360] =	vst v0;
	s7 =	sshra.s32 s29, $0x2;
	s29 =	sadd.s32 $0x200, s29  }
0x2c: {  	[tilespmem:s7+$0x370] =	vst v0  }
0x2d: {  	[tilespmem:s7+$0x300] =	vst v0  }
0x2e: {  	[tilespmem:s7+$0x310] =	vst v0  }
0x2f: {  	[tilespmem:s7+$0x320] =	vst v0  }
0x30: {  	[tilespmem:s7+$0x330] =	vst v0  }
0x31: {  	[tilespmem:s7+$0x340] =	vst v0  }
0x32: {  	[tilespmem:s7+$0x350] =	vst v0  }
0x33: {  	[tilespmem:s7+$0x360] =	vst v0  }
0x34: {  	[spmem:s30] =	stream.linear.scatter [tilespmem:s31], [sflag:$0xA], $0x2800, $0x38;
	[tilespmem:$0x1BB00] =	vst v63  }
0x35: {  	_ =	swait.ge [sflag:s0], $0x2800  }
0x36: {  	[sflag:s0] =	ssyncset.done $0x0  }
0x37: {  	s5 =	rddreg [dreg:$0x5];
	[sflag:s0] =	ssyncadd.s32 $0xFFFFD800  }
0x38: {  	[spmem:s5] =	stream.linear.scatter [tilespmem:s31], [sflag:$0xA], $0x2800, $0x38;
	[tilespmem:$0x1BB00] =	vst v63  }
0x39: {  	_ =	swait.ge [sflag:s0], $0x2800  }
0x3a: {  	[sflag:s0] =	ssyncset.done $0x0  }
0x3b: {  	s7 =	rddreg [dreg:$0x6];
	[sflag:s0] =	ssyncadd.s32 $0xFFFFD800  }
0x3c: {  	[spmem:s7] =	stream.linear.scatter [tilespmem:s31], [sflag:$0xA], $0x2800, $0x38;
	[tilespmem:$0x1BB00] =	vst v63  }
0x3d: {  	_ =	swait.ge [sflag:s0], $0x2800  }
0x3e: {  	[sflag:s0] =	ssyncset.done $0x0  }
0x3f: {  	s7 =	rddreg [dreg:$0x7];
	[sflag:s0] =	ssyncadd.s32 $0xFFFFD800  }
0x40: {  	[spmem:s7] =	stream.linear.scatter [tilespmem:s31], [sflag:$0xA], $0x2800, $0x38;
	[tilespmem:$0x1BB00] =	vst v63  }
0x41: {  	_ =	swait.ge [sflag:s0], $0x2800  }
0x42: {  	[sflag:s0] =	ssyncset.done $0x0  }
0x43: {  	s7 =	rddreg [dreg:$0x14];
	[sflag:s0] =	ssyncadd.s32 $0xFFFFD800  }
0x44: {  	[spmem:s7] =	stream.linear.scatter [tilespmem:s31], [sflag:$0xA], $0x2800, $0x38;
	[tilespmem:$0x1BB00] =	vst v63  }
0x45: {  	_ =	swait.ge [sflag:s0], $0x2800  }
0x46: {  	[sflag:s0] =	ssyncset.done $0x0  }
0x47: {  	s7 =	rddreg [dreg:$0x15];
	[sflag:s0] =	ssyncadd.s32 $0xFFFFD800  }
0x48: {  	[spmem:s7] =	stream.linear.scatter [tilespmem:s31], [sflag:$0xA], $0x2800, $0x38;
	[tilespmem:$0x1BB00] =	vst v63  }
0x49: {  	_ =	swait.ge [sflag:s0], $0x2800  }
0x4a: {  	[sflag:s0] =	ssyncset.done $0x0  }
0x4b: {  	s7 =	rddreg [dreg:$0x16];
	[sflag:s0] =	ssyncadd.s32 $0xFFFFD800  }
0x4c: {  	[spmem:s7] =	stream.linear.scatter [tilespmem:s31], [sflag:$0xA], $0x2800, $0x38;
	[tilespmem:$0x1BB00] =	vst v63  }
0x4d: {  	_ =	swait.ge [sflag:s0], $0x2800  }
0x4e: {  	[sflag:s0] =	ssyncset.done $0x0  }
0x4f: {  	s7 =	rddreg [dreg:$0x17];
	[sflag:s0] =	ssyncadd.s32 $0xFFFFD800  }
0x50: {  	[spmem:s7] =	stream.linear.scatter [tilespmem:s31], [sflag:$0xA], $0x2800, $0x38;
	[tilespmem:$0x1BB00] =	vst v63  }
0x51: {  	_ =	swait.ge [sflag:s0], $0x2800  }
0x52: {  	[sflag:s0] =	ssyncset.done $0x0  }
0x53: {  	[sflag:s0] =	ssyncadd.s32 $0xFFFFD800  }
0x54: {  	[bflag:$0x0] =	sbarrier.arrive $0xFFFF  }
0x55: {  	s7 =	rddreg [dreg:$0x8]  }
0x56: {  	[tilespmem:s3], [sflag:$0x1] =	stream.linear.gather [hbm4b:s7+s3], $0x80, $0x38;
	[tilespmem:$0x1BB00] =	vst v63  }
0x57: {  	s7 =	rddreg [dreg:$0x9]  }
0x58: {  	[tilespmem:s2], [sflag:$0x1] =	stream.linear.gather [hbm4b:s7+s3], $0x80, $0x38;
	[tilespmem:$0x1BB00] =	vst v63  }
0x59: {  	s7 =	rddreg [dreg:$0xa]  }
0x5a: {  	[tilespmem:s8], [sflag:$0x2] =	stream.linear.gather [hbm4b:s7+s3], $0x80, $0x38;
	[tilespmem:$0x1BB00] =	vst v63  }
0x5b: {  	s7 =	rddreg [dreg:$0xb]  }
0x5c: {  	[tilespmem:s9], [sflag:$0x2] =	stream.linear.gather [hbm4b:s7+s3], $0x80, $0x38;
	[tilespmem:$0x1BB00] =	vst v63  }
0x5d: {  	_ =	swait.ge [sflag:s10], $0x80  }
0x5e: {  	[sflag:s10] =	ssyncset.done $0x0  }
0x5f: {  	[sflag:s10] =	ssyncadd.s32 $0xFFFFFF80  }
0x60: {  	_ =	swait.ge [sflag:s10], $0x80  }
0x61: {  	[sflag:s10] =	ssyncset.done $0x0  }
0x62: {  	[sflag:s10] =	ssyncadd.s32 $0xFFFFFF80  }
0x63: {  	[tilespmem:s31], [sflag:$0x4] =	stream.indirect.gather [hbm4b:s4+s11], $0x80, s3, s11, $0xb8;
	[tilespmem:$0x1BB00] =	vst v63  }
0x64: {  	_ =	swait.ge [sflag:s12], $0x80  }
0x65: {  	[sflag:s12] =	ssyncset.done $0x0  }
0x66: {  	[sflag:s12] =	ssyncadd.s32 $0xFFFFFF80  }
0x67: {  	_ =	swait.ge [sflag:s12], $0x80  }
0x68: {  	[sflag:s12] =	ssyncset.done $0x0  }
0x69: {  	[sflag:s12] =	ssyncadd.s32 $0xFFFFFF80  }
0x6a: {  	[tilespmem:s13], [sflag:$0x5] =	stream.indirect.gather [hbm4b:s4+s11], $0x80, s8, s11, $0xb8;
	[tilespmem:$0x1BB00] =	vst v63  }
0x6b: {  	s7 =	rddreg [dreg:$0xc]  }
0x6c: {  	[tilespmem:s14], [sflag:$0x3] =	stream.linear.gather [hbm4b:s7+s3], $0x80, $0x38;
	[tilespmem:$0x1BB00] =	vst v63  }
0x6d: {  	s7 =	rddreg [dreg:$0xd]  }
0x6e: {  	[tilespmem:s15], [sflag:$0x3] =	stream.linear.gather [hbm4b:s7+s3], $0x80, $0x38;
	[tilespmem:$0x1BB00] =	vst v63  }
0x6f: {  	_ =	swait.ge [sflag:s16], $0x2800  }
0x70: {  	[sflag:s16] =	ssyncset.done $0x0  }
0x71: {  	[sflag:s16] =	ssyncadd.s32 $0xFFFFD800  }
0x72: {  	[spmem:s1] =	stream.indirect.scatter.add.f32 [tilespmem:s31], [sflag:$0x7], $0x80, s2, s11, $0xb8;
	[tilespmem:$0x1BB00] =	vst v63  }
0x73: {  	_ =	swait.ge [sflag:s17], $0x80  }
0x74: {  	[sflag:s17] =	ssyncset.done $0x0  }
0x75: {  	[sflag:s17] =	ssyncadd.s32 $0xFFFFFF80  }
0x76: {  	_ =	swait.ge [sflag:s17], $0x80  }
0x77: {  	[sflag:s17] =	ssyncset.done $0x0  }
0x78: {  	[sflag:s17] =	ssyncadd.s32 $0xFFFFFF80  }
0x79: {  	[tilespmem:s18], [sflag:$0x6] =	stream.indirect.gather [hbm4b:s4+s11], $0x80, s14, s11, $0xb8;
	[tilespmem:$0x1BB00] =	vst v63  }
0x7a: {  	_ =	swait.ge [sflag:s19], $0x2800  }
0x7b: {  	[sflag:s19] =	ssyncset.done $0x0  }
0x7c: {  	s7 =	rddreg [dreg:$0xe];
	[sflag:s19] =	ssyncadd.s32 $0xFFFFD800  }
0x7d: {  	[tilespmem:s3], [sflag:$0x1] =	stream.linear.gather [hbm4b:s7+s3], $0x80, $0x38;
	[tilespmem:$0x1BB00] =	vst v63  }
0x7e: {  	s7 =	rddreg [dreg:$0xf]  }
0x7f: {  	[tilespmem:s2], [sflag:$0x1] =	stream.linear.gather [hbm4b:s7+s3], $0x80, $0x38;
	[tilespmem:$0x1BB00] =	vst v63  }
0x80: {  	_ =	swait.ge [sflag:s20], $0x2800  }
0x81: {  	[sflag:s20] =	ssyncset.done $0x0  }
0x82: {  	[sflag:s20] =	ssyncadd.s32 $0xFFFFD800  }
0x83: {  	[spmem:s1] =	stream.indirect.scatter.add.f32 [tilespmem:s13], [sflag:$0x8], $0x80, s9, s11, $0xb8;
	[tilespmem:$0x1BB00] =	vst v63  }
0x84: {  	_ =	swait.ge [sflag:s10], $0x80  }
0x85: {  	[sflag:s10] =	ssyncset.done $0x0  }
0x86: {  	[sflag:s10] =	ssyncadd.s32 $0xFFFFFF80  }
0x87: {  	_ =	swait.ge [sflag:s10], $0x80  }
0x88: {  	[sflag:s10] =	ssyncset.done $0x0  }
0x89: {  	[sflag:s10] =	ssyncadd.s32 $0xFFFFFF80  }
0x8a: {  	[tilespmem:s31], [sflag:$0x4] =	stream.indirect.gather [hbm4b:s4+s11], $0x80, s3, s11, $0xb8;
	[tilespmem:$0x1BB00] =	vst v63  }
0x8b: {  	_ =	swait.ge [sflag:s21], $0x2800  }
0x8c: {  	[sflag:s21] =	ssyncset.done $0x0;
	s5 =	rddreg [dreg:$0x3]  }
0x8d: {  	[sflag:s21] =	ssyncadd.s32 $0xFFFFD800;
	s7 =	sadd.s32 s5, s25  }
0x8e: {  	[tilespmem:s8], [sflag:$0x2] =	stream.linear.gather [hbm4b:s7+s3], $0x80, $0x38;
	[tilespmem:$0x1BB00] =	vst v63  }
0x8f: {  	s7 =	sadd.s32 s6, s25  }
0x90: {  	[tilespmem:s9], [sflag:$0x2] =	stream.linear.gather [hbm4b:s7+s3], $0x80, $0x38;
	[tilespmem:$0x1BB00] =	vst v63  }
0x91: {  	_ =	swait.ge [sflag:s22], $0x2800  }
0x92: {  	[sflag:s22] =	ssyncset.done $0x0  }
0x93: {  	[sflag:s22] =	ssyncadd.s32 $0xFFFFD800  }
0x94: {  	[spmem:s1] =	stream.indirect.scatter.add.f32 [tilespmem:s18], [sflag:$0x9], $0x80, s15, s11, $0xb8;
	[tilespmem:$0x1BB00] =	vst v63  }
0x95: {  	_ =	swait.ge [sflag:s12], $0x80  }
0x96: {  	[sflag:s12] =	ssyncset.done $0x0  }
0x97: {  	[sflag:s12] =	ssyncadd.s32 $0xFFFFFF80  }
0x98: {  	_ =	swait.ge [sflag:s12], $0x80  }
0x99: {  	[sflag:s12] =	ssyncset.done $0x0  }
0x9a: {  	[sflag:s12] =	ssyncadd.s32 $0xFFFFFF80  }
0x9b: {  	[tilespmem:s13], [sflag:$0x5] =	stream.indirect.gather [hbm4b:s4+s11], $0x80, s8, s11, $0xb8;
	[tilespmem:$0x1BB00] =	vst v63  }
0x9c: {  	_ =	swait.ge [sflag:s26], $0x2800  }
0x9d: {  	[sflag:s26] =	ssyncset.done $0x0  }
0x9e: {  	s7 =	sadd.s32 s5, s24;
	[sflag:s26] =	ssyncadd.s32 $0xFFFFD800  }
0x9f: {  	[tilespmem:s14], [sflag:$0x3] =	stream.linear.gather [hbm4b:s7+s3], $0x80, $0x38;
	[tilespmem:$0x1BB00] =	vst v63  }
0xa0: {  	s7 =	sadd.s32 s6, s24  }
0xa1: {  	[tilespmem:s15], [sflag:$0x3] =	stream.linear.gather [hbm4b:s7+s3], $0x80, $0x38;
	[tilespmem:$0x1BB00] =	vst v63  }
0xa2: {  	_ =	swait.ge [sflag:s16], $0x2800  }
0xa3: {  	[sflag:s16] =	ssyncset.done $0x0  }
0xa4: {  	[sflag:s16] =	ssyncadd.s32 $0xFFFFD800  }
0xa5: {  	[spmem:s1] =	stream.indirect.scatter.add.f32 [tilespmem:s31], [sflag:$0x7], $0x80, s2, s11, $0xb8;
	[tilespmem:$0x1BB00] =	vst v63  }
0xa6: {  	_ =	swait.ge [sflag:s17], $0x80  }
0xa7: {  	[sflag:s17] =	ssyncset.done $0x0  }
0xa8: {  	[sflag:s17] =	ssyncadd.s32 $0xFFFFFF80  }
0xa9: {  	_ =	swait.ge [sflag:s17], $0x80  }
0xaa: {  	[sflag:s17] =	ssyncset.done $0x0  }
0xab: {  	[sflag:s17] =	ssyncadd.s32 $0xFFFFFF80  }
0xac: {  	[tilespmem:s18], [sflag:$0x6] =	stream.indirect.gather [hbm4b:s4+s11], $0x80, s14, s11, $0xb8;
	[tilespmem:$0x1BB00] =	vst v63  }
0xad: {  	_ =	swait.ge [sflag:s19], $0x2800  }
0xae: {  	[sflag:s19] =	ssyncset.done $0x0  }
0xaf: {  	s7 =	sadd.s32 s5, s23;
	[sflag:s19] =	ssyncadd.s32 $0xFFFFD800  }
0xb0: {  	[tilespmem:s3], [sflag:$0x1] =	stream.linear.gather [hbm4b:s7+s3], $0x80, $0x38;
	[tilespmem:$0x1BB00] =	vst v63  }
0xb1: {  	s7 =	sadd.s32 s6, s23  }
0xb2: {  	[tilespmem:s2], [sflag:$0x1] =	stream.linear.gather [hbm4b:s7+s3], $0x80, $0x38;
	[tilespmem:$0x1BB00] =	vst v63  }
0xb3: {  	_ =	swait.ge [sflag:s20], $0x2800  }
0xb4: {  	[sflag:s20] =	ssyncset.done $0x0  }
0xb5: {  	[sflag:s20] =	ssyncadd.s32 $0xFFFFD800  }
0xb6: {  	[spmem:s1] =	stream.indirect.scatter.add.f32 [tilespmem:s13], [sflag:$0x8], $0x80, s9, s11, $0xb8;
	[tilespmem:$0x1BB00] =	vst v63  }
0xb7: {  	_ =	swait.ge [sflag:s10], $0x80  }
0xb8: {  	[sflag:s10] =	ssyncset.done $0x0  }
0xb9: {  	[sflag:s10] =	ssyncadd.s32 $0xFFFFFF80  }
0xba: {  	_ =	swait.ge [sflag:s10], $0x80  }
0xbb: {  	s29 =	simm.s32 $0x27;
	[sflag:s10] =	ssyncset.done $0x0  }
0xbc: {  	s30 =	sadd.s32 $0x30, s6;
	s7 =	sadd.s32 $0x30, s5;
	[sflag:s10] =	ssyncadd.s32 $0xFFFFFF80  }
.LBB2_4:
0xbd: {  	[tilespmem:s31], [sflag:$0x4] =	stream.indirect.gather [hbm4b:s4+s11], $0x80, s3, s11, $0xb8;
	[tilespmem:$0x1BB00] =	vst v63  }
0xbe: {  	p0 =	sne.s32 s29, $0x1;
	s29 =	sadd.s32 $0xFFFFFFFF, s29;
	_ =	swait.ge [sflag:s21], $0x2800  }
0xbf: {  	[sflag:s21] =	ssyncset.done $0x0  }
0xc0: {  	s5 =	sadd.s32 s7, s25;
	[sflag:s21] =	ssyncadd.s32 $0xFFFFD800  }
0xc1: {  	[tilespmem:s8], [sflag:$0x2] =	stream.linear.gather [hbm4b:s5+s3], $0x80, $0x38;
	[tilespmem:$0x1BB00] =	vst v63  }
0xc2: {  	s5 =	sadd.s32 s30, s25  }
0xc3: {  	[tilespmem:s9], [sflag:$0x2] =	stream.linear.gather [hbm4b:s5+s3], $0x80, $0x38;
	[tilespmem:$0x1BB00] =	vst v63  }
0xc4: {  	_ =	swait.ge [sflag:s22], $0x2800  }
0xc5: {  	[sflag:s22] =	ssyncset.done $0x0  }
0xc6: {  	[sflag:s22] =	ssyncadd.s32 $0xFFFFD800  }
0xc7: {  	[spmem:s1] =	stream.indirect.scatter.add.f32 [tilespmem:s18], [sflag:$0x9], $0x80, s15, s11, $0xb8;
	[tilespmem:$0x1BB00] =	vst v63  }
0xc8: {  	_ =	swait.ge [sflag:s12], $0x80  }
0xc9: {  	[sflag:s12] =	ssyncset.done $0x0  }
0xca: {  	[sflag:s12] =	ssyncadd.s32 $0xFFFFFF80  }
0xcb: {  	_ =	swait.ge [sflag:s12], $0x80  }
0xcc: {  	[sflag:s12] =	ssyncset.done $0x0  }
0xcd: {  	[sflag:s12] =	ssyncadd.s32 $0xFFFFFF80  }
0xce: {  	[tilespmem:s13], [sflag:$0x5] =	stream.indirect.gather [hbm4b:s4+s11], $0x80, s8, s11, $0xb8;
	[tilespmem:$0x1BB00] =	vst v63  }
0xcf: {  	_ =	swait.ge [sflag:s26], $0x2800  }
0xd0: {  	[sflag:s26] =	ssyncset.done $0x0  }
0xd1: {  	s5 =	sadd.s32 s7, s24;
	[sflag:s26] =	ssyncadd.s32 $0xFFFFD800  }
0xd2: {  	[tilespmem:s14], [sflag:$0x3] =	stream.linear.gather [hbm4b:s5+s3], $0x80, $0x38;
	[tilespmem:$0x1BB00] =	vst v63  }
0xd3: {  	s5 =	sadd.s32 s30, s24  }
0xd4: {  	[tilespmem:s15], [sflag:$0x3] =	stream.linear.gather [hbm4b:s5+s3], $0x80, $0x38;
	[tilespmem:$0x1BB00] =	vst v63  }
0xd5: {  	_ =	swait.ge [sflag:s16], $0x2800  }
0xd6: {  	[sflag:s16] =	ssyncset.done $0x0  }
0xd7: {  	[sflag:s16] =	ssyncadd.s32 $0xFFFFD800  }
0xd8: {  	[spmem:s1] =	stream.indirect.scatter.add.f32 [tilespmem:s31], [sflag:$0x7], $0x80, s2, s11, $0xb8;
	[tilespmem:$0x1BB00] =	vst v63  }
0xd9: {  	_ =	swait.ge [sflag:s17], $0x80  }
0xda: {  	[sflag:s17] =	ssyncset.done $0x0  }
0xdb: {  	[sflag:s17] =	ssyncadd.s32 $0xFFFFFF80  }
0xdc: {  	_ =	swait.ge [sflag:s17], $0x80  }
0xdd: {  	[sflag:s17] =	ssyncset.done $0x0  }
0xde: {  	[sflag:s17] =	ssyncadd.s32 $0xFFFFFF80  }
0xdf: {  	[tilespmem:s18], [sflag:$0x6] =	stream.indirect.gather [hbm4b:s4+s11], $0x80, s14, s11, $0xb8;
	[tilespmem:$0x1BB00] =	vst v63  }
0xe0: {  	_ =	swait.ge [sflag:s19], $0x2800  }
0xe1: {  	[sflag:s19] =	ssyncset.done $0x0  }
0xe2: {  	s5 =	sadd.s32 s7, s23;
	[sflag:s19] =	ssyncadd.s32 $0xFFFFD800  }
0xe3: {  	[tilespmem:s3], [sflag:$0x1] =	stream.linear.gather [hbm4b:s5+s3], $0x80, $0x38;
	[tilespmem:$0x1BB00] =	vst v63  }
0xe4: {  	s5 =	sadd.s32 s30, s23  }
0xe5: {  	[tilespmem:s2], [sflag:$0x1] =	stream.linear.gather [hbm4b:s5+s3], $0x80, $0x38;
	[tilespmem:$0x1BB00] =	vst v63  }
0xe6: {  	_ =	swait.ge [sflag:s20], $0x2800  }
0xe7: {  	[sflag:s20] =	ssyncset.done $0x0  }
0xe8: {  	[sflag:s20] =	ssyncadd.s32 $0xFFFFD800  }
0xe9: {  	[spmem:s1] =	stream.indirect.scatter.add.f32 [tilespmem:s13], [sflag:$0x8], $0x80, s9, s11, $0xb8;
	[tilespmem:$0x1BB00] =	vst v63  }
0xea: {  	_ =	swait.ge [sflag:s10], $0x80  }
.Ltmp1:
0xeb: {  	[sflag:s10] =	ssyncset.done $0x0;
	(pc) =	sbr.rel @p0 .LBB2_4-.Ltmp1, $4  }
0xec: {  	[sflag:s10] =	ssyncadd.s32 $0xFFFFFF80  }
0xed: {  	_ =	swait.ge [sflag:s10], $0x80  }
0xee: {  	[sflag:s10] =	ssyncset.done $0x0  }
0xef: {  	s7 =	sadd.s32 $0x30, s7;
	s30 =	sadd.s32 $0x30, s30;
	[sflag:s10] =	ssyncadd.s32 $0xFFFFFF80  }
0xf0: {  	[tilespmem:s31], [sflag:$0x4] =	stream.indirect.gather [hbm4b:s4+s11], $0x80, s3, s11, $0xb8;
	[tilespmem:$0x1BB00] =	vst v63  }
0xf1: {  	_ =	swait.ge [sflag:s21], $0x2800  }
0xf2: {  	[sflag:s21] =	ssyncset.done $0x0  }
0xf3: {  	s5 =	rddreg [dreg:$0x10];
	[sflag:s21] =	ssyncadd.s32 $0xFFFFD800  }
0xf4: {  	[tilespmem:s8], [sflag:$0x2] =	stream.linear.gather [hbm4b:s5+s3], $0x80, $0x38;
	[tilespmem:$0x1BB00] =	vst v63  }
0xf5: {  	s29 =	rddreg [dreg:$0x11]  }
0xf6: {  	[tilespmem:s9], [sflag:$0x2] =	stream.linear.gather [hbm4b:s29+s3], $0x80, $0x38;
	[tilespmem:$0x1BB00] =	vst v63  }
0xf7: {  	_ =	swait.ge [sflag:s22], $0x2800  }
0xf8: {  	[sflag:s22] =	ssyncset.done $0x0  }
0xf9: {  	[sflag:s22] =	ssyncadd.s32 $0xFFFFD800  }
0xfa: {  	[spmem:s1] =	stream.indirect.scatter.add.f32 [tilespmem:s18], [sflag:$0x9], $0x80, s15, s11, $0xb8;
	[tilespmem:$0x1BB00] =	vst v63  }
0xfb: {  	_ =	swait.ge [sflag:s12], $0x80  }
0xfc: {  	[sflag:s12] =	ssyncset.done $0x0  }
0xfd: {  	[sflag:s12] =	ssyncadd.s32 $0xFFFFFF80  }
0xfe: {  	_ =	swait.ge [sflag:s12], $0x80  }
0xff: {  	[sflag:s12] =	ssyncset.done $0x0  }
0x100: {  	[sflag:s12] =	ssyncadd.s32 $0xFFFFFF80  }
0x101: {  	[tilespmem:s13], [sflag:$0x5] =	stream.indirect.gather [hbm4b:s4+s11], $0x80, s8, s11, $0xb8;
	[tilespmem:$0x1BB00] =	vst v63  }
0x102: {  	_ =	swait.ge [sflag:s26], $0x2800  }
0x103: {  	[sflag:s26] =	ssyncset.done $0x0  }
0x104: {  	[sflag:s26] =	ssyncadd.s32 $0xFFFFD800  }
0x105: {  	_ =	swait.ge [sflag:s16], $0x2800  }
0x106: {  	[sflag:s16] =	ssyncset.done $0x0  }
0x107: {  	[sflag:s16] =	ssyncadd.s32 $0xFFFFD800  }
0x108: {  	[spmem:s1] =	stream.indirect.scatter.add.f32 [tilespmem:s31], [sflag:$0x7], $0x80, s2, s11, $0xb8;
	[tilespmem:$0x1BB00] =	vst v63  }
0x109: {  	_ =	swait.ge [sflag:s19], $0x2800  }
0x10a: {  	[sflag:s19] =	ssyncset.done $0x0  }
0x10b: {  	[sflag:s19] =	ssyncadd.s32 $0xFFFFD800  }
0x10c: {  	_ =	swait.ge [sflag:s20], $0x2800  }
0x10d: {  	[sflag:s20] =	ssyncset.done $0x0  }
0x10e: {  	[sflag:s20] =	ssyncadd.s32 $0xFFFFD800  }
0x10f: {  	[spmem:s1] =	stream.indirect.scatter.add.f32 [tilespmem:s13], [sflag:$0x8], $0x80, s9, s11, $0xb8;
	[tilespmem:$0x1BB00] =	vst v63  }
0x110: {  	_ =	swait.ge [sflag:s21], $0x2800  }
0x111: {  	[sflag:s21] =	ssyncset.done $0x0  }
0x112: {  	[sflag:s21] =	ssyncadd.s32 $0xFFFFD800  }
0x113: {  	s7 =	stileid.u32;
	[bflag:$0x0] =	sbarrier.arrive $0xFFFF  }
0x114: {  	s5 =	sshll.u32 s7, $0x6;
	s30 =	rddreg [dreg:$0x4]  }
0x115: {  	s5 =	sor.u32 $0x1C0A, s5;
	s29 =	rddreg [dreg:$0x12];
	s7 =	sshrl.u32 s30, $0x3  }
0x116: {  	[hbm:s29], [sflag:s5] =	dma.local [spmem:s7], $0x2800  }
0x117: {  	_ =	swait.ge [sflag:s0], $0x2800  }
0x118: {  	s28 =	sadd.s32 $0x1, s28;
	s29 =	rddreg [dreg:$0x13]  }
0x119: {  	p0 =	sne.s32 s28, s29  }
.Ltmp2:
0x11a: {  	_ = 	snop;
	(pc) =	sbr.rel @p0 .LBB2_1-.Ltmp2, $3  }
0x11b: {  	_ =	sdelay $0x1  }
0x11c: {  	[sflag:s0] =	ssyncset.done $0x0  }
0x11d: {  	[sflag:s0] =	ssyncadd.s32 $0xFFFFD800  }
0x11e: {  	_ =	sfence.sel $0x180000  }
0x11f: {  	[bflag:$0x0] =	sbarrier.arrive $0xFFFF  }
0x120: {  	_ =	strace $0x90000047  }
0x121: {  	s0 =	stileid.u32;
	[bflag:$0x2] =	sbarrier.arrive $0xFFFF  }
0x122: {  	p0 =	sne.s32 s0, $0x0;
	s0 =	rddreg [dreg:$0x2]  }
0x123: {  	s0 =	sadd.s32 @!p0 $0x100000, s0  }
0x124: {  	[sflag:s0] =	ssyncadd.tile.s32 @!p0 $0x1;
	_ =	shalt  }
.Lfunc_end2:
_tile_overlayer_lowered:
.L_overlay_start_2:
0x125: {  	(tag) =	ssettag $0x2  }
0x126: {  	s0 =	rddreg [dreg:$0x0];
	s2 =	stileid.u32  }
0x127: {  	s1 =	rddreg [dreg:$0x1];
	p0 =	sne.s32 s2, $0x0  }
0x128: {  	s3 =	rddreg [dreg:$0x2];
	[bflag:$0x3] =	sbarrier.arrive $0xFFFF;
	s2 =	simm.s32 @!p0 $0x1C0A  }
0x129: {  	[timem:s3], [sflag:s2] =	dma.local @!p0 [hbm:s0], s1  }
0x12a: {  	s0 =	simm.s32 @!p0 $0xA  }
0x12b: {  	_ =	swait.ge @!p0 [sflag:s0], s1  }
0x12c: {  	s1 =	ssub.s32 @!p0 $0x0, s1;
	[sflag:s0] =	ssyncset.done @!p0 $0x0  }
0x12d: {  	[sflag:s0] =	ssyncadd.s32 @!p0 s1  }
0x12e: {  	[bflag:$0x3] =	sbarrier.arrive $0xFFFF  }
0x12f: {  	_ =	shalt  }

</sc_bundles>
